<compile_context>
chip_gen: v7x
topology: tpu7x:2x2x1
jax: 0.10.2.dev20260603
libtpu: 0.0.44.dev20260713+nightly
codegen_flags: <defaults>
</compile_context>

<pallas_src>
import functools

import jax
import jax.numpy as jnp
from jax import lax
from jax.experimental import pallas as pl
from jax.experimental.pallas import tpu as pltpu
from jax.experimental.pallas import tpu_sc as plsc

_BN_EPS = 1e-5
_NC = 2
_NS = 16
_NW = _NC * _NS
_CHUNK = 128
_G = 64


def _sc_aggregate(h, src2, dst2, n_pad, n_w, n_tail):
    n, hdim = h.shape
    chunk = src2.shape[1]
    h_max = n_w // 2
    rows_per_tile = n_pad // _NS

    mesh = plsc.VectorSubcoreMesh(core_axis_name="c", subcore_axis_name="s",
                                  num_cores=_NC, num_subcores=_NS)

    @functools.partial(
        pl.kernel,
        out_type=jax.ShapeDtypeStruct((_NC, n_pad, hdim), jnp.float32),
        mesh=mesh,
        scratch_types=[
            pltpu.VMEM((h_max, chunk), jnp.int32),
            pltpu.VMEM((h_max, chunk), jnp.int32),
            pltpu.VMEM((chunk, hdim), jnp.float32),
            pltpu.VMEM((chunk, hdim), jnp.float32),
            pltpu.VMEM_SHARED((n_pad, hdim), jnp.float32),
            pltpu.SemaphoreType.DMA,
            pltpu.SemaphoreType.DMA,
        ],
    )
    def k(h_hbm, src_hbm, dst_hbm, out_hbm, src_v, dst_v, rows_v, rows_b,
          agg_sh, sem_a, sem_b):
        cid = lax.axis_index("c")
        sid = lax.axis_index("s")

        with jax.named_scope("agg_zero"):
            @pl.loop(0, chunk)
            def _(r):
                @pl.loop(0, hdim, step=16)
                def _(c0):
                    rows_v[r, pl.ds(c0, 16)] = jnp.zeros((16,), jnp.float32)

            @pl.loop(0, rows_per_tile, step=chunk)
            def _(j):
                pltpu.sync_copy(rows_v,
                                agg_sh.at[pl.ds(sid * rows_per_tile + j, chunk)])

            plsc.subcore_barrier()

        def gather(c, buf, sem):
            pltpu.async_copy(h_hbm.at[src_v.at[c]], buf, sem)

        def gather_wait(c, buf, sem):
            pltpu.make_async_copy(h_hbm.at[src_v.at[c]], buf, sem).wait()

        def scatter(c, buf):
            pltpu.sync_copy(buf, agg_sh.at[dst_v.at[c]], add=True)

        def run_core(nc, off):
            n_stage = -(-nc // h_max)
            for s in range(n_stage):
                hc = min(h_max, nc - s * h_max)
                base = off + s * h_max
                pltpu.sync_copy(src_hbm.at[pl.ds(base, hc)],
                                src_v.at[pl.ds(0, hc)])
                pltpu.sync_copy(dst_hbm.at[pl.ds(base, hc)],
                                dst_v.at[pl.ds(0, hc)])

                gather(0, rows_v, sem_a)

                @pl.loop(0, hc - 2, step=2)
                def _(c):
                    gather(c + 1, rows_b, sem_b)
                    gather_wait(c, rows_v, sem_a)
                    scatter(c, rows_v)
                    gather(c + 2, rows_v, sem_a)
                    gather_wait(c + 1, rows_b, sem_b)
                    scatter(c + 1, rows_b)

                gather(hc - 1, rows_b, sem_b)
                gather_wait(hc - 2, rows_v, sem_a)
                scatter(hc - 2, rows_v)
                gather_wait(hc - 1, rows_b, sem_b)
                scatter(hc - 1, rows_b)

        w = cid * _NS + sid
        with jax.named_scope("edge_loop"):
            if n_tail == n_w:
                run_core(n_w, w * n_w)
            else:
                @pl.when(w != _NW - 1)
                def _():
                    run_core(n_w, w * n_w)

                @pl.when(w == _NW - 1)
                def _():
                    run_core(n_tail, (_NW - 1) * n_w)

            plsc.subcore_barrier()

        with jax.named_scope("agg_out"):
            @pl.loop(0, rows_per_tile, step=chunk)
            def _(j):
                r = sid * rows_per_tile + j
                pltpu.sync_copy(agg_sh.at[pl.ds(r, chunk)],
                                out_hbm.at[cid, pl.ds(r, chunk)])

    return k(h, src2, dst2)


def _mlp_body(agg_ref, h_ref, coef_ref, w1_ref, b1_ref, w2_ref, b2_ref,
              sc_ref, sh_ref, o_ref):
    a = agg_ref[0] + agg_ref[1] + coef_ref[...] * h_ref[...]
    z = jnp.dot(a, w1_ref[...], preferred_element_type=jnp.float32)
    z = jnp.maximum(z + b1_ref[...], 0.0)
    z = jnp.dot(z, w2_ref[...], preferred_element_type=jnp.float32)
    z = jnp.maximum(z + b2_ref[...], 0.0)
    o_ref[...] = z * sc_ref[...] + sh_ref[...]


def _mlp(aggp, h, coef_row, w1, b1, w2, b2, scale, shift, blk=2000):
    n, hd = h.shape
    grid = (n // blk,)
    full = lambda i: (0, 0)
    return pl.pallas_call(
        _mlp_body,
        grid=grid,
        in_specs=[
            pl.BlockSpec((_NC, blk, hd), lambda i: (0, i, 0)),
            pl.BlockSpec((blk, hd), lambda i: (i, 0)),
            pl.BlockSpec((1, hd), full),
            pl.BlockSpec((hd, hd), full),
            pl.BlockSpec((1, hd), full),
            pl.BlockSpec((hd, hd), full),
            pl.BlockSpec((1, hd), full),
            pl.BlockSpec((1, hd), full),
            pl.BlockSpec((1, hd), full),
        ],
        out_specs=pl.BlockSpec((blk, hd), lambda i: (i, 0)),
        out_shape=jax.ShapeDtypeStruct((n, hd), jnp.float32),
    )(aggp, h, coef_row, w1, b1, w2, b2, scale, shift)


def _mlp_pool_body(agg_ref, h_ref, coef_ref, w1_ref, b1_ref, w2_ref, b2_ref,
                   sc_ref, sh_ref, batch_ref, lw1_ref, lb1_ref, lw2_ref,
                   lb2_ref, o_ref, out_ref, ge_ref, sums_ref, cnt_ref):
    i = pl.program_id(0)
    a = agg_ref[0] + agg_ref[1] + coef_ref[...] * h_ref[...]
    z = jnp.dot(a, w1_ref[...], preferred_element_type=jnp.float32)
    z = jnp.maximum(z + b1_ref[...], 0.0)
    z = jnp.dot(z, w2_ref[...], preferred_element_type=jnp.float32)
    z = jnp.maximum(z + b2_ref[...], 0.0)
    hb = z * sc_ref[...] + sh_ref[...]
    o_ref[...] = hb

    seg = lax.broadcasted_iota(jnp.int32, (1, _G), 1)
    onehot = (batch_ref[...] == seg).astype(jnp.float32)
    part = lax.dot_general(onehot, hb, (((0,), (0,)), ((), ())),
                           preferred_element_type=jnp.float32)
    pc = jnp.sum(onehot, axis=0)[:, None]

    @pl.when(i == 0)
    def _():
        sums_ref[...] = part
        cnt_ref[...] = pc

    @pl.when(i > 0)
    def _():
        sums_ref[...] += part
        cnt_ref[...] += pc

    @pl.when(i == pl.num_programs(0) - 1)
    def _():
        ge = sums_ref[...] / jnp.maximum(cnt_ref[...], 1.0)
        zz = jnp.dot(ge, lw1_ref[...], preferred_element_type=jnp.float32)
        zz = jnp.maximum(zz + lb1_ref[...], 0.0)
        out = jnp.dot(zz, lw2_ref[...],
                      preferred_element_type=jnp.float32) + lb2_ref[...]
        ge_ref[...] = ge
        out_ref[...] = out


def _mlp_pool(aggp, h, coef_row, w1, b1, w2, b2, scale, shift,
              batch2, lw1, lb1, lw2, lb2, blk=2000):
    n, hd = h.shape
    c = lw2.shape[1]
    grid = (n // blk,)
    full = lambda i: (0, 0)
    return pl.pallas_call(
        _mlp_pool_body,
        grid=grid,
        in_specs=[
            pl.BlockSpec((_NC, blk, hd), lambda i: (0, i, 0)),
            pl.BlockSpec((blk, hd), lambda i: (i, 0)),
            pl.BlockSpec((1, hd), full),
            pl.BlockSpec((hd, hd), full),
            pl.BlockSpec((1, hd), full),
            pl.BlockSpec((hd, hd), full),
            pl.BlockSpec((1, hd), full),
            pl.BlockSpec((1, hd), full),
            pl.BlockSpec((1, hd), full),
            pl.BlockSpec((blk, 1), lambda i: (i, 0)),
            pl.BlockSpec((hd, hd), full),
            pl.BlockSpec((1, hd), full),
            pl.BlockSpec((hd, c), full),
            pl.BlockSpec((1, c), full),
        ],
        out_specs=(
            pl.BlockSpec((blk, hd), lambda i: (i, 0)),
            pl.BlockSpec((_G, c), full),
            pl.BlockSpec((_G, hd), full),
        ),
        out_shape=(
            jax.ShapeDtypeStruct((n, hd), jnp.float32),
            jax.ShapeDtypeStruct((_G, c), jnp.float32),
            jax.ShapeDtypeStruct((_G, hd), jnp.float32),
        ),
        scratch_shapes=[
            pltpu.VMEM((_G, hd), jnp.float32),
            pltpu.VMEM((_G, 1), jnp.float32),
        ],
    )(aggp, h, coef_row, w1, b1, w2, b2, scale, shift,
      batch2, lw1, lb1, lw2, lb2)


def kernel(x, edge_index, batch, params):
    n, _ = x.shape
    e = edge_index.shape[1]
    hd = params["l0"]["W1"].shape[1]

    n_pad = -(-n // (_NS * _CHUNK)) * (_NS * _CHUNK)
    nf, rem = divmod(e, _CHUNK)
    n_w = (-(-nf // _NW) + 7) // 8 * 8
    n_tail = nf - (_NW - 1) * n_w
    if rem == 0 and 0 < n_tail <= n_w and n_tail % 4 == 0 and n_w % 4 == 0:
        src2 = edge_index[0].astype(jnp.int32).reshape(nf, _CHUNK)
        dst2 = edge_index[1].astype(jnp.int32).reshape(nf, _CHUNK)
    else:
        e_pad = _NW * n_w * _CHUNK
        pad = e_pad - e
        pad_ids = jnp.arange(pad, dtype=jnp.int32)
        src2 = jnp.concatenate(
            [edge_index[0].astype(jnp.int32), pad_ids % n]).reshape(-1, _CHUNK)
        dst2 = jnp.concatenate(
            [edge_index[1].astype(jnp.int32),
             n + pad_ids % (n_pad - n)]).reshape(-1, _CHUNK)
        n_tail = n_w

    h = x
    for l in range(3):
        p = params["l%d" % l]
        aggp = _sc_aggregate(h, src2, dst2, n_pad, n_w, n_tail)
        coef = jnp.broadcast_to((1.0 + p["eps"]).reshape(1, 1), (1, hd))
        scale = (p["gamma"] / jnp.sqrt(p["var"] + _BN_EPS)).reshape(1, hd)
        shift = p["beta"].reshape(1, hd) - p["mean"].reshape(1, hd) * scale
        if l < 2:
            h = _mlp(aggp, h, coef,
                     p["W1"], p["b1"].reshape(1, hd),
                     p["W2"], p["b2"].reshape(1, hd),
                     scale, shift)
        else:
            h, out, ge = _mlp_pool(
                aggp, h, coef,
                p["W1"], p["b1"].reshape(1, hd),
                p["W2"], p["b2"].reshape(1, hd),
                scale, shift,
                batch.astype(jnp.int32).reshape(n, 1),
                params["lin1_W"], params["lin1_b"].reshape(1, hd),
                params["lin2_W"], params["lin2_b"].reshape(1, -1))
    return (out, h, ge)

# --- scband reference (transcript-rebuilt; emitter-appended) ---
"""Pipeline reference for scband-gin-22170621182372 (READ-ONLY COPY).

The authoritative reference and input builder live on the scoring server;
editing this copy changes nothing except your own understanding.
"""

import jax, jax.numpy as jnp
import numpy as np

N = 10000
E = 320000
F_IN = 128
H = 128
C = 10
L = 3
G = 64
BN_EPS = 1e-5


def _layer_params(key, d_in, d_out):
    k1, k2, k3, k4 = jax.random.split(key, 4)
    return {
        "W1": jax.random.normal(k1, (d_in, d_out), dtype=jnp.float32) * 0.05,
        "b1": jnp.zeros((d_out,), dtype=jnp.float32),
        "W2": jax.random.normal(k2, (d_out, d_out), dtype=jnp.float32) * 0.05,
        "b2": jnp.zeros((d_out,), dtype=jnp.float32),
        "gamma": jnp.ones((d_out,), dtype=jnp.float32),
        "beta": jnp.zeros((d_out,), dtype=jnp.float32),
        "mean": jnp.zeros((d_out,), dtype=jnp.float32),
        "var": jnp.ones((d_out,), dtype=jnp.float32),
        "eps": jnp.zeros((1,), dtype=jnp.float32),
    }


def setup_inputs(seed: int = 0) -> dict:
    key = jax.random.key(seed)
    kx, ke, kb, kp = jax.random.split(key, 4)
    x = jax.random.normal(kx, (N, F_IN), dtype=jnp.float32)
    edge_index = jax.random.randint(ke, (2, E), 0, N, dtype=jnp.int64)
    batch = jnp.sort(jax.random.randint(kb, (N,), 0, G, dtype=jnp.int64))
    kp_layers = jax.random.split(kp, L + 2)
    params = {}
    params["l0"] = _layer_params(kp_layers[0], F_IN, H)
    for l in range(1, L):
        params["l%d" % l] = _layer_params(kp_layers[l], H, H)
    params["lin1_W"] = jax.random.normal(kp_layers[L], (H, H), dtype=jnp.float32) * 0.05
    params["lin1_b"] = jnp.zeros((H,), dtype=jnp.float32)
    params["lin2_W"] = jax.random.normal(kp_layers[L + 1], (H, C), dtype=jnp.float32) * 0.05
    params["lin2_b"] = jnp.zeros((C,), dtype=jnp.float32)
    return {"x": x, "edge_index": edge_index, "batch": batch, "params": params}


def _mlp_bn(h, p):
    h = jnp.maximum(h @ p["W1"] + p["b1"], 0.0)
    h = jnp.maximum(h @ p["W2"] + p["b2"], 0.0)
    # BatchNorm1d in eval mode: normalize with running stats
    h = (h - p["mean"]) / jnp.sqrt(p["var"] + BN_EPS) * p["gamma"] + p["beta"]
    return h


def _gin_conv(h, edge_index, p):
    src = edge_index[0]
    dst = edge_index[1]
    msgs = jnp.take(h, src, axis=0)
    agg = jnp.zeros((h.shape[0], h.shape[1]), dtype=h.dtype).at[dst].add(msgs)
    out = agg + (1.0 + p["eps"][0]) * h
    return _mlp_bn(out, p)


def reference(x, edge_index, batch, params):
    h = x
    for l in range(L):
        h = _gin_conv(h, edge_index, params["l%d" % l])
    node_embs = h
    sums = jax.ops.segment_sum(h, batch, num_segments=G)
    counts = jax.ops.segment_sum(jnp.ones((h.shape[0],), dtype=h.dtype), batch, num_segments=G)
    graph_emb = sums / jnp.maximum(counts, 1.0)[:, None]
    z = jnp.maximum(graph_emb @ params["lin1_W"] + params["lin1_b"], 0.0)
    # dropout is identity in eval mode
    out = z @ params["lin2_W"] + params["lin2_b"]
    return (out, node_embs, graph_emb)

if __name__ == "__main__":
    import jax
    _d = setup_inputs()
    print(jax.jit(kernel)(*tuple(_d.values())))

</pallas_src>

<mosaic_0001>
#map = affine_map<(d0, d1) -> (0, 0)>
#map1 = affine_map<(d0, d1) -> (0, 0, 0)>
module attributes {stable_mosaic.version = 14 : i64} {
  func.func @k(%arg0: i32, %arg1: i32, %arg2: memref<10000x128xf32, #tpu.memory_space<hbm>>, %arg3: memref<2500x128xi32, #tpu.memory_space<hbm>>, %arg4: memref<2500x128xi32, #tpu.memory_space<hbm>>, %arg5: memref<2x10240x128xf32, #tpu.memory_space<hbm>>, %arg6: memref<40x128xi32, #tpu.memory_space<vmem>>, %arg7: memref<40x128xi32, #tpu.memory_space<vmem>>, %arg8: memref<128x128xf32, #tpu.memory_space<vmem>>, %arg9: memref<128x128xf32, #tpu.memory_space<vmem>>, %arg10: memref<10240x128xf32, #tpu.memory_space<vmem_shared>>, %arg11: memref<!tpu.dma_semaphore, #tpu.memory_space<semaphore_mem>>, %arg12: memref<!tpu.dma_semaphore, #tpu.memory_space<semaphore_mem>>) attributes {dimension_semantics = [#tpu.dimension_semantics<core_parallel>, #tpu.dimension_semantics<subcore_parallel>], iteration_bounds = array<i64: 2, 16>, scalar_prefetch = 0 : i64, scratch_operands = 7 : i64, tpu.core_type = #tpu.core_type<sc_vector_subcore>, window_params = [{transform_indices = #map}, {transform_indices = #map}, {transform_indices = #map}, {transform_indices = #map1}]} {
    "tpu.trace_start"() <{level = 10 : i32, message = "agg_zero"}> : () -> ()
    %scan3A = arith.constant 0 : i32
    %scan3A_0 = arith.constant 128 : i32
    %scan3A_1 = arith.addi %scan3A, %scan3A_0 : i32
    %scan3A_2 = arith.constant 1 : i32
    scf.for %scan3A_22 = %scan3A to %scan3A_1 step %scan3A_2  : i32 {
      %mul3A_23 = arith.constant 1 : i32
      %mul3A_24 = arith.muli %scan3A_22, %mul3A_23 : i32
      %add3A_25 = arith.constant 0 : i32
      %add3A_26 = arith.addi %add3A_25, %mul3A_24 : i32
      %scan3A_27 = arith.constant 0 : i32
      %scan3A_28 = arith.constant 8 : i32
      %scan3A_29 = arith.addi %scan3A_27, %scan3A_28 : i32
      %scan3A_30 = arith.constant 1 : i32
      scf.for %scan3A_32 = %scan3A_27 to %scan3A_29 step %scan3A_30  : i32 {
        %mul3A_33 = arith.constant 16 : i32
        %mul3A_34 = arith.muli %scan3A_32, %mul3A_33 : i32
        %add3A_35 = arith.constant 0 : i32
        %add3A_36 = arith.addi %add3A_35, %mul3A_34 : i32
        %broadcast_in_dim3A = arith.constant 0.000000e+00 : f32
        %broadcast_in_dim3A_37 = vector.broadcast %broadcast_in_dim3A : f32 to vector<16xf32>
        %swap3A = arith.index_cast %add3A_26 : i32 to index
        %swap3A_38 = arith.index_cast %add3A_36 : i32 to index
        %swap3A_39 = tpu.vector_load %arg8[%swap3A, %swap3A_38] {strides = array<i32>} : memref<128x128xf32, #tpu.memory_space<vmem>>, vector<1x16xf32>,
        %swap3A_40 = vector.shape_cast %swap3A_39 : vector<1x16xf32> to vector<16xf32>
        %swap3A_41 = vector.shape_cast %broadcast_in_dim3A_37 : vector<16xf32> to vector<1x16xf32>
        tpu.vector_store %arg8[%swap3A, %swap3A_38], %swap3A_41 {strides = array<i32>} : memref<128x128xf32, #tpu.memory_space<vmem>>, vector<1x16xf32>,
      }
      %scan3A_31 = arith.constant 8 : i32
    }
    %scan3A_3 = arith.constant 128 : i32
    %scan3A_4 = arith.constant 0 : i32
    %scan3A_5 = arith.constant 5 : i32
    %scan3A_6 = arith.addi %scan3A_4, %scan3A_5 : i32
    %scan3A_7 = arith.constant 1 : i32
    scf.for %scan3A_22 = %scan3A_4 to %scan3A_6 step %scan3A_7  : i32 {
      %mul3A_23 = arith.constant 128 : i32
      %mul3A_24 = arith.muli %scan3A_22, %mul3A_23 : i32
      %add3A_25 = arith.constant 0 : i32
      %add3A_26 = arith.addi %add3A_25, %mul3A_24 : i32
      %mul3A_27 = arith.constant 640 : i32
      %mul3A_28 = arith.muli %arg1, %mul3A_27 : i32
      %add3A_29 = arith.addi %mul3A_28, %add3A_26 : i32
      "tpu.region"() ({
        %run_scoped3A = tpu.sem_alloc : memref<!tpu.dma_semaphore, #tpu.memory_space<semaphore_mem>>
        %dma_start3A = arith.constant 0 : i32
        %dma_start3A_30 = tpu.memref_slice %arg10[%add3A_29, %dma_start3A] : memref<10240x128xf32, #tpu.memory_space<vmem_shared>> -> memref<128x128xf32, #tpu.memory_space<vmem_shared>>
        %dma_start3A_31 = arith.constant 0 : i32
        %dma_start3A_32 = tpu.memref_slice %arg10[%add3A_29, %dma_start3A_31] : memref<10240x128xf32, #tpu.memory_space<vmem_shared>> -> memref<128x128xf32, #tpu.memory_space<vmem_shared>>
        tpu.enqueue_dma source(%arg8 : memref<128x128xf32, #tpu.memory_space<vmem>>) target(%dma_start3A_32 : memref<128x128xf32, #tpu.memory_space<vmem_shared>>) target_semaphore(%run_scoped3A : memref<!tpu.dma_semaphore, #tpu.memory_space<semaphore_mem>>)
        %dma_wait3A = arith.constant 0 : i32
        %dma_wait3A_33 = tpu.memref_slice %arg10[%add3A_29, %dma_wait3A] : memref<10240x128xf32, #tpu.memory_space<vmem_shared>> -> memref<128x128xf32, #tpu.memory_space<vmem_shared>>
        %dma_wait3A_34 = arith.constant 0 : i32
        %dma_wait3A_35 = tpu.memref_slice %arg10[%add3A_29, %dma_wait3A_34] : memref<10240x128xf32, #tpu.memory_space<vmem_shared>> -> memref<128x128xf32, #tpu.memory_space<vmem_shared>>
        tpu.wait_dma2 semaphore(%run_scoped3A : memref<!tpu.dma_semaphore, #tpu.memory_space<semaphore_mem>>) src(%arg8 : memref<128x128xf32, #tpu.memory_space<vmem>>) dst(%dma_wait3A_35 : memref<128x128xf32, #tpu.memory_space<vmem_shared>>)
        tpu.yield
      }) : () -> ()
    }
    %scan3A_8 = arith.constant 5 : i32
    %barrier3A = arith.constant 0 : index
    tpu.barrier barrier_id(%barrier3A)
    "tpu.trace_stop"() : () -> ()
    %mul3A = arith.constant 16 : i32
    %mul3A_9 = arith.muli %arg0, %mul3A : i32
    %add3A = arith.addi %mul3A_9, %arg1 : i32
    %ne3A = arith.constant 31 : i32
    "tpu.trace_start"() <{level = 10 : i32, message = "edge_loop"}> : () -> ()
    %ne3A_10 = arith.cmpi ne, %add3A, %ne3A : i32
    %convert_element_type3A = arith.extui %ne3A_10 : i1 to i32
    %cond3A = arith.constant 0 : i32
    %cond3A_11 = arith.cmpi ne, %convert_element_type3A, %cond3A : i32
    scf.if %cond3A_11 {
      %mul3A_22 = arith.constant 80 : i32
      %mul3A_23 = arith.muli %add3A, %mul3A_22 : i32
      %add3A_24 = arith.constant 0 : i32
      %add3A_25 = arith.addi %mul3A_23, %add3A_24 : i32
      "tpu.region"() ({
        %run_scoped3A_95 = tpu.sem_alloc : memref<!tpu.dma_semaphore, #tpu.memory_space<semaphore_mem>>
        %dma_start3A_96 = arith.constant 0 : i32
        %dma_start3A_97 = arith.constant 0 : i32
        %dma_start3A_98 = tpu.memref_slice %arg6[%dma_start3A_96, %dma_start3A_97] : memref<40x128xi32, #tpu.memory_space<vmem>> -> memref<40x128xi32, #tpu.memory_space<vmem>>
        %dma_start3A_99 = arith.constant 0 : i32
        %dma_start3A_100 = tpu.memref_slice %arg3[%add3A_25, %dma_start3A_99] : memref<2500x128xi32, #tpu.memory_space<hbm>> -> memref<40x128xi32, #tpu.memory_space<hbm>>
        %dma_start3A_101 = arith.constant 0 : i32
        %dma_start3A_102 = arith.constant 0 : i32
        %dma_start3A_103 = tpu.memref_slice %arg6[%dma_start3A_101, %dma_start3A_102] : memref<40x128xi32, #tpu.memory_space<vmem>> -> memref<40x128xi32, #tpu.memory_space<vmem>>
        %dma_start3A_104 = arith.constant 0 : i32
        %dma_start3A_105 = tpu.memref_slice %arg3[%add3A_25, %dma_start3A_104] : memref<2500x128xi32, #tpu.memory_space<hbm>> -> memref<40x128xi32, #tpu.memory_space<hbm>>
        tpu.enqueue_dma source(%dma_start3A_105 : memref<40x128xi32, #tpu.memory_space<hbm>>) target(%dma_start3A_103 : memref<40x128xi32, #tpu.memory_space<vmem>>) target_semaphore(%run_scoped3A_95 : memref<!tpu.dma_semaphore, #tpu.memory_space<semaphore_mem>>)
        %dma_wait3A_106 = arith.constant 0 : i32
        %dma_wait3A_107 = arith.constant 0 : i32
        %dma_wait3A_108 = tpu.memref_slice %arg6[%dma_wait3A_106, %dma_wait3A_107] : memref<40x128xi32, #tpu.memory_space<vmem>> -> memref<40x128xi32, #tpu.memory_space<vmem>>
        %dma_wait3A_109 = arith.constant 0 : i32
        %dma_wait3A_110 = tpu.memref_slice %arg3[%add3A_25, %dma_wait3A_109] : memref<2500x128xi32, #tpu.memory_space<hbm>> -> memref<40x128xi32, #tpu.memory_space<hbm>>
        %dma_wait3A_111 = arith.constant 0 : i32
        %dma_wait3A_112 = arith.constant 0 : i32
        %dma_wait3A_113 = tpu.memref_slice %arg6[%dma_wait3A_111, %dma_wait3A_112] : memref<40x128xi32, #tpu.memory_space<vmem>> -> memref<40x128xi32, #tpu.memory_space<vmem>>
        %dma_wait3A_114 = arith.constant 0 : i32
        %dma_wait3A_115 = tpu.memref_slice %arg3[%add3A_25, %dma_wait3A_114] : memref<2500x128xi32, #tpu.memory_space<hbm>> -> memref<40x128xi32, #tpu.memory_space<hbm>>
        tpu.wait_dma2 semaphore(%run_scoped3A_95 : memref<!tpu.dma_semaphore, #tpu.memory_space<semaphore_mem>>) src(%dma_wait3A_115 : memref<40x128xi32, #tpu.memory_space<hbm>>) dst(%dma_wait3A_113 : memref<40x128xi32, #tpu.memory_space<vmem>>)
        tpu.yield
      }) : () -> ()
      "tpu.region"() ({
        %run_scoped3A_95 = tpu.sem_alloc : memref<!tpu.dma_semaphore, #tpu.memory_space<semaphore_mem>>
        %dma_start3A_96 = arith.constant 0 : i32
        %dma_start3A_97 = arith.constant 0 : i32
        %dma_start3A_98 = tpu.memref_slice %arg7[%dma_start3A_96, %dma_start3A_97] : memref<40x128xi32, #tpu.memory_space<vmem>> -> memref<40x128xi32, #tpu.memory_space<vmem>>
        %dma_start3A_99 = arith.constant 0 : i32
        %dma_start3A_100 = tpu.memref_slice %arg4[%add3A_25, %dma_start3A_99] : memref<2500x128xi32, #tpu.memory_space<hbm>> -> memref<40x128xi32, #tpu.memory_space<hbm>>
        %dma_start3A_101 = arith.constant 0 : i32
        %dma_start3A_102 = arith.constant 0 : i32
        %dma_start3A_103 = tpu.memref_slice %arg7[%dma_start3A_101, %dma_start3A_102] : memref<40x128xi32, #tpu.memory_space<vmem>> -> memref<40x128xi32, #tpu.memory_space<vmem>>
        %dma_start3A_104 = arith.constant 0 : i32
        %dma_start3A_105 = tpu.memref_slice %arg4[%add3A_25, %dma_start3A_104] : memref<2500x128xi32, #tpu.memory_space<hbm>> -> memref<40x128xi32, #tpu.memory_space<hbm>>
        tpu.enqueue_dma source(%dma_start3A_105 : memref<40x128xi32, #tpu.memory_space<hbm>>) target(%dma_start3A_103 : memref<40x128xi32, #tpu.memory_space<vmem>>) target_semaphore(%run_scoped3A_95 : memref<!tpu.dma_semaphore, #tpu.memory_space<semaphore_mem>>)
        %dma_wait3A_106 = arith.constant 0 : i32
        %dma_wait3A_107 = arith.constant 0 : i32
        %dma_wait3A_108 = tpu.memref_slice %arg7[%dma_wait3A_106, %dma_wait3A_107] : memref<40x128xi32, #tpu.memory_space<vmem>> -> memref<40x128xi32, #tpu.memory_space<vmem>>
        %dma_wait3A_109 = arith.constant 0 : i32
        %dma_wait3A_110 = tpu.memref_slice %arg4[%add3A_25, %dma_wait3A_109] : memref<2500x128xi32, #tpu.memory_space<hbm>> -> memref<40x128xi32, #tpu.memory_space<hbm>>
        %dma_wait3A_111 = arith.constant 0 : i32
        %dma_wait3A_112 = arith.constant 0 : i32
        %dma_wait3A_113 = tpu.memref_slice %arg7[%dma_wait3A_111, %dma_wait3A_112] : memref<40x128xi32, #tpu.memory_space<vmem>> -> memref<40x128xi32, #tpu.memory_space<vmem>>
        %dma_wait3A_114 = arith.constant 0 : i32
        %dma_wait3A_115 = tpu.memref_slice %arg4[%add3A_25, %dma_wait3A_114] : memref<2500x128xi32, #tpu.memory_space<hbm>> -> memref<40x128xi32, #tpu.memory_space<hbm>>
        tpu.wait_dma2 semaphore(%run_scoped3A_95 : memref<!tpu.dma_semaphore, #tpu.memory_space<semaphore_mem>>) src(%dma_wait3A_115 : memref<40x128xi32, #tpu.memory_space<hbm>>) dst(%dma_wait3A_113 : memref<40x128xi32, #tpu.memory_space<vmem>>)
        tpu.yield
      }) : () -> ()
      %dma_start3A = arith.constant 0 : i32
      %dma_start3A_26 = arith.constant 0 : i32
      %dma_start3A_27 = tpu.memref_slice %arg6[%dma_start3A, %dma_start3A_26] : memref<40x128xi32, #tpu.memory_space<vmem>> -> memref<1x128xi32, #tpu.memory_space<vmem>>
      %dma_start3A_28 = tpu.memref_squeeze %dma_start3A_27 : memref<1x128xi32, #tpu.memory_space<vmem>> -> memref<128xi32, #tpu.memory_space<vmem>>
      %dma_start3A_29 = arith.constant 0 : i32
      %dma_start3A_30 = arith.constant 0 : i32
      %dma_start3A_31 = tpu.memref_slice %arg2[%dma_start3A_29, %dma_start3A_30] : memref<10000x128xf32, #tpu.memory_space<hbm>> -> memref<10000x128xf32, #tpu.memory_space<hbm>>
      tpu.enqueue_indirect_dma source(%dma_start3A_31 : memref<10000x128xf32, #tpu.memory_space<hbm>>) target(%arg8 : memref<128x128xf32, #tpu.memory_space<vmem>>) offsets(%dma_start3A_28 : memref<128xi32, #tpu.memory_space<vmem>>) semaphore(%arg11 : memref<!tpu.dma_semaphore, #tpu.memory_space<semaphore_mem>>)
      %scan3A_32 = arith.constant 0 : i32
      %scan3A_33 = arith.constant 19 : i32
      %scan3A_34 = arith.addi %scan3A_32, %scan3A_33 : i32
      %scan3A_35 = arith.constant 1 : i32
      scf.for %scan3A_95 = %scan3A_32 to %scan3A_34 step %scan3A_35  : i32 {
        %mul3A_96 = arith.constant 2 : i32
        %mul3A_97 = arith.muli %scan3A_95, %mul3A_96 : i32
        %add3A_98 = arith.constant 0 : i32
        %add3A_99 = arith.addi %add3A_98, %mul3A_97 : i32
        %add3A_100 = arith.constant 1 : i32
        %add3A_101 = arith.addi %add3A_99, %add3A_100 : i32
        %dma_start3A_102 = arith.constant 0 : i32
        %dma_start3A_103 = tpu.memref_slice %arg6[%add3A_101, %dma_start3A_102] : memref<40x128xi32, #tpu.memory_space<vmem>> -> memref<1x128xi32, #tpu.memory_space<vmem>>
        %dma_start3A_104 = tpu.memref_squeeze %dma_start3A_103 : memref<1x128xi32, #tpu.memory_space<vmem>> -> memref<128xi32, #tpu.memory_space<vmem>>
        %dma_start3A_105 = arith.constant 0 : i32
        %dma_start3A_106 = arith.constant 0 : i32
        %dma_start3A_107 = tpu.memref_slice %arg2[%dma_start3A_105, %dma_start3A_106] : memref<10000x128xf32, #tpu.memory_space<hbm>> -> memref<10000x128xf32, #tpu.memory_space<hbm>>
        tpu.enqueue_indirect_dma source(%dma_start3A_107 : memref<10000x128xf32, #tpu.memory_space<hbm>>) target(%arg9 : memref<128x128xf32, #tpu.memory_space<vmem>>) offsets(%dma_start3A_104 : memref<128xi32, #tpu.memory_space<vmem>>) semaphore(%arg12 : memref<!tpu.dma_semaphore, #tpu.memory_space<semaphore_mem>>)
        %dma_wait3A_108 = arith.constant 0 : i32
        %dma_wait3A_109 = tpu.memref_slice %arg6[%add3A_99, %dma_wait3A_108] : memref<40x128xi32, #tpu.memory_space<vmem>> -> memref<1x128xi32, #tpu.memory_space<vmem>>
        %dma_wait3A_110 = tpu.memref_squeeze %dma_wait3A_109 : memref<1x128xi32, #tpu.memory_space<vmem>> -> memref<128xi32, #tpu.memory_space<vmem>>
        %dma_wait3A_111 = arith.constant 0 : i32
        %dma_wait3A_112 = arith.constant 0 : i32
        %dma_wait3A_113 = tpu.memref_slice %arg2[%dma_wait3A_111, %dma_wait3A_112] : memref<10000x128xf32, #tpu.memory_space<hbm>> -> memref<10000x128xf32, #tpu.memory_space<hbm>>
        tpu.wait_indirect_dma semaphore(%arg11 : memref<!tpu.dma_semaphore, #tpu.memory_space<semaphore_mem>>) src(%dma_wait3A_113 : memref<10000x128xf32, #tpu.memory_space<hbm>>) dst(%arg8 : memref<128x128xf32, #tpu.memory_space<vmem>>)
        "tpu.region"() ({
          %run_scoped3A_132 = tpu.sem_alloc : memref<!tpu.dma_semaphore, #tpu.memory_space<semaphore_mem>>
          %dma_start3A_133 = arith.constant 0 : i32
          %dma_start3A_134 = tpu.memref_slice %arg7[%add3A_99, %dma_start3A_133] : memref<40x128xi32, #tpu.memory_space<vmem>> -> memref<1x128xi32, #tpu.memory_space<vmem>>
          %dma_start3A_135 = tpu.memref_squeeze %dma_start3A_134 : memref<1x128xi32, #tpu.memory_space<vmem>> -> memref<128xi32, #tpu.memory_space<vmem>>
          %dma_start3A_136 = arith.constant 0 : i32
          %dma_start3A_137 = arith.constant 0 : i32
          %dma_start3A_138 = tpu.memref_slice %arg10[%dma_start3A_136, %dma_start3A_137] : memref<10240x128xf32, #tpu.memory_space<vmem_shared>> -> memref<10240x128xf32, #tpu.memory_space<vmem_shared>>
          tpu.enqueue_indirect_dma source(%arg8 : memref<128x128xf32, #tpu.memory_space<vmem>>) target(%dma_start3A_138 : memref<10240x128xf32, #tpu.memory_space<vmem_shared>>) offsets(%dma_start3A_135 : memref<128xi32, #tpu.memory_space<vmem>>) semaphore(%run_scoped3A_132 : memref<!tpu.dma_semaphore, #tpu.memory_space<semaphore_mem>>) {add = true}
          %dma_wait3A_139 = arith.constant 0 : i32
          %dma_wait3A_140 = tpu.memref_slice %arg7[%add3A_99, %dma_wait3A_139] : memref<40x128xi32, #tpu.memory_space<vmem>> -> memref<1x128xi32, #tpu.memory_space<vmem>>
          %dma_wait3A_141 = tpu.memref_squeeze %dma_wait3A_140 : memref<1x128xi32, #tpu.memory_space<vmem>> -> memref<128xi32, #tpu.memory_space<vmem>>
          %dma_wait3A_142 = arith.constant 0 : i32
          %dma_wait3A_143 = arith.constant 0 : i32
          %dma_wait3A_144 = tpu.memref_slice %arg10[%dma_wait3A_142, %dma_wait3A_143] : memref<10240x128xf32, #tpu.memory_space<vmem_shared>> -> memref<10240x128xf32, #tpu.memory_space<vmem_shared>>
          tpu.wait_indirect_dma semaphore(%run_scoped3A_132 : memref<!tpu.dma_semaphore, #tpu.memory_space<semaphore_mem>>) src(%arg8 : memref<128x128xf32, #tpu.memory_space<vmem>>) dst(%dma_wait3A_144 : memref<10240x128xf32, #tpu.memory_space<vmem_shared>>)
          tpu.yield
        }) : () -> ()
        %add3A_114 = arith.constant 2 : i32
        %add3A_115 = arith.addi %add3A_99, %add3A_114 : i32
        %dma_start3A_116 = arith.constant 0 : i32
        %dma_start3A_117 = tpu.memref_slice %arg6[%add3A_115, %dma_start3A_116] : memref<40x128xi32, #tpu.memory_space<vmem>> -> memref<1x128xi32, #tpu.memory_space<vmem>>
        %dma_start3A_118 = tpu.memref_squeeze %dma_start3A_117 : memref<1x128xi32, #tpu.memory_space<vmem>> -> memref<128xi32, #tpu.memory_space<vmem>>
        %dma_start3A_119 = arith.constant 0 : i32
        %dma_start3A_120 = arith.constant 0 : i32
        %dma_start3A_121 = tpu.memref_slice %arg2[%dma_start3A_119, %dma_start3A_120] : memref<10000x128xf32, #tpu.memory_space<hbm>> -> memref<10000x128xf32, #tpu.memory_space<hbm>>
        tpu.enqueue_indirect_dma source(%dma_start3A_121 : memref<10000x128xf32, #tpu.memory_space<hbm>>) target(%arg8 : memref<128x128xf32, #tpu.memory_space<vmem>>) offsets(%dma_start3A_118 : memref<128xi32, #tpu.memory_space<vmem>>) semaphore(%arg11 : memref<!tpu.dma_semaphore, #tpu.memory_space<semaphore_mem>>)
        %add3A_122 = arith.constant 1 : i32
        %add3A_123 = arith.addi %add3A_99, %add3A_122 : i32
        %dma_wait3A_124 = arith.constant 0 : i32
        %dma_wait3A_125 = tpu.memref_slice %arg6[%add3A_123, %dma_wait3A_124] : memref<40x128xi32, #tpu.memory_space<vmem>> -> memref<1x128xi32, #tpu.memory_space<vmem>>
        %dma_wait3A_126 = tpu.memref_squeeze %dma_wait3A_125 : memref<1x128xi32, #tpu.memory_space<vmem>> -> memref<128xi32, #tpu.memory_space<vmem>>
        %dma_wait3A_127 = arith.constant 0 : i32
        %dma_wait3A_128 = arith.constant 0 : i32
        %dma_wait3A_129 = tpu.memref_slice %arg2[%dma_wait3A_127, %dma_wait3A_128] : memref<10000x128xf32, #tpu.memory_space<hbm>> -> memref<10000x128xf32, #tpu.memory_space<hbm>>
        tpu.wait_indirect_dma semaphore(%arg12 : memref<!tpu.dma_semaphore, #tpu.memory_space<semaphore_mem>>) src(%dma_wait3A_129 : memref<10000x128xf32, #tpu.memory_space<hbm>>) dst(%arg9 : memref<128x128xf32, #tpu.memory_space<vmem>>)
        %add3A_130 = arith.constant 1 : i32
        %add3A_131 = arith.addi %add3A_99, %add3A_130 : i32
        "tpu.region"() ({
          %run_scoped3A_132 = tpu.sem_alloc : memref<!tpu.dma_semaphore, #tpu.memory_space<semaphore_mem>>
          %dma_start3A_133 = arith.constant 0 : i32
          %dma_start3A_134 = tpu.memref_slice %arg7[%add3A_131, %dma_start3A_133] : memref<40x128xi32, #tpu.memory_space<vmem>> -> memref<1x128xi32, #tpu.memory_space<vmem>>
          %dma_start3A_135 = tpu.memref_squeeze %dma_start3A_134 : memref<1x128xi32, #tpu.memory_space<vmem>> -> memref<128xi32, #tpu.memory_space<vmem>>
          %dma_start3A_136 = arith.constant 0 : i32
          %dma_start3A_137 = arith.constant 0 : i32
          %dma_start3A_138 = tpu.memref_slice %arg10[%dma_start3A_136, %dma_start3A_137] : memref<10240x128xf32, #tpu.memory_space<vmem_shared>> -> memref<10240x128xf32, #tpu.memory_space<vmem_shared>>
          tpu.enqueue_indirect_dma source(%arg9 : memref<128x128xf32, #tpu.memory_space<vmem>>) target(%dma_start3A_138 : memref<10240x128xf32, #tpu.memory_space<vmem_shared>>) offsets(%dma_start3A_135 : memref<128xi32, #tpu.memory_space<vmem>>) semaphore(%run_scoped3A_132 : memref<!tpu.dma_semaphore, #tpu.memory_space<semaphore_mem>>) {add = true}
          %dma_wait3A_139 = arith.constant 0 : i32
          %dma_wait3A_140 = tpu.memref_slice %arg7[%add3A_131, %dma_wait3A_139] : memref<40x128xi32, #tpu.memory_space<vmem>> -> memref<1x128xi32, #tpu.memory_space<vmem>>
          %dma_wait3A_141 = tpu.memref_squeeze %dma_wait3A_140 : memref<1x128xi32, #tpu.memory_space<vmem>> -> memref<128xi32, #tpu.memory_space<vmem>>
          %dma_wait3A_142 = arith.constant 0 : i32
          %dma_wait3A_143 = arith.constant 0 : i32
          %dma_wait3A_144 = tpu.memref_slice %arg10[%dma_wait3A_142, %dma_wait3A_143] : memref<10240x128xf32, #tpu.memory_space<vmem_shared>> -> memref<10240x128xf32, #tpu.memory_space<vmem_shared>>
          tpu.wait_indirect_dma semaphore(%run_scoped3A_132 : memref<!tpu.dma_semaphore, #tpu.memory_space<semaphore_mem>>) src(%arg9 : memref<128x128xf32, #tpu.memory_space<vmem>>) dst(%dma_wait3A_144 : memref<10240x128xf32, #tpu.memory_space<vmem_shared>>)
          tpu.yield
        }) : () -> ()
      }
      %scan3A_36 = arith.constant 19 : i32
      %dma_start3A_37 = arith.constant 39 : i32
      %dma_start3A_38 = arith.constant 0 : i32
      %dma_start3A_39 = tpu.memref_slice %arg6[%dma_start3A_37, %dma_start3A_38] : memref<40x128xi32, #tpu.memory_space<vmem>> -> memref<1x128xi32, #tpu.memory_space<vmem>>
      %dma_start3A_40 = tpu.memref_squeeze %dma_start3A_39 : memref<1x128xi32, #tpu.memory_space<vmem>> -> memref<128xi32, #tpu.memory_space<vmem>>
      %dma_start3A_41 = arith.constant 0 : i32
      %dma_start3A_42 = arith.constant 0 : i32
      %dma_start3A_43 = tpu.memref_slice %arg2[%dma_start3A_41, %dma_start3A_42] : memref<10000x128xf32, #tpu.memory_space<hbm>> -> memref<10000x128xf32, #tpu.memory_space<hbm>>
      tpu.enqueue_indirect_dma source(%dma_start3A_43 : memref<10000x128xf32, #tpu.memory_space<hbm>>) target(%arg9 : memref<128x128xf32, #tpu.memory_space<vmem>>) offsets(%dma_start3A_40 : memref<128xi32, #tpu.memory_space<vmem>>) semaphore(%arg12 : memref<!tpu.dma_semaphore, #tpu.memory_space<semaphore_mem>>)
      %dma_wait3A = arith.constant 38 : i32
      %dma_wait3A_44 = arith.constant 0 : i32
      %dma_wait3A_45 = tpu.memref_slice %arg6[%dma_wait3A, %dma_wait3A_44] : memref<40x128xi32, #tpu.memory_space<vmem>> -> memref<1x128xi32, #tpu.memory_space<vmem>>
      %dma_wait3A_46 = tpu.memref_squeeze %dma_wait3A_45 : memref<1x128xi32, #tpu.memory_space<vmem>> -> memref<128xi32, #tpu.memory_space<vmem>>
      %dma_wait3A_47 = arith.constant 0 : i32
      %dma_wait3A_48 = arith.constant 0 : i32
      %dma_wait3A_49 = tpu.memref_slice %arg2[%dma_wait3A_47, %dma_wait3A_48] : memref<10000x128xf32, #tpu.memory_space<hbm>> -> memref<10000x128xf32, #tpu.memory_space<hbm>>
      tpu.wait_indirect_dma semaphore(%arg11 : memref<!tpu.dma_semaphore, #tpu.memory_space<semaphore_mem>>) src(%dma_wait3A_49 : memref<10000x128xf32, #tpu.memory_space<hbm>>) dst(%arg8 : memref<128x128xf32, #tpu.memory_space<vmem>>)
      %run_scoped3A = arith.constant 38 : i32
      "tpu.region"() ({
        %run_scoped3A_95 = tpu.sem_alloc : memref<!tpu.dma_semaphore, #tpu.memory_space<semaphore_mem>>
        %dma_start3A_96 = arith.constant 0 : i32
        %dma_start3A_97 = tpu.memref_slice %arg7[%run_scoped3A, %dma_start3A_96] : memref<40x128xi32, #tpu.memory_space<vmem>> -> memref<1x128xi32, #tpu.memory_space<vmem>>
        %dma_start3A_98 = tpu.memref_squeeze %dma_start3A_97 : memref<1x128xi32, #tpu.memory_space<vmem>> -> memref<128xi32, #tpu.memory_space<vmem>>
        %dma_start3A_99 = arith.constant 0 : i32
        %dma_start3A_100 = arith.constant 0 : i32
        %dma_start3A_101 = tpu.memref_slice %arg10[%dma_start3A_99, %dma_start3A_100] : memref<10240x128xf32, #tpu.memory_space<vmem_shared>> -> memref<10240x128xf32, #tpu.memory_space<vmem_shared>>
        tpu.enqueue_indirect_dma source(%arg8 : memref<128x128xf32, #tpu.memory_space<vmem>>) target(%dma_start3A_101 : memref<10240x128xf32, #tpu.memory_space<vmem_shared>>) offsets(%dma_start3A_98 : memref<128xi32, #tpu.memory_space<vmem>>) semaphore(%run_scoped3A_95 : memref<!tpu.dma_semaphore, #tpu.memory_space<semaphore_mem>>) {add = true}
        %dma_wait3A_102 = arith.constant 0 : i32
        %dma_wait3A_103 = tpu.memref_slice %arg7[%run_scoped3A, %dma_wait3A_102] : memref<40x128xi32, #tpu.memory_space<vmem>> -> memref<1x128xi32, #tpu.memory_space<vmem>>
        %dma_wait3A_104 = tpu.memref_squeeze %dma_wait3A_103 : memref<1x128xi32, #tpu.memory_space<vmem>> -> memref<128xi32, #tpu.memory_space<vmem>>
        %dma_wait3A_105 = arith.constant 0 : i32
        %dma_wait3A_106 = arith.constant 0 : i32
        %dma_wait3A_107 = tpu.memref_slice %arg10[%dma_wait3A_105, %dma_wait3A_106] : memref<10240x128xf32, #tpu.memory_space<vmem_shared>> -> memref<10240x128xf32, #tpu.memory_space<vmem_shared>>
        tpu.wait_indirect_dma semaphore(%run_scoped3A_95 : memref<!tpu.dma_semaphore, #tpu.memory_space<semaphore_mem>>) src(%arg8 : memref<128x128xf32, #tpu.memory_space<vmem>>) dst(%dma_wait3A_107 : memref<10240x128xf32, #tpu.memory_space<vmem_shared>>)
        tpu.yield
      }) : () -> ()
      %dma_wait3A_50 = arith.constant 39 : i32
      %dma_wait3A_51 = arith.constant 0 : i32
      %dma_wait3A_52 = tpu.memref_slice %arg6[%dma_wait3A_50, %dma_wait3A_51] : memref<40x128xi32, #tpu.memory_space<vmem>> -> memref<1x128xi32, #tpu.memory_space<vmem>>
      %dma_wait3A_53 = tpu.memref_squeeze %dma_wait3A_52 : memref<1x128xi32, #tpu.memory_space<vmem>> -> memref<128xi32, #tpu.memory_space<vmem>>
      %dma_wait3A_54 = arith.constant 0 : i32
      %dma_wait3A_55 = arith.constant 0 : i32
      %dma_wait3A_56 = tpu.memref_slice %arg2[%dma_wait3A_54, %dma_wait3A_55] : memref<10000x128xf32, #tpu.memory_space<hbm>> -> memref<10000x128xf32, #tpu.memory_space<hbm>>
      tpu.wait_indirect_dma semaphore(%arg12 : memref<!tpu.dma_semaphore, #tpu.memory_space<semaphore_mem>>) src(%dma_wait3A_56 : memref<10000x128xf32, #tpu.memory_space<hbm>>) dst(%arg9 : memref<128x128xf32, #tpu.memory_space<vmem>>)
      %run_scoped3A_57 = arith.constant 39 : i32
      "tpu.region"() ({
        %run_scoped3A_95 = tpu.sem_alloc : memref<!tpu.dma_semaphore, #tpu.memory_space<semaphore_mem>>
        %dma_start3A_96 = arith.constant 0 : i32
        %dma_start3A_97 = tpu.memref_slice %arg7[%run_scoped3A_57, %dma_start3A_96] : memref<40x128xi32, #tpu.memory_space<vmem>> -> memref<1x128xi32, #tpu.memory_space<vmem>>
        %dma_start3A_98 = tpu.memref_squeeze %dma_start3A_97 : memref<1x128xi32, #tpu.memory_space<vmem>> -> memref<128xi32, #tpu.memory_space<vmem>>
        %dma_start3A_99 = arith.constant 0 : i32
        %dma_start3A_100 = arith.constant 0 : i32
        %dma_start3A_101 = tpu.memref_slice %arg10[%dma_start3A_99, %dma_start3A_100] : memref<10240x128xf32, #tpu.memory_space<vmem_shared>> -> memref<10240x128xf32, #tpu.memory_space<vmem_shared>>
        tpu.enqueue_indirect_dma source(%arg9 : memref<128x128xf32, #tpu.memory_space<vmem>>) target(%dma_start3A_101 : memref<10240x128xf32, #tpu.memory_space<vmem_shared>>) offsets(%dma_start3A_98 : memref<128xi32, #tpu.memory_space<vmem>>) semaphore(%run_scoped3A_95 : memref<!tpu.dma_semaphore, #tpu.memory_space<semaphore_mem>>) {add = true}
        %dma_wait3A_102 = arith.constant 0 : i32
        %dma_wait3A_103 = tpu.memref_slice %arg7[%run_scoped3A_57, %dma_wait3A_102] : memref<40x128xi32, #tpu.memory_space<vmem>> -> memref<1x128xi32, #tpu.memory_space<vmem>>
        %dma_wait3A_104 = tpu.memref_squeeze %dma_wait3A_103 : memref<1x128xi32, #tpu.memory_space<vmem>> -> memref<128xi32, #tpu.memory_space<vmem>>
        %dma_wait3A_105 = arith.constant 0 : i32
        %dma_wait3A_106 = arith.constant 0 : i32
        %dma_wait3A_107 = tpu.memref_slice %arg10[%dma_wait3A_105, %dma_wait3A_106] : memref<10240x128xf32, #tpu.memory_space<vmem_shared>> -> memref<10240x128xf32, #tpu.memory_space<vmem_shared>>
        tpu.wait_indirect_dma semaphore(%run_scoped3A_95 : memref<!tpu.dma_semaphore, #tpu.memory_space<semaphore_mem>>) src(%arg9 : memref<128x128xf32, #tpu.memory_space<vmem>>) dst(%dma_wait3A_107 : memref<10240x128xf32, #tpu.memory_space<vmem_shared>>)
        tpu.yield
      }) : () -> ()
      %add3A_58 = arith.constant 40 : i32
      %add3A_59 = arith.addi %mul3A_23, %add3A_58 : i32
      "tpu.region"() ({
        %run_scoped3A_95 = tpu.sem_alloc : memref<!tpu.dma_semaphore, #tpu.memory_space<semaphore_mem>>
        %dma_start3A_96 = arith.constant 0 : i32
        %dma_start3A_97 = arith.constant 0 : i32
        %dma_start3A_98 = tpu.memref_slice %arg6[%dma_start3A_96, %dma_start3A_97] : memref<40x128xi32, #tpu.memory_space<vmem>> -> memref<40x128xi32, #tpu.memory_space<vmem>>
        %dma_start3A_99 = arith.constant 0 : i32
        %dma_start3A_100 = tpu.memref_slice %arg3[%add3A_59, %dma_start3A_99] : memref<2500x128xi32, #tpu.memory_space<hbm>> -> memref<40x128xi32, #tpu.memory_space<hbm>>
        %dma_start3A_101 = arith.constant 0 : i32
        %dma_start3A_102 = arith.constant 0 : i32
        %dma_start3A_103 = tpu.memref_slice %arg6[%dma_start3A_101, %dma_start3A_102] : memref<40x128xi32, #tpu.memory_space<vmem>> -> memref<40x128xi32, #tpu.memory_space<vmem>>
        %dma_start3A_104 = arith.constant 0 : i32
        %dma_start3A_105 = tpu.memref_slice %arg3[%add3A_59, %dma_start3A_104] : memref<2500x128xi32, #tpu.memory_space<hbm>> -> memref<40x128xi32, #tpu.memory_space<hbm>>
        tpu.enqueue_dma source(%dma_start3A_105 : memref<40x128xi32, #tpu.memory_space<hbm>>) target(%dma_start3A_103 : memref<40x128xi32, #tpu.memory_space<vmem>>) target_semaphore(%run_scoped3A_95 : memref<!tpu.dma_semaphore, #tpu.memory_space<semaphore_mem>>)
        %dma_wait3A_106 = arith.constant 0 : i32
        %dma_wait3A_107 = arith.constant 0 : i32
        %dma_wait3A_108 = tpu.memref_slice %arg6[%dma_wait3A_106, %dma_wait3A_107] : memref<40x128xi32, #tpu.memory_space<vmem>> -> memref<40x128xi32, #tpu.memory_space<vmem>>
        %dma_wait3A_109 = arith.constant 0 : i32
        %dma_wait3A_110 = tpu.memref_slice %arg3[%add3A_59, %dma_wait3A_109] : memref<2500x128xi32, #tpu.memory_space<hbm>> -> memref<40x128xi32, #tpu.memory_space<hbm>>
        %dma_wait3A_111 = arith.constant 0 : i32
        %dma_wait3A_112 = arith.constant 0 : i32
        %dma_wait3A_113 = tpu.memref_slice %arg6[%dma_wait3A_111, %dma_wait3A_112] : memref<40x128xi32, #tpu.memory_space<vmem>> -> memref<40x128xi32, #tpu.memory_space<vmem>>
        %dma_wait3A_114 = arith.constant 0 : i32
        %dma_wait3A_115 = tpu.memref_slice %arg3[%add3A_59, %dma_wait3A_114] : memref<2500x128xi32, #tpu.memory_space<hbm>> -> memref<40x128xi32, #tpu.memory_space<hbm>>
        tpu.wait_dma2 semaphore(%run_scoped3A_95 : memref<!tpu.dma_semaphore, #tpu.memory_space<semaphore_mem>>) src(%dma_wait3A_115 : memref<40x128xi32, #tpu.memory_space<hbm>>) dst(%dma_wait3A_113 : memref<40x128xi32, #tpu.memory_space<vmem>>)
        tpu.yield
      }) : () -> ()
      "tpu.region"() ({
        %run_scoped3A_95 = tpu.sem_alloc : memref<!tpu.dma_semaphore, #tpu.memory_space<semaphore_mem>>
        %dma_start3A_96 = arith.constant 0 : i32
        %dma_start3A_97 = arith.constant 0 : i32
        %dma_start3A_98 = tpu.memref_slice %arg7[%dma_start3A_96, %dma_start3A_97] : memref<40x128xi32, #tpu.memory_space<vmem>> -> memref<40x128xi32, #tpu.memory_space<vmem>>
        %dma_start3A_99 = arith.constant 0 : i32
        %dma_start3A_100 = tpu.memref_slice %arg4[%add3A_59, %dma_start3A_99] : memref<2500x128xi32, #tpu.memory_space<hbm>> -> memref<40x128xi32, #tpu.memory_space<hbm>>
        %dma_start3A_101 = arith.constant 0 : i32
        %dma_start3A_102 = arith.constant 0 : i32
        %dma_start3A_103 = tpu.memref_slice %arg7[%dma_start3A_101, %dma_start3A_102] : memref<40x128xi32, #tpu.memory_space<vmem>> -> memref<40x128xi32, #tpu.memory_space<vmem>>
        %dma_start3A_104 = arith.constant 0 : i32
        %dma_start3A_105 = tpu.memref_slice %arg4[%add3A_59, %dma_start3A_104] : memref<2500x128xi32, #tpu.memory_space<hbm>> -> memref<40x128xi32, #tpu.memory_space<hbm>>
        tpu.enqueue_dma source(%dma_start3A_105 : memref<40x128xi32, #tpu.memory_space<hbm>>) target(%dma_start3A_103 : memref<40x128xi32, #tpu.memory_space<vmem>>) target_semaphore(%run_scoped3A_95 : memref<!tpu.dma_semaphore, #tpu.memory_space<semaphore_mem>>)
        %dma_wait3A_106 = arith.constant 0 : i32
        %dma_wait3A_107 = arith.constant 0 : i32
        %dma_wait3A_108 = tpu.memref_slice %arg7[%dma_wait3A_106, %dma_wait3A_107] : memref<40x128xi32, #tpu.memory_space<vmem>> -> memref<40x128xi32, #tpu.memory_space<vmem>>
        %dma_wait3A_109 = arith.constant 0 : i32
        %dma_wait3A_110 = tpu.memref_slice %arg4[%add3A_59, %dma_wait3A_109] : memref<2500x128xi32, #tpu.memory_space<hbm>> -> memref<40x128xi32, #tpu.memory_space<hbm>>
        %dma_wait3A_111 = arith.constant 0 : i32
        %dma_wait3A_112 = arith.constant 0 : i32
        %dma_wait3A_113 = tpu.memref_slice %arg7[%dma_wait3A_111, %dma_wait3A_112] : memref<40x128xi32, #tpu.memory_space<vmem>> -> memref<40x128xi32, #tpu.memory_space<vmem>>
        %dma_wait3A_114 = arith.constant 0 : i32
        %dma_wait3A_115 = tpu.memref_slice %arg4[%add3A_59, %dma_wait3A_114] : memref<2500x128xi32, #tpu.memory_space<hbm>> -> memref<40x128xi32, #tpu.memory_space<hbm>>
        tpu.wait_dma2 semaphore(%run_scoped3A_95 : memref<!tpu.dma_semaphore, #tpu.memory_space<semaphore_mem>>) src(%dma_wait3A_115 : memref<40x128xi32, #tpu.memory_space<hbm>>) dst(%dma_wait3A_113 : memref<40x128xi32, #tpu.memory_space<vmem>>)
        tpu.yield
      }) : () -> ()
      %dma_start3A_60 = arith.constant 0 : i32
      %dma_start3A_61 = arith.constant 0 : i32
      %dma_start3A_62 = tpu.memref_slice %arg6[%dma_start3A_60, %dma_start3A_61] : memref<40x128xi32, #tpu.memory_space<vmem>> -> memref<1x128xi32, #tpu.memory_space<vmem>>
      %dma_start3A_63 = tpu.memref_squeeze %dma_start3A_62 : memref<1x128xi32, #tpu.memory_space<vmem>> -> memref<128xi32, #tpu.memory_space<vmem>>
      %dma_start3A_64 = arith.constant 0 : i32
      %dma_start3A_65 = arith.constant 0 : i32
      %dma_start3A_66 = tpu.memref_slice %arg2[%dma_start3A_64, %dma_start3A_65] : memref<10000x128xf32, #tpu.memory_space<hbm>> -> memref<10000x128xf32, #tpu.memory_space<hbm>>
      tpu.enqueue_indirect_dma source(%dma_start3A_66 : memref<10000x128xf32, #tpu.memory_space<hbm>>) target(%arg8 : memref<128x128xf32, #tpu.memory_space<vmem>>) offsets(%dma_start3A_63 : memref<128xi32, #tpu.memory_space<vmem>>) semaphore(%arg11 : memref<!tpu.dma_semaphore, #tpu.memory_space<semaphore_mem>>)
      %scan3A_67 = arith.constant 0 : i32
      %scan3A_68 = arith.constant 19 : i32
      %scan3A_69 = arith.addi %scan3A_67, %scan3A_68 : i32
      %scan3A_70 = arith.constant 1 : i32
      scf.for %scan3A_95 = %scan3A_67 to %scan3A_69 step %scan3A_70  : i32 {
        %mul3A_96 = arith.constant 2 : i32
        %mul3A_97 = arith.muli %scan3A_95, %mul3A_96 : i32
        %add3A_98 = arith.constant 0 : i32
        %add3A_99 = arith.addi %add3A_98, %mul3A_97 : i32
        %add3A_100 = arith.constant 1 : i32
        %add3A_101 = arith.addi %add3A_99, %add3A_100 : i32
        %dma_start3A_102 = arith.constant 0 : i32
        %dma_start3A_103 = tpu.memref_slice %arg6[%add3A_101, %dma_start3A_102] : memref<40x128xi32, #tpu.memory_space<vmem>> -> memref<1x128xi32, #tpu.memory_space<vmem>>
        %dma_start3A_104 = tpu.memref_squeeze %dma_start3A_103 : memref<1x128xi32, #tpu.memory_space<vmem>> -> memref<128xi32, #tpu.memory_space<vmem>>
        %dma_start3A_105 = arith.constant 0 : i32
        %dma_start3A_106 = arith.constant 0 : i32
        %dma_start3A_107 = tpu.memref_slice %arg2[%dma_start3A_105, %dma_start3A_106] : memref<10000x128xf32, #tpu.memory_space<hbm>> -> memref<10000x128xf32, #tpu.memory_space<hbm>>
        tpu.enqueue_indirect_dma source(%dma_start3A_107 : memref<10000x128xf32, #tpu.memory_space<hbm>>) target(%arg9 : memref<128x128xf32, #tpu.memory_space<vmem>>) offsets(%dma_start3A_104 : memref<128xi32, #tpu.memory_space<vmem>>) semaphore(%arg12 : memref<!tpu.dma_semaphore, #tpu.memory_space<semaphore_mem>>)
        %dma_wait3A_108 = arith.constant 0 : i32
        %dma_wait3A_109 = tpu.memref_slice %arg6[%add3A_99, %dma_wait3A_108] : memref<40x128xi32, #tpu.memory_space<vmem>> -> memref<1x128xi32, #tpu.memory_space<vmem>>
        %dma_wait3A_110 = tpu.memref_squeeze %dma_wait3A_109 : memref<1x128xi32, #tpu.memory_space<vmem>> -> memref<128xi32, #tpu.memory_space<vmem>>
        %dma_wait3A_111 = arith.constant 0 : i32
        %dma_wait3A_112 = arith.constant 0 : i32
        %dma_wait3A_113 = tpu.memref_slice %arg2[%dma_wait3A_111, %dma_wait3A_112] : memref<10000x128xf32, #tpu.memory_space<hbm>> -> memref<10000x128xf32, #tpu.memory_space<hbm>>
        tpu.wait_indirect_dma semaphore(%arg11 : memref<!tpu.dma_semaphore, #tpu.memory_space<semaphore_mem>>) src(%dma_wait3A_113 : memref<10000x128xf32, #tpu.memory_space<hbm>>) dst(%arg8 : memref<128x128xf32, #tpu.memory_space<vmem>>)
        "tpu.region"() ({
          %run_scoped3A_132 = tpu.sem_alloc : memref<!tpu.dma_semaphore, #tpu.memory_space<semaphore_mem>>
          %dma_start3A_133 = arith.constant 0 : i32
          %dma_start3A_134 = tpu.memref_slice %arg7[%add3A_99, %dma_start3A_133] : memref<40x128xi32, #tpu.memory_space<vmem>> -> memref<1x128xi32, #tpu.memory_space<vmem>>
          %dma_start3A_135 = tpu.memref_squeeze %dma_start3A_134 : memref<1x128xi32, #tpu.memory_space<vmem>> -> memref<128xi32, #tpu.memory_space<vmem>>
          %dma_start3A_136 = arith.constant 0 : i32
          %dma_start3A_137 = arith.constant 0 : i32
          %dma_start3A_138 = tpu.memref_slice %arg10[%dma_start3A_136, %dma_start3A_137] : memref<10240x128xf32, #tpu.memory_space<vmem_shared>> -> memref<10240x128xf32, #tpu.memory_space<vmem_shared>>
          tpu.enqueue_indirect_dma source(%arg8 : memref<128x128xf32, #tpu.memory_space<vmem>>) target(%dma_start3A_138 : memref<10240x128xf32, #tpu.memory_space<vmem_shared>>) offsets(%dma_start3A_135 : memref<128xi32, #tpu.memory_space<vmem>>) semaphore(%run_scoped3A_132 : memref<!tpu.dma_semaphore, #tpu.memory_space<semaphore_mem>>) {add = true}
          %dma_wait3A_139 = arith.constant 0 : i32
          %dma_wait3A_140 = tpu.memref_slice %arg7[%add3A_99, %dma_wait3A_139] : memref<40x128xi32, #tpu.memory_space<vmem>> -> memref<1x128xi32, #tpu.memory_space<vmem>>
          %dma_wait3A_141 = tpu.memref_squeeze %dma_wait3A_140 : memref<1x128xi32, #tpu.memory_space<vmem>> -> memref<128xi32, #tpu.memory_space<vmem>>
          %dma_wait3A_142 = arith.constant 0 : i32
          %dma_wait3A_143 = arith.constant 0 : i32
          %dma_wait3A_144 = tpu.memref_slice %arg10[%dma_wait3A_142, %dma_wait3A_143] : memref<10240x128xf32, #tpu.memory_space<vmem_shared>> -> memref<10240x128xf32, #tpu.memory_space<vmem_shared>>
          tpu.wait_indirect_dma semaphore(%run_scoped3A_132 : memref<!tpu.dma_semaphore, #tpu.memory_space<semaphore_mem>>) src(%arg8 : memref<128x128xf32, #tpu.memory_space<vmem>>) dst(%dma_wait3A_144 : memref<10240x128xf32, #tpu.memory_space<vmem_shared>>)
          tpu.yield
        }) : () -> ()
        %add3A_114 = arith.constant 2 : i32
        %add3A_115 = arith.addi %add3A_99, %add3A_114 : i32
        %dma_start3A_116 = arith.constant 0 : i32
        %dma_start3A_117 = tpu.memref_slice %arg6[%add3A_115, %dma_start3A_116] : memref<40x128xi32, #tpu.memory_space<vmem>> -> memref<1x128xi32, #tpu.memory_space<vmem>>
        %dma_start3A_118 = tpu.memref_squeeze %dma_start3A_117 : memref<1x128xi32, #tpu.memory_space<vmem>> -> memref<128xi32, #tpu.memory_space<vmem>>
        %dma_start3A_119 = arith.constant 0 : i32
        %dma_start3A_120 = arith.constant 0 : i32
        %dma_start3A_121 = tpu.memref_slice %arg2[%dma_start3A_119, %dma_start3A_120] : memref<10000x128xf32, #tpu.memory_space<hbm>> -> memref<10000x128xf32, #tpu.memory_space<hbm>>
        tpu.enqueue_indirect_dma source(%dma_start3A_121 : memref<10000x128xf32, #tpu.memory_space<hbm>>) target(%arg8 : memref<128x128xf32, #tpu.memory_space<vmem>>) offsets(%dma_start3A_118 : memref<128xi32, #tpu.memory_space<vmem>>) semaphore(%arg11 : memref<!tpu.dma_semaphore, #tpu.memory_space<semaphore_mem>>)
        %add3A_122 = arith.constant 1 : i32
        %add3A_123 = arith.addi %add3A_99, %add3A_122 : i32
        %dma_wait3A_124 = arith.constant 0 : i32
        %dma_wait3A_125 = tpu.memref_slice %arg6[%add3A_123, %dma_wait3A_124] : memref<40x128xi32, #tpu.memory_space<vmem>> -> memref<1x128xi32, #tpu.memory_space<vmem>>
        %dma_wait3A_126 = tpu.memref_squeeze %dma_wait3A_125 : memref<1x128xi32, #tpu.memory_space<vmem>> -> memref<128xi32, #tpu.memory_space<vmem>>
        %dma_wait3A_127 = arith.constant 0 : i32
        %dma_wait3A_128 = arith.constant 0 : i32
        %dma_wait3A_129 = tpu.memref_slice %arg2[%dma_wait3A_127, %dma_wait3A_128] : memref<10000x128xf32, #tpu.memory_space<hbm>> -> memref<10000x128xf32, #tpu.memory_space<hbm>>
        tpu.wait_indirect_dma semaphore(%arg12 : memref<!tpu.dma_semaphore, #tpu.memory_space<semaphore_mem>>) src(%dma_wait3A_129 : memref<10000x128xf32, #tpu.memory_space<hbm>>) dst(%arg9 : memref<128x128xf32, #tpu.memory_space<vmem>>)
        %add3A_130 = arith.constant 1 : i32
        %add3A_131 = arith.addi %add3A_99, %add3A_130 : i32
        "tpu.region"() ({
          %run_scoped3A_132 = tpu.sem_alloc : memref<!tpu.dma_semaphore, #tpu.memory_space<semaphore_mem>>
          %dma_start3A_133 = arith.constant 0 : i32
          %dma_start3A_134 = tpu.memref_slice %arg7[%add3A_131, %dma_start3A_133] : memref<40x128xi32, #tpu.memory_space<vmem>> -> memref<1x128xi32, #tpu.memory_space<vmem>>
          %dma_start3A_135 = tpu.memref_squeeze %dma_start3A_134 : memref<1x128xi32, #tpu.memory_space<vmem>> -> memref<128xi32, #tpu.memory_space<vmem>>
          %dma_start3A_136 = arith.constant 0 : i32
          %dma_start3A_137 = arith.constant 0 : i32
          %dma_start3A_138 = tpu.memref_slice %arg10[%dma_start3A_136, %dma_start3A_137] : memref<10240x128xf32, #tpu.memory_space<vmem_shared>> -> memref<10240x128xf32, #tpu.memory_space<vmem_shared>>
          tpu.enqueue_indirect_dma source(%arg9 : memref<128x128xf32, #tpu.memory_space<vmem>>) target(%dma_start3A_138 : memref<10240x128xf32, #tpu.memory_space<vmem_shared>>) offsets(%dma_start3A_135 : memref<128xi32, #tpu.memory_space<vmem>>) semaphore(%run_scoped3A_132 : memref<!tpu.dma_semaphore, #tpu.memory_space<semaphore_mem>>) {add = true}
          %dma_wait3A_139 = arith.constant 0 : i32
          %dma_wait3A_140 = tpu.memref_slice %arg7[%add3A_131, %dma_wait3A_139] : memref<40x128xi32, #tpu.memory_space<vmem>> -> memref<1x128xi32, #tpu.memory_space<vmem>>
          %dma_wait3A_141 = tpu.memref_squeeze %dma_wait3A_140 : memref<1x128xi32, #tpu.memory_space<vmem>> -> memref<128xi32, #tpu.memory_space<vmem>>
          %dma_wait3A_142 = arith.constant 0 : i32
          %dma_wait3A_143 = arith.constant 0 : i32
          %dma_wait3A_144 = tpu.memref_slice %arg10[%dma_wait3A_142, %dma_wait3A_143] : memref<10240x128xf32, #tpu.memory_space<vmem_shared>> -> memref<10240x128xf32, #tpu.memory_space<vmem_shared>>
          tpu.wait_indirect_dma semaphore(%run_scoped3A_132 : memref<!tpu.dma_semaphore, #tpu.memory_space<semaphore_mem>>) src(%arg9 : memref<128x128xf32, #tpu.memory_space<vmem>>) dst(%dma_wait3A_144 : memref<10240x128xf32, #tpu.memory_space<vmem_shared>>)
          tpu.yield
        }) : () -> ()
      }
      %scan3A_71 = arith.constant 19 : i32
      %dma_start3A_72 = arith.constant 39 : i32
      %dma_start3A_73 = arith.constant 0 : i32
      %dma_start3A_74 = tpu.memref_slice %arg6[%dma_start3A_72, %dma_start3A_73] : memref<40x128xi32, #tpu.memory_space<vmem>> -> memref<1x128xi32, #tpu.memory_space<vmem>>
      %dma_start3A_75 = tpu.memref_squeeze %dma_start3A_74 : memref<1x128xi32, #tpu.memory_space<vmem>> -> memref<128xi32, #tpu.memory_space<vmem>>
      %dma_start3A_76 = arith.constant 0 : i32
      %dma_start3A_77 = arith.constant 0 : i32
      %dma_start3A_78 = tpu.memref_slice %arg2[%dma_start3A_76, %dma_start3A_77] : memref<10000x128xf32, #tpu.memory_space<hbm>> -> memref<10000x128xf32, #tpu.memory_space<hbm>>
      tpu.enqueue_indirect_dma source(%dma_start3A_78 : memref<10000x128xf32, #tpu.memory_space<hbm>>) target(%arg9 : memref<128x128xf32, #tpu.memory_space<vmem>>) offsets(%dma_start3A_75 : memref<128xi32, #tpu.memory_space<vmem>>) semaphore(%arg12 : memref<!tpu.dma_semaphore, #tpu.memory_space<semaphore_mem>>)
      %dma_wait3A_79 = arith.constant 38 : i32
      %dma_wait3A_80 = arith.constant 0 : i32
      %dma_wait3A_81 = tpu.memref_slice %arg6[%dma_wait3A_79, %dma_wait3A_80] : memref<40x128xi32, #tpu.memory_space<vmem>> -> memref<1x128xi32, #tpu.memory_space<vmem>>
      %dma_wait3A_82 = tpu.memref_squeeze %dma_wait3A_81 : memref<1x128xi32, #tpu.memory_space<vmem>> -> memref<128xi32, #tpu.memory_space<vmem>>
      %dma_wait3A_83 = arith.constant 0 : i32
      %dma_wait3A_84 = arith.constant 0 : i32
      %dma_wait3A_85 = tpu.memref_slice %arg2[%dma_wait3A_83, %dma_wait3A_84] : memref<10000x128xf32, #tpu.memory_space<hbm>> -> memref<10000x128xf32, #tpu.memory_space<hbm>>
      tpu.wait_indirect_dma semaphore(%arg11 : memref<!tpu.dma_semaphore, #tpu.memory_space<semaphore_mem>>) src(%dma_wait3A_85 : memref<10000x128xf32, #tpu.memory_space<hbm>>) dst(%arg8 : memref<128x128xf32, #tpu.memory_space<vmem>>)
      %run_scoped3A_86 = arith.constant 38 : i32
      "tpu.region"() ({
        %run_scoped3A_95 = tpu.sem_alloc : memref<!tpu.dma_semaphore, #tpu.memory_space<semaphore_mem>>
        %dma_start3A_96 = arith.constant 0 : i32
        %dma_start3A_97 = tpu.memref_slice %arg7[%run_scoped3A_86, %dma_start3A_96] : memref<40x128xi32, #tpu.memory_space<vmem>> -> memref<1x128xi32, #tpu.memory_space<vmem>>
        %dma_start3A_98 = tpu.memref_squeeze %dma_start3A_97 : memref<1x128xi32, #tpu.memory_space<vmem>> -> memref<128xi32, #tpu.memory_space<vmem>>
        %dma_start3A_99 = arith.constant 0 : i32
        %dma_start3A_100 = arith.constant 0 : i32
        %dma_start3A_101 = tpu.memref_slice %arg10[%dma_start3A_99, %dma_start3A_100] : memref<10240x128xf32, #tpu.memory_space<vmem_shared>> -> memref<10240x128xf32, #tpu.memory_space<vmem_shared>>
        tpu.enqueue_indirect_dma source(%arg8 : memref<128x128xf32, #tpu.memory_space<vmem>>) target(%dma_start3A_101 : memref<10240x128xf32, #tpu.memory_space<vmem_shared>>) offsets(%dma_start3A_98 : memref<128xi32, #tpu.memory_space<vmem>>) semaphore(%run_scoped3A_95 : memref<!tpu.dma_semaphore, #tpu.memory_space<semaphore_mem>>) {add = true}
        %dma_wait3A_102 = arith.constant 0 : i32
        %dma_wait3A_103 = tpu.memref_slice %arg7[%run_scoped3A_86, %dma_wait3A_102] : memref<40x128xi32, #tpu.memory_space<vmem>> -> memref<1x128xi32, #tpu.memory_space<vmem>>
        %dma_wait3A_104 = tpu.memref_squeeze %dma_wait3A_103 : memref<1x128xi32, #tpu.memory_space<vmem>> -> memref<128xi32, #tpu.memory_space<vmem>>
        %dma_wait3A_105 = arith.constant 0 : i32
        %dma_wait3A_106 = arith.constant 0 : i32
        %dma_wait3A_107 = tpu.memref_slice %arg10[%dma_wait3A_105, %dma_wait3A_106] : memref<10240x128xf32, #tpu.memory_space<vmem_shared>> -> memref<10240x128xf32, #tpu.memory_space<vmem_shared>>
        tpu.wait_indirect_dma semaphore(%run_scoped3A_95 : memref<!tpu.dma_semaphore, #tpu.memory_space<semaphore_mem>>) src(%arg8 : memref<128x128xf32, #tpu.memory_space<vmem>>) dst(%dma_wait3A_107 : memref<10240x128xf32, #tpu.memory_space<vmem_shared>>)
        tpu.yield
      }) : () -> ()
      %dma_wait3A_87 = arith.constant 39 : i32
      %dma_wait3A_88 = arith.constant 0 : i32
      %dma_wait3A_89 = tpu.memref_slice %arg6[%dma_wait3A_87, %dma_wait3A_88] : memref<40x128xi32, #tpu.memory_space<vmem>> -> memref<1x128xi32, #tpu.memory_space<vmem>>
      %dma_wait3A_90 = tpu.memref_squeeze %dma_wait3A_89 : memref<1x128xi32, #tpu.memory_space<vmem>> -> memref<128xi32, #tpu.memory_space<vmem>>
      %dma_wait3A_91 = arith.constant 0 : i32
      %dma_wait3A_92 = arith.constant 0 : i32
      %dma_wait3A_93 = tpu.memref_slice %arg2[%dma_wait3A_91, %dma_wait3A_92] : memref<10000x128xf32, #tpu.memory_space<hbm>> -> memref<10000x128xf32, #tpu.memory_space<hbm>>
      tpu.wait_indirect_dma semaphore(%arg12 : memref<!tpu.dma_semaphore, #tpu.memory_space<semaphore_mem>>) src(%dma_wait3A_93 : memref<10000x128xf32, #tpu.memory_space<hbm>>) dst(%arg9 : memref<128x128xf32, #tpu.memory_space<vmem>>)
      %run_scoped3A_94 = arith.constant 39 : i32
      "tpu.region"() ({
        %run_scoped3A_95 = tpu.sem_alloc : memref<!tpu.dma_semaphore, #tpu.memory_space<semaphore_mem>>
        %dma_start3A_96 = arith.constant 0 : i32
        %dma_start3A_97 = tpu.memref_slice %arg7[%run_scoped3A_94, %dma_start3A_96] : memref<40x128xi32, #tpu.memory_space<vmem>> -> memref<1x128xi32, #tpu.memory_space<vmem>>
        %dma_start3A_98 = tpu.memref_squeeze %dma_start3A_97 : memref<1x128xi32, #tpu.memory_space<vmem>> -> memref<128xi32, #tpu.memory_space<vmem>>
        %dma_start3A_99 = arith.constant 0 : i32
        %dma_start3A_100 = arith.constant 0 : i32
        %dma_start3A_101 = tpu.memref_slice %arg10[%dma_start3A_99, %dma_start3A_100] : memref<10240x128xf32, #tpu.memory_space<vmem_shared>> -> memref<10240x128xf32, #tpu.memory_space<vmem_shared>>
        tpu.enqueue_indirect_dma source(%arg9 : memref<128x128xf32, #tpu.memory_space<vmem>>) target(%dma_start3A_101 : memref<10240x128xf32, #tpu.memory_space<vmem_shared>>) offsets(%dma_start3A_98 : memref<128xi32, #tpu.memory_space<vmem>>) semaphore(%run_scoped3A_95 : memref<!tpu.dma_semaphore, #tpu.memory_space<semaphore_mem>>) {add = true}
        %dma_wait3A_102 = arith.constant 0 : i32
        %dma_wait3A_103 = tpu.memref_slice %arg7[%run_scoped3A_94, %dma_wait3A_102] : memref<40x128xi32, #tpu.memory_space<vmem>> -> memref<1x128xi32, #tpu.memory_space<vmem>>
        %dma_wait3A_104 = tpu.memref_squeeze %dma_wait3A_103 : memref<1x128xi32, #tpu.memory_space<vmem>> -> memref<128xi32, #tpu.memory_space<vmem>>
        %dma_wait3A_105 = arith.constant 0 : i32
        %dma_wait3A_106 = arith.constant 0 : i32
        %dma_wait3A_107 = tpu.memref_slice %arg10[%dma_wait3A_105, %dma_wait3A_106] : memref<10240x128xf32, #tpu.memory_space<vmem_shared>> -> memref<10240x128xf32, #tpu.memory_space<vmem_shared>>
        tpu.wait_indirect_dma semaphore(%run_scoped3A_95 : memref<!tpu.dma_semaphore, #tpu.memory_space<semaphore_mem>>) src(%arg9 : memref<128x128xf32, #tpu.memory_space<vmem>>) dst(%dma_wait3A_107 : memref<10240x128xf32, #tpu.memory_space<vmem_shared>>)
        tpu.yield
      }) : () -> ()
    } else {
    }
    %eq3A = arith.constant 31 : i32
    %eq3A_12 = arith.cmpi eq, %add3A, %eq3A : i32
    %convert_element_type3A_13 = arith.extui %eq3A_12 : i1 to i32
    %cond3A_14 = arith.constant 0 : i32
    %cond3A_15 = arith.cmpi ne, %convert_element_type3A_13, %cond3A_14 : i32
    scf.if %cond3A_15 {
      "tpu.region"() ({
        %run_scoped3A_54 = tpu.sem_alloc : memref<!tpu.dma_semaphore, #tpu.memory_space<semaphore_mem>>
        %dma_start3A_55 = arith.constant 0 : i32
        %dma_start3A_56 = arith.constant 0 : i32
        %dma_start3A_57 = tpu.memref_slice %arg6[%dma_start3A_55, %dma_start3A_56] : memref<40x128xi32, #tpu.memory_space<vmem>> -> memref<20x128xi32, #tpu.memory_space<vmem>>
        %dma_start3A_58 = arith.constant 2480 : i32
        %dma_start3A_59 = arith.constant 0 : i32
        %dma_start3A_60 = tpu.memref_slice %arg3[%dma_start3A_58, %dma_start3A_59] : memref<2500x128xi32, #tpu.memory_space<hbm>> -> memref<20x128xi32, #tpu.memory_space<hbm>>
        %dma_start3A_61 = arith.constant 0 : i32
        %dma_start3A_62 = arith.constant 0 : i32
        %dma_start3A_63 = tpu.memref_slice %arg6[%dma_start3A_61, %dma_start3A_62] : memref<40x128xi32, #tpu.memory_space<vmem>> -> memref<20x128xi32, #tpu.memory_space<vmem>>
        %dma_start3A_64 = arith.constant 2480 : i32
        %dma_start3A_65 = arith.constant 0 : i32
        %dma_start3A_66 = tpu.memref_slice %arg3[%dma_start3A_64, %dma_start3A_65] : memref<2500x128xi32, #tpu.memory_space<hbm>> -> memref<20x128xi32, #tpu.memory_space<hbm>>
        tpu.enqueue_dma source(%dma_start3A_66 : memref<20x128xi32, #tpu.memory_space<hbm>>) target(%dma_start3A_63 : memref<20x128xi32, #tpu.memory_space<vmem>>) target_semaphore(%run_scoped3A_54 : memref<!tpu.dma_semaphore, #tpu.memory_space<semaphore_mem>>)
        %dma_wait3A_67 = arith.constant 0 : i32
        %dma_wait3A_68 = arith.constant 0 : i32
        %dma_wait3A_69 = tpu.memref_slice %arg6[%dma_wait3A_67, %dma_wait3A_68] : memref<40x128xi32, #tpu.memory_space<vmem>> -> memref<20x128xi32, #tpu.memory_space<vmem>>
        %dma_wait3A_70 = arith.constant 2480 : i32
        %dma_wait3A_71 = arith.constant 0 : i32
        %dma_wait3A_72 = tpu.memref_slice %arg3[%dma_wait3A_70, %dma_wait3A_71] : memref<2500x128xi32, #tpu.memory_space<hbm>> -> memref<20x128xi32, #tpu.memory_space<hbm>>
        %dma_wait3A_73 = arith.constant 0 : i32
        %dma_wait3A_74 = arith.constant 0 : i32
        %dma_wait3A_75 = tpu.memref_slice %arg6[%dma_wait3A_73, %dma_wait3A_74] : memref<40x128xi32, #tpu.memory_space<vmem>> -> memref<20x128xi32, #tpu.memory_space<vmem>>
        %dma_wait3A_76 = arith.constant 2480 : i32
        %dma_wait3A_77 = arith.constant 0 : i32
        %dma_wait3A_78 = tpu.memref_slice %arg3[%dma_wait3A_76, %dma_wait3A_77] : memref<2500x128xi32, #tpu.memory_space<hbm>> -> memref<20x128xi32, #tpu.memory_space<hbm>>
        tpu.wait_dma2 semaphore(%run_scoped3A_54 : memref<!tpu.dma_semaphore, #tpu.memory_space<semaphore_mem>>) src(%dma_wait3A_78 : memref<20x128xi32, #tpu.memory_space<hbm>>) dst(%dma_wait3A_75 : memref<20x128xi32, #tpu.memory_space<vmem>>)
        tpu.yield
      }) : () -> ()
      "tpu.region"() ({
        %run_scoped3A_54 = tpu.sem_alloc : memref<!tpu.dma_semaphore, #tpu.memory_space<semaphore_mem>>
        %dma_start3A_55 = arith.constant 0 : i32
        %dma_start3A_56 = arith.constant 0 : i32
        %dma_start3A_57 = tpu.memref_slice %arg7[%dma_start3A_55, %dma_start3A_56] : memref<40x128xi32, #tpu.memory_space<vmem>> -> memref<20x128xi32, #tpu.memory_space<vmem>>
        %dma_start3A_58 = arith.constant 2480 : i32
        %dma_start3A_59 = arith.constant 0 : i32
        %dma_start3A_60 = tpu.memref_slice %arg4[%dma_start3A_58, %dma_start3A_59] : memref<2500x128xi32, #tpu.memory_space<hbm>> -> memref<20x128xi32, #tpu.memory_space<hbm>>
        %dma_start3A_61 = arith.constant 0 : i32
        %dma_start3A_62 = arith.constant 0 : i32
        %dma_start3A_63 = tpu.memref_slice %arg7[%dma_start3A_61, %dma_start3A_62] : memref<40x128xi32, #tpu.memory_space<vmem>> -> memref<20x128xi32, #tpu.memory_space<vmem>>
        %dma_start3A_64 = arith.constant 2480 : i32
        %dma_start3A_65 = arith.constant 0 : i32
        %dma_start3A_66 = tpu.memref_slice %arg4[%dma_start3A_64, %dma_start3A_65] : memref<2500x128xi32, #tpu.memory_space<hbm>> -> memref<20x128xi32, #tpu.memory_space<hbm>>
        tpu.enqueue_dma source(%dma_start3A_66 : memref<20x128xi32, #tpu.memory_space<hbm>>) target(%dma_start3A_63 : memref<20x128xi32, #tpu.memory_space<vmem>>) target_semaphore(%run_scoped3A_54 : memref<!tpu.dma_semaphore, #tpu.memory_space<semaphore_mem>>)
        %dma_wait3A_67 = arith.constant 0 : i32
        %dma_wait3A_68 = arith.constant 0 : i32
        %dma_wait3A_69 = tpu.memref_slice %arg7[%dma_wait3A_67, %dma_wait3A_68] : memref<40x128xi32, #tpu.memory_space<vmem>> -> memref<20x128xi32, #tpu.memory_space<vmem>>
        %dma_wait3A_70 = arith.constant 2480 : i32
        %dma_wait3A_71 = arith.constant 0 : i32
        %dma_wait3A_72 = tpu.memref_slice %arg4[%dma_wait3A_70, %dma_wait3A_71] : memref<2500x128xi32, #tpu.memory_space<hbm>> -> memref<20x128xi32, #tpu.memory_space<hbm>>
        %dma_wait3A_73 = arith.constant 0 : i32
        %dma_wait3A_74 = arith.constant 0 : i32
        %dma_wait3A_75 = tpu.memref_slice %arg7[%dma_wait3A_73, %dma_wait3A_74] : memref<40x128xi32, #tpu.memory_space<vmem>> -> memref<20x128xi32, #tpu.memory_space<vmem>>
        %dma_wait3A_76 = arith.constant 2480 : i32
        %dma_wait3A_77 = arith.constant 0 : i32
        %dma_wait3A_78 = tpu.memref_slice %arg4[%dma_wait3A_76, %dma_wait3A_77] : memref<2500x128xi32, #tpu.memory_space<hbm>> -> memref<20x128xi32, #tpu.memory_space<hbm>>
        tpu.wait_dma2 semaphore(%run_scoped3A_54 : memref<!tpu.dma_semaphore, #tpu.memory_space<semaphore_mem>>) src(%dma_wait3A_78 : memref<20x128xi32, #tpu.memory_space<hbm>>) dst(%dma_wait3A_75 : memref<20x128xi32, #tpu.memory_space<vmem>>)
        tpu.yield
      }) : () -> ()
      %dma_start3A = arith.constant 0 : i32
      %dma_start3A_22 = arith.constant 0 : i32
      %dma_start3A_23 = tpu.memref_slice %arg6[%dma_start3A, %dma_start3A_22] : memref<40x128xi32, #tpu.memory_space<vmem>> -> memref<1x128xi32, #tpu.memory_space<vmem>>
      %dma_start3A_24 = tpu.memref_squeeze %dma_start3A_23 : memref<1x128xi32, #tpu.memory_space<vmem>> -> memref<128xi32, #tpu.memory_space<vmem>>
      %dma_start3A_25 = arith.constant 0 : i32
      %dma_start3A_26 = arith.constant 0 : i32
      %dma_start3A_27 = tpu.memref_slice %arg2[%dma_start3A_25, %dma_start3A_26] : memref<10000x128xf32, #tpu.memory_space<hbm>> -> memref<10000x128xf32, #tpu.memory_space<hbm>>
      tpu.enqueue_indirect_dma source(%dma_start3A_27 : memref<10000x128xf32, #tpu.memory_space<hbm>>) target(%arg8 : memref<128x128xf32, #tpu.memory_space<vmem>>) offsets(%dma_start3A_24 : memref<128xi32, #tpu.memory_space<vmem>>) semaphore(%arg11 : memref<!tpu.dma_semaphore, #tpu.memory_space<semaphore_mem>>)
      %scan3A_28 = arith.constant 0 : i32
      %scan3A_29 = arith.constant 9 : i32
      %scan3A_30 = arith.addi %scan3A_28, %scan3A_29 : i32
      %scan3A_31 = arith.constant 1 : i32
      scf.for %scan3A_54 = %scan3A_28 to %scan3A_30 step %scan3A_31  : i32 {
        %mul3A_55 = arith.constant 2 : i32
        %mul3A_56 = arith.muli %scan3A_54, %mul3A_55 : i32
        %add3A_57 = arith.constant 0 : i32
        %add3A_58 = arith.addi %add3A_57, %mul3A_56 : i32
        %add3A_59 = arith.constant 1 : i32
        %add3A_60 = arith.addi %add3A_58, %add3A_59 : i32
        %dma_start3A_61 = arith.constant 0 : i32
        %dma_start3A_62 = tpu.memref_slice %arg6[%add3A_60, %dma_start3A_61] : memref<40x128xi32, #tpu.memory_space<vmem>> -> memref<1x128xi32, #tpu.memory_space<vmem>>
        %dma_start3A_63 = tpu.memref_squeeze %dma_start3A_62 : memref<1x128xi32, #tpu.memory_space<vmem>> -> memref<128xi32, #tpu.memory_space<vmem>>
        %dma_start3A_64 = arith.constant 0 : i32
        %dma_start3A_65 = arith.constant 0 : i32
        %dma_start3A_66 = tpu.memref_slice %arg2[%dma_start3A_64, %dma_start3A_65] : memref<10000x128xf32, #tpu.memory_space<hbm>> -> memref<10000x128xf32, #tpu.memory_space<hbm>>
        tpu.enqueue_indirect_dma source(%dma_start3A_66 : memref<10000x128xf32, #tpu.memory_space<hbm>>) target(%arg9 : memref<128x128xf32, #tpu.memory_space<vmem>>) offsets(%dma_start3A_63 : memref<128xi32, #tpu.memory_space<vmem>>) semaphore(%arg12 : memref<!tpu.dma_semaphore, #tpu.memory_space<semaphore_mem>>)
        %dma_wait3A_67 = arith.constant 0 : i32
        %dma_wait3A_68 = tpu.memref_slice %arg6[%add3A_58, %dma_wait3A_67] : memref<40x128xi32, #tpu.memory_space<vmem>> -> memref<1x128xi32, #tpu.memory_space<vmem>>
        %dma_wait3A_69 = tpu.memref_squeeze %dma_wait3A_68 : memref<1x128xi32, #tpu.memory_space<vmem>> -> memref<128xi32, #tpu.memory_space<vmem>>
        %dma_wait3A_70 = arith.constant 0 : i32
        %dma_wait3A_71 = arith.constant 0 : i32
        %dma_wait3A_72 = tpu.memref_slice %arg2[%dma_wait3A_70, %dma_wait3A_71] : memref<10000x128xf32, #tpu.memory_space<hbm>> -> memref<10000x128xf32, #tpu.memory_space<hbm>>
        tpu.wait_indirect_dma semaphore(%arg11 : memref<!tpu.dma_semaphore, #tpu.memory_space<semaphore_mem>>) src(%dma_wait3A_72 : memref<10000x128xf32, #tpu.memory_space<hbm>>) dst(%arg8 : memref<128x128xf32, #tpu.memory_space<vmem>>)
        "tpu.region"() ({
          %run_scoped3A_91 = tpu.sem_alloc : memref<!tpu.dma_semaphore, #tpu.memory_space<semaphore_mem>>
          %dma_start3A_92 = arith.constant 0 : i32
          %dma_start3A_93 = tpu.memref_slice %arg7[%add3A_58, %dma_start3A_92] : memref<40x128xi32, #tpu.memory_space<vmem>> -> memref<1x128xi32, #tpu.memory_space<vmem>>
          %dma_start3A_94 = tpu.memref_squeeze %dma_start3A_93 : memref<1x128xi32, #tpu.memory_space<vmem>> -> memref<128xi32, #tpu.memory_space<vmem>>
          %dma_start3A_95 = arith.constant 0 : i32
          %dma_start3A_96 = arith.constant 0 : i32
          %dma_start3A_97 = tpu.memref_slice %arg10[%dma_start3A_95, %dma_start3A_96] : memref<10240x128xf32, #tpu.memory_space<vmem_shared>> -> memref<10240x128xf32, #tpu.memory_space<vmem_shared>>
          tpu.enqueue_indirect_dma source(%arg8 : memref<128x128xf32, #tpu.memory_space<vmem>>) target(%dma_start3A_97 : memref<10240x128xf32, #tpu.memory_space<vmem_shared>>) offsets(%dma_start3A_94 : memref<128xi32, #tpu.memory_space<vmem>>) semaphore(%run_scoped3A_91 : memref<!tpu.dma_semaphore, #tpu.memory_space<semaphore_mem>>) {add = true}
          %dma_wait3A_98 = arith.constant 0 : i32
          %dma_wait3A_99 = tpu.memref_slice %arg7[%add3A_58, %dma_wait3A_98] : memref<40x128xi32, #tpu.memory_space<vmem>> -> memref<1x128xi32, #tpu.memory_space<vmem>>
          %dma_wait3A_100 = tpu.memref_squeeze %dma_wait3A_99 : memref<1x128xi32, #tpu.memory_space<vmem>> -> memref<128xi32, #tpu.memory_space<vmem>>
          %dma_wait3A_101 = arith.constant 0 : i32
          %dma_wait3A_102 = arith.constant 0 : i32
          %dma_wait3A_103 = tpu.memref_slice %arg10[%dma_wait3A_101, %dma_wait3A_102] : memref<10240x128xf32, #tpu.memory_space<vmem_shared>> -> memref<10240x128xf32, #tpu.memory_space<vmem_shared>>
          tpu.wait_indirect_dma semaphore(%run_scoped3A_91 : memref<!tpu.dma_semaphore, #tpu.memory_space<semaphore_mem>>) src(%arg8 : memref<128x128xf32, #tpu.memory_space<vmem>>) dst(%dma_wait3A_103 : memref<10240x128xf32, #tpu.memory_space<vmem_shared>>)
          tpu.yield
        }) : () -> ()
        %add3A_73 = arith.constant 2 : i32
        %add3A_74 = arith.addi %add3A_58, %add3A_73 : i32
        %dma_start3A_75 = arith.constant 0 : i32
        %dma_start3A_76 = tpu.memref_slice %arg6[%add3A_74, %dma_start3A_75] : memref<40x128xi32, #tpu.memory_space<vmem>> -> memref<1x128xi32, #tpu.memory_space<vmem>>
        %dma_start3A_77 = tpu.memref_squeeze %dma_start3A_76 : memref<1x128xi32, #tpu.memory_space<vmem>> -> memref<128xi32, #tpu.memory_space<vmem>>
        %dma_start3A_78 = arith.constant 0 : i32
        %dma_start3A_79 = arith.constant 0 : i32
        %dma_start3A_80 = tpu.memref_slice %arg2[%dma_start3A_78, %dma_start3A_79] : memref<10000x128xf32, #tpu.memory_space<hbm>> -> memref<10000x128xf32, #tpu.memory_space<hbm>>
        tpu.enqueue_indirect_dma source(%dma_start3A_80 : memref<10000x128xf32, #tpu.memory_space<hbm>>) target(%arg8 : memref<128x128xf32, #tpu.memory_space<vmem>>) offsets(%dma_start3A_77 : memref<128xi32, #tpu.memory_space<vmem>>) semaphore(%arg11 : memref<!tpu.dma_semaphore, #tpu.memory_space<semaphore_mem>>)
        %add3A_81 = arith.constant 1 : i32
        %add3A_82 = arith.addi %add3A_58, %add3A_81 : i32
        %dma_wait3A_83 = arith.constant 0 : i32
        %dma_wait3A_84 = tpu.memref_slice %arg6[%add3A_82, %dma_wait3A_83] : memref<40x128xi32, #tpu.memory_space<vmem>> -> memref<1x128xi32, #tpu.memory_space<vmem>>
        %dma_wait3A_85 = tpu.memref_squeeze %dma_wait3A_84 : memref<1x128xi32, #tpu.memory_space<vmem>> -> memref<128xi32, #tpu.memory_space<vmem>>
        %dma_wait3A_86 = arith.constant 0 : i32
        %dma_wait3A_87 = arith.constant 0 : i32
        %dma_wait3A_88 = tpu.memref_slice %arg2[%dma_wait3A_86, %dma_wait3A_87] : memref<10000x128xf32, #tpu.memory_space<hbm>> -> memref<10000x128xf32, #tpu.memory_space<hbm>>
        tpu.wait_indirect_dma semaphore(%arg12 : memref<!tpu.dma_semaphore, #tpu.memory_space<semaphore_mem>>) src(%dma_wait3A_88 : memref<10000x128xf32, #tpu.memory_space<hbm>>) dst(%arg9 : memref<128x128xf32, #tpu.memory_space<vmem>>)
        %add3A_89 = arith.constant 1 : i32
        %add3A_90 = arith.addi %add3A_58, %add3A_89 : i32
        "tpu.region"() ({
          %run_scoped3A_91 = tpu.sem_alloc : memref<!tpu.dma_semaphore, #tpu.memory_space<semaphore_mem>>
          %dma_start3A_92 = arith.constant 0 : i32
          %dma_start3A_93 = tpu.memref_slice %arg7[%add3A_90, %dma_start3A_92] : memref<40x128xi32, #tpu.memory_space<vmem>> -> memref<1x128xi32, #tpu.memory_space<vmem>>
          %dma_start3A_94 = tpu.memref_squeeze %dma_start3A_93 : memref<1x128xi32, #tpu.memory_space<vmem>> -> memref<128xi32, #tpu.memory_space<vmem>>
          %dma_start3A_95 = arith.constant 0 : i32
          %dma_start3A_96 = arith.constant 0 : i32
          %dma_start3A_97 = tpu.memref_slice %arg10[%dma_start3A_95, %dma_start3A_96] : memref<10240x128xf32, #tpu.memory_space<vmem_shared>> -> memref<10240x128xf32, #tpu.memory_space<vmem_shared>>
          tpu.enqueue_indirect_dma source(%arg9 : memref<128x128xf32, #tpu.memory_space<vmem>>) target(%dma_start3A_97 : memref<10240x128xf32, #tpu.memory_space<vmem_shared>>) offsets(%dma_start3A_94 : memref<128xi32, #tpu.memory_space<vmem>>) semaphore(%run_scoped3A_91 : memref<!tpu.dma_semaphore, #tpu.memory_space<semaphore_mem>>) {add = true}
          %dma_wait3A_98 = arith.constant 0 : i32
          %dma_wait3A_99 = tpu.memref_slice %arg7[%add3A_90, %dma_wait3A_98] : memref<40x128xi32, #tpu.memory_space<vmem>> -> memref<1x128xi32, #tpu.memory_space<vmem>>
          %dma_wait3A_100 = tpu.memref_squeeze %dma_wait3A_99 : memref<1x128xi32, #tpu.memory_space<vmem>> -> memref<128xi32, #tpu.memory_space<vmem>>
          %dma_wait3A_101 = arith.constant 0 : i32
          %dma_wait3A_102 = arith.constant 0 : i32
          %dma_wait3A_103 = tpu.memref_slice %arg10[%dma_wait3A_101, %dma_wait3A_102] : memref<10240x128xf32, #tpu.memory_space<vmem_shared>> -> memref<10240x128xf32, #tpu.memory_space<vmem_shared>>
          tpu.wait_indirect_dma semaphore(%run_scoped3A_91 : memref<!tpu.dma_semaphore, #tpu.memory_space<semaphore_mem>>) src(%arg9 : memref<128x128xf32, #tpu.memory_space<vmem>>) dst(%dma_wait3A_103 : memref<10240x128xf32, #tpu.memory_space<vmem_shared>>)
          tpu.yield
        }) : () -> ()
      }
      %scan3A_32 = arith.constant 9 : i32
      %dma_start3A_33 = arith.constant 19 : i32
      %dma_start3A_34 = arith.constant 0 : i32
      %dma_start3A_35 = tpu.memref_slice %arg6[%dma_start3A_33, %dma_start3A_34] : memref<40x128xi32, #tpu.memory_space<vmem>> -> memref<1x128xi32, #tpu.memory_space<vmem>>
      %dma_start3A_36 = tpu.memref_squeeze %dma_start3A_35 : memref<1x128xi32, #tpu.memory_space<vmem>> -> memref<128xi32, #tpu.memory_space<vmem>>
      %dma_start3A_37 = arith.constant 0 : i32
      %dma_start3A_38 = arith.constant 0 : i32
      %dma_start3A_39 = tpu.memref_slice %arg2[%dma_start3A_37, %dma_start3A_38] : memref<10000x128xf32, #tpu.memory_space<hbm>> -> memref<10000x128xf32, #tpu.memory_space<hbm>>
      tpu.enqueue_indirect_dma source(%dma_start3A_39 : memref<10000x128xf32, #tpu.memory_space<hbm>>) target(%arg9 : memref<128x128xf32, #tpu.memory_space<vmem>>) offsets(%dma_start3A_36 : memref<128xi32, #tpu.memory_space<vmem>>) semaphore(%arg12 : memref<!tpu.dma_semaphore, #tpu.memory_space<semaphore_mem>>)
      %dma_wait3A = arith.constant 18 : i32
      %dma_wait3A_40 = arith.constant 0 : i32
      %dma_wait3A_41 = tpu.memref_slice %arg6[%dma_wait3A, %dma_wait3A_40] : memref<40x128xi32, #tpu.memory_space<vmem>> -> memref<1x128xi32, #tpu.memory_space<vmem>>
      %dma_wait3A_42 = tpu.memref_squeeze %dma_wait3A_41 : memref<1x128xi32, #tpu.memory_space<vmem>> -> memref<128xi32, #tpu.memory_space<vmem>>
      %dma_wait3A_43 = arith.constant 0 : i32
      %dma_wait3A_44 = arith.constant 0 : i32
      %dma_wait3A_45 = tpu.memref_slice %arg2[%dma_wait3A_43, %dma_wait3A_44] : memref<10000x128xf32, #tpu.memory_space<hbm>> -> memref<10000x128xf32, #tpu.memory_space<hbm>>
      tpu.wait_indirect_dma semaphore(%arg11 : memref<!tpu.dma_semaphore, #tpu.memory_space<semaphore_mem>>) src(%dma_wait3A_45 : memref<10000x128xf32, #tpu.memory_space<hbm>>) dst(%arg8 : memref<128x128xf32, #tpu.memory_space<vmem>>)
      %run_scoped3A = arith.constant 18 : i32
      "tpu.region"() ({
        %run_scoped3A_54 = tpu.sem_alloc : memref<!tpu.dma_semaphore, #tpu.memory_space<semaphore_mem>>
        %dma_start3A_55 = arith.constant 0 : i32
        %dma_start3A_56 = tpu.memref_slice %arg7[%run_scoped3A, %dma_start3A_55] : memref<40x128xi32, #tpu.memory_space<vmem>> -> memref<1x128xi32, #tpu.memory_space<vmem>>
        %dma_start3A_57 = tpu.memref_squeeze %dma_start3A_56 : memref<1x128xi32, #tpu.memory_space<vmem>> -> memref<128xi32, #tpu.memory_space<vmem>>
        %dma_start3A_58 = arith.constant 0 : i32
        %dma_start3A_59 = arith.constant 0 : i32
        %dma_start3A_60 = tpu.memref_slice %arg10[%dma_start3A_58, %dma_start3A_59] : memref<10240x128xf32, #tpu.memory_space<vmem_shared>> -> memref<10240x128xf32, #tpu.memory_space<vmem_shared>>
        tpu.enqueue_indirect_dma source(%arg8 : memref<128x128xf32, #tpu.memory_space<vmem>>) target(%dma_start3A_60 : memref<10240x128xf32, #tpu.memory_space<vmem_shared>>) offsets(%dma_start3A_57 : memref<128xi32, #tpu.memory_space<vmem>>) semaphore(%run_scoped3A_54 : memref<!tpu.dma_semaphore, #tpu.memory_space<semaphore_mem>>) {add = true}
        %dma_wait3A_61 = arith.constant 0 : i32
        %dma_wait3A_62 = tpu.memref_slice %arg7[%run_scoped3A, %dma_wait3A_61] : memref<40x128xi32, #tpu.memory_space<vmem>> -> memref<1x128xi32, #tpu.memory_space<vmem>>
        %dma_wait3A_63 = tpu.memref_squeeze %dma_wait3A_62 : memref<1x128xi32, #tpu.memory_space<vmem>> -> memref<128xi32, #tpu.memory_space<vmem>>
        %dma_wait3A_64 = arith.constant 0 : i32
        %dma_wait3A_65 = arith.constant 0 : i32
        %dma_wait3A_66 = tpu.memref_slice %arg10[%dma_wait3A_64, %dma_wait3A_65] : memref<10240x128xf32, #tpu.memory_space<vmem_shared>> -> memref<10240x128xf32, #tpu.memory_space<vmem_shared>>
        tpu.wait_indirect_dma semaphore(%run_scoped3A_54 : memref<!tpu.dma_semaphore, #tpu.memory_space<semaphore_mem>>) src(%arg8 : memref<128x128xf32, #tpu.memory_space<vmem>>) dst(%dma_wait3A_66 : memref<10240x128xf32, #tpu.memory_space<vmem_shared>>)
        tpu.yield
      }) : () -> ()
      %dma_wait3A_46 = arith.constant 19 : i32
      %dma_wait3A_47 = arith.constant 0 : i32
      %dma_wait3A_48 = tpu.memref_slice %arg6[%dma_wait3A_46, %dma_wait3A_47] : memref<40x128xi32, #tpu.memory_space<vmem>> -> memref<1x128xi32, #tpu.memory_space<vmem>>
      %dma_wait3A_49 = tpu.memref_squeeze %dma_wait3A_48 : memref<1x128xi32, #tpu.memory_space<vmem>> -> memref<128xi32, #tpu.memory_space<vmem>>
      %dma_wait3A_50 = arith.constant 0 : i32
      %dma_wait3A_51 = arith.constant 0 : i32
      %dma_wait3A_52 = tpu.memref_slice %arg2[%dma_wait3A_50, %dma_wait3A_51] : memref<10000x128xf32, #tpu.memory_space<hbm>> -> memref<10000x128xf32, #tpu.memory_space<hbm>>
      tpu.wait_indirect_dma semaphore(%arg12 : memref<!tpu.dma_semaphore, #tpu.memory_space<semaphore_mem>>) src(%dma_wait3A_52 : memref<10000x128xf32, #tpu.memory_space<hbm>>) dst(%arg9 : memref<128x128xf32, #tpu.memory_space<vmem>>)
      %run_scoped3A_53 = arith.constant 19 : i32
      "tpu.region"() ({
        %run_scoped3A_54 = tpu.sem_alloc : memref<!tpu.dma_semaphore, #tpu.memory_space<semaphore_mem>>
        %dma_start3A_55 = arith.constant 0 : i32
        %dma_start3A_56 = tpu.memref_slice %arg7[%run_scoped3A_53, %dma_start3A_55] : memref<40x128xi32, #tpu.memory_space<vmem>> -> memref<1x128xi32, #tpu.memory_space<vmem>>
        %dma_start3A_57 = tpu.memref_squeeze %dma_start3A_56 : memref<1x128xi32, #tpu.memory_space<vmem>> -> memref<128xi32, #tpu.memory_space<vmem>>
        %dma_start3A_58 = arith.constant 0 : i32
        %dma_start3A_59 = arith.constant 0 : i32
        %dma_start3A_60 = tpu.memref_slice %arg10[%dma_start3A_58, %dma_start3A_59] : memref<10240x128xf32, #tpu.memory_space<vmem_shared>> -> memref<10240x128xf32, #tpu.memory_space<vmem_shared>>
        tpu.enqueue_indirect_dma source(%arg9 : memref<128x128xf32, #tpu.memory_space<vmem>>) target(%dma_start3A_60 : memref<10240x128xf32, #tpu.memory_space<vmem_shared>>) offsets(%dma_start3A_57 : memref<128xi32, #tpu.memory_space<vmem>>) semaphore(%run_scoped3A_54 : memref<!tpu.dma_semaphore, #tpu.memory_space<semaphore_mem>>) {add = true}
        %dma_wait3A_61 = arith.constant 0 : i32
        %dma_wait3A_62 = tpu.memref_slice %arg7[%run_scoped3A_53, %dma_wait3A_61] : memref<40x128xi32, #tpu.memory_space<vmem>> -> memref<1x128xi32, #tpu.memory_space<vmem>>
        %dma_wait3A_63 = tpu.memref_squeeze %dma_wait3A_62 : memref<1x128xi32, #tpu.memory_space<vmem>> -> memref<128xi32, #tpu.memory_space<vmem>>
        %dma_wait3A_64 = arith.constant 0 : i32
        %dma_wait3A_65 = arith.constant 0 : i32
        %dma_wait3A_66 = tpu.memref_slice %arg10[%dma_wait3A_64, %dma_wait3A_65] : memref<10240x128xf32, #tpu.memory_space<vmem_shared>> -> memref<10240x128xf32, #tpu.memory_space<vmem_shared>>
        tpu.wait_indirect_dma semaphore(%run_scoped3A_54 : memref<!tpu.dma_semaphore, #tpu.memory_space<semaphore_mem>>) src(%arg9 : memref<128x128xf32, #tpu.memory_space<vmem>>) dst(%dma_wait3A_66 : memref<10240x128xf32, #tpu.memory_space<vmem_shared>>)
        tpu.yield
      }) : () -> ()
    } else {
    }
    %barrier3A_16 = arith.constant 0 : index
    tpu.barrier barrier_id(%barrier3A_16)
    "tpu.trace_stop"() : () -> ()
    "tpu.trace_start"() <{level = 10 : i32, message = "agg_out"}> : () -> ()
    %scan3A_17 = arith.constant 0 : i32
    %scan3A_18 = arith.constant 5 : i32
    %scan3A_19 = arith.addi %scan3A_17, %scan3A_18 : i32
    %scan3A_20 = arith.constant 1 : i32
    scf.for %scan3A_22 = %scan3A_17 to %scan3A_19 step %scan3A_20  : i32 {
      %mul3A_23 = arith.constant 128 : i32
      %mul3A_24 = arith.muli %scan3A_22, %mul3A_23 : i32
      %add3A_25 = arith.constant 0 : i32
      %add3A_26 = arith.addi %add3A_25, %mul3A_24 : i32
      %mul3A_27 = arith.constant 640 : i32
      %mul3A_28 = arith.muli %arg1, %mul3A_27 : i32
      %add3A_29 = arith.addi %mul3A_28, %add3A_26 : i32
      "tpu.region"() ({
        %run_scoped3A = tpu.sem_alloc : memref<!tpu.dma_semaphore, #tpu.memory_space<semaphore_mem>>
        %dma_start3A = arith.constant 0 : i32
        %dma_start3A_30 = tpu.memref_slice %arg5[%arg0, %add3A_29, %dma_start3A] : memref<2x10240x128xf32, #tpu.memory_space<hbm>> -> memref<1x128x128xf32, #tpu.memory_space<hbm>>
        %dma_start3A_31 = tpu.memref_squeeze %dma_start3A_30 : memref<1x128x128xf32, #tpu.memory_space<hbm>> -> memref<128x128xf32, #tpu.memory_space<hbm>>
        %dma_start3A_32 = arith.constant 0 : i32
        %dma_start3A_33 = tpu.memref_slice %arg10[%add3A_29, %dma_start3A_32] : memref<10240x128xf32, #tpu.memory_space<vmem_shared>> -> memref<128x128xf32, #tpu.memory_space<vmem_shared>>
        tpu.enqueue_dma source(%dma_start3A_33 : memref<128x128xf32, #tpu.memory_space<vmem_shared>>) target(%dma_start3A_31 : memref<128x128xf32, #tpu.memory_space<hbm>>) target_semaphore(%run_scoped3A : memref<!tpu.dma_semaphore, #tpu.memory_space<semaphore_mem>>)
        %dma_wait3A = arith.constant 0 : i32
        %dma_wait3A_34 = tpu.memref_slice %arg5[%arg0, %add3A_29, %dma_wait3A] : memref<2x10240x128xf32, #tpu.memory_space<hbm>> -> memref<1x128x128xf32, #tpu.memory_space<hbm>>
        %dma_wait3A_35 = tpu.memref_squeeze %dma_wait3A_34 : memref<1x128x128xf32, #tpu.memory_space<hbm>> -> memref<128x128xf32, #tpu.memory_space<hbm>>
        %dma_wait3A_36 = arith.constant 0 : i32
        %dma_wait3A_37 = tpu.memref_slice %arg10[%add3A_29, %dma_wait3A_36] : memref<10240x128xf32, #tpu.memory_space<vmem_shared>> -> memref<128x128xf32, #tpu.memory_space<vmem_shared>>
        tpu.wait_dma2 semaphore(%run_scoped3A : memref<!tpu.dma_semaphore, #tpu.memory_space<semaphore_mem>>) src(%dma_wait3A_37 : memref<128x128xf32, #tpu.memory_space<vmem_shared>>) dst(%dma_wait3A_35 : memref<128x128xf32, #tpu.memory_space<hbm>>)
        tpu.yield
      }) : () -> ()
    }
    %scan3A_21 = arith.constant 5 : i32
    "tpu.trace_stop"() : () -> ()
    return
  }
}

#map = affine_map<(d0, d1) -> (0, 0)>
#map1 = affine_map<(d0, d1) -> (0, 0, 0)>
module attributes {stable_mosaic.version = 14 : i64} {
  func.func @k(%arg0: i32, %arg1: i32, %arg2: memref<10000x128xf32, #tpu.memory_space<hbm>>, %arg3: memref<2500x128xi32, #tpu.memory_space<hbm>>, %arg4: memref<2500x128xi32, #tpu.memory_space<hbm>>, %arg5: memref<2x10240x128xf32, #tpu.memory_space<hbm>>, %arg6: memref<40x128xi32, #tpu.memory_space<vmem>>, %arg7: memref<40x128xi32, #tpu.memory_space<vmem>>, %arg8: memref<128x128xf32, #tpu.memory_space<vmem>>, %arg9: memref<128x128xf32, #tpu.memory_space<vmem>>, %arg10: memref<10240x128xf32, #tpu.memory_space<vmem_shared>>, %arg11: memref<!tpu.dma_semaphore, #tpu.memory_space<semaphore_mem>>, %arg12: memref<!tpu.dma_semaphore, #tpu.memory_space<semaphore_mem>>) attributes {dimension_semantics = [#tpu.dimension_semantics<core_parallel>, #tpu.dimension_semantics<subcore_parallel>], iteration_bounds = array<i64: 2, 16>, scalar_prefetch = 0 : i64, scratch_operands = 7 : i64, tpu.core_type = #tpu.core_type<sc_vector_subcore>, window_params = [{transform_indices = #map}, {transform_indices = #map}, {transform_indices = #map}, {transform_indices = #map1}]} {
    "tpu.trace_start"() <{level = 10 : i32, message = "agg_zero"}> : () -> ()
    %scan3A = arith.constant 0 : i32
    %scan3A_0 = arith.constant 128 : i32
    %scan3A_1 = arith.addi %scan3A, %scan3A_0 : i32
    %scan3A_2 = arith.constant 1 : i32
    scf.for %scan3A_22 = %scan3A to %scan3A_1 step %scan3A_2  : i32 {
      %mul3A_23 = arith.constant 1 : i32
      %mul3A_24 = arith.muli %scan3A_22, %mul3A_23 : i32
      %add3A_25 = arith.constant 0 : i32
      %add3A_26 = arith.addi %add3A_25, %mul3A_24 : i32
      %scan3A_27 = arith.constant 0 : i32
      %scan3A_28 = arith.constant 8 : i32
      %scan3A_29 = arith.addi %scan3A_27, %scan3A_28 : i32
      %scan3A_30 = arith.constant 1 : i32
      scf.for %scan3A_32 = %scan3A_27 to %scan3A_29 step %scan3A_30  : i32 {
        %mul3A_33 = arith.constant 16 : i32
        %mul3A_34 = arith.muli %scan3A_32, %mul3A_33 : i32
        %add3A_35 = arith.constant 0 : i32
        %add3A_36 = arith.addi %add3A_35, %mul3A_34 : i32
        %broadcast_in_dim3A = arith.constant 0.000000e+00 : f32
        %broadcast_in_dim3A_37 = vector.broadcast %broadcast_in_dim3A : f32 to vector<16xf32>
        %swap3A = arith.index_cast %add3A_26 : i32 to index
        %swap3A_38 = arith.index_cast %add3A_36 : i32 to index
        %swap3A_39 = tpu.vector_load %arg8[%swap3A, %swap3A_38] {strides = array<i32>} : memref<128x128xf32, #tpu.memory_space<vmem>>, vector<1x16xf32>,
        %swap3A_40 = vector.shape_cast %swap3A_39 : vector<1x16xf32> to vector<16xf32>
        %swap3A_41 = vector.shape_cast %broadcast_in_dim3A_37 : vector<16xf32> to vector<1x16xf32>
        tpu.vector_store %arg8[%swap3A, %swap3A_38], %swap3A_41 {strides = array<i32>} : memref<128x128xf32, #tpu.memory_space<vmem>>, vector<1x16xf32>,
      }
      %scan3A_31 = arith.constant 8 : i32
    }
    %scan3A_3 = arith.constant 128 : i32
    %scan3A_4 = arith.constant 0 : i32
    %scan3A_5 = arith.constant 5 : i32
    %scan3A_6 = arith.addi %scan3A_4, %scan3A_5 : i32
    %scan3A_7 = arith.constant 1 : i32
    scf.for %scan3A_22 = %scan3A_4 to %scan3A_6 step %scan3A_7  : i32 {
      %mul3A_23 = arith.constant 128 : i32
      %mul3A_24 = arith.muli %scan3A_22, %mul3A_23 : i32
      %add3A_25 = arith.constant 0 : i32
      %add3A_26 = arith.addi %add3A_25, %mul3A_24 : i32
      %mul3A_27 = arith.constant 640 : i32
      %mul3A_28 = arith.muli %arg1, %mul3A_27 : i32
      %add3A_29 = arith.addi %mul3A_28, %add3A_26 : i32
      "tpu.region"() ({
        %run_scoped3A = tpu.sem_alloc : memref<!tpu.dma_semaphore, #tpu.memory_space<semaphore_mem>>
        %dma_start3A = arith.constant 0 : i32
        %dma_start3A_30 = tpu.memref_slice %arg10[%add3A_29, %dma_start3A] : memref<10240x128xf32, #tpu.memory_space<vmem_shared>> -> memref<128x128xf32, #tpu.memory_space<vmem_shared>>
        %dma_start3A_31 = arith.constant 0 : i32
        %dma_start3A_32 = tpu.memref_slice %arg10[%add3A_29, %dma_start3A_31] : memref<10240x128xf32, #tpu.memory_space<vmem_shared>> -> memref<128x128xf32, #tpu.memory_space<vmem_shared>>
        tpu.enqueue_dma source(%arg8 : memref<128x128xf32, #tpu.memory_space<vmem>>) target(%dma_start3A_32 : memref<128x128xf32, #tpu.memory_space<vmem_shared>>) target_semaphore(%run_scoped3A : memref<!tpu.dma_semaphore, #tpu.memory_space<semaphore_mem>>)
        %dma_wait3A = arith.constant 0 : i32
        %dma_wait3A_33 = tpu.memref_slice %arg10[%add3A_29, %dma_wait3A] : memref<10240x128xf32, #tpu.memory_space<vmem_shared>> -> memref<128x128xf32, #tpu.memory_space<vmem_shared>>
        %dma_wait3A_34 = arith.constant 0 : i32
        %dma_wait3A_35 = tpu.memref_slice %arg10[%add3A_29, %dma_wait3A_34] : memref<10240x128xf32, #tpu.memory_space<vmem_shared>> -> memref<128x128xf32, #tpu.memory_space<vmem_shared>>
        tpu.wait_dma2 semaphore(%run_scoped3A : memref<!tpu.dma_semaphore, #tpu.memory_space<semaphore_mem>>) src(%arg8 : memref<128x128xf32, #tpu.memory_space<vmem>>) dst(%dma_wait3A_35 : memref<128x128xf32, #tpu.memory_space<vmem_shared>>)
        tpu.yield
      }) : () -> ()
    }
    %scan3A_8 = arith.constant 5 : i32
    %barrier3A = arith.constant 0 : index
    tpu.barrier barrier_id(%barrier3A)
    "tpu.trace_stop"() : () -> ()
    %mul3A = arith.constant 16 : i32
    %mul3A_9 = arith.muli %arg0, %mul3A : i32
    %add3A = arith.addi %mul3A_9, %arg1 : i32
    %ne3A = arith.constant 31 : i32
    "tpu.trace_start"() <{level = 10 : i32, message = "edge_loop"}> : () -> ()
    %ne3A_10 = arith.cmpi ne, %add3A, %ne3A : i32
    %convert_element_type3A = arith.extui %ne3A_10 : i1 to i32
    %cond3A = arith.constant 0 : i32
    %cond3A_11 = arith.cmpi ne, %convert_element_type3A, %cond3A : i32
    scf.if %cond3A_11 {
      %mul3A_22 = arith.constant 80 : i32
      %mul3A_23 = arith.muli %add3A, %mul3A_22 : i32
      %add3A_24 = arith.constant 0 : i32
      %add3A_25 = arith.addi %mul3A_23, %add3A_24 : i32
      "tpu.region"() ({
        %run_scoped3A_95 = tpu.sem_alloc : memref<!tpu.dma_semaphore, #tpu.memory_space<semaphore_mem>>
        %dma_start3A_96 = arith.constant 0 : i32
        %dma_start3A_97 = arith.constant 0 : i32
        %dma_start3A_98 = tpu.memref_slice %arg6[%dma_start3A_96, %dma_start3A_97] : memref<40x128xi32, #tpu.memory_space<vmem>> -> memref<40x128xi32, #tpu.memory_space<vmem>>
        %dma_start3A_99 = arith.constant 0 : i32
        %dma_start3A_100 = tpu.memref_slice %arg3[%add3A_25, %dma_start3A_99] : memref<2500x128xi32, #tpu.memory_space<hbm>> -> memref<40x128xi32, #tpu.memory_space<hbm>>
        %dma_start3A_101 = arith.constant 0 : i32
        %dma_start3A_102 = arith.constant 0 : i32
        %dma_start3A_103 = tpu.memref_slice %arg6[%dma_start3A_101, %dma_start3A_102] : memref<40x128xi32, #tpu.memory_space<vmem>> -> memref<40x128xi32, #tpu.memory_space<vmem>>
        %dma_start3A_104 = arith.constant 0 : i32
        %dma_start3A_105 = tpu.memref_slice %arg3[%add3A_25, %dma_start3A_104] : memref<2500x128xi32, #tpu.memory_space<hbm>> -> memref<40x128xi32, #tpu.memory_space<hbm>>
        tpu.enqueue_dma source(%dma_start3A_105 : memref<40x128xi32, #tpu.memory_space<hbm>>) target(%dma_start3A_103 : memref<40x128xi32, #tpu.memory_space<vmem>>) target_semaphore(%run_scoped3A_95 : memref<!tpu.dma_semaphore, #tpu.memory_space<semaphore_mem>>)
        %dma_wait3A_106 = arith.constant 0 : i32
        %dma_wait3A_107 = arith.constant 0 : i32
        %dma_wait3A_108 = tpu.memref_slice %arg6[%dma_wait3A_106, %dma_wait3A_107] : memref<40x128xi32, #tpu.memory_space<vmem>> -> memref<40x128xi32, #tpu.memory_space<vmem>>
        %dma_wait3A_109 = arith.constant 0 : i32
        %dma_wait3A_110 = tpu.memref_slice %arg3[%add3A_25, %dma_wait3A_109] : memref<2500x128xi32, #tpu.memory_space<hbm>> -> memref<40x128xi32, #tpu.memory_space<hbm>>
        %dma_wait3A_111 = arith.constant 0 : i32
        %dma_wait3A_112 = arith.constant 0 : i32
        %dma_wait3A_113 = tpu.memref_slice %arg6[%dma_wait3A_111, %dma_wait3A_112] : memref<40x128xi32, #tpu.memory_space<vmem>> -> memref<40x128xi32, #tpu.memory_space<vmem>>
        %dma_wait3A_114 = arith.constant 0 : i32
        %dma_wait3A_115 = tpu.memref_slice %arg3[%add3A_25, %dma_wait3A_114] : memref<2500x128xi32, #tpu.memory_space<hbm>> -> memref<40x128xi32, #tpu.memory_space<hbm>>
        tpu.wait_dma2 semaphore(%run_scoped3A_95 : memref<!tpu.dma_semaphore, #tpu.memory_space<semaphore_mem>>) src(%dma_wait3A_115 : memref<40x128xi32, #tpu.memory_space<hbm>>) dst(%dma_wait3A_113 : memref<40x128xi32, #tpu.memory_space<vmem>>)
        tpu.yield
      }) : () -> ()
      "tpu.region"() ({
        %run_scoped3A_95 = tpu.sem_alloc : memref<!tpu.dma_semaphore, #tpu.memory_space<semaphore_mem>>
        %dma_start3A_96 = arith.constant 0 : i32
        %dma_start3A_97 = arith.constant 0 : i32
        %dma_start3A_98 = tpu.memref_slice %arg7[%dma_start3A_96, %dma_start3A_97] : memref<40x128xi32, #tpu.memory_space<vmem>> -> memref<40x128xi32, #tpu.memory_space<vmem>>
        %dma_start3A_99 = arith.constant 0 : i32
        %dma_start3A_100 = tpu.memref_slice %arg4[%add3A_25, %dma_start3A_99] : memref<2500x128xi32, #tpu.memory_space<hbm>> -> memref<40x128xi32, #tpu.memory_space<hbm>>
        %dma_start3A_101 = arith.constant 0 : i32
        %dma_start3A_102 = arith.constant 0 : i32
        %dma_start3A_103 = tpu.memref_slice %arg7[%dma_start3A_101, %dma_start3A_102] : memref<40x128xi32, #tpu.memory_space<vmem>> -> memref<40x128xi32, #tpu.memory_space<vmem>>
        %dma_start3A_104 = arith.constant 0 : i32
        %dma_start3A_105 = tpu.memref_slice %arg4[%add3A_25, %dma_start3A_104] : memref<2500x128xi32, #tpu.memory_space<hbm>> -> memref<40x128xi32, #tpu.memory_space<hbm>>
        tpu.enqueue_dma source(%dma_start3A_105 : memref<40x128xi32, #tpu.memory_space<hbm>>) target(%dma_start3A_103 : memref<40x128xi32, #tpu.memory_space<vmem>>) target_semaphore(%run_scoped3A_95 : memref<!tpu.dma_semaphore, #tpu.memory_space<semaphore_mem>>)
        %dma_wait3A_106 = arith.constant 0 : i32
        %dma_wait3A_107 = arith.constant 0 : i32
        %dma_wait3A_108 = tpu.memref_slice %arg7[%dma_wait3A_106, %dma_wait3A_107] : memref<40x128xi32, #tpu.memory_space<vmem>> -> memref<40x128xi32, #tpu.memory_space<vmem>>
        %dma_wait3A_109 = arith.constant 0 : i32
        %dma_wait3A_110 = tpu.memref_slice %arg4[%add3A_25, %dma_wait3A_109] : memref<2500x128xi32, #tpu.memory_space<hbm>> -> memref<40x128xi32, #tpu.memory_space<hbm>>
        %dma_wait3A_111 = arith.constant 0 : i32
        %dma_wait3A_112 = arith.constant 0 : i32
        %dma_wait3A_113 = tpu.memref_slice %arg7[%dma_wait3A_111, %dma_wait3A_112] : memref<40x128xi32, #tpu.memory_space<vmem>> -> memref<40x128xi32, #tpu.memory_space<vmem>>
        %dma_wait3A_114 = arith.constant 0 : i32
        %dma_wait3A_115 = tpu.memref_slice %arg4[%add3A_25, %dma_wait3A_114] : memref<2500x128xi32, #tpu.memory_space<hbm>> -> memref<40x128xi32, #tpu.memory_space<hbm>>
        tpu.wait_dma2 semaphore(%run_scoped3A_95 : memref<!tpu.dma_semaphore, #tpu.memory_space<semaphore_mem>>) src(%dma_wait3A_115 : memref<40x128xi32, #tpu.memory_space<hbm>>) dst(%dma_wait3A_113 : memref<40x128xi32, #tpu.memory_space<vmem>>)
        tpu.yield
      }) : () -> ()
      %dma_start3A = arith.constant 0 : i32
      %dma_start3A_26 = arith.constant 0 : i32
      %dma_start3A_27 = tpu.memref_slice %arg6[%dma_start3A, %dma_start3A_26] : memref<40x128xi32, #tpu.memory_space<vmem>> -> memref<1x128xi32, #tpu.memory_space<vmem>>
      %dma_start3A_28 = tpu.memref_squeeze %dma_start3A_27 : memref<1x128xi32, #tpu.memory_space<vmem>> -> memref<128xi32, #tpu.memory_space<vmem>>
      %dma_start3A_29 = arith.constant 0 : i32
      %dma_start3A_30 = arith.constant 0 : i32
      %dma_start3A_31 = tpu.memref_slice %arg2[%dma_start3A_29, %dma_start3A_30] : memref<10000x128xf32, #tpu.memory_space<hbm>> -> memref<10000x128xf32, #tpu.memory_space<hbm>>
      tpu.enqueue_indirect_dma source(%dma_start3A_31 : memref<10000x128xf32, #tpu.memory_space<hbm>>) target(%arg8 : memref<128x128xf32, #tpu.memory_space<vmem>>) offsets(%dma_start3A_28 : memref<128xi32, #tpu.memory_space<vmem>>) semaphore(%arg11 : memref<!tpu.dma_semaphore, #tpu.memory_space<semaphore_mem>>)
      %scan3A_32 = arith.constant 0 : i32
      %scan3A_33 = arith.constant 19 : i32
      %scan3A_34 = arith.addi %scan3A_32, %scan3A_33 : i32
      %scan3A_35 = arith.constant 1 : i32
      scf.for %scan3A_95 = %scan3A_32 to %scan3A_34 step %scan3A_35  : i32 {
        %mul3A_96 = arith.constant 2 : i32
        %mul3A_97 = arith.muli %scan3A_95, %mul3A_96 : i32
        %add3A_98 = arith.constant 0 : i32
        %add3A_99 = arith.addi %add3A_98, %mul3A_97 : i32
        %add3A_100 = arith.constant 1 : i32
        %add3A_101 = arith.addi %add3A_99, %add3A_100 : i32
        %dma_start3A_102 = arith.constant 0 : i32
        %dma_start3A_103 = tpu.memref_slice %arg6[%add3A_101, %dma_start3A_102] : memref<40x128xi32, #tpu.memory_space<vmem>> -> memref<1x128xi32, #tpu.memory_space<vmem>>
        %dma_start3A_104 = tpu.memref_squeeze %dma_start3A_103 : memref<1x128xi32, #tpu.memory_space<vmem>> -> memref<128xi32, #tpu.memory_space<vmem>>
        %dma_start3A_105 = arith.constant 0 : i32
        %dma_start3A_106 = arith.constant 0 : i32
        %dma_start3A_107 = tpu.memref_slice %arg2[%dma_start3A_105, %dma_start3A_106] : memref<10000x128xf32, #tpu.memory_space<hbm>> -> memref<10000x128xf32, #tpu.memory_space<hbm>>
        tpu.enqueue_indirect_dma source(%dma_start3A_107 : memref<10000x128xf32, #tpu.memory_space<hbm>>) target(%arg9 : memref<128x128xf32, #tpu.memory_space<vmem>>) offsets(%dma_start3A_104 : memref<128xi32, #tpu.memory_space<vmem>>) semaphore(%arg12 : memref<!tpu.dma_semaphore, #tpu.memory_space<semaphore_mem>>)
        %dma_wait3A_108 = arith.constant 0 : i32
        %dma_wait3A_109 = tpu.memref_slice %arg6[%add3A_99, %dma_wait3A_108] : memref<40x128xi32, #tpu.memory_space<vmem>> -> memref<1x128xi32, #tpu.memory_space<vmem>>
        %dma_wait3A_110 = tpu.memref_squeeze %dma_wait3A_109 : memref<1x128xi32, #tpu.memory_space<vmem>> -> memref<128xi32, #tpu.memory_space<vmem>>
        %dma_wait3A_111 = arith.constant 0 : i32
        %dma_wait3A_112 = arith.constant 0 : i32
        %dma_wait3A_113 = tpu.memref_slice %arg2[%dma_wait3A_111, %dma_wait3A_112] : memref<10000x128xf32, #tpu.memory_space<hbm>> -> memref<10000x128xf32, #tpu.memory_space<hbm>>
        tpu.wait_indirect_dma semaphore(%arg11 : memref<!tpu.dma_semaphore, #tpu.memory_space<semaphore_mem>>) src(%dma_wait3A_113 : memref<10000x128xf32, #tpu.memory_space<hbm>>) dst(%arg8 : memref<128x128xf32, #tpu.memory_space<vmem>>)
        "tpu.region"() ({
          %run_scoped3A_132 = tpu.sem_alloc : memref<!tpu.dma_semaphore, #tpu.memory_space<semaphore_mem>>
          %dma_start3A_133 = arith.constant 0 : i32
          %dma_start3A_134 = tpu.memref_slice %arg7[%add3A_99, %dma_start3A_133] : memref<40x128xi32, #tpu.memory_space<vmem>> -> memref<1x128xi32, #tpu.memory_space<vmem>>
          %dma_start3A_135 = tpu.memref_squeeze %dma_start3A_134 : memref<1x128xi32, #tpu.memory_space<vmem>> -> memref<128xi32, #tpu.memory_space<vmem>>
          %dma_start3A_136 = arith.constant 0 : i32
          %dma_start3A_137 = arith.constant 0 : i32
          %dma_start3A_138 = tpu.memref_slice %arg10[%dma_start3A_136, %dma_start3A_137] : memref<10240x128xf32, #tpu.memory_space<vmem_shared>> -> memref<10240x128xf32, #tpu.memory_space<vmem_shared>>
          tpu.enqueue_indirect_dma source(%arg8 : memref<128x128xf32, #tpu.memory_space<vmem>>) target(%dma_start3A_138 : memref<10240x128xf32, #tpu.memory_space<vmem_shared>>) offsets(%dma_start3A_135 : memref<128xi32, #tpu.memory_space<vmem>>) semaphore(%run_scoped3A_132 : memref<!tpu.dma_semaphore, #tpu.memory_space<semaphore_mem>>) {add = true}
          %dma_wait3A_139 = arith.constant 0 : i32
          %dma_wait3A_140 = tpu.memref_slice %arg7[%add3A_99, %dma_wait3A_139] : memref<40x128xi32, #tpu.memory_space<vmem>> -> memref<1x128xi32, #tpu.memory_space<vmem>>
          %dma_wait3A_141 = tpu.memref_squeeze %dma_wait3A_140 : memref<1x128xi32, #tpu.memory_space<vmem>> -> memref<128xi32, #tpu.memory_space<vmem>>
          %dma_wait3A_142 = arith.constant 0 : i32
          %dma_wait3A_143 = arith.constant 0 : i32
          %dma_wait3A_144 = tpu.memref_slice %arg10[%dma_wait3A_142, %dma_wait3A_143] : memref<10240x128xf32, #tpu.memory_space<vmem_shared>> -> memref<10240x128xf32, #tpu.memory_space<vmem_shared>>
          tpu.wait_indirect_dma semaphore(%run_scoped3A_132 : memref<!tpu.dma_semaphore, #tpu.memory_space<semaphore_mem>>) src(%arg8 : memref<128x128xf32, #tpu.memory_space<vmem>>) dst(%dma_wait3A_144 : memref<10240x128xf32, #tpu.memory_space<vmem_shared>>)
          tpu.yield
        }) : () -> ()
        %add3A_114 = arith.constant 2 : i32
        %add3A_115 = arith.addi %add3A_99, %add3A_114 : i32
        %dma_start3A_116 = arith.constant 0 : i32
        %dma_start3A_117 = tpu.memref_slice %arg6[%add3A_115, %dma_start3A_116] : memref<40x128xi32, #tpu.memory_space<vmem>> -> memref<1x128xi32, #tpu.memory_space<vmem>>
        %dma_start3A_118 = tpu.memref_squeeze %dma_start3A_117 : memref<1x128xi32, #tpu.memory_space<vmem>> -> memref<128xi32, #tpu.memory_space<vmem>>
        %dma_start3A_119 = arith.constant 0 : i32
        %dma_start3A_120 = arith.constant 0 : i32
        %dma_start3A_121 = tpu.memref_slice %arg2[%dma_start3A_119, %dma_start3A_120] : memref<10000x128xf32, #tpu.memory_space<hbm>> -> memref<10000x128xf32, #tpu.memory_space<hbm>>
        tpu.enqueue_indirect_dma source(%dma_start3A_121 : memref<10000x128xf32, #tpu.memory_space<hbm>>) target(%arg8 : memref<128x128xf32, #tpu.memory_space<vmem>>) offsets(%dma_start3A_118 : memref<128xi32, #tpu.memory_space<vmem>>) semaphore(%arg11 : memref<!tpu.dma_semaphore, #tpu.memory_space<semaphore_mem>>)
        %add3A_122 = arith.constant 1 : i32
        %add3A_123 = arith.addi %add3A_99, %add3A_122 : i32
        %dma_wait3A_124 = arith.constant 0 : i32
        %dma_wait3A_125 = tpu.memref_slice %arg6[%add3A_123, %dma_wait3A_124] : memref<40x128xi32, #tpu.memory_space<vmem>> -> memref<1x128xi32, #tpu.memory_space<vmem>>
        %dma_wait3A_126 = tpu.memref_squeeze %dma_wait3A_125 : memref<1x128xi32, #tpu.memory_space<vmem>> -> memref<128xi32, #tpu.memory_space<vmem>>
        %dma_wait3A_127 = arith.constant 0 : i32
        %dma_wait3A_128 = arith.constant 0 : i32
        %dma_wait3A_129 = tpu.memref_slice %arg2[%dma_wait3A_127, %dma_wait3A_128] : memref<10000x128xf32, #tpu.memory_space<hbm>> -> memref<10000x128xf32, #tpu.memory_space<hbm>>
        tpu.wait_indirect_dma semaphore(%arg12 : memref<!tpu.dma_semaphore, #tpu.memory_space<semaphore_mem>>) src(%dma_wait3A_129 : memref<10000x128xf32, #tpu.memory_space<hbm>>) dst(%arg9 : memref<128x128xf32, #tpu.memory_space<vmem>>)
        %add3A_130 = arith.constant 1 : i32
        %add3A_131 = arith.addi %add3A_99, %add3A_130 : i32
        "tpu.region"() ({
          %run_scoped3A_132 = tpu.sem_alloc : memref<!tpu.dma_semaphore, #tpu.memory_space<semaphore_mem>>
          %dma_start3A_133 = arith.constant 0 : i32
          %dma_start3A_134 = tpu.memref_slice %arg7[%add3A_131, %dma_start3A_133] : memref<40x128xi32, #tpu.memory_space<vmem>> -> memref<1x128xi32, #tpu.memory_space<vmem>>
          %dma_start3A_135 = tpu.memref_squeeze %dma_start3A_134 : memref<1x128xi32, #tpu.memory_space<vmem>> -> memref<128xi32, #tpu.memory_space<vmem>>
          %dma_start3A_136 = arith.constant 0 : i32
          %dma_start3A_137 = arith.constant 0 : i32
          %dma_start3A_138 = tpu.memref_slice %arg10[%dma_start3A_136, %dma_start3A_137] : memref<10240x128xf32, #tpu.memory_space<vmem_shared>> -> memref<10240x128xf32, #tpu.memory_space<vmem_shared>>
          tpu.enqueue_indirect_dma source(%arg9 : memref<128x128xf32, #tpu.memory_space<vmem>>) target(%dma_start3A_138 : memref<10240x128xf32, #tpu.memory_space<vmem_shared>>) offsets(%dma_start3A_135 : memref<128xi32, #tpu.memory_space<vmem>>) semaphore(%run_scoped3A_132 : memref<!tpu.dma_semaphore, #tpu.memory_space<semaphore_mem>>) {add = true}
          %dma_wait3A_139 = arith.constant 0 : i32
          %dma_wait3A_140 = tpu.memref_slice %arg7[%add3A_131, %dma_wait3A_139] : memref<40x128xi32, #tpu.memory_space<vmem>> -> memref<1x128xi32, #tpu.memory_space<vmem>>
          %dma_wait3A_141 = tpu.memref_squeeze %dma_wait3A_140 : memref<1x128xi32, #tpu.memory_space<vmem>> -> memref<128xi32, #tpu.memory_space<vmem>>
          %dma_wait3A_142 = arith.constant 0 : i32
          %dma_wait3A_143 = arith.constant 0 : i32
          %dma_wait3A_144 = tpu.memref_slice %arg10[%dma_wait3A_142, %dma_wait3A_143] : memref<10240x128xf32, #tpu.memory_space<vmem_shared>> -> memref<10240x128xf32, #tpu.memory_space<vmem_shared>>
          tpu.wait_indirect_dma semaphore(%run_scoped3A_132 : memref<!tpu.dma_semaphore, #tpu.memory_space<semaphore_mem>>) src(%arg9 : memref<128x128xf32, #tpu.memory_space<vmem>>) dst(%dma_wait3A_144 : memref<10240x128xf32, #tpu.memory_space<vmem_shared>>)
          tpu.yield
        }) : () -> ()
      }
      %scan3A_36 = arith.constant 19 : i32
      %dma_start3A_37 = arith.constant 39 : i32
      %dma_start3A_38 = arith.constant 0 : i32
      %dma_start3A_39 = tpu.memref_slice %arg6[%dma_start3A_37, %dma_start3A_38] : memref<40x128xi32, #tpu.memory_space<vmem>> -> memref<1x128xi32, #tpu.memory_space<vmem>>
      %dma_start3A_40 = tpu.memref_squeeze %dma_start3A_39 : memref<1x128xi32, #tpu.memory_space<vmem>> -> memref<128xi32, #tpu.memory_space<vmem>>
      %dma_start3A_41 = arith.constant 0 : i32
      %dma_start3A_42 = arith.constant 0 : i32
      %dma_start3A_43 = tpu.memref_slice %arg2[%dma_start3A_41, %dma_start3A_42] : memref<10000x128xf32, #tpu.memory_space<hbm>> -> memref<10000x128xf32, #tpu.memory_space<hbm>>
      tpu.enqueue_indirect_dma source(%dma_start3A_43 : memref<10000x128xf32, #tpu.memory_space<hbm>>) target(%arg9 : memref<128x128xf32, #tpu.memory_space<vmem>>) offsets(%dma_start3A_40 : memref<128xi32, #tpu.memory_space<vmem>>) semaphore(%arg12 : memref<!tpu.dma_semaphore, #tpu.memory_space<semaphore_mem>>)
      %dma_wait3A = arith.constant 38 : i32
      %dma_wait3A_44 = arith.constant 0 : i32
      %dma_wait3A_45 = tpu.memref_slice %arg6[%dma_wait3A, %dma_wait3A_44] : memref<40x128xi32, #tpu.memory_space<vmem>> -> memref<1x128xi32, #tpu.memory_space<vmem>>
      %dma_wait3A_46 = tpu.memref_squeeze %dma_wait3A_45 : memref<1x128xi32, #tpu.memory_space<vmem>> -> memref<128xi32, #tpu.memory_space<vmem>>
      %dma_wait3A_47 = arith.constant 0 : i32
      %dma_wait3A_48 = arith.constant 0 : i32
      %dma_wait3A_49 = tpu.memref_slice %arg2[%dma_wait3A_47, %dma_wait3A_48] : memref<10000x128xf32, #tpu.memory_space<hbm>> -> memref<10000x128xf32, #tpu.memory_space<hbm>>
      tpu.wait_indirect_dma semaphore(%arg11 : memref<!tpu.dma_semaphore, #tpu.memory_space<semaphore_mem>>) src(%dma_wait3A_49 : memref<10000x128xf32, #tpu.memory_space<hbm>>) dst(%arg8 : memref<128x128xf32, #tpu.memory_space<vmem>>)
      %run_scoped3A = arith.constant 38 : i32
      "tpu.region"() ({
        %run_scoped3A_95 = tpu.sem_alloc : memref<!tpu.dma_semaphore, #tpu.memory_space<semaphore_mem>>
        %dma_start3A_96 = arith.constant 0 : i32
        %dma_start3A_97 = tpu.memref_slice %arg7[%run_scoped3A, %dma_start3A_96] : memref<40x128xi32, #tpu.memory_space<vmem>> -> memref<1x128xi32, #tpu.memory_space<vmem>>
        %dma_start3A_98 = tpu.memref_squeeze %dma_start3A_97 : memref<1x128xi32, #tpu.memory_space<vmem>> -> memref<128xi32, #tpu.memory_space<vmem>>
        %dma_start3A_99 = arith.constant 0 : i32
        %dma_start3A_100 = arith.constant 0 : i32
        %dma_start3A_101 = tpu.memref_slice %arg10[%dma_start3A_99, %dma_start3A_100] : memref<10240x128xf32, #tpu.memory_space<vmem_shared>> -> memref<10240x128xf32, #tpu.memory_space<vmem_shared>>
        tpu.enqueue_indirect_dma source(%arg8 : memref<128x128xf32, #tpu.memory_space<vmem>>) target(%dma_start3A_101 : memref<10240x128xf32, #tpu.memory_space<vmem_shared>>) offsets(%dma_start3A_98 : memref<128xi32, #tpu.memory_space<vmem>>) semaphore(%run_scoped3A_95 : memref<!tpu.dma_semaphore, #tpu.memory_space<semaphore_mem>>) {add = true}
        %dma_wait3A_102 = arith.constant 0 : i32
        %dma_wait3A_103 = tpu.memref_slice %arg7[%run_scoped3A, %dma_wait3A_102] : memref<40x128xi32, #tpu.memory_space<vmem>> -> memref<1x128xi32, #tpu.memory_space<vmem>>
        %dma_wait3A_104 = tpu.memref_squeeze %dma_wait3A_103 : memref<1x128xi32, #tpu.memory_space<vmem>> -> memref<128xi32, #tpu.memory_space<vmem>>
        %dma_wait3A_105 = arith.constant 0 : i32
        %dma_wait3A_106 = arith.constant 0 : i32
        %dma_wait3A_107 = tpu.memref_slice %arg10[%dma_wait3A_105, %dma_wait3A_106] : memref<10240x128xf32, #tpu.memory_space<vmem_shared>> -> memref<10240x128xf32, #tpu.memory_space<vmem_shared>>
        tpu.wait_indirect_dma semaphore(%run_scoped3A_95 : memref<!tpu.dma_semaphore, #tpu.memory_space<semaphore_mem>>) src(%arg8 : memref<128x128xf32, #tpu.memory_space<vmem>>) dst(%dma_wait3A_107 : memref<10240x128xf32, #tpu.memory_space<vmem_shared>>)
        tpu.yield
      }) : () -> ()
      %dma_wait3A_50 = arith.constant 39 : i32
      %dma_wait3A_51 = arith.constant 0 : i32
      %dma_wait3A_52 = tpu.memref_slice %arg6[%dma_wait3A_50, %dma_wait3A_51] : memref<40x128xi32, #tpu.memory_space<vmem>> -> memref<1x128xi32, #tpu.memory_space<vmem>>
      %dma_wait3A_53 = tpu.memref_squeeze %dma_wait3A_52 : memref<1x128xi32, #tpu.memory_space<vmem>> -> memref<128xi32, #tpu.memory_space<vmem>>
      %dma_wait3A_54 = arith.constant 0 : i32
      %dma_wait3A_55 = arith.constant 0 : i32
      %dma_wait3A_56 = tpu.memref_slice %arg2[%dma_wait3A_54, %dma_wait3A_55] : memref<10000x128xf32, #tpu.memory_space<hbm>> -> memref<10000x128xf32, #tpu.memory_space<hbm>>
      tpu.wait_indirect_dma semaphore(%arg12 : memref<!tpu.dma_semaphore, #tpu.memory_space<semaphore_mem>>) src(%dma_wait3A_56 : memref<10000x128xf32, #tpu.memory_space<hbm>>) dst(%arg9 : memref<128x128xf32, #tpu.memory_space<vmem>>)
      %run_scoped3A_57 = arith.constant 39 : i32
      "tpu.region"() ({
        %run_scoped3A_95 = tpu.sem_alloc : memref<!tpu.dma_semaphore, #tpu.memory_space<semaphore_mem>>
        %dma_start3A_96 = arith.constant 0 : i32
        %dma_start3A_97 = tpu.memref_slice %arg7[%run_scoped3A_57, %dma_start3A_96] : memref<40x128xi32, #tpu.memory_space<vmem>> -> memref<1x128xi32, #tpu.memory_space<vmem>>
        %dma_start3A_98 = tpu.memref_squeeze %dma_start3A_97 : memref<1x128xi32, #tpu.memory_space<vmem>> -> memref<128xi32, #tpu.memory_space<vmem>>
        %dma_start3A_99 = arith.constant 0 : i32
        %dma_start3A_100 = arith.constant 0 : i32
        %dma_start3A_101 = tpu.memref_slice %arg10[%dma_start3A_99, %dma_start3A_100] : memref<10240x128xf32, #tpu.memory_space<vmem_shared>> -> memref<10240x128xf32, #tpu.memory_space<vmem_shared>>
        tpu.enqueue_indirect_dma source(%arg9 : memref<128x128xf32, #tpu.memory_space<vmem>>) target(%dma_start3A_101 : memref<10240x128xf32, #tpu.memory_space<vmem_shared>>) offsets(%dma_start3A_98 : memref<128xi32, #tpu.memory_space<vmem>>) semaphore(%run_scoped3A_95 : memref<!tpu.dma_semaphore, #tpu.memory_space<semaphore_mem>>) {add = true}
        %dma_wait3A_102 = arith.constant 0 : i32
        %dma_wait3A_103 = tpu.memref_slice %arg7[%run_scoped3A_57, %dma_wait3A_102] : memref<40x128xi32, #tpu.memory_space<vmem>> -> memref<1x128xi32, #tpu.memory_space<vmem>>
        %dma_wait3A_104 = tpu.memref_squeeze %dma_wait3A_103 : memref<1x128xi32, #tpu.memory_space<vmem>> -> memref<128xi32, #tpu.memory_space<vmem>>
        %dma_wait3A_105 = arith.constant 0 : i32
        %dma_wait3A_106 = arith.constant 0 : i32
        %dma_wait3A_107 = tpu.memref_slice %arg10[%dma_wait3A_105, %dma_wait3A_106] : memref<10240x128xf32, #tpu.memory_space<vmem_shared>> -> memref<10240x128xf32, #tpu.memory_space<vmem_shared>>
        tpu.wait_indirect_dma semaphore(%run_scoped3A_95 : memref<!tpu.dma_semaphore, #tpu.memory_space<semaphore_mem>>) src(%arg9 : memref<128x128xf32, #tpu.memory_space<vmem>>) dst(%dma_wait3A_107 : memref<10240x128xf32, #tpu.memory_space<vmem_shared>>)
        tpu.yield
      }) : () -> ()
      %add3A_58 = arith.constant 40 : i32
      %add3A_59 = arith.addi %mul3A_23, %add3A_58 : i32
      "tpu.region"() ({
        %run_scoped3A_95 = tpu.sem_alloc : memref<!tpu.dma_semaphore, #tpu.memory_space<semaphore_mem>>
        %dma_start3A_96 = arith.constant 0 : i32
        %dma_start3A_97 = arith.constant 0 : i32
        %dma_start3A_98 = tpu.memref_slice %arg6[%dma_start3A_96, %dma_start3A_97] : memref<40x128xi32, #tpu.memory_space<vmem>> -> memref<40x128xi32, #tpu.memory_space<vmem>>
        %dma_start3A_99 = arith.constant 0 : i32
        %dma_start3A_100 = tpu.memref_slice %arg3[%add3A_59, %dma_start3A_99] : memref<2500x128xi32, #tpu.memory_space<hbm>> -> memref<40x128xi32, #tpu.memory_space<hbm>>
        %dma_start3A_101 = arith.constant 0 : i32
        %dma_start3A_102 = arith.constant 0 : i32
        %dma_start3A_103 = tpu.memref_slice %arg6[%dma_start3A_101, %dma_start3A_102] : memref<40x128xi32, #tpu.memory_space<vmem>> -> memref<40x128xi32, #tpu.memory_space<vmem>>
        %dma_start3A_104 = arith.constant 0 : i32
        %dma_start3A_105 = tpu.memref_slice %arg3[%add3A_59, %dma_start3A_104] : memref<2500x128xi32, #tpu.memory_space<hbm>> -> memref<40x128xi32, #tpu.memory_space<hbm>>
        tpu.enqueue_dma source(%dma_start3A_105 : memref<40x128xi32, #tpu.memory_space<hbm>>) target(%dma_start3A_103 : memref<40x128xi32, #tpu.memory_space<vmem>>) target_semaphore(%run_scoped3A_95 : memref<!tpu.dma_semaphore, #tpu.memory_space<semaphore_mem>>)
        %dma_wait3A_106 = arith.constant 0 : i32
        %dma_wait3A_107 = arith.constant 0 : i32
        %dma_wait3A_108 = tpu.memref_slice %arg6[%dma_wait3A_106, %dma_wait3A_107] : memref<40x128xi32, #tpu.memory_space<vmem>> -> memref<40x128xi32, #tpu.memory_space<vmem>>
        %dma_wait3A_109 = arith.constant 0 : i32
        %dma_wait3A_110 = tpu.memref_slice %arg3[%add3A_59, %dma_wait3A_109] : memref<2500x128xi32, #tpu.memory_space<hbm>> -> memref<40x128xi32, #tpu.memory_space<hbm>>
        %dma_wait3A_111 = arith.constant 0 : i32
        %dma_wait3A_112 = arith.constant 0 : i32
        %dma_wait3A_113 = tpu.memref_slice %arg6[%dma_wait3A_111, %dma_wait3A_112] : memref<40x128xi32, #tpu.memory_space<vmem>> -> memref<40x128xi32, #tpu.memory_space<vmem>>
        %dma_wait3A_114 = arith.constant 0 : i32
        %dma_wait3A_115 = tpu.memref_slice %arg3[%add3A_59, %dma_wait3A_114] : memref<2500x128xi32, #tpu.memory_space<hbm>> -> memref<40x128xi32, #tpu.memory_space<hbm>>
        tpu.wait_dma2 semaphore(%run_scoped3A_95 : memref<!tpu.dma_semaphore, #tpu.memory_space<semaphore_mem>>) src(%dma_wait3A_115 : memref<40x128xi32, #tpu.memory_space<hbm>>) dst(%dma_wait3A_113 : memref<40x128xi32, #tpu.memory_space<vmem>>)
        tpu.yield
      }) : () -> ()
      "tpu.region"() ({
        %run_scoped3A_95 = tpu.sem_alloc : memref<!tpu.dma_semaphore, #tpu.memory_space<semaphore_mem>>
        %dma_start3A_96 = arith.constant 0 : i32
        %dma_start3A_97 = arith.constant 0 : i32
        %dma_start3A_98 = tpu.memref_slice %arg7[%dma_start3A_96, %dma_start3A_97] : memref<40x128xi32, #tpu.memory_space<vmem>> -> memref<40x128xi32, #tpu.memory_space<vmem>>
        %dma_start3A_99 = arith.constant 0 : i32
        %dma_start3A_100 = tpu.memref_slice %arg4[%add3A_59, %dma_start3A_99] : memref<2500x128xi32, #tpu.memory_space<hbm>> -> memref<40x128xi32, #tpu.memory_space<hbm>>
        %dma_start3A_101 = arith.constant 0 : i32
        %dma_start3A_102 = arith.constant 0 : i32
        %dma_start3A_103 = tpu.memref_slice %arg7[%dma_start3A_101, %dma_start3A_102] : memref<40x128xi32, #tpu.memory_space<vmem>> -> memref<40x128xi32, #tpu.memory_space<vmem>>
        %dma_start3A_104 = arith.constant 0 : i32
        %dma_start3A_105 = tpu.memref_slice %arg4[%add3A_59, %dma_start3A_104] : memref<2500x128xi32, #tpu.memory_space<hbm>> -> memref<40x128xi32, #tpu.memory_space<hbm>>
        tpu.enqueue_dma source(%dma_start3A_105 : memref<40x128xi32, #tpu.memory_space<hbm>>) target(%dma_start3A_103 : memref<40x128xi32, #tpu.memory_space<vmem>>) target_semaphore(%run_scoped3A_95 : memref<!tpu.dma_semaphore, #tpu.memory_space<semaphore_mem>>)
        %dma_wait3A_106 = arith.constant 0 : i32
        %dma_wait3A_107 = arith.constant 0 : i32
        %dma_wait3A_108 = tpu.memref_slice %arg7[%dma_wait3A_106, %dma_wait3A_107] : memref<40x128xi32, #tpu.memory_space<vmem>> -> memref<40x128xi32, #tpu.memory_space<vmem>>
        %dma_wait3A_109 = arith.constant 0 : i32
        %dma_wait3A_110 = tpu.memref_slice %arg4[%add3A_59, %dma_wait3A_109] : memref<2500x128xi32, #tpu.memory_space<hbm>> -> memref<40x128xi32, #tpu.memory_space<hbm>>
        %dma_wait3A_111 = arith.constant 0 : i32
        %dma_wait3A_112 = arith.constant 0 : i32
        %dma_wait3A_113 = tpu.memref_slice %arg7[%dma_wait3A_111, %dma_wait3A_112] : memref<40x128xi32, #tpu.memory_space<vmem>> -> memref<40x128xi32, #tpu.memory_space<vmem>>
        %dma_wait3A_114 = arith.constant 0 : i32
        %dma_wait3A_115 = tpu.memref_slice %arg4[%add3A_59, %dma_wait3A_114] : memref<2500x128xi32, #tpu.memory_space<hbm>> -> memref<40x128xi32, #tpu.memory_space<hbm>>
        tpu.wait_dma2 semaphore(%run_scoped3A_95 : memref<!tpu.dma_semaphore, #tpu.memory_space<semaphore_mem>>) src(%dma_wait3A_115 : memref<40x128xi32, #tpu.memory_space<hbm>>) dst(%dma_wait3A_113 : memref<40x128xi32, #tpu.memory_space<vmem>>)
        tpu.yield
      }) : () -> ()
      %dma_start3A_60 = arith.constant 0 : i32
      %dma_start3A_61 = arith.constant 0 : i32
      %dma_start3A_62 = tpu.memref_slice %arg6[%dma_start3A_60, %dma_start3A_61] : memref<40x128xi32, #tpu.memory_space<vmem>> -> memref<1x128xi32, #tpu.memory_space<vmem>>
      %dma_start3A_63 = tpu.memref_squeeze %dma_start3A_62 : memref<1x128xi32, #tpu.memory_space<vmem>> -> memref<128xi32, #tpu.memory_space<vmem>>
      %dma_start3A_64 = arith.constant 0 : i32
      %dma_start3A_65 = arith.constant 0 : i32
      %dma_start3A_66 = tpu.memref_slice %arg2[%dma_start3A_64, %dma_start3A_65] : memref<10000x128xf32, #tpu.memory_space<hbm>> -> memref<10000x128xf32, #tpu.memory_space<hbm>>
      tpu.enqueue_indirect_dma source(%dma_start3A_66 : memref<10000x128xf32, #tpu.memory_space<hbm>>) target(%arg8 : memref<128x128xf32, #tpu.memory_space<vmem>>) offsets(%dma_start3A_63 : memref<128xi32, #tpu.memory_space<vmem>>) semaphore(%arg11 : memref<!tpu.dma_semaphore, #tpu.memory_space<semaphore_mem>>)
      %scan3A_67 = arith.constant 0 : i32
      %scan3A_68 = arith.constant 19 : i32
      %scan3A_69 = arith.addi %scan3A_67, %scan3A_68 : i32
      %scan3A_70 = arith.constant 1 : i32
      scf.for %scan3A_95 = %scan3A_67 to %scan3A_69 step %scan3A_70  : i32 {
        %mul3A_96 = arith.constant 2 : i32
        %mul3A_97 = arith.muli %scan3A_95, %mul3A_96 : i32
        %add3A_98 = arith.constant 0 : i32
        %add3A_99 = arith.addi %add3A_98, %mul3A_97 : i32
        %add3A_100 = arith.constant 1 : i32
        %add3A_101 = arith.addi %add3A_99, %add3A_100 : i32
        %dma_start3A_102 = arith.constant 0 : i32
        %dma_start3A_103 = tpu.memref_slice %arg6[%add3A_101, %dma_start3A_102] : memref<40x128xi32, #tpu.memory_space<vmem>> -> memref<1x128xi32, #tpu.memory_space<vmem>>
        %dma_start3A_104 = tpu.memref_squeeze %dma_start3A_103 : memref<1x128xi32, #tpu.memory_space<vmem>> -> memref<128xi32, #tpu.memory_space<vmem>>
        %dma_start3A_105 = arith.constant 0 : i32
        %dma_start3A_106 = arith.constant 0 : i32
        %dma_start3A_107 = tpu.memref_slice %arg2[%dma_start3A_105, %dma_start3A_106] : memref<10000x128xf32, #tpu.memory_space<hbm>> -> memref<10000x128xf32, #tpu.memory_space<hbm>>
        tpu.enqueue_indirect_dma source(%dma_start3A_107 : memref<10000x128xf32, #tpu.memory_space<hbm>>) target(%arg9 : memref<128x128xf32, #tpu.memory_space<vmem>>) offsets(%dma_start3A_104 : memref<128xi32, #tpu.memory_space<vmem>>) semaphore(%arg12 : memref<!tpu.dma_semaphore, #tpu.memory_space<semaphore_mem>>)
        %dma_wait3A_108 = arith.constant 0 : i32
        %dma_wait3A_109 = tpu.memref_slice %arg6[%add3A_99, %dma_wait3A_108] : memref<40x128xi32, #tpu.memory_space<vmem>> -> memref<1x128xi32, #tpu.memory_space<vmem>>
        %dma_wait3A_110 = tpu.memref_squeeze %dma_wait3A_109 : memref<1x128xi32, #tpu.memory_space<vmem>> -> memref<128xi32, #tpu.memory_space<vmem>>
        %dma_wait3A_111 = arith.constant 0 : i32
        %dma_wait3A_112 = arith.constant 0 : i32
        %dma_wait3A_113 = tpu.memref_slice %arg2[%dma_wait3A_111, %dma_wait3A_112] : memref<10000x128xf32, #tpu.memory_space<hbm>> -> memref<10000x128xf32, #tpu.memory_space<hbm>>
        tpu.wait_indirect_dma semaphore(%arg11 : memref<!tpu.dma_semaphore, #tpu.memory_space<semaphore_mem>>) src(%dma_wait3A_113 : memref<10000x128xf32, #tpu.memory_space<hbm>>) dst(%arg8 : memref<128x128xf32, #tpu.memory_space<vmem>>)
        "tpu.region"() ({
          %run_scoped3A_132 = tpu.sem_alloc : memref<!tpu.dma_semaphore, #tpu.memory_space<semaphore_mem>>
          %dma_start3A_133 = arith.constant 0 : i32
          %dma_start3A_134 = tpu.memref_slice %arg7[%add3A_99, %dma_start3A_133] : memref<40x128xi32, #tpu.memory_space<vmem>> -> memref<1x128xi32, #tpu.memory_space<vmem>>
          %dma_start3A_135 = tpu.memref_squeeze %dma_start3A_134 : memref<1x128xi32, #tpu.memory_space<vmem>> -> memref<128xi32, #tpu.memory_space<vmem>>
          %dma_start3A_136 = arith.constant 0 : i32
          %dma_start3A_137 = arith.constant 0 : i32
          %dma_start3A_138 = tpu.memref_slice %arg10[%dma_start3A_136, %dma_start3A_137] : memref<10240x128xf32, #tpu.memory_space<vmem_shared>> -> memref<10240x128xf32, #tpu.memory_space<vmem_shared>>
          tpu.enqueue_indirect_dma source(%arg8 : memref<128x128xf32, #tpu.memory_space<vmem>>) target(%dma_start3A_138 : memref<10240x128xf32, #tpu.memory_space<vmem_shared>>) offsets(%dma_start3A_135 : memref<128xi32, #tpu.memory_space<vmem>>) semaphore(%run_scoped3A_132 : memref<!tpu.dma_semaphore, #tpu.memory_space<semaphore_mem>>) {add = true}
          %dma_wait3A_139 = arith.constant 0 : i32
          %dma_wait3A_140 = tpu.memref_slice %arg7[%add3A_99, %dma_wait3A_139] : memref<40x128xi32, #tpu.memory_space<vmem>> -> memref<1x128xi32, #tpu.memory_space<vmem>>
          %dma_wait3A_141 = tpu.memref_squeeze %dma_wait3A_140 : memref<1x128xi32, #tpu.memory_space<vmem>> -> memref<128xi32, #tpu.memory_space<vmem>>
          %dma_wait3A_142 = arith.constant 0 : i32
          %dma_wait3A_143 = arith.constant 0 : i32
          %dma_wait3A_144 = tpu.memref_slice %arg10[%dma_wait3A_142, %dma_wait3A_143] : memref<10240x128xf32, #tpu.memory_space<vmem_shared>> -> memref<10240x128xf32, #tpu.memory_space<vmem_shared>>
          tpu.wait_indirect_dma semaphore(%run_scoped3A_132 : memref<!tpu.dma_semaphore, #tpu.memory_space<semaphore_mem>>) src(%arg8 : memref<128x128xf32, #tpu.memory_space<vmem>>) dst(%dma_wait3A_144 : memref<10240x128xf32, #tpu.memory_space<vmem_shared>>)
          tpu.yield
        }) : () -> ()
        %add3A_114 = arith.constant 2 : i32
        %add3A_115 = arith.addi %add3A_99, %add3A_114 : i32
        %dma_start3A_116 = arith.constant 0 : i32
        %dma_start3A_117 = tpu.memref_slice %arg6[%add3A_115, %dma_start3A_116] : memref<40x128xi32, #tpu.memory_space<vmem>> -> memref<1x128xi32, #tpu.memory_space<vmem>>
        %dma_start3A_118 = tpu.memref_squeeze %dma_start3A_117 : memref<1x128xi32, #tpu.memory_space<vmem>> -> memref<128xi32, #tpu.memory_space<vmem>>
        %dma_start3A_119 = arith.constant 0 : i32
        %dma_start3A_120 = arith.constant 0 : i32
        %dma_start3A_121 = tpu.memref_slice %arg2[%dma_start3A_119, %dma_start3A_120] : memref<10000x128xf32, #tpu.memory_space<hbm>> -> memref<10000x128xf32, #tpu.memory_space<hbm>>
        tpu.enqueue_indirect_dma source(%dma_start3A_121 : memref<10000x128xf32, #tpu.memory_space<hbm>>) target(%arg8 : memref<128x128xf32, #tpu.memory_space<vmem>>) offsets(%dma_start3A_118 : memref<128xi32, #tpu.memory_space<vmem>>) semaphore(%arg11 : memref<!tpu.dma_semaphore, #tpu.memory_space<semaphore_mem>>)
        %add3A_122 = arith.constant 1 : i32
        %add3A_123 = arith.addi %add3A_99, %add3A_122 : i32
        %dma_wait3A_124 = arith.constant 0 : i32
        %dma_wait3A_125 = tpu.memref_slice %arg6[%add3A_123, %dma_wait3A_124] : memref<40x128xi32, #tpu.memory_space<vmem>> -> memref<1x128xi32, #tpu.memory_space<vmem>>
        %dma_wait3A_126 = tpu.memref_squeeze %dma_wait3A_125 : memref<1x128xi32, #tpu.memory_space<vmem>> -> memref<128xi32, #tpu.memory_space<vmem>>
        %dma_wait3A_127 = arith.constant 0 : i32
        %dma_wait3A_128 = arith.constant 0 : i32
        %dma_wait3A_129 = tpu.memref_slice %arg2[%dma_wait3A_127, %dma_wait3A_128] : memref<10000x128xf32, #tpu.memory_space<hbm>> -> memref<10000x128xf32, #tpu.memory_space<hbm>>
        tpu.wait_indirect_dma semaphore(%arg12 : memref<!tpu.dma_semaphore, #tpu.memory_space<semaphore_mem>>) src(%dma_wait3A_129 : memref<10000x128xf32, #tpu.memory_space<hbm>>) dst(%arg9 : memref<128x128xf32, #tpu.memory_space<vmem>>)
        %add3A_130 = arith.constant 1 : i32
        %add3A_131 = arith.addi %add3A_99, %add3A_130 : i32
        "tpu.region"() ({
          %run_scoped3A_132 = tpu.sem_alloc : memref<!tpu.dma_semaphore, #tpu.memory_space<semaphore_mem>>
          %dma_start3A_133 = arith.constant 0 : i32
          %dma_start3A_134 = tpu.memref_slice %arg7[%add3A_131, %dma_start3A_133] : memref<40x128xi32, #tpu.memory_space<vmem>> -> memref<1x128xi32, #tpu.memory_space<vmem>>
          %dma_start3A_135 = tpu.memref_squeeze %dma_start3A_134 : memref<1x128xi32, #tpu.memory_space<vmem>> -> memref<128xi32, #tpu.memory_space<vmem>>
          %dma_start3A_136 = arith.constant 0 : i32
          %dma_start3A_137 = arith.constant 0 : i32
          %dma_start3A_138 = tpu.memref_slice %arg10[%dma_start3A_136, %dma_start3A_137] : memref<10240x128xf32, #tpu.memory_space<vmem_shared>> -> memref<10240x128xf32, #tpu.memory_space<vmem_shared>>
          tpu.enqueue_indirect_dma source(%arg9 : memref<128x128xf32, #tpu.memory_space<vmem>>) target(%dma_start3A_138 : memref<10240x128xf32, #tpu.memory_space<vmem_shared>>) offsets(%dma_start3A_135 : memref<128xi32, #tpu.memory_space<vmem>>) semaphore(%run_scoped3A_132 : memref<!tpu.dma_semaphore, #tpu.memory_space<semaphore_mem>>) {add = true}
          %dma_wait3A_139 = arith.constant 0 : i32
          %dma_wait3A_140 = tpu.memref_slice %arg7[%add3A_131, %dma_wait3A_139] : memref<40x128xi32, #tpu.memory_space<vmem>> -> memref<1x128xi32, #tpu.memory_space<vmem>>
          %dma_wait3A_141 = tpu.memref_squeeze %dma_wait3A_140 : memref<1x128xi32, #tpu.memory_space<vmem>> -> memref<128xi32, #tpu.memory_space<vmem>>
          %dma_wait3A_142 = arith.constant 0 : i32
          %dma_wait3A_143 = arith.constant 0 : i32
          %dma_wait3A_144 = tpu.memref_slice %arg10[%dma_wait3A_142, %dma_wait3A_143] : memref<10240x128xf32, #tpu.memory_space<vmem_shared>> -> memref<10240x128xf32, #tpu.memory_space<vmem_shared>>
          tpu.wait_indirect_dma semaphore(%run_scoped3A_132 : memref<!tpu.dma_semaphore, #tpu.memory_space<semaphore_mem>>) src(%arg9 : memref<128x128xf32, #tpu.memory_space<vmem>>) dst(%dma_wait3A_144 : memref<10240x128xf32, #tpu.memory_space<vmem_shared>>)
          tpu.yield
        }) : () -> ()
      }
      %scan3A_71 = arith.constant 19 : i32
      %dma_start3A_72 = arith.constant 39 : i32
      %dma_start3A_73 = arith.constant 0 : i32
      %dma_start3A_74 = tpu.memref_slice %arg6[%dma_start3A_72, %dma_start3A_73] : memref<40x128xi32, #tpu.memory_space<vmem>> -> memref<1x128xi32, #tpu.memory_space<vmem>>
      %dma_start3A_75 = tpu.memref_squeeze %dma_start3A_74 : memref<1x128xi32, #tpu.memory_space<vmem>> -> memref<128xi32, #tpu.memory_space<vmem>>
      %dma_start3A_76 = arith.constant 0 : i32
      %dma_start3A_77 = arith.constant 0 : i32
      %dma_start3A_78 = tpu.memref_slice %arg2[%dma_start3A_76, %dma_start3A_77] : memref<10000x128xf32, #tpu.memory_space<hbm>> -> memref<10000x128xf32, #tpu.memory_space<hbm>>
      tpu.enqueue_indirect_dma source(%dma_start3A_78 : memref<10000x128xf32, #tpu.memory_space<hbm>>) target(%arg9 : memref<128x128xf32, #tpu.memory_space<vmem>>) offsets(%dma_start3A_75 : memref<128xi32, #tpu.memory_space<vmem>>) semaphore(%arg12 : memref<!tpu.dma_semaphore, #tpu.memory_space<semaphore_mem>>)
      %dma_wait3A_79 = arith.constant 38 : i32
      %dma_wait3A_80 = arith.constant 0 : i32
      %dma_wait3A_81 = tpu.memref_slice %arg6[%dma_wait3A_79, %dma_wait3A_80] : memref<40x128xi32, #tpu.memory_space<vmem>> -> memref<1x128xi32, #tpu.memory_space<vmem>>
      %dma_wait3A_82 = tpu.memref_squeeze %dma_wait3A_81 : memref<1x128xi32, #tpu.memory_space<vmem>> -> memref<128xi32, #tpu.memory_space<vmem>>
      %dma_wait3A_83 = arith.constant 0 : i32
      %dma_wait3A_84 = arith.constant 0 : i32
      %dma_wait3A_85 = tpu.memref_slice %arg2[%dma_wait3A_83, %dma_wait3A_84] : memref<10000x128xf32, #tpu.memory_space<hbm>> -> memref<10000x128xf32, #tpu.memory_space<hbm>>
      tpu.wait_indirect_dma semaphore(%arg11 : memref<!tpu.dma_semaphore, #tpu.memory_space<semaphore_mem>>) src(%dma_wait3A_85 : memref<10000x128xf32, #tpu.memory_space<hbm>>) dst(%arg8 : memref<128x128xf32, #tpu.memory_space<vmem>>)
      %run_scoped3A_86 = arith.constant 38 : i32
      "tpu.region"() ({
        %run_scoped3A_95 = tpu.sem_alloc : memref<!tpu.dma_semaphore, #tpu.memory_space<semaphore_mem>>
        %dma_start3A_96 = arith.constant 0 : i32
        %dma_start3A_97 = tpu.memref_slice %arg7[%run_scoped3A_86, %dma_start3A_96] : memref<40x128xi32, #tpu.memory_space<vmem>> -> memref<1x128xi32, #tpu.memory_space<vmem>>
        %dma_start3A_98 = tpu.memref_squeeze %dma_start3A_97 : memref<1x128xi32, #tpu.memory_space<vmem>> -> memref<128xi32, #tpu.memory_space<vmem>>
        %dma_start3A_99 = arith.constant 0 : i32
        %dma_start3A_100 = arith.constant 0 : i32
        %dma_start3A_101 = tpu.memref_slice %arg10[%dma_start3A_99, %dma_start3A_100] : memref<10240x128xf32, #tpu.memory_space<vmem_shared>> -> memref<10240x128xf32, #tpu.memory_space<vmem_shared>>
        tpu.enqueue_indirect_dma source(%arg8 : memref<128x128xf32, #tpu.memory_space<vmem>>) target(%dma_start3A_101 : memref<10240x128xf32, #tpu.memory_space<vmem_shared>>) offsets(%dma_start3A_98 : memref<128xi32, #tpu.memory_space<vmem>>) semaphore(%run_scoped3A_95 : memref<!tpu.dma_semaphore, #tpu.memory_space<semaphore_mem>>) {add = true}
        %dma_wait3A_102 = arith.constant 0 : i32
        %dma_wait3A_103 = tpu.memref_slice %arg7[%run_scoped3A_86, %dma_wait3A_102] : memref<40x128xi32, #tpu.memory_space<vmem>> -> memref<1x128xi32, #tpu.memory_space<vmem>>
        %dma_wait3A_104 = tpu.memref_squeeze %dma_wait3A_103 : memref<1x128xi32, #tpu.memory_space<vmem>> -> memref<128xi32, #tpu.memory_space<vmem>>
        %dma_wait3A_105 = arith.constant 0 : i32
        %dma_wait3A_106 = arith.constant 0 : i32
        %dma_wait3A_107 = tpu.memref_slice %arg10[%dma_wait3A_105, %dma_wait3A_106] : memref<10240x128xf32, #tpu.memory_space<vmem_shared>> -> memref<10240x128xf32, #tpu.memory_space<vmem_shared>>
        tpu.wait_indirect_dma semaphore(%run_scoped3A_95 : memref<!tpu.dma_semaphore, #tpu.memory_space<semaphore_mem>>) src(%arg8 : memref<128x128xf32, #tpu.memory_space<vmem>>) dst(%dma_wait3A_107 : memref<10240x128xf32, #tpu.memory_space<vmem_shared>>)
        tpu.yield
      }) : () -> ()
      %dma_wait3A_87 = arith.constant 39 : i32
      %dma_wait3A_88 = arith.constant 0 : i32
      %dma_wait3A_89 = tpu.memref_slice %arg6[%dma_wait3A_87, %dma_wait3A_88] : memref<40x128xi32, #tpu.memory_space<vmem>> -> memref<1x128xi32, #tpu.memory_space<vmem>>
      %dma_wait3A_90 = tpu.memref_squeeze %dma_wait3A_89 : memref<1x128xi32, #tpu.memory_space<vmem>> -> memref<128xi32, #tpu.memory_space<vmem>>
      %dma_wait3A_91 = arith.constant 0 : i32
      %dma_wait3A_92 = arith.constant 0 : i32
      %dma_wait3A_93 = tpu.memref_slice %arg2[%dma_wait3A_91, %dma_wait3A_92] : memref<10000x128xf32, #tpu.memory_space<hbm>> -> memref<10000x128xf32, #tpu.memory_space<hbm>>
      tpu.wait_indirect_dma semaphore(%arg12 : memref<!tpu.dma_semaphore, #tpu.memory_space<semaphore_mem>>) src(%dma_wait3A_93 : memref<10000x128xf32, #tpu.memory_space<hbm>>) dst(%arg9 : memref<128x128xf32, #tpu.memory_space<vmem>>)
      %run_scoped3A_94 = arith.constant 39 : i32
      "tpu.region"() ({
        %run_scoped3A_95 = tpu.sem_alloc : memref<!tpu.dma_semaphore, #tpu.memory_space<semaphore_mem>>
        %dma_start3A_96 = arith.constant 0 : i32
        %dma_start3A_97 = tpu.memref_slice %arg7[%run_scoped3A_94, %dma_start3A_96] : memref<40x128xi32, #tpu.memory_space<vmem>> -> memref<1x128xi32, #tpu.memory_space<vmem>>
        %dma_start3A_98 = tpu.memref_squeeze %dma_start3A_97 : memref<1x128xi32, #tpu.memory_space<vmem>> -> memref<128xi32, #tpu.memory_space<vmem>>
        %dma_start3A_99 = arith.constant 0 : i32
        %dma_start3A_100 = arith.constant 0 : i32
        %dma_start3A_101 = tpu.memref_slice %arg10[%dma_start3A_99, %dma_start3A_100] : memref<10240x128xf32, #tpu.memory_space<vmem_shared>> -> memref<10240x128xf32, #tpu.memory_space<vmem_shared>>
        tpu.enqueue_indirect_dma source(%arg9 : memref<128x128xf32, #tpu.memory_space<vmem>>) target(%dma_start3A_101 : memref<10240x128xf32, #tpu.memory_space<vmem_shared>>) offsets(%dma_start3A_98 : memref<128xi32, #tpu.memory_space<vmem>>) semaphore(%run_scoped3A_95 : memref<!tpu.dma_semaphore, #tpu.memory_space<semaphore_mem>>) {add = true}
        %dma_wait3A_102 = arith.constant 0 : i32
        %dma_wait3A_103 = tpu.memref_slice %arg7[%run_scoped3A_94, %dma_wait3A_102] : memref<40x128xi32, #tpu.memory_space<vmem>> -> memref<1x128xi32, #tpu.memory_space<vmem>>
        %dma_wait3A_104 = tpu.memref_squeeze %dma_wait3A_103 : memref<1x128xi32, #tpu.memory_space<vmem>> -> memref<128xi32, #tpu.memory_space<vmem>>
        %dma_wait3A_105 = arith.constant 0 : i32
        %dma_wait3A_106 = arith.constant 0 : i32
        %dma_wait3A_107 = tpu.memref_slice %arg10[%dma_wait3A_105, %dma_wait3A_106] : memref<10240x128xf32, #tpu.memory_space<vmem_shared>> -> memref<10240x128xf32, #tpu.memory_space<vmem_shared>>
        tpu.wait_indirect_dma semaphore(%run_scoped3A_95 : memref<!tpu.dma_semaphore, #tpu.memory_space<semaphore_mem>>) src(%arg9 : memref<128x128xf32, #tpu.memory_space<vmem>>) dst(%dma_wait3A_107 : memref<10240x128xf32, #tpu.memory_space<vmem_shared>>)
        tpu.yield
      }) : () -> ()
    } else {
    }
    %eq3A = arith.constant 31 : i32
    %eq3A_12 = arith.cmpi eq, %add3A, %eq3A : i32
    %convert_element_type3A_13 = arith.extui %eq3A_12 : i1 to i32
    %cond3A_14 = arith.constant 0 : i32
    %cond3A_15 = arith.cmpi ne, %convert_element_type3A_13, %cond3A_14 : i32
    scf.if %cond3A_15 {
      "tpu.region"() ({
        %run_scoped3A_54 = tpu.sem_alloc : memref<!tpu.dma_semaphore, #tpu.memory_space<semaphore_mem>>
        %dma_start3A_55 = arith.constant 0 : i32
        %dma_start3A_56 = arith.constant 0 : i32
        %dma_start3A_57 = tpu.memref_slice %arg6[%dma_start3A_55, %dma_start3A_56] : memref<40x128xi32, #tpu.memory_space<vmem>> -> memref<20x128xi32, #tpu.memory_space<vmem>>
        %dma_start3A_58 = arith.constant 2480 : i32
        %dma_start3A_59 = arith.constant 0 : i32
        %dma_start3A_60 = tpu.memref_slice %arg3[%dma_start3A_58, %dma_start3A_59] : memref<2500x128xi32, #tpu.memory_space<hbm>> -> memref<20x128xi32, #tpu.memory_space<hbm>>
        %dma_start3A_61 = arith.constant 0 : i32
        %dma_start3A_62 = arith.constant 0 : i32
        %dma_start3A_63 = tpu.memref_slice %arg6[%dma_start3A_61, %dma_start3A_62] : memref<40x128xi32, #tpu.memory_space<vmem>> -> memref<20x128xi32, #tpu.memory_space<vmem>>
        %dma_start3A_64 = arith.constant 2480 : i32
        %dma_start3A_65 = arith.constant 0 : i32
        %dma_start3A_66 = tpu.memref_slice %arg3[%dma_start3A_64, %dma_start3A_65] : memref<2500x128xi32, #tpu.memory_space<hbm>> -> memref<20x128xi32, #tpu.memory_space<hbm>>
        tpu.enqueue_dma source(%dma_start3A_66 : memref<20x128xi32, #tpu.memory_space<hbm>>) target(%dma_start3A_63 : memref<20x128xi32, #tpu.memory_space<vmem>>) target_semaphore(%run_scoped3A_54 : memref<!tpu.dma_semaphore, #tpu.memory_space<semaphore_mem>>)
        %dma_wait3A_67 = arith.constant 0 : i32
        %dma_wait3A_68 = arith.constant 0 : i32
        %dma_wait3A_69 = tpu.memref_slice %arg6[%dma_wait3A_67, %dma_wait3A_68] : memref<40x128xi32, #tpu.memory_space<vmem>> -> memref<20x128xi32, #tpu.memory_space<vmem>>
        %dma_wait3A_70 = arith.constant 2480 : i32
        %dma_wait3A_71 = arith.constant 0 : i32
        %dma_wait3A_72 = tpu.memref_slice %arg3[%dma_wait3A_70, %dma_wait3A_71] : memref<2500x128xi32, #tpu.memory_space<hbm>> -> memref<20x128xi32, #tpu.memory_space<hbm>>
        %dma_wait3A_73 = arith.constant 0 : i32
        %dma_wait3A_74 = arith.constant 0 : i32
        %dma_wait3A_75 = tpu.memref_slice %arg6[%dma_wait3A_73, %dma_wait3A_74] : memref<40x128xi32, #tpu.memory_space<vmem>> -> memref<20x128xi32, #tpu.memory_space<vmem>>
        %dma_wait3A_76 = arith.constant 2480 : i32
        %dma_wait3A_77 = arith.constant 0 : i32
        %dma_wait3A_78 = tpu.memref_slice %arg3[%dma_wait3A_76, %dma_wait3A_77] : memref<2500x128xi32, #tpu.memory_space<hbm>> -> memref<20x128xi32, #tpu.memory_space<hbm>>
        tpu.wait_dma2 semaphore(%run_scoped3A_54 : memref<!tpu.dma_semaphore, #tpu.memory_space<semaphore_mem>>) src(%dma_wait3A_78 : memref<20x128xi32, #tpu.memory_space<hbm>>) dst(%dma_wait3A_75 : memref<20x128xi32, #tpu.memory_space<vmem>>)
        tpu.yield
      }) : () -> ()
      "tpu.region"() ({
        %run_scoped3A_54 = tpu.sem_alloc : memref<!tpu.dma_semaphore, #tpu.memory_space<semaphore_mem>>
        %dma_start3A_55 = arith.constant 0 : i32
        %dma_start3A_56 = arith.constant 0 : i32
        %dma_start3A_57 = tpu.memref_slice %arg7[%dma_start3A_55, %dma_start3A_56] : memref<40x128xi32, #tpu.memory_space<vmem>> -> memref<20x128xi32, #tpu.memory_space<vmem>>
        %dma_start3A_58 = arith.constant 2480 : i32
        %dma_start3A_59 = arith.constant 0 : i32
        %dma_start3A_60 = tpu.memref_slice %arg4[%dma_start3A_58, %dma_start3A_59] : memref<2500x128xi32, #tpu.memory_space<hbm>> -> memref<20x128xi32, #tpu.memory_space<hbm>>
        %dma_start3A_61 = arith.constant 0 : i32
        %dma_start3A_62 = arith.constant 0 : i32
        %dma_start3A_63 = tpu.memref_slice %arg7[%dma_start3A_61, %dma_start3A_62] : memref<40x128xi32, #tpu.memory_space<vmem>> -> memref<20x128xi32, #tpu.memory_space<vmem>>
        %dma_start3A_64 = arith.constant 2480 : i32
        %dma_start3A_65 = arith.constant 0 : i32
        %dma_start3A_66 = tpu.memref_slice %arg4[%dma_start3A_64, %dma_start3A_65] : memref<2500x128xi32, #tpu.memory_space<hbm>> -> memref<20x128xi32, #tpu.memory_space<hbm>>
        tpu.enqueue_dma source(%dma_start3A_66 : memref<20x128xi32, #tpu.memory_space<hbm>>) target(%dma_start3A_63 : memref<20x128xi32, #tpu.memory_space<vmem>>) target_semaphore(%run_scoped3A_54 : memref<!tpu.dma_semaphore, #tpu.memory_space<semaphore_mem>>)
        %dma_wait3A_67 = arith.constant 0 : i32
        %dma_wait3A_68 = arith.constant 0 : i32
        %dma_wait3A_69 = tpu.memref_slice %arg7[%dma_wait3A_67, %dma_wait3A_68] : memref<40x128xi32, #tpu.memory_space<vmem>> -> memref<20x128xi32, #tpu.memory_space<vmem>>
        %dma_wait3A_70 = arith.constant 2480 : i32
        %dma_wait3A_71 = arith.constant 0 : i32
        %dma_wait3A_72 = tpu.memref_slice %arg4[%dma_wait3A_70, %dma_wait3A_71] : memref<2500x128xi32, #tpu.memory_space<hbm>> -> memref<20x128xi32, #tpu.memory_space<hbm>>
        %dma_wait3A_73 = arith.constant 0 : i32
        %dma_wait3A_74 = arith.constant 0 : i32
        %dma_wait3A_75 = tpu.memref_slice %arg7[%dma_wait3A_73, %dma_wait3A_74] : memref<40x128xi32, #tpu.memory_space<vmem>> -> memref<20x128xi32, #tpu.memory_space<vmem>>
        %dma_wait3A_76 = arith.constant 2480 : i32
        %dma_wait3A_77 = arith.constant 0 : i32
        %dma_wait3A_78 = tpu.memref_slice %arg4[%dma_wait3A_76, %dma_wait3A_77] : memref<2500x128xi32, #tpu.memory_space<hbm>> -> memref<20x128xi32, #tpu.memory_space<hbm>>
        tpu.wait_dma2 semaphore(%run_scoped3A_54 : memref<!tpu.dma_semaphore, #tpu.memory_space<semaphore_mem>>) src(%dma_wait3A_78 : memref<20x128xi32, #tpu.memory_space<hbm>>) dst(%dma_wait3A_75 : memref<20x128xi32, #tpu.memory_space<vmem>>)
        tpu.yield
      }) : () -> ()
      %dma_start3A = arith.constant 0 : i32
      %dma_start3A_22 = arith.constant 0 : i32
      %dma_start3A_23 = tpu.memref_slice %arg6[%dma_start3A, %dma_start3A_22] : memref<40x128xi32, #tpu.memory_space<vmem>> -> memref<1x128xi32, #tpu.memory_space<vmem>>
      %dma_start3A_24 = tpu.memref_squeeze %dma_start3A_23 : memref<1x128xi32, #tpu.memory_space<vmem>> -> memref<128xi32, #tpu.memory_space<vmem>>
      %dma_start3A_25 = arith.constant 0 : i32
      %dma_start3A_26 = arith.constant 0 : i32
      %dma_start3A_27 = tpu.memref_slice %arg2[%dma_start3A_25, %dma_start3A_26] : memref<10000x128xf32, #tpu.memory_space<hbm>> -> memref<10000x128xf32, #tpu.memory_space<hbm>>
      tpu.enqueue_indirect_dma source(%dma_start3A_27 : memref<10000x128xf32, #tpu.memory_space<hbm>>) target(%arg8 : memref<128x128xf32, #tpu.memory_space<vmem>>) offsets(%dma_start3A_24 : memref<128xi32, #tpu.memory_space<vmem>>) semaphore(%arg11 : memref<!tpu.dma_semaphore, #tpu.memory_space<semaphore_mem>>)
      %scan3A_28 = arith.constant 0 : i32
      %scan3A_29 = arith.constant 9 : i32
      %scan3A_30 = arith.addi %scan3A_28, %scan3A_29 : i32
      %scan3A_31 = arith.constant 1 : i32
      scf.for %scan3A_54 = %scan3A_28 to %scan3A_30 step %scan3A_31  : i32 {
        %mul3A_55 = arith.constant 2 : i32
        %mul3A_56 = arith.muli %scan3A_54, %mul3A_55 : i32
        %add3A_57 = arith.constant 0 : i32
        %add3A_58 = arith.addi %add3A_57, %mul3A_56 : i32
        %add3A_59 = arith.constant 1 : i32
        %add3A_60 = arith.addi %add3A_58, %add3A_59 : i32
        %dma_start3A_61 = arith.constant 0 : i32
        %dma_start3A_62 = tpu.memref_slice %arg6[%add3A_60, %dma_start3A_61] : memref<40x128xi32, #tpu.memory_space<vmem>> -> memref<1x128xi32, #tpu.memory_space<vmem>>
        %dma_start3A_63 = tpu.memref_squeeze %dma_start3A_62 : memref<1x128xi32, #tpu.memory_space<vmem>> -> memref<128xi32, #tpu.memory_space<vmem>>
        %dma_start3A_64 = arith.constant 0 : i32
        %dma_start3A_65 = arith.constant 0 : i32
        %dma_start3A_66 = tpu.memref_slice %arg2[%dma_start3A_64, %dma_start3A_65] : memref<10000x128xf32, #tpu.memory_space<hbm>> -> memref<10000x128xf32, #tpu.memory_space<hbm>>
        tpu.enqueue_indirect_dma source(%dma_start3A_66 : memref<10000x128xf32, #tpu.memory_space<hbm>>) target(%arg9 : memref<128x128xf32, #tpu.memory_space<vmem>>) offsets(%dma_start3A_63 : memref<128xi32, #tpu.memory_space<vmem>>) semaphore(%arg12 : memref<!tpu.dma_semaphore, #tpu.memory_space<semaphore_mem>>)
        %dma_wait3A_67 = arith.constant 0 : i32
        %dma_wait3A_68 = tpu.memref_slice %arg6[%add3A_58, %dma_wait3A_67] : memref<40x128xi32, #tpu.memory_space<vmem>> -> memref<1x128xi32, #tpu.memory_space<vmem>>
        %dma_wait3A_69 = tpu.memref_squeeze %dma_wait3A_68 : memref<1x128xi32, #tpu.memory_space<vmem>> -> memref<128xi32, #tpu.memory_space<vmem>>
        %dma_wait3A_70 = arith.constant 0 : i32
        %dma_wait3A_71 = arith.constant 0 : i32
        %dma_wait3A_72 = tpu.memref_slice %arg2[%dma_wait3A_70, %dma_wait3A_71] : memref<10000x128xf32, #tpu.memory_space<hbm>> -> memref<10000x128xf32, #tpu.memory_space<hbm>>
        tpu.wait_indirect_dma semaphore(%arg11 : memref<!tpu.dma_semaphore, #tpu.memory_space<semaphore_mem>>) src(%dma_wait3A_72 : memref<10000x128xf32, #tpu.memory_space<hbm>>) dst(%arg8 : memref<128x128xf32, #tpu.memory_space<vmem>>)
        "tpu.region"() ({
          %run_scoped3A_91 = tpu.sem_alloc : memref<!tpu.dma_semaphore, #tpu.memory_space<semaphore_mem>>
          %dma_start3A_92 = arith.constant 0 : i32
          %dma_start3A_93 = tpu.memref_slice %arg7[%add3A_58, %dma_start3A_92] : memref<40x128xi32, #tpu.memory_space<vmem>> -> memref<1x128xi32, #tpu.memory_space<vmem>>
          %dma_start3A_94 = tpu.memref_squeeze %dma_start3A_93 : memref<1x128xi32, #tpu.memory_space<vmem>> -> memref<128xi32, #tpu.memory_space<vmem>>
          %dma_start3A_95 = arith.constant 0 : i32
          %dma_start3A_96 = arith.constant 0 : i32
          %dma_start3A_97 = tpu.memref_slice %arg10[%dma_start3A_95, %dma_start3A_96] : memref<10240x128xf32, #tpu.memory_space<vmem_shared>> -> memref<10240x128xf32, #tpu.memory_space<vmem_shared>>
          tpu.enqueue_indirect_dma source(%arg8 : memref<128x128xf32, #tpu.memory_space<vmem>>) target(%dma_start3A_97 : memref<10240x128xf32, #tpu.memory_space<vmem_shared>>) offsets(%dma_start3A_94 : memref<128xi32, #tpu.memory_space<vmem>>) semaphore(%run_scoped3A_91 : memref<!tpu.dma_semaphore, #tpu.memory_space<semaphore_mem>>) {add = true}
          %dma_wait3A_98 = arith.constant 0 : i32
          %dma_wait3A_99 = tpu.memref_slice %arg7[%add3A_58, %dma_wait3A_98] : memref<40x128xi32, #tpu.memory_space<vmem>> -> memref<1x128xi32, #tpu.memory_space<vmem>>
          %dma_wait3A_100 = tpu.memref_squeeze %dma_wait3A_99 : memref<1x128xi32, #tpu.memory_space<vmem>> -> memref<128xi32, #tpu.memory_space<vmem>>
          %dma_wait3A_101 = arith.constant 0 : i32
          %dma_wait3A_102 = arith.constant 0 : i32
          %dma_wait3A_103 = tpu.memref_slice %arg10[%dma_wait3A_101, %dma_wait3A_102] : memref<10240x128xf32, #tpu.memory_space<vmem_shared>> -> memref<10240x128xf32, #tpu.memory_space<vmem_shared>>
          tpu.wait_indirect_dma semaphore(%run_scoped3A_91 : memref<!tpu.dma_semaphore, #tpu.memory_space<semaphore_mem>>) src(%arg8 : memref<128x128xf32, #tpu.memory_space<vmem>>) dst(%dma_wait3A_103 : memref<10240x128xf32, #tpu.memory_space<vmem_shared>>)
          tpu.yield
        }) : () -> ()
        %add3A_73 = arith.constant 2 : i32
        %add3A_74 = arith.addi %add3A_58, %add3A_73 : i32
        %dma_start3A_75 = arith.constant 0 : i32
        %dma_start3A_76 = tpu.memref_slice %arg6[%add3A_74, %dma_start3A_75] : memref<40x128xi32, #tpu.memory_space<vmem>> -> memref<1x128xi32, #tpu.memory_space<vmem>>
        %dma_start3A_77 = tpu.memref_squeeze %dma_start3A_76 : memref<1x128xi32, #tpu.memory_space<vmem>> -> memref<128xi32, #tpu.memory_space<vmem>>
        %dma_start3A_78 = arith.constant 0 : i32
        %dma_start3A_79 = arith.constant 0 : i32
        %dma_start3A_80 = tpu.memref_slice %arg2[%dma_start3A_78, %dma_start3A_79] : memref<10000x128xf32, #tpu.memory_space<hbm>> -> memref<10000x128xf32, #tpu.memory_space<hbm>>
        tpu.enqueue_indirect_dma source(%dma_start3A_80 : memref<10000x128xf32, #tpu.memory_space<hbm>>) target(%arg8 : memref<128x128xf32, #tpu.memory_space<vmem>>) offsets(%dma_start3A_77 : memref<128xi32, #tpu.memory_space<vmem>>) semaphore(%arg11 : memref<!tpu.dma_semaphore, #tpu.memory_space<semaphore_mem>>)
        %add3A_81 = arith.constant 1 : i32
        %add3A_82 = arith.addi %add3A_58, %add3A_81 : i32
        %dma_wait3A_83 = arith.constant 0 : i32
        %dma_wait3A_84 = tpu.memref_slice %arg6[%add3A_82, %dma_wait3A_83] : memref<40x128xi32, #tpu.memory_space<vmem>> -> memref<1x128xi32, #tpu.memory_space<vmem>>
        %dma_wait3A_85 = tpu.memref_squeeze %dma_wait3A_84 : memref<1x128xi32, #tpu.memory_space<vmem>> -> memref<128xi32, #tpu.memory_space<vmem>>
        %dma_wait3A_86 = arith.constant 0 : i32
        %dma_wait3A_87 = arith.constant 0 : i32
        %dma_wait3A_88 = tpu.memref_slice %arg2[%dma_wait3A_86, %dma_wait3A_87] : memref<10000x128xf32, #tpu.memory_space<hbm>> -> memref<10000x128xf32, #tpu.memory_space<hbm>>
        tpu.wait_indirect_dma semaphore(%arg12 : memref<!tpu.dma_semaphore, #tpu.memory_space<semaphore_mem>>) src(%dma_wait3A_88 : memref<10000x128xf32, #tpu.memory_space<hbm>>) dst(%arg9 : memref<128x128xf32, #tpu.memory_space<vmem>>)
        %add3A_89 = arith.constant 1 : i32
        %add3A_90 = arith.addi %add3A_58, %add3A_89 : i32
        "tpu.region"() ({
          %run_scoped3A_91 = tpu.sem_alloc : memref<!tpu.dma_semaphore, #tpu.memory_space<semaphore_mem>>
          %dma_start3A_92 = arith.constant 0 : i32
          %dma_start3A_93 = tpu.memref_slice %arg7[%add3A_90, %dma_start3A_92] : memref<40x128xi32, #tpu.memory_space<vmem>> -> memref<1x128xi32, #tpu.memory_space<vmem>>
          %dma_start3A_94 = tpu.memref_squeeze %dma_start3A_93 : memref<1x128xi32, #tpu.memory_space<vmem>> -> memref<128xi32, #tpu.memory_space<vmem>>
          %dma_start3A_95 = arith.constant 0 : i32
          %dma_start3A_96 = arith.constant 0 : i32
          %dma_start3A_97 = tpu.memref_slice %arg10[%dma_start3A_95, %dma_start3A_96] : memref<10240x128xf32, #tpu.memory_space<vmem_shared>> -> memref<10240x128xf32, #tpu.memory_space<vmem_shared>>
          tpu.enqueue_indirect_dma source(%arg9 : memref<128x128xf32, #tpu.memory_space<vmem>>) target(%dma_start3A_97 : memref<10240x128xf32, #tpu.memory_space<vmem_shared>>) offsets(%dma_start3A_94 : memref<128xi32, #tpu.memory_space<vmem>>) semaphore(%run_scoped3A_91 : memref<!tpu.dma_semaphore, #tpu.memory_space<semaphore_mem>>) {add = true}
          %dma_wait3A_98 = arith.constant 0 : i32
          %dma_wait3A_99 = tpu.memref_slice %arg7[%add3A_90, %dma_wait3A_98] : memref<40x128xi32, #tpu.memory_space<vmem>> -> memref<1x128xi32, #tpu.memory_space<vmem>>
          %dma_wait3A_100 = tpu.memref_squeeze %dma_wait3A_99 : memref<1x128xi32, #tpu.memory_space<vmem>> -> memref<128xi32, #tpu.memory_space<vmem>>
          %dma_wait3A_101 = arith.constant 0 : i32
          %dma_wait3A_102 = arith.constant 0 : i32
          %dma_wait3A_103 = tpu.memref_slice %arg10[%dma_wait3A_101, %dma_wait3A_102] : memref<10240x128xf32, #tpu.memory_space<vmem_shared>> -> memref<10240x128xf32, #tpu.memory_space<vmem_shared>>
          tpu.wait_indirect_dma semaphore(%run_scoped3A_91 : memref<!tpu.dma_semaphore, #tpu.memory_space<semaphore_mem>>) src(%arg9 : memref<128x128xf32, #tpu.memory_space<vmem>>) dst(%dma_wait3A_103 : memref<10240x128xf32, #tpu.memory_space<vmem_shared>>)
          tpu.yield
        }) : () -> ()
      }
      %scan3A_32 = arith.constant 9 : i32
      %dma_start3A_33 = arith.constant 19 : i32
      %dma_start3A_34 = arith.constant 0 : i32
      %dma_start3A_35 = tpu.memref_slice %arg6[%dma_start3A_33, %dma_start3A_34] : memref<40x128xi32, #tpu.memory_space<vmem>> -> memref<1x128xi32, #tpu.memory_space<vmem>>
      %dma_start3A_36 = tpu.memref_squeeze %dma_start3A_35 : memref<1x128xi32, #tpu.memory_space<vmem>> -> memref<128xi32, #tpu.memory_space<vmem>>
      %dma_start3A_37 = arith.constant 0 : i32
      %dma_start3A_38 = arith.constant 0 : i32
      %dma_start3A_39 = tpu.memref_slice %arg2[%dma_start3A_37, %dma_start3A_38] : memref<10000x128xf32, #tpu.memory_space<hbm>> -> memref<10000x128xf32, #tpu.memory_space<hbm>>
      tpu.enqueue_indirect_dma source(%dma_start3A_39 : memref<10000x128xf32, #tpu.memory_space<hbm>>) target(%arg9 : memref<128x128xf32, #tpu.memory_space<vmem>>) offsets(%dma_start3A_36 : memref<128xi32, #tpu.memory_space<vmem>>) semaphore(%arg12 : memref<!tpu.dma_semaphore, #tpu.memory_space<semaphore_mem>>)
      %dma_wait3A = arith.constant 18 : i32
      %dma_wait3A_40 = arith.constant 0 : i32
      %dma_wait3A_41 = tpu.memref_slice %arg6[%dma_wait3A, %dma_wait3A_40] : memref<40x128xi32, #tpu.memory_space<vmem>> -> memref<1x128xi32, #tpu.memory_space<vmem>>
      %dma_wait3A_42 = tpu.memref_squeeze %dma_wait3A_41 : memref<1x128xi32, #tpu.memory_space<vmem>> -> memref<128xi32, #tpu.memory_space<vmem>>
      %dma_wait3A_43 = arith.constant 0 : i32
      %dma_wait3A_44 = arith.constant 0 : i32
      %dma_wait3A_45 = tpu.memref_slice %arg2[%dma_wait3A_43, %dma_wait3A_44] : memref<10000x128xf32, #tpu.memory_space<hbm>> -> memref<10000x128xf32, #tpu.memory_space<hbm>>
      tpu.wait_indirect_dma semaphore(%arg11 : memref<!tpu.dma_semaphore, #tpu.memory_space<semaphore_mem>>) src(%dma_wait3A_45 : memref<10000x128xf32, #tpu.memory_space<hbm>>) dst(%arg8 : memref<128x128xf32, #tpu.memory_space<vmem>>)
      %run_scoped3A = arith.constant 18 : i32
      "tpu.region"() ({
        %run_scoped3A_54 = tpu.sem_alloc : memref<!tpu.dma_semaphore, #tpu.memory_space<semaphore_mem>>
        %dma_start3A_55 = arith.constant 0 : i32
        %dma_start3A_56 = tpu.memref_slice %arg7[%run_scoped3A, %dma_start3A_55] : memref<40x128xi32, #tpu.memory_space<vmem>> -> memref<1x128xi32, #tpu.memory_space<vmem>>
        %dma_start3A_57 = tpu.memref_squeeze %dma_start3A_56 : memref<1x128xi32, #tpu.memory_space<vmem>> -> memref<128xi32, #tpu.memory_space<vmem>>
        %dma_start3A_58 = arith.constant 0 : i32
        %dma_start3A_59 = arith.constant 0 : i32
        %dma_start3A_60 = tpu.memref_slice %arg10[%dma_start3A_58, %dma_start3A_59] : memref<10240x128xf32, #tpu.memory_space<vmem_shared>> -> memref<10240x128xf32, #tpu.memory_space<vmem_shared>>
        tpu.enqueue_indirect_dma source(%arg8 : memref<128x128xf32, #tpu.memory_space<vmem>>) target(%dma_start3A_60 : memref<10240x128xf32, #tpu.memory_space<vmem_shared>>) offsets(%dma_start3A_57 : memref<128xi32, #tpu.memory_space<vmem>>) semaphore(%run_scoped3A_54 : memref<!tpu.dma_semaphore, #tpu.memory_space<semaphore_mem>>) {add = true}
        %dma_wait3A_61 = arith.constant 0 : i32
        %dma_wait3A_62 = tpu.memref_slice %arg7[%run_scoped3A, %dma_wait3A_61] : memref<40x128xi32, #tpu.memory_space<vmem>> -> memref<1x128xi32, #tpu.memory_space<vmem>>
        %dma_wait3A_63 = tpu.memref_squeeze %dma_wait3A_62 : memref<1x128xi32, #tpu.memory_space<vmem>> -> memref<128xi32, #tpu.memory_space<vmem>>
        %dma_wait3A_64 = arith.constant 0 : i32
        %dma_wait3A_65 = arith.constant 0 : i32
        %dma_wait3A_66 = tpu.memref_slice %arg10[%dma_wait3A_64, %dma_wait3A_65] : memref<10240x128xf32, #tpu.memory_space<vmem_shared>> -> memref<10240x128xf32, #tpu.memory_space<vmem_shared>>
        tpu.wait_indirect_dma semaphore(%run_scoped3A_54 : memref<!tpu.dma_semaphore, #tpu.memory_space<semaphore_mem>>) src(%arg8 : memref<128x128xf32, #tpu.memory_space<vmem>>) dst(%dma_wait3A_66 : memref<10240x128xf32, #tpu.memory_space<vmem_shared>>)
        tpu.yield
      }) : () -> ()
      %dma_wait3A_46 = arith.constant 19 : i32
      %dma_wait3A_47 = arith.constant 0 : i32
      %dma_wait3A_48 = tpu.memref_slice %arg6[%dma_wait3A_46, %dma_wait3A_47] : memref<40x128xi32, #tpu.memory_space<vmem>> -> memref<1x128xi32, #tpu.memory_space<vmem>>
      %dma_wait3A_49 = tpu.memref_squeeze %dma_wait3A_48 : memref<1x128xi32, #tpu.memory_space<vmem>> -> memref<128xi32, #tpu.memory_space<vmem>>
      %dma_wait3A_50 = arith.constant 0 : i32
      %dma_wait3A_51 = arith.constant 0 : i32
      %dma_wait3A_52 = tpu.memref_slice %arg2[%dma_wait3A_50, %dma_wait3A_51] : memref<10000x128xf32, #tpu.memory_space<hbm>> -> memref<10000x128xf32, #tpu.memory_space<hbm>>
      tpu.wait_indirect_dma semaphore(%arg12 : memref<!tpu.dma_semaphore, #tpu.memory_space<semaphore_mem>>) src(%dma_wait3A_52 : memref<10000x128xf32, #tpu.memory_space<hbm>>) dst(%arg9 : memref<128x128xf32, #tpu.memory_space<vmem>>)
      %run_scoped3A_53 = arith.constant 19 : i32
      "tpu.region"() ({
        %run_scoped3A_54 = tpu.sem_alloc : memref<!tpu.dma_semaphore, #tpu.memory_space<semaphore_mem>>
        %dma_start3A_55 = arith.constant 0 : i32
        %dma_start3A_56 = tpu.memref_slice %arg7[%run_scoped3A_53, %dma_start3A_55] : memref<40x128xi32, #tpu.memory_space<vmem>> -> memref<1x128xi32, #tpu.memory_space<vmem>>
        %dma_start3A_57 = tpu.memref_squeeze %dma_start3A_56 : memref<1x128xi32, #tpu.memory_space<vmem>> -> memref<128xi32, #tpu.memory_space<vmem>>
        %dma_start3A_58 = arith.constant 0 : i32
        %dma_start3A_59 = arith.constant 0 : i32
        %dma_start3A_60 = tpu.memref_slice %arg10[%dma_start3A_58, %dma_start3A_59] : memref<10240x128xf32, #tpu.memory_space<vmem_shared>> -> memref<10240x128xf32, #tpu.memory_space<vmem_shared>>
        tpu.enqueue_indirect_dma source(%arg9 : memref<128x128xf32, #tpu.memory_space<vmem>>) target(%dma_start3A_60 : memref<10240x128xf32, #tpu.memory_space<vmem_shared>>) offsets(%dma_start3A_57 : memref<128xi32, #tpu.memory_space<vmem>>) semaphore(%run_scoped3A_54 : memref<!tpu.dma_semaphore, #tpu.memory_space<semaphore_mem>>) {add = true}
        %dma_wait3A_61 = arith.constant 0 : i32
        %dma_wait3A_62 = tpu.memref_slice %arg7[%run_scoped3A_53, %dma_wait3A_61] : memref<40x128xi32, #tpu.memory_space<vmem>> -> memref<1x128xi32, #tpu.memory_space<vmem>>
        %dma_wait3A_63 = tpu.memref_squeeze %dma_wait3A_62 : memref<1x128xi32, #tpu.memory_space<vmem>> -> memref<128xi32, #tpu.memory_space<vmem>>
        %dma_wait3A_64 = arith.constant 0 : i32
        %dma_wait3A_65 = arith.constant 0 : i32
        %dma_wait3A_66 = tpu.memref_slice %arg10[%dma_wait3A_64, %dma_wait3A_65] : memref<10240x128xf32, #tpu.memory_space<vmem_shared>> -> memref<10240x128xf32, #tpu.memory_space<vmem_shared>>
        tpu.wait_indirect_dma semaphore(%run_scoped3A_54 : memref<!tpu.dma_semaphore, #tpu.memory_space<semaphore_mem>>) src(%arg9 : memref<128x128xf32, #tpu.memory_space<vmem>>) dst(%dma_wait3A_66 : memref<10240x128xf32, #tpu.memory_space<vmem_shared>>)
        tpu.yield
      }) : () -> ()
    } else {
    }
    %barrier3A_16 = arith.constant 0 : index
    tpu.barrier barrier_id(%barrier3A_16)
    "tpu.trace_stop"() : () -> ()
    "tpu.trace_start"() <{level = 10 : i32, message = "agg_out"}> : () -> ()
    %scan3A_17 = arith.constant 0 : i32
    %scan3A_18 = arith.constant 5 : i32
    %scan3A_19 = arith.addi %scan3A_17, %scan3A_18 : i32
    %scan3A_20 = arith.constant 1 : i32
    scf.for %scan3A_22 = %scan3A_17 to %scan3A_19 step %scan3A_20  : i32 {
      %mul3A_23 = arith.constant 128 : i32
      %mul3A_24 = arith.muli %scan3A_22, %mul3A_23 : i32
      %add3A_25 = arith.constant 0 : i32
      %add3A_26 = arith.addi %add3A_25, %mul3A_24 : i32
      %mul3A_27 = arith.constant 640 : i32
      %mul3A_28 = arith.muli %arg1, %mul3A_27 : i32
      %add3A_29 = arith.addi %mul3A_28, %add3A_26 : i32
      "tpu.region"() ({
        %run_scoped3A = tpu.sem_alloc : memref<!tpu.dma_semaphore, #tpu.memory_space<semaphore_mem>>
        %dma_start3A = arith.constant 0 : i32
        %dma_start3A_30 = tpu.memref_slice %arg5[%arg0, %add3A_29, %dma_start3A] : memref<2x10240x128xf32, #tpu.memory_space<hbm>> -> memref<1x128x128xf32, #tpu.memory_space<hbm>>
        %dma_start3A_31 = tpu.memref_squeeze %dma_start3A_30 : memref<1x128x128xf32, #tpu.memory_space<hbm>> -> memref<128x128xf32, #tpu.memory_space<hbm>>
        %dma_start3A_32 = arith.constant 0 : i32
        %dma_start3A_33 = tpu.memref_slice %arg10[%add3A_29, %dma_start3A_32] : memref<10240x128xf32, #tpu.memory_space<vmem_shared>> -> memref<128x128xf32, #tpu.memory_space<vmem_shared>>
        tpu.enqueue_dma source(%dma_start3A_33 : memref<128x128xf32, #tpu.memory_space<vmem_shared>>) target(%dma_start3A_31 : memref<128x128xf32, #tpu.memory_space<hbm>>) target_semaphore(%run_scoped3A : memref<!tpu.dma_semaphore, #tpu.memory_space<semaphore_mem>>)
        %dma_wait3A = arith.constant 0 : i32
        %dma_wait3A_34 = tpu.memref_slice %arg5[%arg0, %add3A_29, %dma_wait3A] : memref<2x10240x128xf32, #tpu.memory_space<hbm>> -> memref<1x128x128xf32, #tpu.memory_space<hbm>>
        %dma_wait3A_35 = tpu.memref_squeeze %dma_wait3A_34 : memref<1x128x128xf32, #tpu.memory_space<hbm>> -> memref<128x128xf32, #tpu.memory_space<hbm>>
        %dma_wait3A_36 = arith.constant 0 : i32
        %dma_wait3A_37 = tpu.memref_slice %arg10[%add3A_29, %dma_wait3A_36] : memref<10240x128xf32, #tpu.memory_space<vmem_shared>> -> memref<128x128xf32, #tpu.memory_space<vmem_shared>>
        tpu.wait_dma2 semaphore(%run_scoped3A : memref<!tpu.dma_semaphore, #tpu.memory_space<semaphore_mem>>) src(%dma_wait3A_37 : memref<128x128xf32, #tpu.memory_space<vmem_shared>>) dst(%dma_wait3A_35 : memref<128x128xf32, #tpu.memory_space<hbm>>)
        tpu.yield
      }) : () -> ()
    }
    %scan3A_21 = arith.constant 5 : i32
    "tpu.trace_stop"() : () -> ()
    return
  }
}

#map = affine_map<(d0, d1) -> (0, 0)>
#map1 = affine_map<(d0, d1) -> (0, 0, 0)>
module attributes {stable_mosaic.version = 14 : i64} {
  func.func @k(%arg0: i32, %arg1: i32, %arg2: memref<10000x128xf32, #tpu.memory_space<hbm>>, %arg3: memref<2500x128xi32, #tpu.memory_space<hbm>>, %arg4: memref<2500x128xi32, #tpu.memory_space<hbm>>, %arg5: memref<2x10240x128xf32, #tpu.memory_space<hbm>>, %arg6: memref<40x128xi32, #tpu.memory_space<vmem>>, %arg7: memref<40x128xi32, #tpu.memory_space<vmem>>, %arg8: memref<128x128xf32, #tpu.memory_space<vmem>>, %arg9: memref<128x128xf32, #tpu.memory_space<vmem>>, %arg10: memref<10240x128xf32, #tpu.memory_space<vmem_shared>>, %arg11: memref<!tpu.dma_semaphore, #tpu.memory_space<semaphore_mem>>, %arg12: memref<!tpu.dma_semaphore, #tpu.memory_space<semaphore_mem>>) attributes {dimension_semantics = [#tpu.dimension_semantics<core_parallel>, #tpu.dimension_semantics<subcore_parallel>], iteration_bounds = array<i64: 2, 16>, scalar_prefetch = 0 : i64, scratch_operands = 7 : i64, tpu.core_type = #tpu.core_type<sc_vector_subcore>, window_params = [{transform_indices = #map}, {transform_indices = #map}, {transform_indices = #map}, {transform_indices = #map1}]} {
    "tpu.trace_start"() <{level = 10 : i32, message = "agg_zero"}> : () -> ()
    %scan3A = arith.constant 0 : i32
    %scan3A_0 = arith.constant 128 : i32
    %scan3A_1 = arith.addi %scan3A, %scan3A_0 : i32
    %scan3A_2 = arith.constant 1 : i32
    scf.for %scan3A_22 = %scan3A to %scan3A_1 step %scan3A_2  : i32 {
      %mul3A_23 = arith.constant 1 : i32
      %mul3A_24 = arith.muli %scan3A_22, %mul3A_23 : i32
      %add3A_25 = arith.constant 0 : i32
      %add3A_26 = arith.addi %add3A_25, %mul3A_24 : i32
      %scan3A_27 = arith.constant 0 : i32
      %scan3A_28 = arith.constant 8 : i32
      %scan3A_29 = arith.addi %scan3A_27, %scan3A_28 : i32
      %scan3A_30 = arith.constant 1 : i32
      scf.for %scan3A_32 = %scan3A_27 to %scan3A_29 step %scan3A_30  : i32 {
        %mul3A_33 = arith.constant 16 : i32
        %mul3A_34 = arith.muli %scan3A_32, %mul3A_33 : i32
        %add3A_35 = arith.constant 0 : i32
        %add3A_36 = arith.addi %add3A_35, %mul3A_34 : i32
        %broadcast_in_dim3A = arith.constant 0.000000e+00 : f32
        %broadcast_in_dim3A_37 = vector.broadcast %broadcast_in_dim3A : f32 to vector<16xf32>
        %swap3A = arith.index_cast %add3A_26 : i32 to index
        %swap3A_38 = arith.index_cast %add3A_36 : i32 to index
        %swap3A_39 = tpu.vector_load %arg8[%swap3A, %swap3A_38] {strides = array<i32>} : memref<128x128xf32, #tpu.memory_space<vmem>>, vector<1x16xf32>,
        %swap3A_40 = vector.shape_cast %swap3A_39 : vector<1x16xf32> to vector<16xf32>
        %swap3A_41 = vector.shape_cast %broadcast_in_dim3A_37 : vector<16xf32> to vector<1x16xf32>
        tpu.vector_store %arg8[%swap3A, %swap3A_38], %swap3A_41 {strides = array<i32>} : memref<128x128xf32, #tpu.memory_space<vmem>>, vector<1x16xf32>,
      }
      %scan3A_31 = arith.constant 8 : i32
    }
    %scan3A_3 = arith.constant 128 : i32
    %scan3A_4 = arith.constant 0 : i32
    %scan3A_5 = arith.constant 5 : i32
    %scan3A_6 = arith.addi %scan3A_4, %scan3A_5 : i32
    %scan3A_7 = arith.constant 1 : i32
    scf.for %scan3A_22 = %scan3A_4 to %scan3A_6 step %scan3A_7  : i32 {
      %mul3A_23 = arith.constant 128 : i32
      %mul3A_24 = arith.muli %scan3A_22, %mul3A_23 : i32
      %add3A_25 = arith.constant 0 : i32
      %add3A_26 = arith.addi %add3A_25, %mul3A_24 : i32
      %mul3A_27 = arith.constant 640 : i32
      %mul3A_28 = arith.muli %arg1, %mul3A_27 : i32
      %add3A_29 = arith.addi %mul3A_28, %add3A_26 : i32
      "tpu.region"() ({
        %run_scoped3A = tpu.sem_alloc : memref<!tpu.dma_semaphore, #tpu.memory_space<semaphore_mem>>
        %dma_start3A = arith.constant 0 : i32
        %dma_start3A_30 = tpu.memref_slice %arg10[%add3A_29, %dma_start3A] : memref<10240x128xf32, #tpu.memory_space<vmem_shared>> -> memref<128x128xf32, #tpu.memory_space<vmem_shared>>
        %dma_start3A_31 = arith.constant 0 : i32
        %dma_start3A_32 = tpu.memref_slice %arg10[%add3A_29, %dma_start3A_31] : memref<10240x128xf32, #tpu.memory_space<vmem_shared>> -> memref<128x128xf32, #tpu.memory_space<vmem_shared>>
        tpu.enqueue_dma source(%arg8 : memref<128x128xf32, #tpu.memory_space<vmem>>) target(%dma_start3A_32 : memref<128x128xf32, #tpu.memory_space<vmem_shared>>) target_semaphore(%run_scoped3A : memref<!tpu.dma_semaphore, #tpu.memory_space<semaphore_mem>>)
        %dma_wait3A = arith.constant 0 : i32
        %dma_wait3A_33 = tpu.memref_slice %arg10[%add3A_29, %dma_wait3A] : memref<10240x128xf32, #tpu.memory_space<vmem_shared>> -> memref<128x128xf32, #tpu.memory_space<vmem_shared>>
        %dma_wait3A_34 = arith.constant 0 : i32
        %dma_wait3A_35 = tpu.memref_slice %arg10[%add3A_29, %dma_wait3A_34] : memref<10240x128xf32, #tpu.memory_space<vmem_shared>> -> memref<128x128xf32, #tpu.memory_space<vmem_shared>>
        tpu.wait_dma2 semaphore(%run_scoped3A : memref<!tpu.dma_semaphore, #tpu.memory_space<semaphore_mem>>) src(%arg8 : memref<128x128xf32, #tpu.memory_space<vmem>>) dst(%dma_wait3A_35 : memref<128x128xf32, #tpu.memory_space<vmem_shared>>)
        tpu.yield
      }) : () -> ()
    }
    %scan3A_8 = arith.constant 5 : i32
    %barrier3A = arith.constant 0 : index
    tpu.barrier barrier_id(%barrier3A)
    "tpu.trace_stop"() : () -> ()
    %mul3A = arith.constant 16 : i32
    %mul3A_9 = arith.muli %arg0, %mul3A : i32
    %add3A = arith.addi %mul3A_9, %arg1 : i32
    %ne3A = arith.constant 31 : i32
    "tpu.trace_start"() <{level = 10 : i32, message = "edge_loop"}> : () -> ()
    %ne3A_10 = arith.cmpi ne, %add3A, %ne3A : i32
    %convert_element_type3A = arith.extui %ne3A_10 : i1 to i32
    %cond3A = arith.constant 0 : i32
    %cond3A_11 = arith.cmpi ne, %convert_element_type3A, %cond3A : i32
    scf.if %cond3A_11 {
      %mul3A_22 = arith.constant 80 : i32
      %mul3A_23 = arith.muli %add3A, %mul3A_22 : i32
      %add3A_24 = arith.constant 0 : i32
      %add3A_25 = arith.addi %mul3A_23, %add3A_24 : i32
      "tpu.region"() ({
        %run_scoped3A_95 = tpu.sem_alloc : memref<!tpu.dma_semaphore, #tpu.memory_space<semaphore_mem>>
        %dma_start3A_96 = arith.constant 0 : i32
        %dma_start3A_97 = arith.constant 0 : i32
        %dma_start3A_98 = tpu.memref_slice %arg6[%dma_start3A_96, %dma_start3A_97] : memref<40x128xi32, #tpu.memory_space<vmem>> -> memref<40x128xi32, #tpu.memory_space<vmem>>
        %dma_start3A_99 = arith.constant 0 : i32
        %dma_start3A_100 = tpu.memref_slice %arg3[%add3A_25, %dma_start3A_99] : memref<2500x128xi32, #tpu.memory_space<hbm>> -> memref<40x128xi32, #tpu.memory_space<hbm>>
        %dma_start3A_101 = arith.constant 0 : i32
        %dma_start3A_102 = arith.constant 0 : i32
        %dma_start3A_103 = tpu.memref_slice %arg6[%dma_start3A_101, %dma_start3A_102] : memref<40x128xi32, #tpu.memory_space<vmem>> -> memref<40x128xi32, #tpu.memory_space<vmem>>
        %dma_start3A_104 = arith.constant 0 : i32
        %dma_start3A_105 = tpu.memref_slice %arg3[%add3A_25, %dma_start3A_104] : memref<2500x128xi32, #tpu.memory_space<hbm>> -> memref<40x128xi32, #tpu.memory_space<hbm>>
        tpu.enqueue_dma source(%dma_start3A_105 : memref<40x128xi32, #tpu.memory_space<hbm>>) target(%dma_start3A_103 : memref<40x128xi32, #tpu.memory_space<vmem>>) target_semaphore(%run_scoped3A_95 : memref<!tpu.dma_semaphore, #tpu.memory_space<semaphore_mem>>)
        %dma_wait3A_106 = arith.constant 0 : i32
        %dma_wait3A_107 = arith.constant 0 : i32
        %dma_wait3A_108 = tpu.memref_slice %arg6[%dma_wait3A_106, %dma_wait3A_107] : memref<40x128xi32, #tpu.memory_space<vmem>> -> memref<40x128xi32, #tpu.memory_space<vmem>>
        %dma_wait3A_109 = arith.constant 0 : i32
        %dma_wait3A_110 = tpu.memref_slice %arg3[%add3A_25, %dma_wait3A_109] : memref<2500x128xi32, #tpu.memory_space<hbm>> -> memref<40x128xi32, #tpu.memory_space<hbm>>
        %dma_wait3A_111 = arith.constant 0 : i32
        %dma_wait3A_112 = arith.constant 0 : i32
        %dma_wait3A_113 = tpu.memref_slice %arg6[%dma_wait3A_111, %dma_wait3A_112] : memref<40x128xi32, #tpu.memory_space<vmem>> -> memref<40x128xi32, #tpu.memory_space<vmem>>
        %dma_wait3A_114 = arith.constant 0 : i32
        %dma_wait3A_115 = tpu.memref_slice %arg3[%add3A_25, %dma_wait3A_114] : memref<2500x128xi32, #tpu.memory_space<hbm>> -> memref<40x128xi32, #tpu.memory_space<hbm>>
        tpu.wait_dma2 semaphore(%run_scoped3A_95 : memref<!tpu.dma_semaphore, #tpu.memory_space<semaphore_mem>>) src(%dma_wait3A_115 : memref<40x128xi32, #tpu.memory_space<hbm>>) dst(%dma_wait3A_113 : memref<40x128xi32, #tpu.memory_space<vmem>>)
        tpu.yield
      }) : () -> ()
      "tpu.region"() ({
        %run_scoped3A_95 = tpu.sem_alloc : memref<!tpu.dma_semaphore, #tpu.memory_space<semaphore_mem>>
        %dma_start3A_96 = arith.constant 0 : i32
        %dma_start3A_97 = arith.constant 0 : i32
        %dma_start3A_98 = tpu.memref_slice %arg7[%dma_start3A_96, %dma_start3A_97] : memref<40x128xi32, #tpu.memory_space<vmem>> -> memref<40x128xi32, #tpu.memory_space<vmem>>
        %dma_start3A_99 = arith.constant 0 : i32
        %dma_start3A_100 = tpu.memref_slice %arg4[%add3A_25, %dma_start3A_99] : memref<2500x128xi32, #tpu.memory_space<hbm>> -> memref<40x128xi32, #tpu.memory_space<hbm>>
        %dma_start3A_101 = arith.constant 0 : i32
        %dma_start3A_102 = arith.constant 0 : i32
        %dma_start3A_103 = tpu.memref_slice %arg7[%dma_start3A_101, %dma_start3A_102] : memref<40x128xi32, #tpu.memory_space<vmem>> -> memref<40x128xi32, #tpu.memory_space<vmem>>
        %dma_start3A_104 = arith.constant 0 : i32
        %dma_start3A_105 = tpu.memref_slice %arg4[%add3A_25, %dma_start3A_104] : memref<2500x128xi32, #tpu.memory_space<hbm>> -> memref<40x128xi32, #tpu.memory_space<hbm>>
        tpu.enqueue_dma source(%dma_start3A_105 : memref<40x128xi32, #tpu.memory_space<hbm>>) target(%dma_start3A_103 : memref<40x128xi32, #tpu.memory_space<vmem>>) target_semaphore(%run_scoped3A_95 : memref<!tpu.dma_semaphore, #tpu.memory_space<semaphore_mem>>)
        %dma_wait3A_106 = arith.constant 0 : i32
        %dma_wait3A_107 = arith.constant 0 : i32
        %dma_wait3A_108 = tpu.memref_slice %arg7[%dma_wait3A_106, %dma_wait3A_107] : memref<40x128xi32, #tpu.memory_space<vmem>> -> memref<40x128xi32, #tpu.memory_space<vmem>>
        %dma_wait3A_109 = arith.constant 0 : i32
        %dma_wait3A_110 = tpu.memref_slice %arg4[%add3A_25, %dma_wait3A_109] : memref<2500x128xi32, #tpu.memory_space<hbm>> -> memref<40x128xi32, #tpu.memory_space<hbm>>
        %dma_wait3A_111 = arith.constant 0 : i32
        %dma_wait3A_112 = arith.constant 0 : i32
        %dma_wait3A_113 = tpu.memref_slice %arg7[%dma_wait3A_111, %dma_wait3A_112] : memref<40x128xi32, #tpu.memory_space<vmem>> -> memref<40x128xi32, #tpu.memory_space<vmem>>
        %dma_wait3A_114 = arith.constant 0 : i32
        %dma_wait3A_115 = tpu.memref_slice %arg4[%add3A_25, %dma_wait3A_114] : memref<2500x128xi32, #tpu.memory_space<hbm>> -> memref<40x128xi32, #tpu.memory_space<hbm>>
        tpu.wait_dma2 semaphore(%run_scoped3A_95 : memref<!tpu.dma_semaphore, #tpu.memory_space<semaphore_mem>>) src(%dma_wait3A_115 : memref<40x128xi32, #tpu.memory_space<hbm>>) dst(%dma_wait3A_113 : memref<40x128xi32, #tpu.memory_space<vmem>>)
        tpu.yield
      }) : () -> ()
      %dma_start3A = arith.constant 0 : i32
      %dma_start3A_26 = arith.constant 0 : i32
      %dma_start3A_27 = tpu.memref_slice %arg6[%dma_start3A, %dma_start3A_26] : memref<40x128xi32, #tpu.memory_space<vmem>> -> memref<1x128xi32, #tpu.memory_space<vmem>>
      %dma_start3A_28 = tpu.memref_squeeze %dma_start3A_27 : memref<1x128xi32, #tpu.memory_space<vmem>> -> memref<128xi32, #tpu.memory_space<vmem>>
      %dma_start3A_29 = arith.constant 0 : i32
      %dma_start3A_30 = arith.constant 0 : i32
      %dma_start3A_31 = tpu.memref_slice %arg2[%dma_start3A_29, %dma_start3A_30] : memref<10000x128xf32, #tpu.memory_space<hbm>> -> memref<10000x128xf32, #tpu.memory_space<hbm>>
      tpu.enqueue_indirect_dma source(%dma_start3A_31 : memref<10000x128xf32, #tpu.memory_space<hbm>>) target(%arg8 : memref<128x128xf32, #tpu.memory_space<vmem>>) offsets(%dma_start3A_28 : memref<128xi32, #tpu.memory_space<vmem>>) semaphore(%arg11 : memref<!tpu.dma_semaphore, #tpu.memory_space<semaphore_mem>>)
      %scan3A_32 = arith.constant 0 : i32
      %scan3A_33 = arith.constant 19 : i32
      %scan3A_34 = arith.addi %scan3A_32, %scan3A_33 : i32
      %scan3A_35 = arith.constant 1 : i32
      scf.for %scan3A_95 = %scan3A_32 to %scan3A_34 step %scan3A_35  : i32 {
        %mul3A_96 = arith.constant 2 : i32
        %mul3A_97 = arith.muli %scan3A_95, %mul3A_96 : i32
        %add3A_98 = arith.constant 0 : i32
        %add3A_99 = arith.addi %add3A_98, %mul3A_97 : i32
        %add3A_100 = arith.constant 1 : i32
        %add3A_101 = arith.addi %add3A_99, %add3A_100 : i32
        %dma_start3A_102 = arith.constant 0 : i32
        %dma_start3A_103 = tpu.memref_slice %arg6[%add3A_101, %dma_start3A_102] : memref<40x128xi32, #tpu.memory_space<vmem>> -> memref<1x128xi32, #tpu.memory_space<vmem>>
        %dma_start3A_104 = tpu.memref_squeeze %dma_start3A_103 : memref<1x128xi32, #tpu.memory_space<vmem>> -> memref<128xi32, #tpu.memory_space<vmem>>
        %dma_start3A_105 = arith.constant 0 : i32
        %dma_start3A_106 = arith.constant 0 : i32
        %dma_start3A_107 = tpu.memref_slice %arg2[%dma_start3A_105, %dma_start3A_106] : memref<10000x128xf32, #tpu.memory_space<hbm>> -> memref<10000x128xf32, #tpu.memory_space<hbm>>
        tpu.enqueue_indirect_dma source(%dma_start3A_107 : memref<10000x128xf32, #tpu.memory_space<hbm>>) target(%arg9 : memref<128x128xf32, #tpu.memory_space<vmem>>) offsets(%dma_start3A_104 : memref<128xi32, #tpu.memory_space<vmem>>) semaphore(%arg12 : memref<!tpu.dma_semaphore, #tpu.memory_space<semaphore_mem>>)
        %dma_wait3A_108 = arith.constant 0 : i32
        %dma_wait3A_109 = tpu.memref_slice %arg6[%add3A_99, %dma_wait3A_108] : memref<40x128xi32, #tpu.memory_space<vmem>> -> memref<1x128xi32, #tpu.memory_space<vmem>>
        %dma_wait3A_110 = tpu.memref_squeeze %dma_wait3A_109 : memref<1x128xi32, #tpu.memory_space<vmem>> -> memref<128xi32, #tpu.memory_space<vmem>>
        %dma_wait3A_111 = arith.constant 0 : i32
        %dma_wait3A_112 = arith.constant 0 : i32
        %dma_wait3A_113 = tpu.memref_slice %arg2[%dma_wait3A_111, %dma_wait3A_112] : memref<10000x128xf32, #tpu.memory_space<hbm>> -> memref<10000x128xf32, #tpu.memory_space<hbm>>
        tpu.wait_indirect_dma semaphore(%arg11 : memref<!tpu.dma_semaphore, #tpu.memory_space<semaphore_mem>>) src(%dma_wait3A_113 : memref<10000x128xf32, #tpu.memory_space<hbm>>) dst(%arg8 : memref<128x128xf32, #tpu.memory_space<vmem>>)
        "tpu.region"() ({
          %run_scoped3A_132 = tpu.sem_alloc : memref<!tpu.dma_semaphore, #tpu.memory_space<semaphore_mem>>
          %dma_start3A_133 = arith.constant 0 : i32
          %dma_start3A_134 = tpu.memref_slice %arg7[%add3A_99, %dma_start3A_133] : memref<40x128xi32, #tpu.memory_space<vmem>> -> memref<1x128xi32, #tpu.memory_space<vmem>>
          %dma_start3A_135 = tpu.memref_squeeze %dma_start3A_134 : memref<1x128xi32, #tpu.memory_space<vmem>> -> memref<128xi32, #tpu.memory_space<vmem>>
          %dma_start3A_136 = arith.constant 0 : i32
          %dma_start3A_137 = arith.constant 0 : i32
          %dma_start3A_138 = tpu.memref_slice %arg10[%dma_start3A_136, %dma_start3A_137] : memref<10240x128xf32, #tpu.memory_space<vmem_shared>> -> memref<10240x128xf32, #tpu.memory_space<vmem_shared>>
          tpu.enqueue_indirect_dma source(%arg8 : memref<128x128xf32, #tpu.memory_space<vmem>>) target(%dma_start3A_138 : memref<10240x128xf32, #tpu.memory_space<vmem_shared>>) offsets(%dma_start3A_135 : memref<128xi32, #tpu.memory_space<vmem>>) semaphore(%run_scoped3A_132 : memref<!tpu.dma_semaphore, #tpu.memory_space<semaphore_mem>>) {add = true}
          %dma_wait3A_139 = arith.constant 0 : i32
          %dma_wait3A_140 = tpu.memref_slice %arg7[%add3A_99, %dma_wait3A_139] : memref<40x128xi32, #tpu.memory_space<vmem>> -> memref<1x128xi32, #tpu.memory_space<vmem>>
          %dma_wait3A_141 = tpu.memref_squeeze %dma_wait3A_140 : memref<1x128xi32, #tpu.memory_space<vmem>> -> memref<128xi32, #tpu.memory_space<vmem>>
          %dma_wait3A_142 = arith.constant 0 : i32
          %dma_wait3A_143 = arith.constant 0 : i32
          %dma_wait3A_144 = tpu.memref_slice %arg10[%dma_wait3A_142, %dma_wait3A_143] : memref<10240x128xf32, #tpu.memory_space<vmem_shared>> -> memref<10240x128xf32, #tpu.memory_space<vmem_shared>>
          tpu.wait_indirect_dma semaphore(%run_scoped3A_132 : memref<!tpu.dma_semaphore, #tpu.memory_space<semaphore_mem>>) src(%arg8 : memref<128x128xf32, #tpu.memory_space<vmem>>) dst(%dma_wait3A_144 : memref<10240x128xf32, #tpu.memory_space<vmem_shared>>)
          tpu.yield
        }) : () -> ()
        %add3A_114 = arith.constant 2 : i32
        %add3A_115 = arith.addi %add3A_99, %add3A_114 : i32
        %dma_start3A_116 = arith.constant 0 : i32
        %dma_start3A_117 = tpu.memref_slice %arg6[%add3A_115, %dma_start3A_116] : memref<40x128xi32, #tpu.memory_space<vmem>> -> memref<1x128xi32, #tpu.memory_space<vmem>>
        %dma_start3A_118 = tpu.memref_squeeze %dma_start3A_117 : memref<1x128xi32, #tpu.memory_space<vmem>> -> memref<128xi32, #tpu.memory_space<vmem>>
        %dma_start3A_119 = arith.constant 0 : i32
        %dma_start3A_120 = arith.constant 0 : i32
        %dma_start3A_121 = tpu.memref_slice %arg2[%dma_start3A_119, %dma_start3A_120] : memref<10000x128xf32, #tpu.memory_space<hbm>> -> memref<10000x128xf32, #tpu.memory_space<hbm>>
        tpu.enqueue_indirect_dma source(%dma_start3A_121 : memref<10000x128xf32, #tpu.memory_space<hbm>>) target(%arg8 : memref<128x128xf32, #tpu.memory_space<vmem>>) offsets(%dma_start3A_118 : memref<128xi32, #tpu.memory_space<vmem>>) semaphore(%arg11 : memref<!tpu.dma_semaphore, #tpu.memory_space<semaphore_mem>>)
        %add3A_122 = arith.constant 1 : i32
        %add3A_123 = arith.addi %add3A_99, %add3A_122 : i32
        %dma_wait3A_124 = arith.constant 0 : i32
        %dma_wait3A_125 = tpu.memref_slice %arg6[%add3A_123, %dma_wait3A_124] : memref<40x128xi32, #tpu.memory_space<vmem>> -> memref<1x128xi32, #tpu.memory_space<vmem>>
        %dma_wait3A_126 = tpu.memref_squeeze %dma_wait3A_125 : memref<1x128xi32, #tpu.memory_space<vmem>> -> memref<128xi32, #tpu.memory_space<vmem>>
        %dma_wait3A_127 = arith.constant 0 : i32
        %dma_wait3A_128 = arith.constant 0 : i32
        %dma_wait3A_129 = tpu.memref_slice %arg2[%dma_wait3A_127, %dma_wait3A_128] : memref<10000x128xf32, #tpu.memory_space<hbm>> -> memref<10000x128xf32, #tpu.memory_space<hbm>>
        tpu.wait_indirect_dma semaphore(%arg12 : memref<!tpu.dma_semaphore, #tpu.memory_space<semaphore_mem>>) src(%dma_wait3A_129 : memref<10000x128xf32, #tpu.memory_space<hbm>>) dst(%arg9 : memref<128x128xf32, #tpu.memory_space<vmem>>)
        %add3A_130 = arith.constant 1 : i32
        %add3A_131 = arith.addi %add3A_99, %add3A_130 : i32
        "tpu.region"() ({
          %run_scoped3A_132 = tpu.sem_alloc : memref<!tpu.dma_semaphore, #tpu.memory_space<semaphore_mem>>
          %dma_start3A_133 = arith.constant 0 : i32
          %dma_start3A_134 = tpu.memref_slice %arg7[%add3A_131, %dma_start3A_133] : memref<40x128xi32, #tpu.memory_space<vmem>> -> memref<1x128xi32, #tpu.memory_space<vmem>>
          %dma_start3A_135 = tpu.memref_squeeze %dma_start3A_134 : memref<1x128xi32, #tpu.memory_space<vmem>> -> memref<128xi32, #tpu.memory_space<vmem>>
          %dma_start3A_136 = arith.constant 0 : i32
          %dma_start3A_137 = arith.constant 0 : i32
          %dma_start3A_138 = tpu.memref_slice %arg10[%dma_start3A_136, %dma_start3A_137] : memref<10240x128xf32, #tpu.memory_space<vmem_shared>> -> memref<10240x128xf32, #tpu.memory_space<vmem_shared>>
          tpu.enqueue_indirect_dma source(%arg9 : memref<128x128xf32, #tpu.memory_space<vmem>>) target(%dma_start3A_138 : memref<10240x128xf32, #tpu.memory_space<vmem_shared>>) offsets(%dma_start3A_135 : memref<128xi32, #tpu.memory_space<vmem>>) semaphore(%run_scoped3A_132 : memref<!tpu.dma_semaphore, #tpu.memory_space<semaphore_mem>>) {add = true}
          %dma_wait3A_139 = arith.constant 0 : i32
          %dma_wait3A_140 = tpu.memref_slice %arg7[%add3A_131, %dma_wait3A_139] : memref<40x128xi32, #tpu.memory_space<vmem>> -> memref<1x128xi32, #tpu.memory_space<vmem>>
          %dma_wait3A_141 = tpu.memref_squeeze %dma_wait3A_140 : memref<1x128xi32, #tpu.memory_space<vmem>> -> memref<128xi32, #tpu.memory_space<vmem>>
          %dma_wait3A_142 = arith.constant 0 : i32
          %dma_wait3A_143 = arith.constant 0 : i32
          %dma_wait3A_144 = tpu.memref_slice %arg10[%dma_wait3A_142, %dma_wait3A_143] : memref<10240x128xf32, #tpu.memory_space<vmem_shared>> -> memref<10240x128xf32, #tpu.memory_space<vmem_shared>>
          tpu.wait_indirect_dma semaphore(%run_scoped3A_132 : memref<!tpu.dma_semaphore, #tpu.memory_space<semaphore_mem>>) src(%arg9 : memref<128x128xf32, #tpu.memory_space<vmem>>) dst(%dma_wait3A_144 : memref<10240x128xf32, #tpu.memory_space<vmem_shared>>)
          tpu.yield
        }) : () -> ()
      }
      %scan3A_36 = arith.constant 19 : i32
      %dma_start3A_37 = arith.constant 39 : i32
      %dma_start3A_38 = arith.constant 0 : i32
      %dma_start3A_39 = tpu.memref_slice %arg6[%dma_start3A_37, %dma_start3A_38] : memref<40x128xi32, #tpu.memory_space<vmem>> -> memref<1x128xi32, #tpu.memory_space<vmem>>
      %dma_start3A_40 = tpu.memref_squeeze %dma_start3A_39 : memref<1x128xi32, #tpu.memory_space<vmem>> -> memref<128xi32, #tpu.memory_space<vmem>>
      %dma_start3A_41 = arith.constant 0 : i32
      %dma_start3A_42 = arith.constant 0 : i32
      %dma_start3A_43 = tpu.memref_slice %arg2[%dma_start3A_41, %dma_start3A_42] : memref<10000x128xf32, #tpu.memory_space<hbm>> -> memref<10000x128xf32, #tpu.memory_space<hbm>>
      tpu.enqueue_indirect_dma source(%dma_start3A_43 : memref<10000x128xf32, #tpu.memory_space<hbm>>) target(%arg9 : memref<128x128xf32, #tpu.memory_space<vmem>>) offsets(%dma_start3A_40 : memref<128xi32, #tpu.memory_space<vmem>>) semaphore(%arg12 : memref<!tpu.dma_semaphore, #tpu.memory_space<semaphore_mem>>)
      %dma_wait3A = arith.constant 38 : i32
      %dma_wait3A_44 = arith.constant 0 : i32
      %dma_wait3A_45 = tpu.memref_slice %arg6[%dma_wait3A, %dma_wait3A_44] : memref<40x128xi32, #tpu.memory_space<vmem>> -> memref<1x128xi32, #tpu.memory_space<vmem>>
      %dma_wait3A_46 = tpu.memref_squeeze %dma_wait3A_45 : memref<1x128xi32, #tpu.memory_space<vmem>> -> memref<128xi32, #tpu.memory_space<vmem>>
      %dma_wait3A_47 = arith.constant 0 : i32
      %dma_wait3A_48 = arith.constant 0 : i32
      %dma_wait3A_49 = tpu.memref_slice %arg2[%dma_wait3A_47, %dma_wait3A_48] : memref<10000x128xf32, #tpu.memory_space<hbm>> -> memref<10000x128xf32, #tpu.memory_space<hbm>>
      tpu.wait_indirect_dma semaphore(%arg11 : memref<!tpu.dma_semaphore, #tpu.memory_space<semaphore_mem>>) src(%dma_wait3A_49 : memref<10000x128xf32, #tpu.memory_space<hbm>>) dst(%arg8 : memref<128x128xf32, #tpu.memory_space<vmem>>)
      %run_scoped3A = arith.constant 38 : i32
      "tpu.region"() ({
        %run_scoped3A_95 = tpu.sem_alloc : memref<!tpu.dma_semaphore, #tpu.memory_space<semaphore_mem>>
        %dma_start3A_96 = arith.constant 0 : i32
        %dma_start3A_97 = tpu.memref_slice %arg7[%run_scoped3A, %dma_start3A_96] : memref<40x128xi32, #tpu.memory_space<vmem>> -> memref<1x128xi32, #tpu.memory_space<vmem>>
        %dma_start3A_98 = tpu.memref_squeeze %dma_start3A_97 : memref<1x128xi32, #tpu.memory_space<vmem>> -> memref<128xi32, #tpu.memory_space<vmem>>
        %dma_start3A_99 = arith.constant 0 : i32
        %dma_start3A_100 = arith.constant 0 : i32
        %dma_start3A_101 = tpu.memref_slice %arg10[%dma_start3A_99, %dma_start3A_100] : memref<10240x128xf32, #tpu.memory_space<vmem_shared>> -> memref<10240x128xf32, #tpu.memory_space<vmem_shared>>
        tpu.enqueue_indirect_dma source(%arg8 : memref<128x128xf32, #tpu.memory_space<vmem>>) target(%dma_start3A_101 : memref<10240x128xf32, #tpu.memory_space<vmem_shared>>) offsets(%dma_start3A_98 : memref<128xi32, #tpu.memory_space<vmem>>) semaphore(%run_scoped3A_95 : memref<!tpu.dma_semaphore, #tpu.memory_space<semaphore_mem>>) {add = true}
        %dma_wait3A_102 = arith.constant 0 : i32
        %dma_wait3A_103 = tpu.memref_slice %arg7[%run_scoped3A, %dma_wait3A_102] : memref<40x128xi32, #tpu.memory_space<vmem>> -> memref<1x128xi32, #tpu.memory_space<vmem>>
        %dma_wait3A_104 = tpu.memref_squeeze %dma_wait3A_103 : memref<1x128xi32, #tpu.memory_space<vmem>> -> memref<128xi32, #tpu.memory_space<vmem>>
        %dma_wait3A_105 = arith.constant 0 : i32
        %dma_wait3A_106 = arith.constant 0 : i32
        %dma_wait3A_107 = tpu.memref_slice %arg10[%dma_wait3A_105, %dma_wait3A_106] : memref<10240x128xf32, #tpu.memory_space<vmem_shared>> -> memref<10240x128xf32, #tpu.memory_space<vmem_shared>>
        tpu.wait_indirect_dma semaphore(%run_scoped3A_95 : memref<!tpu.dma_semaphore, #tpu.memory_space<semaphore_mem>>) src(%arg8 : memref<128x128xf32, #tpu.memory_space<vmem>>) dst(%dma_wait3A_107 : memref<10240x128xf32, #tpu.memory_space<vmem_shared>>)
        tpu.yield
      }) : () -> ()
      %dma_wait3A_50 = arith.constant 39 : i32
      %dma_wait3A_51 = arith.constant 0 : i32
      %dma_wait3A_52 = tpu.memref_slice %arg6[%dma_wait3A_50, %dma_wait3A_51] : memref<40x128xi32, #tpu.memory_space<vmem>> -> memref<1x128xi32, #tpu.memory_space<vmem>>
      %dma_wait3A_53 = tpu.memref_squeeze %dma_wait3A_52 : memref<1x128xi32, #tpu.memory_space<vmem>> -> memref<128xi32, #tpu.memory_space<vmem>>
      %dma_wait3A_54 = arith.constant 0 : i32
      %dma_wait3A_55 = arith.constant 0 : i32
      %dma_wait3A_56 = tpu.memref_slice %arg2[%dma_wait3A_54, %dma_wait3A_55] : memref<10000x128xf32, #tpu.memory_space<hbm>> -> memref<10000x128xf32, #tpu.memory_space<hbm>>
      tpu.wait_indirect_dma semaphore(%arg12 : memref<!tpu.dma_semaphore, #tpu.memory_space<semaphore_mem>>) src(%dma_wait3A_56 : memref<10000x128xf32, #tpu.memory_space<hbm>>) dst(%arg9 : memref<128x128xf32, #tpu.memory_space<vmem>>)
      %run_scoped3A_57 = arith.constant 39 : i32
      "tpu.region"() ({
        %run_scoped3A_95 = tpu.sem_alloc : memref<!tpu.dma_semaphore, #tpu.memory_space<semaphore_mem>>
        %dma_start3A_96 = arith.constant 0 : i32
        %dma_start3A_97 = tpu.memref_slice %arg7[%run_scoped3A_57, %dma_start3A_96] : memref<40x128xi32, #tpu.memory_space<vmem>> -> memref<1x128xi32, #tpu.memory_space<vmem>>
        %dma_start3A_98 = tpu.memref_squeeze %dma_start3A_97 : memref<1x128xi32, #tpu.memory_space<vmem>> -> memref<128xi32, #tpu.memory_space<vmem>>
        %dma_start3A_99 = arith.constant 0 : i32
        %dma_start3A_100 = arith.constant 0 : i32
        %dma_start3A_101 = tpu.memref_slice %arg10[%dma_start3A_99, %dma_start3A_100] : memref<10240x128xf32, #tpu.memory_space<vmem_shared>> -> memref<10240x128xf32, #tpu.memory_space<vmem_shared>>
        tpu.enqueue_indirect_dma source(%arg9 : memref<128x128xf32, #tpu.memory_space<vmem>>) target(%dma_start3A_101 : memref<10240x128xf32, #tpu.memory_space<vmem_shared>>) offsets(%dma_start3A_98 : memref<128xi32, #tpu.memory_space<vmem>>) semaphore(%run_scoped3A_95 : memref<!tpu.dma_semaphore, #tpu.memory_space<semaphore_mem>>) {add = true}
        %dma_wait3A_102 = arith.constant 0 : i32
        %dma_wait3A_103 = tpu.memref_slice %arg7[%run_scoped3A_57, %dma_wait3A_102] : memref<40x128xi32, #tpu.memory_space<vmem>> -> memref<1x128xi32, #tpu.memory_space<vmem>>
        %dma_wait3A_104 = tpu.memref_squeeze %dma_wait3A_103 : memref<1x128xi32, #tpu.memory_space<vmem>> -> memref<128xi32, #tpu.memory_space<vmem>>
        %dma_wait3A_105 = arith.constant 0 : i32
        %dma_wait3A_106 = arith.constant 0 : i32
        %dma_wait3A_107 = tpu.memref_slice %arg10[%dma_wait3A_105, %dma_wait3A_106] : memref<10240x128xf32, #tpu.memory_space<vmem_shared>> -> memref<10240x128xf32, #tpu.memory_space<vmem_shared>>
        tpu.wait_indirect_dma semaphore(%run_scoped3A_95 : memref<!tpu.dma_semaphore, #tpu.memory_space<semaphore_mem>>) src(%arg9 : memref<128x128xf32, #tpu.memory_space<vmem>>) dst(%dma_wait3A_107 : memref<10240x128xf32, #tpu.memory_space<vmem_shared>>)
        tpu.yield
      }) : () -> ()
      %add3A_58 = arith.constant 40 : i32
      %add3A_59 = arith.addi %mul3A_23, %add3A_58 : i32
      "tpu.region"() ({
        %run_scoped3A_95 = tpu.sem_alloc : memref<!tpu.dma_semaphore, #tpu.memory_space<semaphore_mem>>
        %dma_start3A_96 = arith.constant 0 : i32
        %dma_start3A_97 = arith.constant 0 : i32
        %dma_start3A_98 = tpu.memref_slice %arg6[%dma_start3A_96, %dma_start3A_97] : memref<40x128xi32, #tpu.memory_space<vmem>> -> memref<40x128xi32, #tpu.memory_space<vmem>>
        %dma_start3A_99 = arith.constant 0 : i32
        %dma_start3A_100 = tpu.memref_slice %arg3[%add3A_59, %dma_start3A_99] : memref<2500x128xi32, #tpu.memory_space<hbm>> -> memref<40x128xi32, #tpu.memory_space<hbm>>
        %dma_start3A_101 = arith.constant 0 : i32
        %dma_start3A_102 = arith.constant 0 : i32
        %dma_start3A_103 = tpu.memref_slice %arg6[%dma_start3A_101, %dma_start3A_102] : memref<40x128xi32, #tpu.memory_space<vmem>> -> memref<40x128xi32, #tpu.memory_space<vmem>>
        %dma_start3A_104 = arith.constant 0 : i32
        %dma_start3A_105 = tpu.memref_slice %arg3[%add3A_59, %dma_start3A_104] : memref<2500x128xi32, #tpu.memory_space<hbm>> -> memref<40x128xi32, #tpu.memory_space<hbm>>
        tpu.enqueue_dma source(%dma_start3A_105 : memref<40x128xi32, #tpu.memory_space<hbm>>) target(%dma_start3A_103 : memref<40x128xi32, #tpu.memory_space<vmem>>) target_semaphore(%run_scoped3A_95 : memref<!tpu.dma_semaphore, #tpu.memory_space<semaphore_mem>>)
        %dma_wait3A_106 = arith.constant 0 : i32
        %dma_wait3A_107 = arith.constant 0 : i32
        %dma_wait3A_108 = tpu.memref_slice %arg6[%dma_wait3A_106, %dma_wait3A_107] : memref<40x128xi32, #tpu.memory_space<vmem>> -> memref<40x128xi32, #tpu.memory_space<vmem>>
        %dma_wait3A_109 = arith.constant 0 : i32
        %dma_wait3A_110 = tpu.memref_slice %arg3[%add3A_59, %dma_wait3A_109] : memref<2500x128xi32, #tpu.memory_space<hbm>> -> memref<40x128xi32, #tpu.memory_space<hbm>>
        %dma_wait3A_111 = arith.constant 0 : i32
        %dma_wait3A_112 = arith.constant 0 : i32
        %dma_wait3A_113 = tpu.memref_slice %arg6[%dma_wait3A_111, %dma_wait3A_112] : memref<40x128xi32, #tpu.memory_space<vmem>> -> memref<40x128xi32, #tpu.memory_space<vmem>>
        %dma_wait3A_114 = arith.constant 0 : i32
        %dma_wait3A_115 = tpu.memref_slice %arg3[%add3A_59, %dma_wait3A_114] : memref<2500x128xi32, #tpu.memory_space<hbm>> -> memref<40x128xi32, #tpu.memory_space<hbm>>
        tpu.wait_dma2 semaphore(%run_scoped3A_95 : memref<!tpu.dma_semaphore, #tpu.memory_space<semaphore_mem>>) src(%dma_wait3A_115 : memref<40x128xi32, #tpu.memory_space<hbm>>) dst(%dma_wait3A_113 : memref<40x128xi32, #tpu.memory_space<vmem>>)
        tpu.yield
      }) : () -> ()
      "tpu.region"() ({
        %run_scoped3A_95 = tpu.sem_alloc : memref<!tpu.dma_semaphore, #tpu.memory_space<semaphore_mem>>
        %dma_start3A_96 = arith.constant 0 : i32
        %dma_start3A_97 = arith.constant 0 : i32
        %dma_start3A_98 = tpu.memref_slice %arg7[%dma_start3A_96, %dma_start3A_97] : memref<40x128xi32, #tpu.memory_space<vmem>> -> memref<40x128xi32, #tpu.memory_space<vmem>>
        %dma_start3A_99 = arith.constant 0 : i32
        %dma_start3A_100 = tpu.memref_slice %arg4[%add3A_59, %dma_start3A_99] : memref<2500x128xi32, #tpu.memory_space<hbm>> -> memref<40x128xi32, #tpu.memory_space<hbm>>
        %dma_start3A_101 = arith.constant 0 : i32
        %dma_start3A_102 = arith.constant 0 : i32
        %dma_start3A_103 = tpu.memref_slice %arg7[%dma_start3A_101, %dma_start3A_102] : memref<40x128xi32, #tpu.memory_space<vmem>> -> memref<40x128xi32, #tpu.memory_space<vmem>>
        %dma_start3A_104 = arith.constant 0 : i32
        %dma_start3A_105 = tpu.memref_slice %arg4[%add3A_59, %dma_start3A_104] : memref<2500x128xi32, #tpu.memory_space<hbm>> -> memref<40x128xi32, #tpu.memory_space<hbm>>
        tpu.enqueue_dma source(%dma_start3A_105 : memref<40x128xi32, #tpu.memory_space<hbm>>) target(%dma_start3A_103 : memref<40x128xi32, #tpu.memory_space<vmem>>) target_semaphore(%run_scoped3A_95 : memref<!tpu.dma_semaphore, #tpu.memory_space<semaphore_mem>>)
        %dma_wait3A_106 = arith.constant 0 : i32
        %dma_wait3A_107 = arith.constant 0 : i32
        %dma_wait3A_108 = tpu.memref_slice %arg7[%dma_wait3A_106, %dma_wait3A_107] : memref<40x128xi32, #tpu.memory_space<vmem>> -> memref<40x128xi32, #tpu.memory_space<vmem>>
        %dma_wait3A_109 = arith.constant 0 : i32
        %dma_wait3A_110 = tpu.memref_slice %arg4[%add3A_59, %dma_wait3A_109] : memref<2500x128xi32, #tpu.memory_space<hbm>> -> memref<40x128xi32, #tpu.memory_space<hbm>>
        %dma_wait3A_111 = arith.constant 0 : i32
        %dma_wait3A_112 = arith.constant 0 : i32
        %dma_wait3A_113 = tpu.memref_slice %arg7[%dma_wait3A_111, %dma_wait3A_112] : memref<40x128xi32, #tpu.memory_space<vmem>> -> memref<40x128xi32, #tpu.memory_space<vmem>>
        %dma_wait3A_114 = arith.constant 0 : i32
        %dma_wait3A_115 = tpu.memref_slice %arg4[%add3A_59, %dma_wait3A_114] : memref<2500x128xi32, #tpu.memory_space<hbm>> -> memref<40x128xi32, #tpu.memory_space<hbm>>
        tpu.wait_dma2 semaphore(%run_scoped3A_95 : memref<!tpu.dma_semaphore, #tpu.memory_space<semaphore_mem>>) src(%dma_wait3A_115 : memref<40x128xi32, #tpu.memory_space<hbm>>) dst(%dma_wait3A_113 : memref<40x128xi32, #tpu.memory_space<vmem>>)
        tpu.yield
      }) : () -> ()
      %dma_start3A_60 = arith.constant 0 : i32
      %dma_start3A_61 = arith.constant 0 : i32
      %dma_start3A_62 = tpu.memref_slice %arg6[%dma_start3A_60, %dma_start3A_61] : memref<40x128xi32, #tpu.memory_space<vmem>> -> memref<1x128xi32, #tpu.memory_space<vmem>>
      %dma_start3A_63 = tpu.memref_squeeze %dma_start3A_62 : memref<1x128xi32, #tpu.memory_space<vmem>> -> memref<128xi32, #tpu.memory_space<vmem>>
      %dma_start3A_64 = arith.constant 0 : i32
      %dma_start3A_65 = arith.constant 0 : i32
      %dma_start3A_66 = tpu.memref_slice %arg2[%dma_start3A_64, %dma_start3A_65] : memref<10000x128xf32, #tpu.memory_space<hbm>> -> memref<10000x128xf32, #tpu.memory_space<hbm>>
      tpu.enqueue_indirect_dma source(%dma_start3A_66 : memref<10000x128xf32, #tpu.memory_space<hbm>>) target(%arg8 : memref<128x128xf32, #tpu.memory_space<vmem>>) offsets(%dma_start3A_63 : memref<128xi32, #tpu.memory_space<vmem>>) semaphore(%arg11 : memref<!tpu.dma_semaphore, #tpu.memory_space<semaphore_mem>>)
      %scan3A_67 = arith.constant 0 : i32
      %scan3A_68 = arith.constant 19 : i32
      %scan3A_69 = arith.addi %scan3A_67, %scan3A_68 : i32
      %scan3A_70 = arith.constant 1 : i32
      scf.for %scan3A_95 = %scan3A_67 to %scan3A_69 step %scan3A_70  : i32 {
        %mul3A_96 = arith.constant 2 : i32
        %mul3A_97 = arith.muli %scan3A_95, %mul3A_96 : i32
        %add3A_98 = arith.constant 0 : i32
        %add3A_99 = arith.addi %add3A_98, %mul3A_97 : i32
        %add3A_100 = arith.constant 1 : i32
        %add3A_101 = arith.addi %add3A_99, %add3A_100 : i32
        %dma_start3A_102 = arith.constant 0 : i32
        %dma_start3A_103 = tpu.memref_slice %arg6[%add3A_101, %dma_start3A_102] : memref<40x128xi32, #tpu.memory_space<vmem>> -> memref<1x128xi32, #tpu.memory_space<vmem>>
        %dma_start3A_104 = tpu.memref_squeeze %dma_start3A_103 : memref<1x128xi32, #tpu.memory_space<vmem>> -> memref<128xi32, #tpu.memory_space<vmem>>
        %dma_start3A_105 = arith.constant 0 : i32
        %dma_start3A_106 = arith.constant 0 : i32
        %dma_start3A_107 = tpu.memref_slice %arg2[%dma_start3A_105, %dma_start3A_106] : memref<10000x128xf32, #tpu.memory_space<hbm>> -> memref<10000x128xf32, #tpu.memory_space<hbm>>
        tpu.enqueue_indirect_dma source(%dma_start3A_107 : memref<10000x128xf32, #tpu.memory_space<hbm>>) target(%arg9 : memref<128x128xf32, #tpu.memory_space<vmem>>) offsets(%dma_start3A_104 : memref<128xi32, #tpu.memory_space<vmem>>) semaphore(%arg12 : memref<!tpu.dma_semaphore, #tpu.memory_space<semaphore_mem>>)
        %dma_wait3A_108 = arith.constant 0 : i32
        %dma_wait3A_109 = tpu.memref_slice %arg6[%add3A_99, %dma_wait3A_108] : memref<40x128xi32, #tpu.memory_space<vmem>> -> memref<1x128xi32, #tpu.memory_space<vmem>>
        %dma_wait3A_110 = tpu.memref_squeeze %dma_wait3A_109 : memref<1x128xi32, #tpu.memory_space<vmem>> -> memref<128xi32, #tpu.memory_space<vmem>>
        %dma_wait3A_111 = arith.constant 0 : i32
        %dma_wait3A_112 = arith.constant 0 : i32
        %dma_wait3A_113 = tpu.memref_slice %arg2[%dma_wait3A_111, %dma_wait3A_112] : memref<10000x128xf32, #tpu.memory_space<hbm>> -> memref<10000x128xf32, #tpu.memory_space<hbm>>
        tpu.wait_indirect_dma semaphore(%arg11 : memref<!tpu.dma_semaphore, #tpu.memory_space<semaphore_mem>>) src(%dma_wait3A_113 : memref<10000x128xf32, #tpu.memory_space<hbm>>) dst(%arg8 : memref<128x128xf32, #tpu.memory_space<vmem>>)
        "tpu.region"() ({
          %run_scoped3A_132 = tpu.sem_alloc : memref<!tpu.dma_semaphore, #tpu.memory_space<semaphore_mem>>
          %dma_start3A_133 = arith.constant 0 : i32
          %dma_start3A_134 = tpu.memref_slice %arg7[%add3A_99, %dma_start3A_133] : memref<40x128xi32, #tpu.memory_space<vmem>> -> memref<1x128xi32, #tpu.memory_space<vmem>>
          %dma_start3A_135 = tpu.memref_squeeze %dma_start3A_134 : memref<1x128xi32, #tpu.memory_space<vmem>> -> memref<128xi32, #tpu.memory_space<vmem>>
          %dma_start3A_136 = arith.constant 0 : i32
          %dma_start3A_137 = arith.constant 0 : i32
          %dma_start3A_138 = tpu.memref_slice %arg10[%dma_start3A_136, %dma_start3A_137] : memref<10240x128xf32, #tpu.memory_space<vmem_shared>> -> memref<10240x128xf32, #tpu.memory_space<vmem_shared>>
          tpu.enqueue_indirect_dma source(%arg8 : memref<128x128xf32, #tpu.memory_space<vmem>>) target(%dma_start3A_138 : memref<10240x128xf32, #tpu.memory_space<vmem_shared>>) offsets(%dma_start3A_135 : memref<128xi32, #tpu.memory_space<vmem>>) semaphore(%run_scoped3A_132 : memref<!tpu.dma_semaphore, #tpu.memory_space<semaphore_mem>>) {add = true}
          %dma_wait3A_139 = arith.constant 0 : i32
          %dma_wait3A_140 = tpu.memref_slice %arg7[%add3A_99, %dma_wait3A_139] : memref<40x128xi32, #tpu.memory_space<vmem>> -> memref<1x128xi32, #tpu.memory_space<vmem>>
          %dma_wait3A_141 = tpu.memref_squeeze %dma_wait3A_140 : memref<1x128xi32, #tpu.memory_space<vmem>> -> memref<128xi32, #tpu.memory_space<vmem>>
          %dma_wait3A_142 = arith.constant 0 : i32
          %dma_wait3A_143 = arith.constant 0 : i32
          %dma_wait3A_144 = tpu.memref_slice %arg10[%dma_wait3A_142, %dma_wait3A_143] : memref<10240x128xf32, #tpu.memory_space<vmem_shared>> -> memref<10240x128xf32, #tpu.memory_space<vmem_shared>>
          tpu.wait_indirect_dma semaphore(%run_scoped3A_132 : memref<!tpu.dma_semaphore, #tpu.memory_space<semaphore_mem>>) src(%arg8 : memref<128x128xf32, #tpu.memory_space<vmem>>) dst(%dma_wait3A_144 : memref<10240x128xf32, #tpu.memory_space<vmem_shared>>)
          tpu.yield
        }) : () -> ()
        %add3A_114 = arith.constant 2 : i32
        %add3A_115 = arith.addi %add3A_99, %add3A_114 : i32
        %dma_start3A_116 = arith.constant 0 : i32
        %dma_start3A_117 = tpu.memref_slice %arg6[%add3A_115, %dma_start3A_116] : memref<40x128xi32, #tpu.memory_space<vmem>> -> memref<1x128xi32, #tpu.memory_space<vmem>>
        %dma_start3A_118 = tpu.memref_squeeze %dma_start3A_117 : memref<1x128xi32, #tpu.memory_space<vmem>> -> memref<128xi32, #tpu.memory_space<vmem>>
        %dma_start3A_119 = arith.constant 0 : i32
        %dma_start3A_120 = arith.constant 0 : i32
        %dma_start3A_121 = tpu.memref_slice %arg2[%dma_start3A_119, %dma_start3A_120] : memref<10000x128xf32, #tpu.memory_space<hbm>> -> memref<10000x128xf32, #tpu.memory_space<hbm>>
        tpu.enqueue_indirect_dma source(%dma_start3A_121 : memref<10000x128xf32, #tpu.memory_space<hbm>>) target(%arg8 : memref<128x128xf32, #tpu.memory_space<vmem>>) offsets(%dma_start3A_118 : memref<128xi32, #tpu.memory_space<vmem>>) semaphore(%arg11 : memref<!tpu.dma_semaphore, #tpu.memory_space<semaphore_mem>>)
        %add3A_122 = arith.constant 1 : i32
        %add3A_123 = arith.addi %add3A_99, %add3A_122 : i32
        %dma_wait3A_124 = arith.constant 0 : i32
        %dma_wait3A_125 = tpu.memref_slice %arg6[%add3A_123, %dma_wait3A_124] : memref<40x128xi32, #tpu.memory_space<vmem>> -> memref<1x128xi32, #tpu.memory_space<vmem>>
        %dma_wait3A_126 = tpu.memref_squeeze %dma_wait3A_125 : memref<1x128xi32, #tpu.memory_space<vmem>> -> memref<128xi32, #tpu.memory_space<vmem>>
        %dma_wait3A_127 = arith.constant 0 : i32
        %dma_wait3A_128 = arith.constant 0 : i32
        %dma_wait3A_129 = tpu.memref_slice %arg2[%dma_wait3A_127, %dma_wait3A_128] : memref<10000x128xf32, #tpu.memory_space<hbm>> -> memref<10000x128xf32, #tpu.memory_space<hbm>>
        tpu.wait_indirect_dma semaphore(%arg12 : memref<!tpu.dma_semaphore, #tpu.memory_space<semaphore_mem>>) src(%dma_wait3A_129 : memref<10000x128xf32, #tpu.memory_space<hbm>>) dst(%arg9 : memref<128x128xf32, #tpu.memory_space<vmem>>)
        %add3A_130 = arith.constant 1 : i32
        %add3A_131 = arith.addi %add3A_99, %add3A_130 : i32
        "tpu.region"() ({
          %run_scoped3A_132 = tpu.sem_alloc : memref<!tpu.dma_semaphore, #tpu.memory_space<semaphore_mem>>
          %dma_start3A_133 = arith.constant 0 : i32
          %dma_start3A_134 = tpu.memref_slice %arg7[%add3A_131, %dma_start3A_133] : memref<40x128xi32, #tpu.memory_space<vmem>> -> memref<1x128xi32, #tpu.memory_space<vmem>>
          %dma_start3A_135 = tpu.memref_squeeze %dma_start3A_134 : memref<1x128xi32, #tpu.memory_space<vmem>> -> memref<128xi32, #tpu.memory_space<vmem>>
          %dma_start3A_136 = arith.constant 0 : i32
          %dma_start3A_137 = arith.constant 0 : i32
          %dma_start3A_138 = tpu.memref_slice %arg10[%dma_start3A_136, %dma_start3A_137] : memref<10240x128xf32, #tpu.memory_space<vmem_shared>> -> memref<10240x128xf32, #tpu.memory_space<vmem_shared>>
          tpu.enqueue_indirect_dma source(%arg9 : memref<128x128xf32, #tpu.memory_space<vmem>>) target(%dma_start3A_138 : memref<10240x128xf32, #tpu.memory_space<vmem_shared>>) offsets(%dma_start3A_135 : memref<128xi32, #tpu.memory_space<vmem>>) semaphore(%run_scoped3A_132 : memref<!tpu.dma_semaphore, #tpu.memory_space<semaphore_mem>>) {add = true}
          %dma_wait3A_139 = arith.constant 0 : i32
          %dma_wait3A_140 = tpu.memref_slice %arg7[%add3A_131, %dma_wait3A_139] : memref<40x128xi32, #tpu.memory_space<vmem>> -> memref<1x128xi32, #tpu.memory_space<vmem>>
          %dma_wait3A_141 = tpu.memref_squeeze %dma_wait3A_140 : memref<1x128xi32, #tpu.memory_space<vmem>> -> memref<128xi32, #tpu.memory_space<vmem>>
          %dma_wait3A_142 = arith.constant 0 : i32
          %dma_wait3A_143 = arith.constant 0 : i32
          %dma_wait3A_144 = tpu.memref_slice %arg10[%dma_wait3A_142, %dma_wait3A_143] : memref<10240x128xf32, #tpu.memory_space<vmem_shared>> -> memref<10240x128xf32, #tpu.memory_space<vmem_shared>>
          tpu.wait_indirect_dma semaphore(%run_scoped3A_132 : memref<!tpu.dma_semaphore, #tpu.memory_space<semaphore_mem>>) src(%arg9 : memref<128x128xf32, #tpu.memory_space<vmem>>) dst(%dma_wait3A_144 : memref<10240x128xf32, #tpu.memory_space<vmem_shared>>)
          tpu.yield
        }) : () -> ()
      }
      %scan3A_71 = arith.constant 19 : i32
      %dma_start3A_72 = arith.constant 39 : i32
      %dma_start3A_73 = arith.constant 0 : i32
      %dma_start3A_74 = tpu.memref_slice %arg6[%dma_start3A_72, %dma_start3A_73] : memref<40x128xi32, #tpu.memory_space<vmem>> -> memref<1x128xi32, #tpu.memory_space<vmem>>
      %dma_start3A_75 = tpu.memref_squeeze %dma_start3A_74 : memref<1x128xi32, #tpu.memory_space<vmem>> -> memref<128xi32, #tpu.memory_space<vmem>>
      %dma_start3A_76 = arith.constant 0 : i32
      %dma_start3A_77 = arith.constant 0 : i32
      %dma_start3A_78 = tpu.memref_slice %arg2[%dma_start3A_76, %dma_start3A_77] : memref<10000x128xf32, #tpu.memory_space<hbm>> -> memref<10000x128xf32, #tpu.memory_space<hbm>>
      tpu.enqueue_indirect_dma source(%dma_start3A_78 : memref<10000x128xf32, #tpu.memory_space<hbm>>) target(%arg9 : memref<128x128xf32, #tpu.memory_space<vmem>>) offsets(%dma_start3A_75 : memref<128xi32, #tpu.memory_space<vmem>>) semaphore(%arg12 : memref<!tpu.dma_semaphore, #tpu.memory_space<semaphore_mem>>)
      %dma_wait3A_79 = arith.constant 38 : i32
      %dma_wait3A_80 = arith.constant 0 : i32
      %dma_wait3A_81 = tpu.memref_slice %arg6[%dma_wait3A_79, %dma_wait3A_80] : memref<40x128xi32, #tpu.memory_space<vmem>> -> memref<1x128xi32, #tpu.memory_space<vmem>>
      %dma_wait3A_82 = tpu.memref_squeeze %dma_wait3A_81 : memref<1x128xi32, #tpu.memory_space<vmem>> -> memref<128xi32, #tpu.memory_space<vmem>>
      %dma_wait3A_83 = arith.constant 0 : i32
      %dma_wait3A_84 = arith.constant 0 : i32
      %dma_wait3A_85 = tpu.memref_slice %arg2[%dma_wait3A_83, %dma_wait3A_84] : memref<10000x128xf32, #tpu.memory_space<hbm>> -> memref<10000x128xf32, #tpu.memory_space<hbm>>
      tpu.wait_indirect_dma semaphore(%arg11 : memref<!tpu.dma_semaphore, #tpu.memory_space<semaphore_mem>>) src(%dma_wait3A_85 : memref<10000x128xf32, #tpu.memory_space<hbm>>) dst(%arg8 : memref<128x128xf32, #tpu.memory_space<vmem>>)
      %run_scoped3A_86 = arith.constant 38 : i32
      "tpu.region"() ({
        %run_scoped3A_95 = tpu.sem_alloc : memref<!tpu.dma_semaphore, #tpu.memory_space<semaphore_mem>>
        %dma_start3A_96 = arith.constant 0 : i32
        %dma_start3A_97 = tpu.memref_slice %arg7[%run_scoped3A_86, %dma_start3A_96] : memref<40x128xi32, #tpu.memory_space<vmem>> -> memref<1x128xi32, #tpu.memory_space<vmem>>
        %dma_start3A_98 = tpu.memref_squeeze %dma_start3A_97 : memref<1x128xi32, #tpu.memory_space<vmem>> -> memref<128xi32, #tpu.memory_space<vmem>>
        %dma_start3A_99 = arith.constant 0 : i32
        %dma_start3A_100 = arith.constant 0 : i32
        %dma_start3A_101 = tpu.memref_slice %arg10[%dma_start3A_99, %dma_start3A_100] : memref<10240x128xf32, #tpu.memory_space<vmem_shared>> -> memref<10240x128xf32, #tpu.memory_space<vmem_shared>>
        tpu.enqueue_indirect_dma source(%arg8 : memref<128x128xf32, #tpu.memory_space<vmem>>) target(%dma_start3A_101 : memref<10240x128xf32, #tpu.memory_space<vmem_shared>>) offsets(%dma_start3A_98 : memref<128xi32, #tpu.memory_space<vmem>>) semaphore(%run_scoped3A_95 : memref<!tpu.dma_semaphore, #tpu.memory_space<semaphore_mem>>) {add = true}
        %dma_wait3A_102 = arith.constant 0 : i32
        %dma_wait3A_103 = tpu.memref_slice %arg7[%run_scoped3A_86, %dma_wait3A_102] : memref<40x128xi32, #tpu.memory_space<vmem>> -> memref<1x128xi32, #tpu.memory_space<vmem>>
        %dma_wait3A_104 = tpu.memref_squeeze %dma_wait3A_103 : memref<1x128xi32, #tpu.memory_space<vmem>> -> memref<128xi32, #tpu.memory_space<vmem>>
        %dma_wait3A_105 = arith.constant 0 : i32
        %dma_wait3A_106 = arith.constant 0 : i32
        %dma_wait3A_107 = tpu.memref_slice %arg10[%dma_wait3A_105, %dma_wait3A_106] : memref<10240x128xf32, #tpu.memory_space<vmem_shared>> -> memref<10240x128xf32, #tpu.memory_space<vmem_shared>>
        tpu.wait_indirect_dma semaphore(%run_scoped3A_95 : memref<!tpu.dma_semaphore, #tpu.memory_space<semaphore_mem>>) src(%arg8 : memref<128x128xf32, #tpu.memory_space<vmem>>) dst(%dma_wait3A_107 : memref<10240x128xf32, #tpu.memory_space<vmem_shared>>)
        tpu.yield
      }) : () -> ()
      %dma_wait3A_87 = arith.constant 39 : i32
      %dma_wait3A_88 = arith.constant 0 : i32
      %dma_wait3A_89 = tpu.memref_slice %arg6[%dma_wait3A_87, %dma_wait3A_88] : memref<40x128xi32, #tpu.memory_space<vmem>> -> memref<1x128xi32, #tpu.memory_space<vmem>>
      %dma_wait3A_90 = tpu.memref_squeeze %dma_wait3A_89 : memref<1x128xi32, #tpu.memory_space<vmem>> -> memref<128xi32, #tpu.memory_space<vmem>>
      %dma_wait3A_91 = arith.constant 0 : i32
      %dma_wait3A_92 = arith.constant 0 : i32
      %dma_wait3A_93 = tpu.memref_slice %arg2[%dma_wait3A_91, %dma_wait3A_92] : memref<10000x128xf32, #tpu.memory_space<hbm>> -> memref<10000x128xf32, #tpu.memory_space<hbm>>
      tpu.wait_indirect_dma semaphore(%arg12 : memref<!tpu.dma_semaphore, #tpu.memory_space<semaphore_mem>>) src(%dma_wait3A_93 : memref<10000x128xf32, #tpu.memory_space<hbm>>) dst(%arg9 : memref<128x128xf32, #tpu.memory_space<vmem>>)
      %run_scoped3A_94 = arith.constant 39 : i32
      "tpu.region"() ({
        %run_scoped3A_95 = tpu.sem_alloc : memref<!tpu.dma_semaphore, #tpu.memory_space<semaphore_mem>>
        %dma_start3A_96 = arith.constant 0 : i32
        %dma_start3A_97 = tpu.memref_slice %arg7[%run_scoped3A_94, %dma_start3A_96] : memref<40x128xi32, #tpu.memory_space<vmem>> -> memref<1x128xi32, #tpu.memory_space<vmem>>
        %dma_start3A_98 = tpu.memref_squeeze %dma_start3A_97 : memref<1x128xi32, #tpu.memory_space<vmem>> -> memref<128xi32, #tpu.memory_space<vmem>>
        %dma_start3A_99 = arith.constant 0 : i32
        %dma_start3A_100 = arith.constant 0 : i32
        %dma_start3A_101 = tpu.memref_slice %arg10[%dma_start3A_99, %dma_start3A_100] : memref<10240x128xf32, #tpu.memory_space<vmem_shared>> -> memref<10240x128xf32, #tpu.memory_space<vmem_shared>>
        tpu.enqueue_indirect_dma source(%arg9 : memref<128x128xf32, #tpu.memory_space<vmem>>) target(%dma_start3A_101 : memref<10240x128xf32, #tpu.memory_space<vmem_shared>>) offsets(%dma_start3A_98 : memref<128xi32, #tpu.memory_space<vmem>>) semaphore(%run_scoped3A_95 : memref<!tpu.dma_semaphore, #tpu.memory_space<semaphore_mem>>) {add = true}
        %dma_wait3A_102 = arith.constant 0 : i32
        %dma_wait3A_103 = tpu.memref_slice %arg7[%run_scoped3A_94, %dma_wait3A_102] : memref<40x128xi32, #tpu.memory_space<vmem>> -> memref<1x128xi32, #tpu.memory_space<vmem>>
        %dma_wait3A_104 = tpu.memref_squeeze %dma_wait3A_103 : memref<1x128xi32, #tpu.memory_space<vmem>> -> memref<128xi32, #tpu.memory_space<vmem>>
        %dma_wait3A_105 = arith.constant 0 : i32
        %dma_wait3A_106 = arith.constant 0 : i32
        %dma_wait3A_107 = tpu.memref_slice %arg10[%dma_wait3A_105, %dma_wait3A_106] : memref<10240x128xf32, #tpu.memory_space<vmem_shared>> -> memref<10240x128xf32, #tpu.memory_space<vmem_shared>>
        tpu.wait_indirect_dma semaphore(%run_scoped3A_95 : memref<!tpu.dma_semaphore, #tpu.memory_space<semaphore_mem>>) src(%arg9 : memref<128x128xf32, #tpu.memory_space<vmem>>) dst(%dma_wait3A_107 : memref<10240x128xf32, #tpu.memory_space<vmem_shared>>)
        tpu.yield
      }) : () -> ()
    } else {
    }
    %eq3A = arith.constant 31 : i32
    %eq3A_12 = arith.cmpi eq, %add3A, %eq3A : i32
    %convert_element_type3A_13 = arith.extui %eq3A_12 : i1 to i32
    %cond3A_14 = arith.constant 0 : i32
    %cond3A_15 = arith.cmpi ne, %convert_element_type3A_13, %cond3A_14 : i32
    scf.if %cond3A_15 {
      "tpu.region"() ({
        %run_scoped3A_54 = tpu.sem_alloc : memref<!tpu.dma_semaphore, #tpu.memory_space<semaphore_mem>>
        %dma_start3A_55 = arith.constant 0 : i32
        %dma_start3A_56 = arith.constant 0 : i32
        %dma_start3A_57 = tpu.memref_slice %arg6[%dma_start3A_55, %dma_start3A_56] : memref<40x128xi32, #tpu.memory_space<vmem>> -> memref<20x128xi32, #tpu.memory_space<vmem>>
        %dma_start3A_58 = arith.constant 2480 : i32
        %dma_start3A_59 = arith.constant 0 : i32
        %dma_start3A_60 = tpu.memref_slice %arg3[%dma_start3A_58, %dma_start3A_59] : memref<2500x128xi32, #tpu.memory_space<hbm>> -> memref<20x128xi32, #tpu.memory_space<hbm>>
        %dma_start3A_61 = arith.constant 0 : i32
        %dma_start3A_62 = arith.constant 0 : i32
        %dma_start3A_63 = tpu.memref_slice %arg6[%dma_start3A_61, %dma_start3A_62] : memref<40x128xi32, #tpu.memory_space<vmem>> -> memref<20x128xi32, #tpu.memory_space<vmem>>
        %dma_start3A_64 = arith.constant 2480 : i32
        %dma_start3A_65 = arith.constant 0 : i32
        %dma_start3A_66 = tpu.memref_slice %arg3[%dma_start3A_64, %dma_start3A_65] : memref<2500x128xi32, #tpu.memory_space<hbm>> -> memref<20x128xi32, #tpu.memory_space<hbm>>
        tpu.enqueue_dma source(%dma_start3A_66 : memref<20x128xi32, #tpu.memory_space<hbm>>) target(%dma_start3A_63 : memref<20x128xi32, #tpu.memory_space<vmem>>) target_semaphore(%run_scoped3A_54 : memref<!tpu.dma_semaphore, #tpu.memory_space<semaphore_mem>>)
        %dma_wait3A_67 = arith.constant 0 : i32
        %dma_wait3A_68 = arith.constant 0 : i32
        %dma_wait3A_69 = tpu.memref_slice %arg6[%dma_wait3A_67, %dma_wait3A_68] : memref<40x128xi32, #tpu.memory_space<vmem>> -> memref<20x128xi32, #tpu.memory_space<vmem>>
        %dma_wait3A_70 = arith.constant 2480 : i32
        %dma_wait3A_71 = arith.constant 0 : i32
        %dma_wait3A_72 = tpu.memref_slice %arg3[%dma_wait3A_70, %dma_wait3A_71] : memref<2500x128xi32, #tpu.memory_space<hbm>> -> memref<20x128xi32, #tpu.memory_space<hbm>>
        %dma_wait3A_73 = arith.constant 0 : i32
        %dma_wait3A_74 = arith.constant 0 : i32
        %dma_wait3A_75 = tpu.memref_slice %arg6[%dma_wait3A_73, %dma_wait3A_74] : memref<40x128xi32, #tpu.memory_space<vmem>> -> memref<20x128xi32, #tpu.memory_space<vmem>>
        %dma_wait3A_76 = arith.constant 2480 : i32
        %dma_wait3A_77 = arith.constant 0 : i32
        %dma_wait3A_78 = tpu.memref_slice %arg3[%dma_wait3A_76, %dma_wait3A_77] : memref<2500x128xi32, #tpu.memory_space<hbm>> -> memref<20x128xi32, #tpu.memory_space<hbm>>
        tpu.wait_dma2 semaphore(%run_scoped3A_54 : memref<!tpu.dma_semaphore, #tpu.memory_space<semaphore_mem>>) src(%dma_wait3A_78 : memref<20x128xi32, #tpu.memory_space<hbm>>) dst(%dma_wait3A_75 : memref<20x128xi32, #tpu.memory_space<vmem>>)
        tpu.yield
      }) : () -> ()
      "tpu.region"() ({
        %run_scoped3A_54 = tpu.sem_alloc : memref<!tpu.dma_semaphore, #tpu.memory_space<semaphore_mem>>
        %dma_start3A_55 = arith.constant 0 : i32
        %dma_start3A_56 = arith.constant 0 : i32
        %dma_start3A_57 = tpu.memref_slice %arg7[%dma_start3A_55, %dma_start3A_56] : memref<40x128xi32, #tpu.memory_space<vmem>> -> memref<20x128xi32, #tpu.memory_space<vmem>>
        %dma_start3A_58 = arith.constant 2480 : i32
        %dma_start3A_59 = arith.constant 0 : i32
        %dma_start3A_60 = tpu.memref_slice %arg4[%dma_start3A_58, %dma_start3A_59] : memref<2500x128xi32, #tpu.memory_space<hbm>> -> memref<20x128xi32, #tpu.memory_space<hbm>>
        %dma_start3A_61 = arith.constant 0 : i32
        %dma_start3A_62 = arith.constant 0 : i32
        %dma_start3A_63 = tpu.memref_slice %arg7[%dma_start3A_61, %dma_start3A_62] : memref<40x128xi32, #tpu.memory_space<vmem>> -> memref<20x128xi32, #tpu.memory_space<vmem>>
        %dma_start3A_64 = arith.constant 2480 : i32
        %dma_start3A_65 = arith.constant 0 : i32
        %dma_start3A_66 = tpu.memref_slice %arg4[%dma_start3A_64, %dma_start3A_65] : memref<2500x128xi32, #tpu.memory_space<hbm>> -> memref<20x128xi32, #tpu.memory_space<hbm>>
        tpu.enqueue_dma source(%dma_start3A_66 : memref<20x128xi32, #tpu.memory_space<hbm>>) target(%dma_start3A_63 : memref<20x128xi32, #tpu.memory_space<vmem>>) target_semaphore(%run_scoped3A_54 : memref<!tpu.dma_semaphore, #tpu.memory_space<semaphore_mem>>)
        %dma_wait3A_67 = arith.constant 0 : i32
        %dma_wait3A_68 = arith.constant 0 : i32
        %dma_wait3A_69 = tpu.memref_slice %arg7[%dma_wait3A_67, %dma_wait3A_68] : memref<40x128xi32, #tpu.memory_space<vmem>> -> memref<20x128xi32, #tpu.memory_space<vmem>>
        %dma_wait3A_70 = arith.constant 2480 : i32
        %dma_wait3A_71 = arith.constant 0 : i32
        %dma_wait3A_72 = tpu.memref_slice %arg4[%dma_wait3A_70, %dma_wait3A_71] : memref<2500x128xi32, #tpu.memory_space<hbm>> -> memref<20x128xi32, #tpu.memory_space<hbm>>
        %dma_wait3A_73 = arith.constant 0 : i32
        %dma_wait3A_74 = arith.constant 0 : i32
        %dma_wait3A_75 = tpu.memref_slice %arg7[%dma_wait3A_73, %dma_wait3A_74] : memref<40x128xi32, #tpu.memory_space<vmem>> -> memref<20x128xi32, #tpu.memory_space<vmem>>
        %dma_wait3A_76 = arith.constant 2480 : i32
        %dma_wait3A_77 = arith.constant 0 : i32
        %dma_wait3A_78 = tpu.memref_slice %arg4[%dma_wait3A_76, %dma_wait3A_77] : memref<2500x128xi32, #tpu.memory_space<hbm>> -> memref<20x128xi32, #tpu.memory_space<hbm>>
        tpu.wait_dma2 semaphore(%run_scoped3A_54 : memref<!tpu.dma_semaphore, #tpu.memory_space<semaphore_mem>>) src(%dma_wait3A_78 : memref<20x128xi32, #tpu.memory_space<hbm>>) dst(%dma_wait3A_75 : memref<20x128xi32, #tpu.memory_space<vmem>>)
        tpu.yield
      }) : () -> ()
      %dma_start3A = arith.constant 0 : i32
      %dma_start3A_22 = arith.constant 0 : i32
      %dma_start3A_23 = tpu.memref_slice %arg6[%dma_start3A, %dma_start3A_22] : memref<40x128xi32, #tpu.memory_space<vmem>> -> memref<1x128xi32, #tpu.memory_space<vmem>>
      %dma_start3A_24 = tpu.memref_squeeze %dma_start3A_23 : memref<1x128xi32, #tpu.memory_space<vmem>> -> memref<128xi32, #tpu.memory_space<vmem>>
      %dma_start3A_25 = arith.constant 0 : i32
      %dma_start3A_26 = arith.constant 0 : i32
      %dma_start3A_27 = tpu.memref_slice %arg2[%dma_start3A_25, %dma_start3A_26] : memref<10000x128xf32, #tpu.memory_space<hbm>> -> memref<10000x128xf32, #tpu.memory_space<hbm>>
      tpu.enqueue_indirect_dma source(%dma_start3A_27 : memref<10000x128xf32, #tpu.memory_space<hbm>>) target(%arg8 : memref<128x128xf32, #tpu.memory_space<vmem>>) offsets(%dma_start3A_24 : memref<128xi32, #tpu.memory_space<vmem>>) semaphore(%arg11 : memref<!tpu.dma_semaphore, #tpu.memory_space<semaphore_mem>>)
      %scan3A_28 = arith.constant 0 : i32
      %scan3A_29 = arith.constant 9 : i32
      %scan3A_30 = arith.addi %scan3A_28, %scan3A_29 : i32
      %scan3A_31 = arith.constant 1 : i32
      scf.for %scan3A_54 = %scan3A_28 to %scan3A_30 step %scan3A_31  : i32 {
        %mul3A_55 = arith.constant 2 : i32
        %mul3A_56 = arith.muli %scan3A_54, %mul3A_55 : i32
        %add3A_57 = arith.constant 0 : i32
        %add3A_58 = arith.addi %add3A_57, %mul3A_56 : i32
        %add3A_59 = arith.constant 1 : i32
        %add3A_60 = arith.addi %add3A_58, %add3A_59 : i32
        %dma_start3A_61 = arith.constant 0 : i32
        %dma_start3A_62 = tpu.memref_slice %arg6[%add3A_60, %dma_start3A_61] : memref<40x128xi32, #tpu.memory_space<vmem>> -> memref<1x128xi32, #tpu.memory_space<vmem>>
        %dma_start3A_63 = tpu.memref_squeeze %dma_start3A_62 : memref<1x128xi32, #tpu.memory_space<vmem>> -> memref<128xi32, #tpu.memory_space<vmem>>
        %dma_start3A_64 = arith.constant 0 : i32
        %dma_start3A_65 = arith.constant 0 : i32
        %dma_start3A_66 = tpu.memref_slice %arg2[%dma_start3A_64, %dma_start3A_65] : memref<10000x128xf32, #tpu.memory_space<hbm>> -> memref<10000x128xf32, #tpu.memory_space<hbm>>
        tpu.enqueue_indirect_dma source(%dma_start3A_66 : memref<10000x128xf32, #tpu.memory_space<hbm>>) target(%arg9 : memref<128x128xf32, #tpu.memory_space<vmem>>) offsets(%dma_start3A_63 : memref<128xi32, #tpu.memory_space<vmem>>) semaphore(%arg12 : memref<!tpu.dma_semaphore, #tpu.memory_space<semaphore_mem>>)
        %dma_wait3A_67 = arith.constant 0 : i32
        %dma_wait3A_68 = tpu.memref_slice %arg6[%add3A_58, %dma_wait3A_67] : memref<40x128xi32, #tpu.memory_space<vmem>> -> memref<1x128xi32, #tpu.memory_space<vmem>>
        %dma_wait3A_69 = tpu.memref_squeeze %dma_wait3A_68 : memref<1x128xi32, #tpu.memory_space<vmem>> -> memref<128xi32, #tpu.memory_space<vmem>>
        %dma_wait3A_70 = arith.constant 0 : i32
        %dma_wait3A_71 = arith.constant 0 : i32
        %dma_wait3A_72 = tpu.memref_slice %arg2[%dma_wait3A_70, %dma_wait3A_71] : memref<10000x128xf32, #tpu.memory_space<hbm>> -> memref<10000x128xf32, #tpu.memory_space<hbm>>
        tpu.wait_indirect_dma semaphore(%arg11 : memref<!tpu.dma_semaphore, #tpu.memory_space<semaphore_mem>>) src(%dma_wait3A_72 : memref<10000x128xf32, #tpu.memory_space<hbm>>) dst(%arg8 : memref<128x128xf32, #tpu.memory_space<vmem>>)
        "tpu.region"() ({
          %run_scoped3A_91 = tpu.sem_alloc : memref<!tpu.dma_semaphore, #tpu.memory_space<semaphore_mem>>
          %dma_start3A_92 = arith.constant 0 : i32
          %dma_start3A_93 = tpu.memref_slice %arg7[%add3A_58, %dma_start3A_92] : memref<40x128xi32, #tpu.memory_space<vmem>> -> memref<1x128xi32, #tpu.memory_space<vmem>>
          %dma_start3A_94 = tpu.memref_squeeze %dma_start3A_93 : memref<1x128xi32, #tpu.memory_space<vmem>> -> memref<128xi32, #tpu.memory_space<vmem>>
          %dma_start3A_95 = arith.constant 0 : i32
          %dma_start3A_96 = arith.constant 0 : i32
          %dma_start3A_97 = tpu.memref_slice %arg10[%dma_start3A_95, %dma_start3A_96] : memref<10240x128xf32, #tpu.memory_space<vmem_shared>> -> memref<10240x128xf32, #tpu.memory_space<vmem_shared>>
          tpu.enqueue_indirect_dma source(%arg8 : memref<128x128xf32, #tpu.memory_space<vmem>>) target(%dma_start3A_97 : memref<10240x128xf32, #tpu.memory_space<vmem_shared>>) offsets(%dma_start3A_94 : memref<128xi32, #tpu.memory_space<vmem>>) semaphore(%run_scoped3A_91 : memref<!tpu.dma_semaphore, #tpu.memory_space<semaphore_mem>>) {add = true}
          %dma_wait3A_98 = arith.constant 0 : i32
          %dma_wait3A_99 = tpu.memref_slice %arg7[%add3A_58, %dma_wait3A_98] : memref<40x128xi32, #tpu.memory_space<vmem>> -> memref<1x128xi32, #tpu.memory_space<vmem>>
          %dma_wait3A_100 = tpu.memref_squeeze %dma_wait3A_99 : memref<1x128xi32, #tpu.memory_space<vmem>> -> memref<128xi32, #tpu.memory_space<vmem>>
          %dma_wait3A_101 = arith.constant 0 : i32
          %dma_wait3A_102 = arith.constant 0 : i32
          %dma_wait3A_103 = tpu.memref_slice %arg10[%dma_wait3A_101, %dma_wait3A_102] : memref<10240x128xf32, #tpu.memory_space<vmem_shared>> -> memref<10240x128xf32, #tpu.memory_space<vmem_shared>>
          tpu.wait_indirect_dma semaphore(%run_scoped3A_91 : memref<!tpu.dma_semaphore, #tpu.memory_space<semaphore_mem>>) src(%arg8 : memref<128x128xf32, #tpu.memory_space<vmem>>) dst(%dma_wait3A_103 : memref<10240x128xf32, #tpu.memory_space<vmem_shared>>)
          tpu.yield
        }) : () -> ()
        %add3A_73 = arith.constant 2 : i32
        %add3A_74 = arith.addi %add3A_58, %add3A_73 : i32
        %dma_start3A_75 = arith.constant 0 : i32
        %dma_start3A_76 = tpu.memref_slice %arg6[%add3A_74, %dma_start3A_75] : memref<40x128xi32, #tpu.memory_space<vmem>> -> memref<1x128xi32, #tpu.memory_space<vmem>>
        %dma_start3A_77 = tpu.memref_squeeze %dma_start3A_76 : memref<1x128xi32, #tpu.memory_space<vmem>> -> memref<128xi32, #tpu.memory_space<vmem>>
        %dma_start3A_78 = arith.constant 0 : i32
        %dma_start3A_79 = arith.constant 0 : i32
        %dma_start3A_80 = tpu.memref_slice %arg2[%dma_start3A_78, %dma_start3A_79] : memref<10000x128xf32, #tpu.memory_space<hbm>> -> memref<10000x128xf32, #tpu.memory_space<hbm>>
        tpu.enqueue_indirect_dma source(%dma_start3A_80 : memref<10000x128xf32, #tpu.memory_space<hbm>>) target(%arg8 : memref<128x128xf32, #tpu.memory_space<vmem>>) offsets(%dma_start3A_77 : memref<128xi32, #tpu.memory_space<vmem>>) semaphore(%arg11 : memref<!tpu.dma_semaphore, #tpu.memory_space<semaphore_mem>>)
        %add3A_81 = arith.constant 1 : i32
        %add3A_82 = arith.addi %add3A_58, %add3A_81 : i32
        %dma_wait3A_83 = arith.constant 0 : i32
        %dma_wait3A_84 = tpu.memref_slice %arg6[%add3A_82, %dma_wait3A_83] : memref<40x128xi32, #tpu.memory_space<vmem>> -> memref<1x128xi32, #tpu.memory_space<vmem>>
        %dma_wait3A_85 = tpu.memref_squeeze %dma_wait3A_84 : memref<1x128xi32, #tpu.memory_space<vmem>> -> memref<128xi32, #tpu.memory_space<vmem>>
        %dma_wait3A_86 = arith.constant 0 : i32
        %dma_wait3A_87 = arith.constant 0 : i32
        %dma_wait3A_88 = tpu.memref_slice %arg2[%dma_wait3A_86, %dma_wait3A_87] : memref<10000x128xf32, #tpu.memory_space<hbm>> -> memref<10000x128xf32, #tpu.memory_space<hbm>>
        tpu.wait_indirect_dma semaphore(%arg12 : memref<!tpu.dma_semaphore, #tpu.memory_space<semaphore_mem>>) src(%dma_wait3A_88 : memref<10000x128xf32, #tpu.memory_space<hbm>>) dst(%arg9 : memref<128x128xf32, #tpu.memory_space<vmem>>)
        %add3A_89 = arith.constant 1 : i32
        %add3A_90 = arith.addi %add3A_58, %add3A_89 : i32
        "tpu.region"() ({
          %run_scoped3A_91 = tpu.sem_alloc : memref<!tpu.dma_semaphore, #tpu.memory_space<semaphore_mem>>
          %dma_start3A_92 = arith.constant 0 : i32
          %dma_start3A_93 = tpu.memref_slice %arg7[%add3A_90, %dma_start3A_92] : memref<40x128xi32, #tpu.memory_space<vmem>> -> memref<1x128xi32, #tpu.memory_space<vmem>>
          %dma_start3A_94 = tpu.memref_squeeze %dma_start3A_93 : memref<1x128xi32, #tpu.memory_space<vmem>> -> memref<128xi32, #tpu.memory_space<vmem>>
          %dma_start3A_95 = arith.constant 0 : i32
          %dma_start3A_96 = arith.constant 0 : i32
          %dma_start3A_97 = tpu.memref_slice %arg10[%dma_start3A_95, %dma_start3A_96] : memref<10240x128xf32, #tpu.memory_space<vmem_shared>> -> memref<10240x128xf32, #tpu.memory_space<vmem_shared>>
          tpu.enqueue_indirect_dma source(%arg9 : memref<128x128xf32, #tpu.memory_space<vmem>>) target(%dma_start3A_97 : memref<10240x128xf32, #tpu.memory_space<vmem_shared>>) offsets(%dma_start3A_94 : memref<128xi32, #tpu.memory_space<vmem>>) semaphore(%run_scoped3A_91 : memref<!tpu.dma_semaphore, #tpu.memory_space<semaphore_mem>>) {add = true}
          %dma_wait3A_98 = arith.constant 0 : i32
          %dma_wait3A_99 = tpu.memref_slice %arg7[%add3A_90, %dma_wait3A_98] : memref<40x128xi32, #tpu.memory_space<vmem>> -> memref<1x128xi32, #tpu.memory_space<vmem>>
          %dma_wait3A_100 = tpu.memref_squeeze %dma_wait3A_99 : memref<1x128xi32, #tpu.memory_space<vmem>> -> memref<128xi32, #tpu.memory_space<vmem>>
          %dma_wait3A_101 = arith.constant 0 : i32
          %dma_wait3A_102 = arith.constant 0 : i32
          %dma_wait3A_103 = tpu.memref_slice %arg10[%dma_wait3A_101, %dma_wait3A_102] : memref<10240x128xf32, #tpu.memory_space<vmem_shared>> -> memref<10240x128xf32, #tpu.memory_space<vmem_shared>>
          tpu.wait_indirect_dma semaphore(%run_scoped3A_91 : memref<!tpu.dma_semaphore, #tpu.memory_space<semaphore_mem>>) src(%arg9 : memref<128x128xf32, #tpu.memory_space<vmem>>) dst(%dma_wait3A_103 : memref<10240x128xf32, #tpu.memory_space<vmem_shared>>)
          tpu.yield
        }) : () -> ()
      }
      %scan3A_32 = arith.constant 9 : i32
      %dma_start3A_33 = arith.constant 19 : i32
      %dma_start3A_34 = arith.constant 0 : i32
      %dma_start3A_35 = tpu.memref_slice %arg6[%dma_start3A_33, %dma_start3A_34] : memref<40x128xi32, #tpu.memory_space<vmem>> -> memref<1x128xi32, #tpu.memory_space<vmem>>
      %dma_start3A_36 = tpu.memref_squeeze %dma_start3A_35 : memref<1x128xi32, #tpu.memory_space<vmem>> -> memref<128xi32, #tpu.memory_space<vmem>>
      %dma_start3A_37 = arith.constant 0 : i32
      %dma_start3A_38 = arith.constant 0 : i32
      %dma_start3A_39 = tpu.memref_slice %arg2[%dma_start3A_37, %dma_start3A_38] : memref<10000x128xf32, #tpu.memory_space<hbm>> -> memref<10000x128xf32, #tpu.memory_space<hbm>>
      tpu.enqueue_indirect_dma source(%dma_start3A_39 : memref<10000x128xf32, #tpu.memory_space<hbm>>) target(%arg9 : memref<128x128xf32, #tpu.memory_space<vmem>>) offsets(%dma_start3A_36 : memref<128xi32, #tpu.memory_space<vmem>>) semaphore(%arg12 : memref<!tpu.dma_semaphore, #tpu.memory_space<semaphore_mem>>)
      %dma_wait3A = arith.constant 18 : i32
      %dma_wait3A_40 = arith.constant 0 : i32
      %dma_wait3A_41 = tpu.memref_slice %arg6[%dma_wait3A, %dma_wait3A_40] : memref<40x128xi32, #tpu.memory_space<vmem>> -> memref<1x128xi32, #tpu.memory_space<vmem>>
      %dma_wait3A_42 = tpu.memref_squeeze %dma_wait3A_41 : memref<1x128xi32, #tpu.memory_space<vmem>> -> memref<128xi32, #tpu.memory_space<vmem>>
      %dma_wait3A_43 = arith.constant 0 : i32
      %dma_wait3A_44 = arith.constant 0 : i32
      %dma_wait3A_45 = tpu.memref_slice %arg2[%dma_wait3A_43, %dma_wait3A_44] : memref<10000x128xf32, #tpu.memory_space<hbm>> -> memref<10000x128xf32, #tpu.memory_space<hbm>>
      tpu.wait_indirect_dma semaphore(%arg11 : memref<!tpu.dma_semaphore, #tpu.memory_space<semaphore_mem>>) src(%dma_wait3A_45 : memref<10000x128xf32, #tpu.memory_space<hbm>>) dst(%arg8 : memref<128x128xf32, #tpu.memory_space<vmem>>)
      %run_scoped3A = arith.constant 18 : i32
      "tpu.region"() ({
        %run_scoped3A_54 = tpu.sem_alloc : memref<!tpu.dma_semaphore, #tpu.memory_space<semaphore_mem>>
        %dma_start3A_55 = arith.constant 0 : i32
        %dma_start3A_56 = tpu.memref_slice %arg7[%run_scoped3A, %dma_start3A_55] : memref<40x128xi32, #tpu.memory_space<vmem>> -> memref<1x128xi32, #tpu.memory_space<vmem>>
        %dma_start3A_57 = tpu.memref_squeeze %dma_start3A_56 : memref<1x128xi32, #tpu.memory_space<vmem>> -> memref<128xi32, #tpu.memory_space<vmem>>
        %dma_start3A_58 = arith.constant 0 : i32
        %dma_start3A_59 = arith.constant 0 : i32
        %dma_start3A_60 = tpu.memref_slice %arg10[%dma_start3A_58, %dma_start3A_59] : memref<10240x128xf32, #tpu.memory_space<vmem_shared>> -> memref<10240x128xf32, #tpu.memory_space<vmem_shared>>
        tpu.enqueue_indirect_dma source(%arg8 : memref<128x128xf32, #tpu.memory_space<vmem>>) target(%dma_start3A_60 : memref<10240x128xf32, #tpu.memory_space<vmem_shared>>) offsets(%dma_start3A_57 : memref<128xi32, #tpu.memory_space<vmem>>) semaphore(%run_scoped3A_54 : memref<!tpu.dma_semaphore, #tpu.memory_space<semaphore_mem>>) {add = true}
        %dma_wait3A_61 = arith.constant 0 : i32
        %dma_wait3A_62 = tpu.memref_slice %arg7[%run_scoped3A, %dma_wait3A_61] : memref<40x128xi32, #tpu.memory_space<vmem>> -> memref<1x128xi32, #tpu.memory_space<vmem>>
        %dma_wait3A_63 = tpu.memref_squeeze %dma_wait3A_62 : memref<1x128xi32, #tpu.memory_space<vmem>> -> memref<128xi32, #tpu.memory_space<vmem>>
        %dma_wait3A_64 = arith.constant 0 : i32
        %dma_wait3A_65 = arith.constant 0 : i32
        %dma_wait3A_66 = tpu.memref_slice %arg10[%dma_wait3A_64, %dma_wait3A_65] : memref<10240x128xf32, #tpu.memory_space<vmem_shared>> -> memref<10240x128xf32, #tpu.memory_space<vmem_shared>>
        tpu.wait_indirect_dma semaphore(%run_scoped3A_54 : memref<!tpu.dma_semaphore, #tpu.memory_space<semaphore_mem>>) src(%arg8 : memref<128x128xf32, #tpu.memory_space<vmem>>) dst(%dma_wait3A_66 : memref<10240x128xf32, #tpu.memory_space<vmem_shared>>)
        tpu.yield
      }) : () -> ()
      %dma_wait3A_46 = arith.constant 19 : i32
      %dma_wait3A_47 = arith.constant 0 : i32
      %dma_wait3A_48 = tpu.memref_slice %arg6[%dma_wait3A_46, %dma_wait3A_47] : memref<40x128xi32, #tpu.memory_space<vmem>> -> memref<1x128xi32, #tpu.memory_space<vmem>>
      %dma_wait3A_49 = tpu.memref_squeeze %dma_wait3A_48 : memref<1x128xi32, #tpu.memory_space<vmem>> -> memref<128xi32, #tpu.memory_space<vmem>>
      %dma_wait3A_50 = arith.constant 0 : i32
      %dma_wait3A_51 = arith.constant 0 : i32
      %dma_wait3A_52 = tpu.memref_slice %arg2[%dma_wait3A_50, %dma_wait3A_51] : memref<10000x128xf32, #tpu.memory_space<hbm>> -> memref<10000x128xf32, #tpu.memory_space<hbm>>
      tpu.wait_indirect_dma semaphore(%arg12 : memref<!tpu.dma_semaphore, #tpu.memory_space<semaphore_mem>>) src(%dma_wait3A_52 : memref<10000x128xf32, #tpu.memory_space<hbm>>) dst(%arg9 : memref<128x128xf32, #tpu.memory_space<vmem>>)
      %run_scoped3A_53 = arith.constant 19 : i32
      "tpu.region"() ({
        %run_scoped3A_54 = tpu.sem_alloc : memref<!tpu.dma_semaphore, #tpu.memory_space<semaphore_mem>>
        %dma_start3A_55 = arith.constant 0 : i32
        %dma_start3A_56 = tpu.memref_slice %arg7[%run_scoped3A_53, %dma_start3A_55] : memref<40x128xi32, #tpu.memory_space<vmem>> -> memref<1x128xi32, #tpu.memory_space<vmem>>
        %dma_start3A_57 = tpu.memref_squeeze %dma_start3A_56 : memref<1x128xi32, #tpu.memory_space<vmem>> -> memref<128xi32, #tpu.memory_space<vmem>>
        %dma_start3A_58 = arith.constant 0 : i32
        %dma_start3A_59 = arith.constant 0 : i32
        %dma_start3A_60 = tpu.memref_slice %arg10[%dma_start3A_58, %dma_start3A_59] : memref<10240x128xf32, #tpu.memory_space<vmem_shared>> -> memref<10240x128xf32, #tpu.memory_space<vmem_shared>>
        tpu.enqueue_indirect_dma source(%arg9 : memref<128x128xf32, #tpu.memory_space<vmem>>) target(%dma_start3A_60 : memref<10240x128xf32, #tpu.memory_space<vmem_shared>>) offsets(%dma_start3A_57 : memref<128xi32, #tpu.memory_space<vmem>>) semaphore(%run_scoped3A_54 : memref<!tpu.dma_semaphore, #tpu.memory_space<semaphore_mem>>) {add = true}
        %dma_wait3A_61 = arith.constant 0 : i32
        %dma_wait3A_62 = tpu.memref_slice %arg7[%run_scoped3A_53, %dma_wait3A_61] : memref<40x128xi32, #tpu.memory_space<vmem>> -> memref<1x128xi32, #tpu.memory_space<vmem>>
        %dma_wait3A_63 = tpu.memref_squeeze %dma_wait3A_62 : memref<1x128xi32, #tpu.memory_space<vmem>> -> memref<128xi32, #tpu.memory_space<vmem>>
        %dma_wait3A_64 = arith.constant 0 : i32
        %dma_wait3A_65 = arith.constant 0 : i32
        %dma_wait3A_66 = tpu.memref_slice %arg10[%dma_wait3A_64, %dma_wait3A_65] : memref<10240x128xf32, #tpu.memory_space<vmem_shared>> -> memref<10240x128xf32, #tpu.memory_space<vmem_shared>>
        tpu.wait_indirect_dma semaphore(%run_scoped3A_54 : memref<!tpu.dma_semaphore, #tpu.memory_space<semaphore_mem>>) src(%arg9 : memref<128x128xf32, #tpu.memory_space<vmem>>) dst(%dma_wait3A_66 : memref<10240x128xf32, #tpu.memory_space<vmem_shared>>)
        tpu.yield
      }) : () -> ()
    } else {
    }
    %barrier3A_16 = arith.constant 0 : index
    tpu.barrier barrier_id(%barrier3A_16)
    "tpu.trace_stop"() : () -> ()
    "tpu.trace_start"() <{level = 10 : i32, message = "agg_out"}> : () -> ()
    %scan3A_17 = arith.constant 0 : i32
    %scan3A_18 = arith.constant 5 : i32
    %scan3A_19 = arith.addi %scan3A_17, %scan3A_18 : i32
    %scan3A_20 = arith.constant 1 : i32
    scf.for %scan3A_22 = %scan3A_17 to %scan3A_19 step %scan3A_20  : i32 {
      %mul3A_23 = arith.constant 128 : i32
      %mul3A_24 = arith.muli %scan3A_22, %mul3A_23 : i32
      %add3A_25 = arith.constant 0 : i32
      %add3A_26 = arith.addi %add3A_25, %mul3A_24 : i32
      %mul3A_27 = arith.constant 640 : i32
      %mul3A_28 = arith.muli %arg1, %mul3A_27 : i32
      %add3A_29 = arith.addi %mul3A_28, %add3A_26 : i32
      "tpu.region"() ({
        %run_scoped3A = tpu.sem_alloc : memref<!tpu.dma_semaphore, #tpu.memory_space<semaphore_mem>>
        %dma_start3A = arith.constant 0 : i32
        %dma_start3A_30 = tpu.memref_slice %arg5[%arg0, %add3A_29, %dma_start3A] : memref<2x10240x128xf32, #tpu.memory_space<hbm>> -> memref<1x128x128xf32, #tpu.memory_space<hbm>>
        %dma_start3A_31 = tpu.memref_squeeze %dma_start3A_30 : memref<1x128x128xf32, #tpu.memory_space<hbm>> -> memref<128x128xf32, #tpu.memory_space<hbm>>
        %dma_start3A_32 = arith.constant 0 : i32
        %dma_start3A_33 = tpu.memref_slice %arg10[%add3A_29, %dma_start3A_32] : memref<10240x128xf32, #tpu.memory_space<vmem_shared>> -> memref<128x128xf32, #tpu.memory_space<vmem_shared>>
        tpu.enqueue_dma source(%dma_start3A_33 : memref<128x128xf32, #tpu.memory_space<vmem_shared>>) target(%dma_start3A_31 : memref<128x128xf32, #tpu.memory_space<hbm>>) target_semaphore(%run_scoped3A : memref<!tpu.dma_semaphore, #tpu.memory_space<semaphore_mem>>)
        %dma_wait3A = arith.constant 0 : i32
        %dma_wait3A_34 = tpu.memref_slice %arg5[%arg0, %add3A_29, %dma_wait3A] : memref<2x10240x128xf32, #tpu.memory_space<hbm>> -> memref<1x128x128xf32, #tpu.memory_space<hbm>>
        %dma_wait3A_35 = tpu.memref_squeeze %dma_wait3A_34 : memref<1x128x128xf32, #tpu.memory_space<hbm>> -> memref<128x128xf32, #tpu.memory_space<hbm>>
        %dma_wait3A_36 = arith.constant 0 : i32
        %dma_wait3A_37 = tpu.memref_slice %arg10[%add3A_29, %dma_wait3A_36] : memref<10240x128xf32, #tpu.memory_space<vmem_shared>> -> memref<128x128xf32, #tpu.memory_space<vmem_shared>>
        tpu.wait_dma2 semaphore(%run_scoped3A : memref<!tpu.dma_semaphore, #tpu.memory_space<semaphore_mem>>) src(%dma_wait3A_37 : memref<128x128xf32, #tpu.memory_space<vmem_shared>>) dst(%dma_wait3A_35 : memref<128x128xf32, #tpu.memory_space<hbm>>)
        tpu.yield
      }) : () -> ()
    }
    %scan3A_21 = arith.constant 5 : i32
    "tpu.trace_stop"() : () -> ()
    return
  }
}

module attributes {stable_mosaic.version = 14 : i64} {
  func.func @_mlp_body(%arg0: i32, %arg1: memref<2x2000x128xf32, #tpu.memory_space<vmem>>, %arg2: memref<2000x128xf32, #tpu.memory_space<vmem>>, %arg3: memref<1x128xf32, #tpu.memory_space<vmem>>, %arg4: memref<128x128xf32, #tpu.memory_space<vmem>>, %arg5: memref<1x128xf32, #tpu.memory_space<vmem>>, %arg6: memref<128x128xf32, #tpu.memory_space<vmem>>, %arg7: memref<1x128xf32, #tpu.memory_space<vmem>>, %arg8: memref<1x128xf32, #tpu.memory_space<vmem>>, %arg9: memref<1x128xf32, #tpu.memory_space<vmem>>, %arg10: memref<2000x128xf32, #tpu.memory_space<vmem>>) attributes {dimension_semantics = [#tpu.dimension_semantics<arbitrary>], iteration_bounds = array<i64: 5>, scalar_prefetch = 0 : i64, scratch_operands = 0 : i64, tpu.core_type = #tpu.core_type<tc>, window_params = [{transform_indices = @transform_0, window_bounds = array<i64: 2, 2000, 128>}, {transform_indices = @transform_1, window_bounds = array<i64: 2000, 128>}, {pipeline_mode = #tpu.pipeline_mode<synchronous>, transform_indices = @transform_2, window_bounds = array<i64: 1, 128>}, {pipeline_mode = #tpu.pipeline_mode<synchronous>, transform_indices = @transform_3, window_bounds = array<i64: 128, 128>}, {pipeline_mode = #tpu.pipeline_mode<synchronous>, transform_indices = @transform_4, window_bounds = array<i64: 1, 128>}, {pipeline_mode = #tpu.pipeline_mode<synchronous>, transform_indices = @transform_5, window_bounds = array<i64: 128, 128>}, {pipeline_mode = #tpu.pipeline_mode<synchronous>, transform_indices = @transform_6, window_bounds = array<i64: 1, 128>}, {pipeline_mode = #tpu.pipeline_mode<synchronous>, transform_indices = @transform_7, window_bounds = array<i64: 1, 128>}, {pipeline_mode = #tpu.pipeline_mode<synchronous>, transform_indices = @transform_8, window_bounds = array<i64: 1, 128>}, {transform_indices = @transform_9, window_bounds = array<i64: 2000, 128>}]} {
    %get3A = arith.constant 0 : index
    %get3A_0 = arith.constant 0 : index
    %get3A_1 = arith.constant 0 : index
    %get3A_2 = vector.load %arg1[%get3A, %get3A_0, %get3A_1] : memref<2x2000x128xf32, #tpu.memory_space<vmem>>, vector<1x2000x128xf32>
    %get3A_3 = vector.shape_cast %get3A_2 : vector<1x2000x128xf32> to vector<2000x128xf32>
    %get3A_4 = arith.constant 1 : index
    %get3A_5 = arith.constant 0 : index
    %get3A_6 = arith.constant 0 : index
    %get3A_7 = vector.load %arg1[%get3A_4, %get3A_5, %get3A_6] : memref<2x2000x128xf32, #tpu.memory_space<vmem>>, vector<1x2000x128xf32>
    %get3A_8 = vector.shape_cast %get3A_7 : vector<1x2000x128xf32> to vector<2000x128xf32>
    %add3A = arith.addf %get3A_3, %get3A_8 : vector<2000x128xf32>
    %get3A_9 = arith.constant 0 : index
    %get3A_10 = arith.constant 0 : index
    %get3A_11 = vector.load %arg3[%get3A_9, %get3A_10] : memref<1x128xf32, #tpu.memory_space<vmem>>, vector<1x128xf32>
    %get3A_12 = arith.constant 0 : index
    %get3A_13 = arith.constant 0 : index
    %get3A_14 = vector.load %arg2[%get3A_12, %get3A_13] : memref<2000x128xf32, #tpu.memory_space<vmem>>, vector<2000x128xf32>
    %mul3A = vector.broadcast %get3A_11 : vector<1x128xf32> to vector<2000x128xf32>
    %mul3A_15 = arith.mulf %mul3A, %get3A_14 : vector<2000x128xf32>
    %add3A_16 = arith.addf %add3A, %mul3A_15 : vector<2000x128xf32>
    %get3A_17 = arith.constant 0 : index
    %get3A_18 = arith.constant 0 : index
    %get3A_19 = vector.load %arg4[%get3A_17, %get3A_18] : memref<128x128xf32, #tpu.memory_space<vmem>>, vector<128x128xf32>
    %dot_general3A = arith.constant dense<0.000000e+00> : vector<2000x128xf32>
    %dot_general3A_20 = tpu.matmul %add3A_16, %get3A_19, %dot_general3A {dimension_numbers = #tpu.dot_dimension_numbers<[1], [0], [0], [1], [0, 0, 1, 1], [], []>, transpose_lhs_hint = false} : vector<2000x128xf32>, vector<128x128xf32>, vector<2000x128xf32> -> vector<2000x128xf32>
    %get3A_21 = arith.constant 0 : index
    %get3A_22 = arith.constant 0 : index
    %get3A_23 = vector.load %arg5[%get3A_21, %get3A_22] : memref<1x128xf32, #tpu.memory_space<vmem>>, vector<1x128xf32>
    %add3A_24 = vector.broadcast %get3A_23 : vector<1x128xf32> to vector<2000x128xf32>
    %add3A_25 = arith.addf %dot_general3A_20, %add3A_24 : vector<2000x128xf32>
    %max3A = arith.constant 0.000000e+00 : f32
    %max3A_26 = vector.broadcast %max3A : f32 to vector<2000x128xf32>
    %max3A_27 = arith.maximumf %add3A_25, %max3A_26 : vector<2000x128xf32>
    %get3A_28 = arith.constant 0 : index
    %get3A_29 = arith.constant 0 : index
    %get3A_30 = vector.load %arg6[%get3A_28, %get3A_29] : memref<128x128xf32, #tpu.memory_space<vmem>>, vector<128x128xf32>
    %dot_general3A_31 = arith.constant dense<0.000000e+00> : vector<2000x128xf32>
    %dot_general3A_32 = tpu.matmul %max3A_27, %get3A_30, %dot_general3A_31 {dimension_numbers = #tpu.dot_dimension_numbers<[1], [0], [0], [1], [0, 0, 1, 1], [], []>, transpose_lhs_hint = false} : vector<2000x128xf32>, vector<128x128xf32>, vector<2000x128xf32> -> vector<2000x128xf32>
    %get3A_33 = arith.constant 0 : index
    %get3A_34 = arith.constant 0 : index
    %get3A_35 = vector.load %arg7[%get3A_33, %get3A_34] : memref<1x128xf32, #tpu.memory_space<vmem>>, vector<1x128xf32>
    %add3A_36 = vector.broadcast %get3A_35 : vector<1x128xf32> to vector<2000x128xf32>
    %add3A_37 = arith.addf %dot_general3A_32, %add3A_36 : vector<2000x128xf32>
    %max3A_38 = arith.constant 0.000000e+00 : f32
    %max3A_39 = vector.broadcast %max3A_38 : f32 to vector<2000x128xf32>
    %max3A_40 = arith.maximumf %add3A_37, %max3A_39 : vector<2000x128xf32>
    %get3A_41 = arith.constant 0 : index
    %get3A_42 = arith.constant 0 : index
    %get3A_43 = vector.load %arg8[%get3A_41, %get3A_42] : memref<1x128xf32, #tpu.memory_space<vmem>>, vector<1x128xf32>
    %mul3A_44 = vector.broadcast %get3A_43 : vector<1x128xf32> to vector<2000x128xf32>
    %mul3A_45 = arith.mulf %max3A_40, %mul3A_44 : vector<2000x128xf32>
    %get3A_46 = arith.constant 0 : index
    %get3A_47 = arith.constant 0 : index
    %get3A_48 = vector.load %arg9[%get3A_46, %get3A_47] : memref<1x128xf32, #tpu.memory_space<vmem>>, vector<1x128xf32>
    %add3A_49 = vector.broadcast %get3A_48 : vector<1x128xf32> to vector<2000x128xf32>
    %add3A_50 = arith.addf %mul3A_45, %add3A_49 : vector<2000x128xf32>
    %swap3A = arith.constant 0 : index
    %swap3A_51 = arith.constant 0 : index
    %swap3A_52 = vector.load %arg10[%swap3A, %swap3A_51] : memref<2000x128xf32, #tpu.memory_space<vmem>>, vector<2000x128xf32>
    tpu.vector_store %arg10[%swap3A, %swap3A_51], %add3A_50 {strides = array<i32>} : memref<2000x128xf32, #tpu.memory_space<vmem>>, vector<2000x128xf32>,
    return
  }
  func.func @transform_0(%arg0: i32) -> (i32, i32, i32) {
    %c0_i32 = arith.constant 0 : i32
    %c0_i32_0 = arith.constant 0 : i32
    %c0_i32_1 = arith.constant 0 : i32
    return %c0_i32, %arg0, %c0_i32_0 : i32, i32, i32
  }
  func.func @transform_1(%arg0: i32) -> (i32, i32) {
    %c0_i32 = arith.constant 0 : i32
    %c0_i32_0 = arith.constant 0 : i32
    return %arg0, %c0_i32 : i32, i32
  }
  func.func @transform_2(%arg0: i32) -> (i32, i32) {
    %c0_i32 = arith.constant 0 : i32
    %c0_i32_0 = arith.constant 0 : i32
    %c0_i32_1 = arith.constant 0 : i32
    return %c0_i32, %c0_i32_0 : i32, i32
  }
  func.func @transform_3(%arg0: i32) -> (i32, i32) {
    %c0_i32 = arith.constant 0 : i32
    %c0_i32_0 = arith.constant 0 : i32
    %c0_i32_1 = arith.constant 0 : i32
    return %c0_i32, %c0_i32_0 : i32, i32
  }
  func.func @transform_4(%arg0: i32) -> (i32, i32) {
    %c0_i32 = arith.constant 0 : i32
    %c0_i32_0 = arith.constant 0 : i32
    %c0_i32_1 = arith.constant 0 : i32
    return %c0_i32, %c0_i32_0 : i32, i32
  }
  func.func @transform_5(%arg0: i32) -> (i32, i32) {
    %c0_i32 = arith.constant 0 : i32
    %c0_i32_0 = arith.constant 0 : i32
    %c0_i32_1 = arith.constant 0 : i32
    return %c0_i32, %c0_i32_0 : i32, i32
  }
  func.func @transform_6(%arg0: i32) -> (i32, i32) {
    %c0_i32 = arith.constant 0 : i32
    %c0_i32_0 = arith.constant 0 : i32
    %c0_i32_1 = arith.constant 0 : i32
    return %c0_i32, %c0_i32_0 : i32, i32
  }
  func.func @transform_7(%arg0: i32) -> (i32, i32) {
    %c0_i32 = arith.constant 0 : i32
    %c0_i32_0 = arith.constant 0 : i32
    %c0_i32_1 = arith.constant 0 : i32
    return %c0_i32, %c0_i32_0 : i32, i32
  }
  func.func @transform_8(%arg0: i32) -> (i32, i32) {
    %c0_i32 = arith.constant 0 : i32
    %c0_i32_0 = arith.constant 0 : i32
    %c0_i32_1 = arith.constant 0 : i32
    return %c0_i32, %c0_i32_0 : i32, i32
  }
  func.func @transform_9(%arg0: i32) -> (i32, i32) {
    %c0_i32 = arith.constant 0 : i32
    %c0_i32_0 = arith.constant 0 : i32
    return %arg0, %c0_i32 : i32, i32
  }
}

module attributes {stable_mosaic.version = 14 : i64} {
  func.func @_mlp_pool_body(%arg0: i32, %arg1: memref<2x2000x128xf32, #tpu.memory_space<vmem>>, %arg2: memref<2000x128xf32, #tpu.memory_space<vmem>>, %arg3: memref<1x128xf32, #tpu.memory_space<vmem>>, %arg4: memref<128x128xf32, #tpu.memory_space<vmem>>, %arg5: memref<1x128xf32, #tpu.memory_space<vmem>>, %arg6: memref<128x128xf32, #tpu.memory_space<vmem>>, %arg7: memref<1x128xf32, #tpu.memory_space<vmem>>, %arg8: memref<1x128xf32, #tpu.memory_space<vmem>>, %arg9: memref<1x128xf32, #tpu.memory_space<vmem>>, %arg10: memref<2000x1xi32, #tpu.memory_space<vmem>>, %arg11: memref<128x128xf32, #tpu.memory_space<vmem>>, %arg12: memref<1x128xf32, #tpu.memory_space<vmem>>, %arg13: memref<128x10xf32, #tpu.memory_space<vmem>>, %arg14: memref<1x10xf32, #tpu.memory_space<vmem>>, %arg15: memref<2000x128xf32, #tpu.memory_space<vmem>>, %arg16: memref<64x10xf32, #tpu.memory_space<vmem>>, %arg17: memref<64x128xf32, #tpu.memory_space<vmem>>, %arg18: memref<64x128xf32, #tpu.memory_space<vmem>>, %arg19: memref<64x1xf32, #tpu.memory_space<vmem>>) attributes {dimension_semantics = [#tpu.dimension_semantics<arbitrary>], iteration_bounds = array<i64: 5>, scalar_prefetch = 0 : i64, scratch_operands = 2 : i64, tpu.core_type = #tpu.core_type<tc>, window_params = [{transform_indices = @transform_0, window_bounds = array<i64: 2, 2000, 128>}, {transform_indices = @transform_1, window_bounds = array<i64: 2000, 128>}, {pipeline_mode = #tpu.pipeline_mode<synchronous>, transform_indices = @transform_2, window_bounds = array<i64: 1, 128>}, {pipeline_mode = #tpu.pipeline_mode<synchronous>, transform_indices = @transform_3, window_bounds = array<i64: 128, 128>}, {pipeline_mode = #tpu.pipeline_mode<synchronous>, transform_indices = @transform_4, window_bounds = array<i64: 1, 128>}, {pipeline_mode = #tpu.pipeline_mode<synchronous>, transform_indices = @transform_5, window_bounds = array<i64: 128, 128>}, {pipeline_mode = #tpu.pipeline_mode<synchronous>, transform_indices = @transform_6, window_bounds = array<i64: 1, 128>}, {pipeline_mode = #tpu.pipeline_mode<synchronous>, transform_indices = @transform_7, window_bounds = array<i64: 1, 128>}, {pipeline_mode = #tpu.pipeline_mode<synchronous>, transform_indices = @transform_8, window_bounds = array<i64: 1, 128>}, {transform_indices = @transform_9, window_bounds = array<i64: 2000, 1>}, {pipeline_mode = #tpu.pipeline_mode<synchronous>, transform_indices = @transform_10, window_bounds = array<i64: 128, 128>}, {pipeline_mode = #tpu.pipeline_mode<synchronous>, transform_indices = @transform_11, window_bounds = array<i64: 1, 128>}, {pipeline_mode = #tpu.pipeline_mode<synchronous>, transform_indices = @transform_12, window_bounds = array<i64: 128, 10>}, {pipeline_mode = #tpu.pipeline_mode<synchronous>, transform_indices = @transform_13, window_bounds = array<i64: 1, 10>}, {transform_indices = @transform_14, window_bounds = array<i64: 2000, 128>}, {pipeline_mode = #tpu.pipeline_mode<synchronous>, transform_indices = @transform_15, window_bounds = array<i64: 64, 10>}, {pipeline_mode = #tpu.pipeline_mode<synchronous>, transform_indices = @transform_16, window_bounds = array<i64: 64, 128>}]} {
    %get3A = arith.constant 0 : index
    %get3A_0 = arith.constant 0 : index
    %get3A_1 = arith.constant 0 : index
    %get3A_2 = vector.load %arg1[%get3A, %get3A_0, %get3A_1] : memref<2x2000x128xf32, #tpu.memory_space<vmem>>, vector<1x2000x128xf32>
    %get3A_3 = vector.shape_cast %get3A_2 : vector<1x2000x128xf32> to vector<2000x128xf32>
    %get3A_4 = arith.constant 1 : index
    %get3A_5 = arith.constant 0 : index
    %get3A_6 = arith.constant 0 : index
    %get3A_7 = vector.load %arg1[%get3A_4, %get3A_5, %get3A_6] : memref<2x2000x128xf32, #tpu.memory_space<vmem>>, vector<1x2000x128xf32>
    %get3A_8 = vector.shape_cast %get3A_7 : vector<1x2000x128xf32> to vector<2000x128xf32>
    %add3A = arith.addf %get3A_3, %get3A_8 : vector<2000x128xf32>
    %get3A_9 = arith.constant 0 : index
    %get3A_10 = arith.constant 0 : index
    %get3A_11 = vector.load %arg3[%get3A_9, %get3A_10] : memref<1x128xf32, #tpu.memory_space<vmem>>, vector<1x128xf32>
    %get3A_12 = arith.constant 0 : index
    %get3A_13 = arith.constant 0 : index
    %get3A_14 = vector.load %arg2[%get3A_12, %get3A_13] : memref<2000x128xf32, #tpu.memory_space<vmem>>, vector<2000x128xf32>
    %mul3A = vector.broadcast %get3A_11 : vector<1x128xf32> to vector<2000x128xf32>
    %mul3A_15 = arith.mulf %mul3A, %get3A_14 : vector<2000x128xf32>
    %add3A_16 = arith.addf %add3A, %mul3A_15 : vector<2000x128xf32>
    %get3A_17 = arith.constant 0 : index
    %get3A_18 = arith.constant 0 : index
    %get3A_19 = vector.load %arg4[%get3A_17, %get3A_18] : memref<128x128xf32, #tpu.memory_space<vmem>>, vector<128x128xf32>
    %dot_general3A = arith.constant dense<0.000000e+00> : vector<2000x128xf32>
    %dot_general3A_20 = tpu.matmul %add3A_16, %get3A_19, %dot_general3A {dimension_numbers = #tpu.dot_dimension_numbers<[1], [0], [0], [1], [0, 0, 1, 1], [], []>, transpose_lhs_hint = false} : vector<2000x128xf32>, vector<128x128xf32>, vector<2000x128xf32> -> vector<2000x128xf32>
    %get3A_21 = arith.constant 0 : index
    %get3A_22 = arith.constant 0 : index
    %get3A_23 = vector.load %arg5[%get3A_21, %get3A_22] : memref<1x128xf32, #tpu.memory_space<vmem>>, vector<1x128xf32>
    %add3A_24 = vector.broadcast %get3A_23 : vector<1x128xf32> to vector<2000x128xf32>
    %add3A_25 = arith.addf %dot_general3A_20, %add3A_24 : vector<2000x128xf32>
    %max3A = arith.constant 0.000000e+00 : f32
    %max3A_26 = vector.broadcast %max3A : f32 to vector<2000x128xf32>
    %max3A_27 = arith.maximumf %add3A_25, %max3A_26 : vector<2000x128xf32>
    %get3A_28 = arith.constant 0 : index
    %get3A_29 = arith.constant 0 : index
    %get3A_30 = vector.load %arg6[%get3A_28, %get3A_29] : memref<128x128xf32, #tpu.memory_space<vmem>>, vector<128x128xf32>
    %dot_general3A_31 = arith.constant dense<0.000000e+00> : vector<2000x128xf32>
    %dot_general3A_32 = tpu.matmul %max3A_27, %get3A_30, %dot_general3A_31 {dimension_numbers = #tpu.dot_dimension_numbers<[1], [0], [0], [1], [0, 0, 1, 1], [], []>, transpose_lhs_hint = false} : vector<2000x128xf32>, vector<128x128xf32>, vector<2000x128xf32> -> vector<2000x128xf32>
    %get3A_33 = arith.constant 0 : index
    %get3A_34 = arith.constant 0 : index
    %get3A_35 = vector.load %arg7[%get3A_33, %get3A_34] : memref<1x128xf32, #tpu.memory_space<vmem>>, vector<1x128xf32>
    %add3A_36 = vector.broadcast %get3A_35 : vector<1x128xf32> to vector<2000x128xf32>
    %add3A_37 = arith.addf %dot_general3A_32, %add3A_36 : vector<2000x128xf32>
    %max3A_38 = arith.constant 0.000000e+00 : f32
    %max3A_39 = vector.broadcast %max3A_38 : f32 to vector<2000x128xf32>
    %max3A_40 = arith.maximumf %add3A_37, %max3A_39 : vector<2000x128xf32>
    %get3A_41 = arith.constant 0 : index
    %get3A_42 = arith.constant 0 : index
    %get3A_43 = vector.load %arg8[%get3A_41, %get3A_42] : memref<1x128xf32, #tpu.memory_space<vmem>>, vector<1x128xf32>
    %mul3A_44 = vector.broadcast %get3A_43 : vector<1x128xf32> to vector<2000x128xf32>
    %mul3A_45 = arith.mulf %max3A_40, %mul3A_44 : vector<2000x128xf32>
    %get3A_46 = arith.constant 0 : index
    %get3A_47 = arith.constant 0 : index
    %get3A_48 = vector.load %arg9[%get3A_46, %get3A_47] : memref<1x128xf32, #tpu.memory_space<vmem>>, vector<1x128xf32>
    %add3A_49 = vector.broadcast %get3A_48 : vector<1x128xf32> to vector<2000x128xf32>
    %add3A_50 = arith.addf %mul3A_45, %add3A_49 : vector<2000x128xf32>
    %swap3A = arith.constant 0 : index
    %swap3A_51 = arith.constant 0 : index
    %swap3A_52 = vector.load %arg15[%swap3A, %swap3A_51] : memref<2000x128xf32, #tpu.memory_space<vmem>>, vector<2000x128xf32>
    tpu.vector_store %arg15[%swap3A, %swap3A_51], %add3A_50 {strides = array<i32>} : memref<2000x128xf32, #tpu.memory_space<vmem>>, vector<2000x128xf32>,
    %iota3A = tpu.iota {dimensions = array<i32: 1>} : vector<1x64xi32>
    %get3A_53 = arith.constant 0 : index
    %get3A_54 = arith.constant 0 : index
    %get3A_55 = vector.load %arg10[%get3A_53, %get3A_54] : memref<2000x1xi32, #tpu.memory_space<vmem>>, vector<2000x1xi32>
    %eq3A = vector.broadcast %get3A_55 : vector<2000x1xi32> to vector<2000x64xi32>
    %eq3A_56 = vector.broadcast %iota3A : vector<1x64xi32> to vector<2000x64xi32>
    %eq3A_57 = arith.cmpi eq, %eq3A, %eq3A_56 : vector<2000x64xi32>
    %convert_element_type3A = arith.extui %eq3A_57 : vector<2000x64xi1> to vector<2000x64xi32>
    %convert_element_type3A_58 = arith.sitofp %convert_element_type3A : vector<2000x64xi32> to vector<2000x64xf32>
    %dot_general3A_59 = arith.constant dense<0.000000e+00> : vector<64x128xf32>
    %dot_general3A_60 = tpu.matmul %convert_element_type3A_58, %add3A_50, %dot_general3A_59 {dimension_numbers = #tpu.dot_dimension_numbers<[0], [0], [1], [1], [0, 1, 1, 1], [], []>, transpose_lhs_hint = false} : vector<2000x64xf32>, vector<2000x128xf32>, vector<64x128xf32> -> vector<64x128xf32>
    %reduce_sum3A = arith.constant dense<0.000000e+00> : vector<64xf32>
    %reduce_sum3A_61 = vector.multi_reduction <add>, %convert_element_type3A_58, %reduce_sum3A [0] : vector<2000x64xf32> to vector<64xf32>
    %broadcast_in_dim3A = vector.shape_cast %reduce_sum3A_61 : vector<64xf32> to vector<64x1xf32>
    %eq3A_62 = arith.constant 0 : i32
    %eq3A_63 = arith.cmpi eq, %arg0, %eq3A_62 : i32
    %convert_element_type3A_64 = arith.extui %eq3A_63 : i1 to i32
    %cond3A = arith.constant 0 : i32
    %cond3A_65 = arith.cmpi ne, %convert_element_type3A_64, %cond3A : i32
    scf.if %cond3A_65 {
      %swap3A_75 = arith.constant 0 : index
      %swap3A_76 = arith.constant 0 : index
      %swap3A_77 = vector.load %arg18[%swap3A_75, %swap3A_76] : memref<64x128xf32, #tpu.memory_space<vmem>>, vector<64x128xf32>
      tpu.vector_store %arg18[%swap3A_75, %swap3A_76], %dot_general3A_60 {strides = array<i32>} : memref<64x128xf32, #tpu.memory_space<vmem>>, vector<64x128xf32>,
      %swap3A_78 = arith.constant 0 : index
      %swap3A_79 = arith.constant 0 : index
      %swap3A_80 = vector.load %arg19[%swap3A_78, %swap3A_79] : memref<64x1xf32, #tpu.memory_space<vmem>>, vector<64x1xf32>
      tpu.vector_store %arg19[%swap3A_78, %swap3A_79], %broadcast_in_dim3A {strides = array<i32>} : memref<64x1xf32, #tpu.memory_space<vmem>>, vector<64x1xf32>,
    } else {
    }
    %gt3A = arith.constant 0 : i32
    %gt3A_66 = arith.cmpi sgt, %arg0, %gt3A : i32
    %convert_element_type3A_67 = arith.extui %gt3A_66 : i1 to i32
    %cond3A_68 = arith.constant 0 : i32
    %cond3A_69 = arith.cmpi ne, %convert_element_type3A_67, %cond3A_68 : i32
    scf.if %cond3A_69 {
      %get3A_75 = arith.constant 0 : index
      %get3A_76 = arith.constant 0 : index
      %get3A_77 = vector.load %arg18[%get3A_75, %get3A_76] : memref<64x128xf32, #tpu.memory_space<vmem>>, vector<64x128xf32>
      %add3A_78 = arith.addf %get3A_77, %dot_general3A_60 : vector<64x128xf32>
      %swap3A_79 = arith.constant 0 : index
      %swap3A_80 = arith.constant 0 : index
      %swap3A_81 = vector.load %arg18[%swap3A_79, %swap3A_80] : memref<64x128xf32, #tpu.memory_space<vmem>>, vector<64x128xf32>
      tpu.vector_store %arg18[%swap3A_79, %swap3A_80], %add3A_78 {strides = array<i32>} : memref<64x128xf32, #tpu.memory_space<vmem>>, vector<64x128xf32>,
      %get3A_82 = arith.constant 0 : index
      %get3A_83 = arith.constant 0 : index
      %get3A_84 = vector.load %arg19[%get3A_82, %get3A_83] : memref<64x1xf32, #tpu.memory_space<vmem>>, vector<64x1xf32>
      %add3A_85 = arith.addf %get3A_84, %broadcast_in_dim3A : vector<64x1xf32>
      %swap3A_86 = arith.constant 0 : index
      %swap3A_87 = arith.constant 0 : index
      %swap3A_88 = vector.load %arg19[%swap3A_86, %swap3A_87] : memref<64x1xf32, #tpu.memory_space<vmem>>, vector<64x1xf32>
      tpu.vector_store %arg19[%swap3A_86, %swap3A_87], %add3A_85 {strides = array<i32>} : memref<64x1xf32, #tpu.memory_space<vmem>>, vector<64x1xf32>,
    } else {
    }
    %eq3A_70 = arith.constant 4 : i32
    %eq3A_71 = arith.cmpi eq, %arg0, %eq3A_70 : i32
    %convert_element_type3A_72 = arith.extui %eq3A_71 : i1 to i32
    %cond3A_73 = arith.constant 0 : i32
    %cond3A_74 = arith.cmpi ne, %convert_element_type3A_72, %cond3A_73 : i32
    scf.if %cond3A_74 {
      %get3A_75 = arith.constant 0 : index
      %get3A_76 = arith.constant 0 : index
      %get3A_77 = vector.load %arg18[%get3A_75, %get3A_76] : memref<64x128xf32, #tpu.memory_space<vmem>>, vector<64x128xf32>
      %get3A_78 = arith.constant 0 : index
      %get3A_79 = arith.constant 0 : index
      %get3A_80 = vector.load %arg19[%get3A_78, %get3A_79] : memref<64x1xf32, #tpu.memory_space<vmem>>, vector<64x1xf32>
      %max3A_81 = arith.constant 1.000000e+00 : f32
      %max3A_82 = vector.broadcast %max3A_81 : f32 to vector<64x1xf32>
      %max3A_83 = arith.maximumf %get3A_80, %max3A_82 : vector<64x1xf32>
      %div3A = vector.broadcast %max3A_83 : vector<64x1xf32> to vector<64x128xf32>
      %div3A_84 = arith.divf %get3A_77, %div3A : vector<64x128xf32>
      %get3A_85 = arith.constant 0 : index
      %get3A_86 = arith.constant 0 : index
      %get3A_87 = vector.load %arg11[%get3A_85, %get3A_86] : memref<128x128xf32, #tpu.memory_space<vmem>>, vector<128x128xf32>
      %dot_general3A_88 = arith.constant dense<0.000000e+00> : vector<64x128xf32>
      %dot_general3A_89 = tpu.matmul %div3A_84, %get3A_87, %dot_general3A_88 {dimension_numbers = #tpu.dot_dimension_numbers<[1], [0], [0], [1], [0, 0, 1, 1], [], []>, transpose_lhs_hint = false} : vector<64x128xf32>, vector<128x128xf32>, vector<64x128xf32> -> vector<64x128xf32>
      %get3A_90 = arith.constant 0 : index
      %get3A_91 = arith.constant 0 : index
      %get3A_92 = vector.load %arg12[%get3A_90, %get3A_91] : memref<1x128xf32, #tpu.memory_space<vmem>>, vector<1x128xf32>
      %add3A_93 = vector.broadcast %get3A_92 : vector<1x128xf32> to vector<64x128xf32>
      %add3A_94 = arith.addf %dot_general3A_89, %add3A_93 : vector<64x128xf32>
      %max3A_95 = arith.constant 0.000000e+00 : f32
      %max3A_96 = vector.broadcast %max3A_95 : f32 to vector<64x128xf32>
      %max3A_97 = arith.maximumf %add3A_94, %max3A_96 : vector<64x128xf32>
      %get3A_98 = arith.constant 0 : index
      %get3A_99 = arith.constant 0 : index
      %get3A_100 = vector.load %arg13[%get3A_98, %get3A_99] : memref<128x10xf32, #tpu.memory_space<vmem>>, vector<128x10xf32>
      %dot_general3A_101 = arith.constant dense<0.000000e+00> : vector<64x10xf32>
      %dot_general3A_102 = tpu.matmul %max3A_97, %get3A_100, %dot_general3A_101 {dimension_numbers = #tpu.dot_dimension_numbers<[1], [0], [0], [1], [0, 0, 1, 1], [], []>, transpose_lhs_hint = false} : vector<64x128xf32>, vector<128x10xf32>, vector<64x10xf32> -> vector<64x10xf32>
      %get3A_103 = arith.constant 0 : index
      %get3A_104 = arith.constant 0 : index
      %get3A_105 = vector.load %arg14[%get3A_103, %get3A_104] : memref<1x10xf32, #tpu.memory_space<vmem>>, vector<1x10xf32>
      %add3A_106 = vector.broadcast %get3A_105 : vector<1x10xf32> to vector<64x10xf32>
      %add3A_107 = arith.addf %dot_general3A_102, %add3A_106 : vector<64x10xf32>
      %swap3A_108 = arith.constant 0 : index
      %swap3A_109 = arith.constant 0 : index
      %swap3A_110 = vector.load %arg17[%swap3A_108, %swap3A_109] : memref<64x128xf32, #tpu.memory_space<vmem>>, vector<64x128xf32>
      tpu.vector_store %arg17[%swap3A_108, %swap3A_109], %div3A_84 {strides = array<i32>} : memref<64x128xf32, #tpu.memory_space<vmem>>, vector<64x128xf32>,
      %swap3A_111 = arith.constant 0 : index
      %swap3A_112 = arith.constant 0 : index
      %swap3A_113 = vector.load %arg16[%swap3A_111, %swap3A_112] : memref<64x10xf32, #tpu.memory_space<vmem>>, vector<64x10xf32>
      tpu.vector_store %arg16[%swap3A_111, %swap3A_112], %add3A_107 {strides = array<i32>} : memref<64x10xf32, #tpu.memory_space<vmem>>, vector<64x10xf32>,
    } else {
    }
    return
  }
  func.func @transform_0(%arg0: i32) -> (i32, i32, i32) {
    %c0_i32 = arith.constant 0 : i32
    %c0_i32_0 = arith.constant 0 : i32
    %c0_i32_1 = arith.constant 0 : i32
    return %c0_i32, %arg0, %c0_i32_0 : i32, i32, i32
  }
  func.func @transform_1(%arg0: i32) -> (i32, i32) {
    %c0_i32 = arith.constant 0 : i32
    %c0_i32_0 = arith.constant 0 : i32
    return %arg0, %c0_i32 : i32, i32
  }
  func.func @transform_2(%arg0: i32) -> (i32, i32) {
    %c0_i32 = arith.constant 0 : i32
    %c0_i32_0 = arith.constant 0 : i32
    %c0_i32_1 = arith.constant 0 : i32
    return %c0_i32, %c0_i32_0 : i32, i32
  }
  func.func @transform_3(%arg0: i32) -> (i32, i32) {
    %c0_i32 = arith.constant 0 : i32
    %c0_i32_0 = arith.constant 0 : i32
    %c0_i32_1 = arith.constant 0 : i32
    return %c0_i32, %c0_i32_0 : i32, i32
  }
  func.func @transform_4(%arg0: i32) -> (i32, i32) {
    %c0_i32 = arith.constant 0 : i32
    %c0_i32_0 = arith.constant 0 : i32
    %c0_i32_1 = arith.constant 0 : i32
    return %c0_i32, %c0_i32_0 : i32, i32
  }
  func.func @transform_5(%arg0: i32) -> (i32, i32) {
    %c0_i32 = arith.constant 0 : i32
    %c0_i32_0 = arith.constant 0 : i32
    %c0_i32_1 = arith.constant 0 : i32
    return %c0_i32, %c0_i32_0 : i32, i32
  }
  func.func @transform_6(%arg0: i32) -> (i32, i32) {
    %c0_i32 = arith.constant 0 : i32
    %c0_i32_0 = arith.constant 0 : i32
    %c0_i32_1 = arith.constant 0 : i32
    return %c0_i32, %c0_i32_0 : i32, i32
  }
  func.func @transform_7(%arg0: i32) -> (i32, i32) {
    %c0_i32 = arith.constant 0 : i32
    %c0_i32_0 = arith.constant 0 : i32
    %c0_i32_1 = arith.constant 0 : i32
    return %c0_i32, %c0_i32_0 : i32, i32
  }
  func.func @transform_8(%arg0: i32) -> (i32, i32) {
    %c0_i32 = arith.constant 0 : i32
    %c0_i32_0 = arith.constant 0 : i32
    %c0_i32_1 = arith.constant 0 : i32
    return %c0_i32, %c0_i32_0 : i32, i32
  }
  func.func @transform_9(%arg0: i32) -> (i32, i32) {
    %c0_i32 = arith.constant 0 : i32
    %c0_i32_0 = arith.constant 0 : i32
    return %arg0, %c0_i32 : i32, i32
  }
  func.func @transform_10(%arg0: i32) -> (i32, i32) {
    %c0_i32 = arith.constant 0 : i32
    %c0_i32_0 = arith.constant 0 : i32
    %c0_i32_1 = arith.constant 0 : i32
    return %c0_i32, %c0_i32_0 : i32, i32
  }
  func.func @transform_11(%arg0: i32) -> (i32, i32) {
    %c0_i32 = arith.constant 0 : i32
    %c0_i32_0 = arith.constant 0 : i32
    %c0_i32_1 = arith.constant 0 : i32
    return %c0_i32, %c0_i32_0 : i32, i32
  }
  func.func @transform_12(%arg0: i32) -> (i32, i32) {
    %c0_i32 = arith.constant 0 : i32
    %c0_i32_0 = arith.constant 0 : i32
    %c0_i32_1 = arith.constant 0 : i32
    return %c0_i32, %c0_i32_0 : i32, i32
  }
  func.func @transform_13(%arg0: i32) -> (i32, i32) {
    %c0_i32 = arith.constant 0 : i32
    %c0_i32_0 = arith.constant 0 : i32
    %c0_i32_1 = arith.constant 0 : i32
    return %c0_i32, %c0_i32_0 : i32, i32
  }
  func.func @transform_14(%arg0: i32) -> (i32, i32) {
    %c0_i32 = arith.constant 0 : i32
    %c0_i32_0 = arith.constant 0 : i32
    return %arg0, %c0_i32 : i32, i32
  }
  func.func @transform_15(%arg0: i32) -> (i32, i32) {
    %c0_i32 = arith.constant 0 : i32
    %c0_i32_0 = arith.constant 0 : i32
    %c0_i32_1 = arith.constant 0 : i32
    return %c0_i32, %c0_i32_0 : i32, i32
  }
  func.func @transform_16(%arg0: i32) -> (i32, i32) {
    %c0_i32 = arith.constant 0 : i32
    %c0_i32_0 = arith.constant 0 : i32
    %c0_i32_1 = arith.constant 0 : i32
    return %c0_i32, %c0_i32_0 : i32, i32
  }
}

</mosaic_0001>

<sc_bundles>
// kernel: kernel.11.cloned.1.call-start
scs
__scs_entry_jumppad:
0x0: {  	(pc) =	sbr.rel $0x88, $3  }
0x1: {  	(tag) =	ssettag $0x0;
	lr =	simm.s32 $0x1  }
0x2: {  	[smem:$0x3F7F] =	sst lr;
	_ =	strace $0xD0000000  }
0x3: {  	_ = 	snop  }
0x4: {  	_ = 	snop  }
0x5: {  	_ = 	snop  }
0x6: {  	_ = 	snop  }
0x7: {  	_ = 	snop  }
__scs_overlays_trampoline_lowered:
0x8: {  	[smem:$0x3F8E] =	sst s0  }
0x9: {  	[smem:$0x3F8F] =	sst s1  }
0xa: {  	[smem:$0x3F90] =	sst s2  }
0xb: {  	[smem:$0x3F91] =	sst s3  }
0xc: {  	[smem:$0x3F92] =	sst s4  }
0xd: {  	[smem:$0x3F93] =	sst s5  }
0xe: {  	[smem:$0x3F94] =	sst s6  }
0xf: {  	[smem:$0x3F95] =	sst s7  }
0x10: {  	[smem:$0x3F96] =	sst s8  }
0x11: {  	[smem:$0x3F97] =	sst s9;
	s0 =	simm.s32 @!p0 $0x0  }
0x12: {  	s1 =	sld [smem:$0x3F7D];
	s0 =	simm.s32 @p0 $0x1  }
0x13: {  	[smem:$0x3F98] =	sst s0;
	s0 =	simm.s32 @!p1 $0x0  }
0x14: {  	s2 =	sld [smem:$0x3F7C];
	s0 =	simm.s32 @p1 $0x1  }
0x15: {  	[smem:$0x3F99] =	sst s0;
	s0 =	simm.s32 @!p2 $0x0  }
0x16: {  	s3 =	sld [smem:$0x3FDB];
	s0 =	simm.s32 @p2 $0x1  }
0x17: {  	s4 =	simm.s32 $0x1BF5;
	[smem:$0x3F9B] =	sst s0  }
0x18: {  	s0 =	sld [smem:$0x3F7E];
	_ =	swait.ge [sflag:s4], $0x0  }
0x19: {  	s7 =	sld [smem:$0x3F7F]  }
0x1a: {  	s8 =	sadd.s32 $0xFFFFE003, lr  }
0x1b: {  	s9 =	sadd.s32 $0xFFFFFEF7, lr;
	s5 =	simm.s32 $0xFFFFFFFF;
	p2 =	slt.u32 s8, $0xFFFFF086  }
0x1c: {  	p1 =	slt.u32 s9, $0xF7A;
	s5 =	simm.s32 @!p2 $0x0  }
0x1d: {  	s5 =	simm.s32 @p1 $0x1;
	p0 =	seq.s32 s7, s2  }
0x1e: {  	s7 =	smul.u32 @!p0 $0xF7A, s2;
	p2 =	seq.s32 @!p0 s5, $0x0  }
0x1f: {  	s9 =	smul.u32 $0xF7A, s1;
	s8 =	simm.s32 @!p0 $0x1BF5;
	p2 =	por !p2, p0  }
0x20: {  	[sflag:s8] =	ssyncset.s32 @!p0 $0xFFFFF086;
	s6 =	sadd.s32 @!p0 s3, s7;
	s7 =	simm.s32 @!p0 $0x108  }
0x21: {  	s3 =	sadd.s32 s3, s9;
	s6 =	sadd.s32 @!p0 $0x88, s6;
	s7 =	simm.s32 @p2 $0x1082  }
0x22: {  	[simem:s7], [sflag:s8] =	dma.local @!p0 [hbm:s6], $0xF7A  }
0x23: {  	s9 =	sor.u32 $0xD0000000, s2;
	s6 =	simm.s32 $0x108;
	_ =	swait.ge @!p0 [sflag:s8], $0x0  }
0x24: {  	s3 =	sadd.s32 $0x88, s3;
	s6 =	simm.s32 @!p1 $0x1082;
	[sflag:s4] =	ssyncset.s32 $0xFFFFF086  }
0x25: {  	[simem:s6], [sflag:s4] =	dma.local [hbm:s3], $0xF7A  }
0x26: {  	[smem:$0x3F7F] =	sst s1;
	(tag) =	ssettag s2;
	_ =	strace s9  }
0x27: {  	s1 =	sld [smem:$0x3F8F]  }
0x28: {  	s2 =	sld [smem:$0x3F90]  }
0x29: {  	s4 =	sld [smem:$0x3F92]  }
0x2a: {  	p0 =	seq.s32 s5, $0x0;
	s5 =	sld [smem:$0x3F93]  }
0x2b: {  	s6 =	sld [smem:$0x3F94]  }
0x2c: {  	s7 =	sld [smem:$0x3F95]  }
0x2d: {  	s3 =	simm.s32 $0x108;
	s8 =	sld [smem:$0x3F96]  }
0x2e: {  	s3 =	simm.s32 @!p0 $0x1082;
	s9 =	sld [smem:$0x3F97]  }
0x2f: {  	lr =	sadd.s32 s0, s3;
	s0 =	sld [smem:$0x3F8E]  }
0x30: {  	s3 =	sld [smem:$0x3F91]  }
0x31: {  	[smem:$0x3F9A] =	sst s10  }
0x32: {  	s10 =	sld [smem:$0x3F98];
	_ =	sdelay $0x3  }
0x33: {  	p0 =	seq.s32 s10, $0x1;
	s10 =	sld [smem:$0x3F9A];
	_ =	sdelay $0x3  }
0x34: {  	[smem:$0x3F9A] =	sst s10  }
0x35: {  	s10 =	sld [smem:$0x3F99];
	_ =	sdelay $0x3  }
0x36: {  	p1 =	seq.s32 s10, $0x1;
	s10 =	sld [smem:$0x3F9A];
	_ =	sdelay $0x3  }
0x37: {  	[smem:$0x3F9A] =	sst s10  }
0x38: {  	s10 =	sld [smem:$0x3F9B]  }
0x39: {  	_ = 	snop;
	(pc) =	sbr.ind lr, $3  }
0x3a: {  	_ = 	snop  }
0x3b: {  	_ = 	snop  }
0x3c: {  	p2 =	seq.s32 s10, $0x1;
	s10 =	sld [smem:$0x3F9A]  }
0x3d: {  	_ =	shalt  }
0x3e: {  	_ =	shalt  }
0x3f: {  	_ =	shalt  }
0x40: {  	_ =	shalt  }
0x41: {  	_ =	shalt  }
0x42: {  	_ =	shalt  }
0x43: {  	_ =	shalt  }
0x44: {  	_ =	shalt  }
0x45: {  	_ =	shalt  }
0x46: {  	_ =	shalt  }
0x47: {  	_ =	shalt  }
0x48: {  	_ =	shalt  }
0x49: {  	_ =	shalt  }
0x4a: {  	_ =	shalt  }
0x4b: {  	_ =	shalt  }
0x4c: {  	_ =	shalt  }
0x4d: {  	_ =	shalt  }
0x4e: {  	_ =	shalt  }
0x4f: {  	_ =	shalt  }
0x50: {  	_ =	shalt  }
0x51: {  	_ =	shalt  }
0x52: {  	_ =	shalt  }
0x53: {  	_ =	shalt  }
0x54: {  	_ =	shalt  }
0x55: {  	_ =	shalt  }
0x56: {  	_ =	shalt  }
0x57: {  	_ =	shalt  }
0x58: {  	_ =	shalt  }
0x59: {  	_ =	shalt  }
0x5a: {  	_ =	shalt  }
0x5b: {  	_ =	shalt  }
0x5c: {  	_ =	shalt  }
0x5d: {  	_ =	shalt  }
0x5e: {  	_ =	shalt  }
0x5f: {  	_ =	shalt  }
0x60: {  	_ =	shalt  }
0x61: {  	_ =	shalt  }
0x62: {  	_ =	shalt  }
0x63: {  	_ =	shalt  }
0x64: {  	_ =	shalt  }
0x65: {  	_ =	shalt  }
0x66: {  	_ =	shalt  }
0x67: {  	_ =	shalt  }
0x68: {  	_ =	shalt  }
0x69: {  	_ =	shalt  }
0x6a: {  	_ =	shalt  }
0x6b: {  	_ =	shalt  }
0x6c: {  	_ =	shalt  }
0x6d: {  	_ =	shalt  }
0x6e: {  	_ =	shalt  }
0x6f: {  	_ =	shalt  }
0x70: {  	_ =	shalt  }
0x71: {  	_ =	shalt  }
0x72: {  	_ =	shalt  }
0x73: {  	_ =	shalt  }
0x74: {  	_ =	shalt  }
0x75: {  	_ =	shalt  }
0x76: {  	_ =	shalt  }
0x77: {  	_ =	shalt  }
0x78: {  	_ =	shalt  }
0x79: {  	_ =	shalt  }
0x7a: {  	_ =	shalt  }
0x7b: {  	_ =	shalt  }
0x7c: {  	_ =	shalt  }
0x7d: {  	_ =	shalt  }
0x7e: {  	_ =	shalt  }
0x7f: {  	_ =	shalt  }
0x80: {  	_ =	shalt  }
0x81: {  	_ =	shalt  }
0x82: {  	_ =	shalt  }
0x83: {  	_ =	shalt  }
0x84: {  	_ =	shalt  }
0x85: {  	_ =	shalt  }
0x86: {  	_ =	shalt  }
0x87: {  	_ =	shalt  }
.Lfunc_end0:
.L_simem_size_0:
called_computation.1_lowered:
.L_overlay_start_0:
0x88: {  	s2 =	sld [smem:$0x3FD9]  }
0x89: {  	s3 =	sld [smem:$0x3FFE];
	_ =	sdelay $0x1  }
0x8a: {  	s1 =	srdreg.scid  }
0x8b: {  	s0 =	sand.u32 $0x1, s1  }
0x8c: {  	s14 =	sshll.u32 s0, $0xA;
	s2 =	sadd.s32 s3, s2  }
0x8d: {  	s2 =	sadd.s32 s2, s14  }
0x8e: {  	[smem:$0x3FA6] =	sst s2  }
0x8f: {  	_ = 	snop  }
0x90: {  	s2 =	sld [smem:$0x3FD0];
	_ =	sdelay $0x2  }
0x91: {  	s15 =	simm.s32 $0xA;
	s4 =	simm.s32 $0x10  }
0x92: {  	[smem:s4], [sflag:s15] =	dma.local [hbm:s2], $0x1  }
0x93: {  	_ =	swait.eq [sflag:s15], $0x1  }
0x94: {  	[sflag:s15] =	ssyncset.done $0x0  }
0x95: {  	[sflag:s15] =	ssyncadd.s32 $0xFFFFFFFF  }
0x96: {  	s16 =	sld [smem:$0x11];
	(tm) =	ssettm $0x1  }
0x97: {  	s17 =	sld [smem:$0x3FFB];
	_ =	sdelay $0x3  }
0x98: {  	_ =	strace s17  }
0x99: {  	s3 =	sld [smem:$0x3FFC];
	_ =	sdelay $0x3  }
0x9a: {  	_ =	strace s3  }
0x9b: {  	s3 =	sld [smem:$0x3FFD];
	_ =	sdelay $0x3  }
0x9c: {  	_ =	strace s3  }
0x9d: {  	_ =	strace $0x8FFFFFFF  }
0x9e: {  	s18 =	sld [smem:$0x3FDB];
	_ =	sdelay $0x1  }
0x9f: {  	s19 =	simm.s32 $_scs_section_size  }
0xa0: {  	s5 =	simm.s32 $_size__tile_overlayer_lowered;
	s6 =	simm.s32 $_tile_overlayer_lowered  }
0xa1: {  	s22 =	simm.s32 $0x1BFF;
	s21 =	sshll.u32 s6, $0x1;
	s3 =	sadd.s32 s19, s18  }
0xa2: {  	s7 =	simm.s32 $0x0;
	s20 =	sshll.u32 s5, $0x1;
	s5 =	sadd.s32 s21, s3  }
0xa3: {  	[timem:s7], [sflag:s22] =	dma.local [hbm:s5], s20  }
0xa4: {  	_ =	swait.ge [sflag:s22], s20  }
0xa5: {  	s4 =	ssub.s32 $0x0, s20;
	[sflag:s22] =	ssyncset.done $0x0  }
0xa6: {  	[sflag:s22] =	ssyncadd.s32 s4;
	_ =	sdelay $0x1  }
0xa7: {  	s23 =	simm.s32 $0x1B8B  }
0xa8: {  	_ =	swait.ge [sflag:s23], $0x1  }
0xa9: {  	[sflag:s23] =	ssyncset.done $0x0  }
0xaa: {  	s25 =	simm.s32 $0x1B8E;
	s24 =	sld [smem:$0x3FFE];
	[sflag:s23] =	ssyncadd.s32 $0xFFFFFFFF  }
0xab: {  	s26 =	simm.s32 $execute0_lowered;
	[smem:$0x3FD2] =	sst s25  }
0xac: {  	s5 =	sshll.u32 s26, $0x1;
	_ =	strace $0x8000004C;
	[dreg:$0x1] =	wrdreg $0xFFFFFFFF  }
0xad: {  	s28 =	simm.s32 $_size_execute0_lowered;
	s3 =	sadd.s32 s3, s5;
	[dreg:$0x0] =	wrdreg $0x0  }
0xae: {  	s5 =	sshll.u32 s28, $0x1;
	[dreg:$0x2] =	wrdreg s3  }
0xaf: {  	[dreg:$0x3] =	wrdreg s5  }
0xb0: {  	[dreg:$0x4] =	wrdreg $0xC0  }
0xb1: {  	_ =	task [dreg:s7], $0x5FFFF  }
0xb2: {  	[dreg:$0x1] =	wrdreg $0xFFFFFFFF  }
0xb3: {  	[dreg:$0x0] =	wrdreg $0x60  }
0xb4: {  	[dreg:$0x2] =	wrdreg s16  }
0xb5: {  	[dreg:$0x3] =	wrdreg s24  }
0xb6: {  	[dreg:$0x4] =	wrdreg $0xA8000  }
0xb7: {  	[dreg:$0x5] =	wrdreg $0x9  }
0xb8: {  	_ =	task.clear_ibuf [dreg:s7], $0x6FFFF;
	_ =	strace $0x9000004C  }
0xb9: {  	s29 =	simm.s32 $0x9;
	_ =	strace $0x80000051  }
0xba: {  	_ =	swait.ge [sflag:s29], $0x1  }
0xbb: {  	[sflag:s29] =	ssyncadd.s32 $0xFFFFFFFF  }
0xbc: {  	_ =	strace $0x90000051  }
0xbd: {  	_ =	sfence  }
0xbe: {  	s30 =	sld [smem:$0x0];
	_ =	sdelay $0x2  }
0xbf: {  	s31 =	sshll.u32 s1, $0xD;
	s1 =	sshrl.u32 s1, $0x2  }
0xc0: {  	s3 =	sand.u32 $0x4000, s31;
	s1 =	sadd.s32 s1, s30  }
0xc1: {  	s0 =	sor.u32 s3, s0;
	s1 =	sshll.u32 s1, $0x11  }
0xc2: {  	s0 =	sor.u32 s1, s0  }
0xc3: {  	s0 =	sadd.s32 $0x8F2B, s0  }
0xc4: {  	[sflag:s0] =	ssyncadd.remote.s32 $0x1  }
0xc5: {  	_ =	sfence.sel $0xFFFF  }
0xc6: {  	[dreg:$0x0] =	wrdreg $0xFFFFFFFF;
	(pc) =	sbr.abs _section_cstart, $3  }
0xc7: {  	[dreg:$0x1] =	wrdreg $0xFFFFFFFF  }
0xc8: {  	_ =	task.clear_ibuf [dreg:s7], $0x2FFFF;
	_ =	strace $0x9FFFFFFF  }
0xc9: {  	(tm) =	ssettm $0x7FFFFFFF  }
tec
execute0_lowered:
.L_overlay_start_1:
0x0: {  	(tag) =	ssettag $0x1  }
0x1: {  	s1 =	rddreg [dreg:$0x0]  }
0x2: {  	s0 =	rddreg [dreg:$0x1]  }
0x3: {  	s2 =	rddreg [dreg:$0x2];
	s3 =	simm.s32 $0x0;
	s4 =	srdreg.scid  }
0x4: {  	s13 =	stileid.u32;
	s28 =	simm.s32 $0x3;
	s29 =	simm.s32 $0x1400  }
0x5: {  	s30 =	simm.s32 $0x80;
	s31 =	simm.s32 $0x6800;
	[smem:$0x7FF] =	sst s3  }
0x6: {  	s5 =	sand.u32 $0x1, s4;
	s6 =	sadd.s32 $0xFA00, s0;
	s9 =	smul.u32 $0x50000, s13  }
0x7: {  	s10 =	sadd.s32 $0x5C00, s0;
	s19 =	sadd.s32 $0x19800, s0;
	s18 =	smul.u32 $0x14000, s13  }
0x8: {  	s23 =	sadd.s32 $0x19500, s0;
	s0 =	sadd.s32 $0xF700, s0;
	_ =	strace $0x8000004D  }
0x9: {  	s7 =	sshll.u32 s5, $0x4;
	s8 =	ssub.s32 $0x2, s5;
	[dreg:$0x8] =	wrdreg s23  }
0xa: {  	s17 =	smul.u32 $0x140000, s5;
	[dreg:$0x9] =	wrdreg s0;
	s7 =	sor.u32 s13, s7  }
0xb: {  	s11 =	sshrl.u32 s8, $0x1;
	s9 =	sshrl.u32 s9, $0x2;
	s12 =	smul.u32 $0x2800, s7  }
0xc: {  	s26 =	sadd.s32 $0x4000, s18;
	s8 =	ssub.s32 s8, s11;
	s14 =	smul.u32 $0x500, s7  }
0xd: {  	s5 =	sadd.s32 s9, s2;
	s24 =	sadd.s32 s17, s18;
	s4 =	sadd.s32 s17, s26  }
0xe: {  	s11 =	sadd.s32 $0xC000, s18;
	p0 =	seq.s32 s7, $0x1F;
	s7 =	simm.s32 $0x0  }
0xf: {  	s25 =	sshrl.u32 s24, $0x3;
	s13 =	smax.u32 s8, $0x1;
	s0 =	sshrl.u32 s4, $0x3  }
0x10: {  	s8 =	sadd.s32 $0x8000, s18;
	s23 =	sadd.s32 s17, s11;
	s16 =	sadd.s32 s6, s14  }
0x11: {  	s12 =	sshrl.u32 s12, $0x3;
	s20 =	sadd.s32 s10, s14;
	[dreg:$0x4] =	wrdreg s16  }
0x12: {  	s14 =	sadd.s32 $0x4000, s5;
	s15 =	sadd.s32 $0x280, s12;
	[dreg:$0x5] =	wrdreg s20  }
0x13: {  	s12 =	sadd.s32 s19, s25;
	s16 =	sadd.s32 s19, s0;
	s0 =	sadd.s32 s8, s2  }
0x14: {  	s25 =	sadd.s32 s11, s2;
	s21 =	sadd.s32 s6, s15;
	s22 =	sadd.s32 s10, s15  }
0x15: {  	s15 =	sadd.s32 $0x8000, s5;
	s10 =	sshrl.u32 s23, $0x3;
	s6 =	sadd.s32 s26, s2  }
0x16: {  	s23 =	sshrl.u32 s0, $0x3;
	s0 =	simm.s32 $0x1;
	[dreg:$0x6] =	wrdreg s21  }
0x17: {  	[dreg:$0x7] =	wrdreg s22;
	s21 =	sadd.s32 s17, s8;
	s22 =	sadd.s32 $0x10000, s18  }
.Ltmp0:
0x18: {  	s18 =	sadd.s32 s19, s10;
	s9 =	sshrl.u32 s21, $0x3;
	(pc) =	sbr.rel .LBB2_1-.Ltmp0, $4  }
0x19: {  	s20 =	sadd.s32 s17, s22;
	s21 =	sadd.s32 $0x10000, s5;
	s26 =	sadd.s32 s22, s2  }
0x1a: {  	s22 =	sshrl.u32 s6, $0x3;
	s6 =	simm.s32 $0x2;
	s24 =	sshrl.u32 s20, $0x3  }
0x1b: {  	s17 =	sadd.s32 s19, s9;
	s20 =	sadd.s32 $0xC000, s5;
	s19 =	sadd.s32 s19, s24  }
0x1c: {  	v0 =	vimm.f32 $0.0e+00;
	s24 =	sshrl.u32 s25, $0x3;
	s25 =	sshrl.u32 s26, $0x3;
	s26 =	simm.s32 $0x2800  }
.LBB2_10:
0x1d: {  	s4 =	rddreg [dreg:$0x8]  }
0x1e: {  	[tilespmem:s3], [sflag:$0x3] =	stream.linear.gather [hbm4b:s4+s3], $0xA00, $0x200038;
	[tilespmem:$0x1E800] =	vst v63  }
0x1f: {  	_ =	swait.ge [sflag:s28], $0xA00  }
0x20: {  	[sflag:s28] =	ssyncset.done $0x0  }
0x21: {  	s9 =	rddreg [dreg:$0x9];
	[sflag:s28] =	ssyncadd.s32 $0xFFFFF600  }
0x22: {  	[tilespmem:s29], [sflag:$0x3] =	stream.linear.gather [hbm4b:s9+s3], $0xA00, $0x200038;
	[tilespmem:$0x1E800] =	vst v63  }
0x23: {  	_ =	swait.ge [sflag:s28], $0xA00  }
0x24: {  	[sflag:s28] =	ssyncset.done $0x0  }
0x25: {  	[sflag:s28] =	ssyncadd.s32 $0xFFFFF600  }
0x26: {  	[tilespmem:s26], [sflag:$0x1] =	stream.indirect.gather [hbm4b:s1+s30], $0x80, s3, s30, $0x2000b8;
	[tilespmem:$0x1E800] =	vst v63  }
0x27: {  	_ = 	snop  }
0x28: {  	[tilespmem:s31], [sflag:$0x2] =	stream.indirect.gather [hbm4b:s1+s30], $0x80, s30, s30, $0x2000b8;
	[tilespmem:$0x1E800] =	vst v63  }
0x29: {  	_ =	swait.ge [sflag:s0], $0x4000  }
0x2a: {  	[sflag:s0] =	ssyncset.done $0x0  }
0x2b: {  	[sflag:s0] =	ssyncadd.s32 $0xFFFFC000  }
0x2c: {  	[spmem:s2] =	stream.indirect.scatter.add.f32 [tilespmem:s26], [sflag:$0x3], $0x80, s29, s30, $0x2000b8;
	[tilespmem:$0x1E800] =	vst v63  }
0x2d: {  	_ =	swait.ge [sflag:s28], $0x4000  }
0x2e: {  	[sflag:s28] =	ssyncset.done $0x0  }
0x2f: {  	s10 =	simm.s32 $0x100;
	[sflag:s28] =	ssyncadd.s32 $0xFFFFC000  }
0x30: {  	[tilespmem:s26], [sflag:$0x1] =	stream.indirect.gather [hbm4b:s1+s30], $0x80, s10, s30, $0x2000b8;
	[tilespmem:$0x1E800] =	vst v63  }
0x31: {  	_ =	swait.ge [sflag:s6], $0x4000  }
0x32: {  	[sflag:s6] =	ssyncset.done $0x0  }
0x33: {  	s11 =	simm.s32 $0x1480;
	[sflag:s6] =	ssyncadd.s32 $0xFFFFC000  }
0x34: {  	[spmem:s2] =	stream.indirect.scatter.add.f32 [tilespmem:s31], [sflag:$0x3], $0x80, s11, s30, $0x2000b8;
	[tilespmem:$0x1E800] =	vst v63  }
0x35: {  	_ =	swait.ge [sflag:s28], $0x4000  }
0x36: {  	[sflag:s28] =	ssyncset.done $0x0  }
0x37: {  	s8 =	simm.s32 $0x180;
	[sflag:s28] =	ssyncadd.s32 $0xFFFFC000  }
0x38: {  	[tilespmem:s31], [sflag:$0x2] =	stream.indirect.gather [hbm4b:s1+s30], $0x80, s8, s30, $0x2000b8;
	[tilespmem:$0x1E800] =	vst v63  }
0x39: {  	_ =	swait.ge [sflag:s0], $0x4000  }
0x3a: {  	[sflag:s0] =	ssyncset.done $0x0  }
0x3b: {  	s9 =	simm.s32 $0x1500;
	[sflag:s0] =	ssyncadd.s32 $0xFFFFC000  }
0x3c: {  	[spmem:s2] =	stream.indirect.scatter.add.f32 [tilespmem:s26], [sflag:$0x3], $0x80, s9, s30, $0x2000b8;
	[tilespmem:$0x1E800] =	vst v63  }
0x3d: {  	_ =	swait.ge [sflag:s28], $0x4000  }
0x3e: {  	[sflag:s28] =	ssyncset.done $0x0  }
0x3f: {  	s10 =	simm.s32 $0x200;
	[sflag:s28] =	ssyncadd.s32 $0xFFFFC000  }
0x40: {  	[tilespmem:s26], [sflag:$0x1] =	stream.indirect.gather [hbm4b:s1+s30], $0x80, s10, s30, $0x2000b8;
	[tilespmem:$0x1E800] =	vst v63  }
0x41: {  	_ =	swait.ge [sflag:s6], $0x4000  }
0x42: {  	[sflag:s6] =	ssyncset.done $0x0  }
0x43: {  	s11 =	simm.s32 $0x1580;
	[sflag:s6] =	ssyncadd.s32 $0xFFFFC000  }
0x44: {  	[spmem:s2] =	stream.indirect.scatter.add.f32 [tilespmem:s31], [sflag:$0x3], $0x80, s11, s30, $0x2000b8;
	[tilespmem:$0x1E800] =	vst v63  }
0x45: {  	_ =	swait.ge [sflag:s28], $0x4000  }
0x46: {  	[sflag:s28] =	ssyncset.done $0x0  }
0x47: {  	s8 =	simm.s32 $0x280;
	[sflag:s28] =	ssyncadd.s32 $0xFFFFC000  }
0x48: {  	[tilespmem:s31], [sflag:$0x2] =	stream.indirect.gather [hbm4b:s1+s30], $0x80, s8, s30, $0x2000b8;
	[tilespmem:$0x1E800] =	vst v63  }
0x49: {  	_ =	swait.ge [sflag:s0], $0x4000  }
0x4a: {  	[sflag:s0] =	ssyncset.done $0x0  }
0x4b: {  	s9 =	simm.s32 $0x1600;
	[sflag:s0] =	ssyncadd.s32 $0xFFFFC000  }
0x4c: {  	[spmem:s2] =	stream.indirect.scatter.add.f32 [tilespmem:s26], [sflag:$0x3], $0x80, s9, s30, $0x2000b8;
	[tilespmem:$0x1E800] =	vst v63  }
0x4d: {  	_ =	swait.ge [sflag:s28], $0x4000  }
0x4e: {  	[sflag:s28] =	ssyncset.done $0x0  }
0x4f: {  	s10 =	simm.s32 $0x300;
	[sflag:s28] =	ssyncadd.s32 $0xFFFFC000  }
0x50: {  	[tilespmem:s26], [sflag:$0x1] =	stream.indirect.gather [hbm4b:s1+s30], $0x80, s10, s30, $0x2000b8;
	[tilespmem:$0x1E800] =	vst v63  }
0x51: {  	_ =	swait.ge [sflag:s6], $0x4000  }
0x52: {  	[sflag:s6] =	ssyncset.done $0x0  }
0x53: {  	s11 =	simm.s32 $0x1680;
	[sflag:s6] =	ssyncadd.s32 $0xFFFFC000  }
0x54: {  	[spmem:s2] =	stream.indirect.scatter.add.f32 [tilespmem:s31], [sflag:$0x3], $0x80, s11, s30, $0x2000b8;
	[tilespmem:$0x1E800] =	vst v63  }
0x55: {  	_ =	swait.ge [sflag:s28], $0x4000  }
0x56: {  	[sflag:s28] =	ssyncset.done $0x0  }
0x57: {  	s8 =	simm.s32 $0x380;
	[sflag:s28] =	ssyncadd.s32 $0xFFFFC000  }
0x58: {  	[tilespmem:s31], [sflag:$0x2] =	stream.indirect.gather [hbm4b:s1+s30], $0x80, s8, s30, $0x2000b8;
	[tilespmem:$0x1E800] =	vst v63  }
0x59: {  	_ =	swait.ge [sflag:s0], $0x4000  }
0x5a: {  	[sflag:s0] =	ssyncset.done $0x0  }
0x5b: {  	s9 =	simm.s32 $0x1700;
	[sflag:s0] =	ssyncadd.s32 $0xFFFFC000  }
0x5c: {  	[spmem:s2] =	stream.indirect.scatter.add.f32 [tilespmem:s26], [sflag:$0x3], $0x80, s9, s30, $0x2000b8;
	[tilespmem:$0x1E800] =	vst v63  }
0x5d: {  	_ =	swait.ge [sflag:s28], $0x4000  }
0x5e: {  	[sflag:s28] =	ssyncset.done $0x0  }
0x5f: {  	s10 =	simm.s32 $0x400;
	[sflag:s28] =	ssyncadd.s32 $0xFFFFC000  }
0x60: {  	[tilespmem:s26], [sflag:$0x1] =	stream.indirect.gather [hbm4b:s1+s30], $0x80, s10, s30, $0x2000b8;
	[tilespmem:$0x1E800] =	vst v63  }
0x61: {  	_ =	swait.ge [sflag:s6], $0x4000  }
0x62: {  	[sflag:s6] =	ssyncset.done $0x0  }
0x63: {  	s11 =	simm.s32 $0x1780;
	[sflag:s6] =	ssyncadd.s32 $0xFFFFC000  }
0x64: {  	[spmem:s2] =	stream.indirect.scatter.add.f32 [tilespmem:s31], [sflag:$0x3], $0x80, s11, s30, $0x2000b8;
	[tilespmem:$0x1E800] =	vst v63  }
0x65: {  	_ =	swait.ge [sflag:s28], $0x4000  }
0x66: {  	[sflag:s28] =	ssyncset.done $0x0  }
0x67: {  	s8 =	simm.s32 $0x480;
	[sflag:s28] =	ssyncadd.s32 $0xFFFFC000  }
0x68: {  	[tilespmem:s31], [sflag:$0x2] =	stream.indirect.gather [hbm4b:s1+s30], $0x80, s8, s30, $0x2000b8;
	[tilespmem:$0x1E800] =	vst v63  }
0x69: {  	_ =	swait.ge [sflag:s0], $0x4000  }
0x6a: {  	[sflag:s0] =	ssyncset.done $0x0  }
0x6b: {  	s9 =	simm.s32 $0x1800;
	[sflag:s0] =	ssyncadd.s32 $0xFFFFC000  }
0x6c: {  	[spmem:s2] =	stream.indirect.scatter.add.f32 [tilespmem:s26], [sflag:$0x3], $0x80, s9, s30, $0x2000b8;
	[tilespmem:$0x1E800] =	vst v63  }
0x6d: {  	_ =	swait.ge [sflag:s28], $0x4000  }
0x6e: {  	[sflag:s28] =	ssyncset.done $0x0  }
0x6f: {  	s10 =	simm.s32 $0x500;
	[sflag:s28] =	ssyncadd.s32 $0xFFFFC000  }
0x70: {  	[tilespmem:s26], [sflag:$0x1] =	stream.indirect.gather [hbm4b:s1+s30], $0x80, s10, s30, $0x2000b8;
	[tilespmem:$0x1E800] =	vst v63  }
0x71: {  	_ =	swait.ge [sflag:s6], $0x4000  }
0x72: {  	[sflag:s6] =	ssyncset.done $0x0  }
0x73: {  	s11 =	simm.s32 $0x1880;
	[sflag:s6] =	ssyncadd.s32 $0xFFFFC000  }
0x74: {  	[spmem:s2] =	stream.indirect.scatter.add.f32 [tilespmem:s31], [sflag:$0x3], $0x80, s11, s30, $0x2000b8;
	[tilespmem:$0x1E800] =	vst v63  }
0x75: {  	_ =	swait.ge [sflag:s28], $0x4000  }
0x76: {  	[sflag:s28] =	ssyncset.done $0x0  }
0x77: {  	s8 =	simm.s32 $0x580;
	[sflag:s28] =	ssyncadd.s32 $0xFFFFC000  }
0x78: {  	[tilespmem:s31], [sflag:$0x2] =	stream.indirect.gather [hbm4b:s1+s30], $0x80, s8, s30, $0x2000b8;
	[tilespmem:$0x1E800] =	vst v63  }
0x79: {  	_ =	swait.ge [sflag:s0], $0x4000  }
0x7a: {  	[sflag:s0] =	ssyncset.done $0x0  }
0x7b: {  	s9 =	simm.s32 $0x1900;
	[sflag:s0] =	ssyncadd.s32 $0xFFFFC000  }
0x7c: {  	[spmem:s2] =	stream.indirect.scatter.add.f32 [tilespmem:s26], [sflag:$0x3], $0x80, s9, s30, $0x2000b8;
	[tilespmem:$0x1E800] =	vst v63  }
0x7d: {  	_ =	swait.ge [sflag:s28], $0x4000  }
0x7e: {  	[sflag:s28] =	ssyncset.done $0x0  }
0x7f: {  	s10 =	simm.s32 $0x600;
	[sflag:s28] =	ssyncadd.s32 $0xFFFFC000  }
0x80: {  	[tilespmem:s26], [sflag:$0x1] =	stream.indirect.gather [hbm4b:s1+s30], $0x80, s10, s30, $0x2000b8;
	[tilespmem:$0x1E800] =	vst v63  }
0x81: {  	_ =	swait.ge [sflag:s6], $0x4000  }
0x82: {  	[sflag:s6] =	ssyncset.done $0x0  }
0x83: {  	s11 =	simm.s32 $0x1980;
	[sflag:s6] =	ssyncadd.s32 $0xFFFFC000  }
0x84: {  	[spmem:s2] =	stream.indirect.scatter.add.f32 [tilespmem:s31], [sflag:$0x3], $0x80, s11, s30, $0x2000b8;
	[tilespmem:$0x1E800] =	vst v63  }
0x85: {  	_ =	swait.ge [sflag:s28], $0x4000  }
0x86: {  	[sflag:s28] =	ssyncset.done $0x0  }
0x87: {  	s8 =	simm.s32 $0x680;
	[sflag:s28] =	ssyncadd.s32 $0xFFFFC000  }
0x88: {  	[tilespmem:s31], [sflag:$0x2] =	stream.indirect.gather [hbm4b:s1+s30], $0x80, s8, s30, $0x2000b8;
	[tilespmem:$0x1E800] =	vst v63  }
0x89: {  	_ =	swait.ge [sflag:s0], $0x4000  }
0x8a: {  	[sflag:s0] =	ssyncset.done $0x0  }
0x8b: {  	s9 =	simm.s32 $0x1A00;
	[sflag:s0] =	ssyncadd.s32 $0xFFFFC000  }
0x8c: {  	[spmem:s2] =	stream.indirect.scatter.add.f32 [tilespmem:s26], [sflag:$0x3], $0x80, s9, s30, $0x2000b8;
	[tilespmem:$0x1E800] =	vst v63  }
0x8d: {  	_ =	swait.ge [sflag:s28], $0x4000  }
0x8e: {  	[sflag:s28] =	ssyncset.done $0x0  }
0x8f: {  	s10 =	simm.s32 $0x700;
	[sflag:s28] =	ssyncadd.s32 $0xFFFFC000  }
0x90: {  	[tilespmem:s26], [sflag:$0x1] =	stream.indirect.gather [hbm4b:s1+s30], $0x80, s10, s30, $0x2000b8;
	[tilespmem:$0x1E800] =	vst v63  }
0x91: {  	_ =	swait.ge [sflag:s6], $0x4000  }
0x92: {  	[sflag:s6] =	ssyncset.done $0x0  }
0x93: {  	s11 =	simm.s32 $0x1A80;
	[sflag:s6] =	ssyncadd.s32 $0xFFFFC000  }
0x94: {  	[spmem:s2] =	stream.indirect.scatter.add.f32 [tilespmem:s31], [sflag:$0x3], $0x80, s11, s30, $0x2000b8;
	[tilespmem:$0x1E800] =	vst v63  }
0x95: {  	_ =	swait.ge [sflag:s28], $0x4000  }
0x96: {  	[sflag:s28] =	ssyncset.done $0x0  }
0x97: {  	s8 =	simm.s32 $0x780;
	[sflag:s28] =	ssyncadd.s32 $0xFFFFC000  }
0x98: {  	[tilespmem:s31], [sflag:$0x2] =	stream.indirect.gather [hbm4b:s1+s30], $0x80, s8, s30, $0x2000b8;
	[tilespmem:$0x1E800] =	vst v63  }
0x99: {  	_ =	swait.ge [sflag:s0], $0x4000  }
0x9a: {  	[sflag:s0] =	ssyncset.done $0x0  }
0x9b: {  	s9 =	simm.s32 $0x1B00;
	[sflag:s0] =	ssyncadd.s32 $0xFFFFC000  }
0x9c: {  	[spmem:s2] =	stream.indirect.scatter.add.f32 [tilespmem:s26], [sflag:$0x3], $0x80, s9, s30, $0x2000b8;
	[tilespmem:$0x1E800] =	vst v63  }
0x9d: {  	_ =	swait.ge [sflag:s28], $0x4000  }
0x9e: {  	[sflag:s28] =	ssyncset.done $0x0  }
0x9f: {  	s10 =	simm.s32 $0x800;
	[sflag:s28] =	ssyncadd.s32 $0xFFFFC000  }
0xa0: {  	[tilespmem:s26], [sflag:$0x1] =	stream.indirect.gather [hbm4b:s1+s30], $0x80, s10, s30, $0x2000b8;
	[tilespmem:$0x1E800] =	vst v63  }
0xa1: {  	_ =	swait.ge [sflag:s6], $0x4000  }
0xa2: {  	[sflag:s6] =	ssyncset.done $0x0  }
0xa3: {  	s11 =	simm.s32 $0x1B80;
	[sflag:s6] =	ssyncadd.s32 $0xFFFFC000  }
0xa4: {  	[spmem:s2] =	stream.indirect.scatter.add.f32 [tilespmem:s31], [sflag:$0x3], $0x80, s11, s30, $0x2000b8;
	[tilespmem:$0x1E800] =	vst v63  }
0xa5: {  	_ =	swait.ge [sflag:s28], $0x4000  }
0xa6: {  	[sflag:s28] =	ssyncset.done $0x0  }
0xa7: {  	s8 =	simm.s32 $0x880;
	[sflag:s28] =	ssyncadd.s32 $0xFFFFC000  }
0xa8: {  	[tilespmem:s31], [sflag:$0x2] =	stream.indirect.gather [hbm4b:s1+s30], $0x80, s8, s30, $0x2000b8;
	[tilespmem:$0x1E800] =	vst v63  }
0xa9: {  	_ =	swait.ge [sflag:s0], $0x4000  }
0xaa: {  	[sflag:s0] =	ssyncset.done $0x0  }
0xab: {  	s9 =	simm.s32 $0x1C00;
	[sflag:s0] =	ssyncadd.s32 $0xFFFFC000  }
0xac: {  	[spmem:s2] =	stream.indirect.scatter.add.f32 [tilespmem:s26], [sflag:$0x3], $0x80, s9, s30, $0x2000b8;
	[tilespmem:$0x1E800] =	vst v63  }
0xad: {  	_ =	swait.ge [sflag:s28], $0x4000  }
0xae: {  	[sflag:s28] =	ssyncset.done $0x0  }
0xaf: {  	s10 =	simm.s32 $0x900;
	[sflag:s28] =	ssyncadd.s32 $0xFFFFC000  }
0xb0: {  	[tilespmem:s26], [sflag:$0x1] =	stream.indirect.gather [hbm4b:s1+s30], $0x80, s10, s30, $0x2000b8;
	[tilespmem:$0x1E800] =	vst v63  }
0xb1: {  	_ =	swait.ge [sflag:s6], $0x4000  }
0xb2: {  	[sflag:s6] =	ssyncset.done $0x0  }
0xb3: {  	s11 =	simm.s32 $0x1C80;
	[sflag:s6] =	ssyncadd.s32 $0xFFFFC000  }
0xb4: {  	[spmem:s2] =	stream.indirect.scatter.add.f32 [tilespmem:s31], [sflag:$0x3], $0x80, s11, s30, $0x2000b8;
	[tilespmem:$0x1E800] =	vst v63  }
0xb5: {  	_ =	swait.ge [sflag:s28], $0x4000  }
0xb6: {  	s8 =	simm.s32 $0x1D80;
	[sflag:s28] =	ssyncset.done $0x0  }
0xb7: {  	s9 =	simm.s32 $0x1D00;
	s10 =	simm.s32 $0x980;
	[sflag:s28] =	ssyncadd.s32 $0xFFFFC000  }
.LBB2_11:
0xb8: {  	[tilespmem:s31], [sflag:$0x2] =	stream.indirect.gather [hbm4b:s1+s30], $0x80, s10, s30, $0x2000b8;
	[tilespmem:$0x1E800] =	vst v63  }
0xb9: {  	_ =	swait.ge [sflag:s0], $0x4000  }
0xba: {  	[sflag:s0] =	ssyncset.done $0x0  }
0xbb: {  	[sflag:s0] =	ssyncadd.s32 $0xFFFFC000  }
0xbc: {  	[spmem:s2] =	stream.indirect.scatter.add.f32 [tilespmem:s26], [sflag:$0x3], $0x80, s9, s30, $0x2000b8;
	[tilespmem:$0x1E800] =	vst v63  }
0xbd: {  	_ =	swait.ge [sflag:s28], $0x4000  }
0xbe: {  	[sflag:s28] =	ssyncset.done $0x0  }
0xbf: {  	[sflag:s28] =	ssyncadd.s32 $0xFFFFC000  }
0xc0: {  	_ =	swait.ge [sflag:s6], $0x4000  }
0xc1: {  	[sflag:s6] =	ssyncset.done $0x0  }
0xc2: {  	[sflag:s6] =	ssyncadd.s32 $0xFFFFC000  }
0xc3: {  	[spmem:s2] =	stream.indirect.scatter.add.f32 [tilespmem:s31], [sflag:$0x3], $0x80, s8, s30, $0x2000b8;
	[tilespmem:$0x1E800] =	vst v63  }
0xc4: {  	_ =	swait.ge [sflag:s28], $0x4000  }
0xc5: {  	[sflag:s28] =	ssyncset.done $0x0  }
0xc6: {  	[sflag:s28] =	ssyncadd.s32 $0xFFFFC000  }
0xc7: {  	s4 =	stileid.u32;
	[bflag:$0x0] =	sbarrier.arrive $0xFFFF  }
0xc8: {  	s4 =	sshll.u32 s4, $0x6;
	_ =	strace $0x9000004F  }
0xc9: {  	s11 =	sshrl.u32 s5, $0x3;
	s4 =	sor.u32 $0x1C03, s4;
	_ =	strace $0x80000050  }
0xca: {  	[hbm:s12], [sflag:s4] =	dma.local [spmem:s11], $0x800  }
0xcb: {  	_ =	swait.ge [sflag:s28], $0x800  }
0xcc: {  	[sflag:s28] =	ssyncset.done $0x0  }
0xcd: {  	[sflag:s28] =	ssyncadd.s32 $0xFFFFF800  }
0xce: {  	[hbm:s16], [sflag:s4] =	dma.local [spmem:s22], $0x800  }
0xcf: {  	_ =	swait.ge [sflag:s28], $0x800  }
0xd0: {  	[sflag:s28] =	ssyncset.done $0x0  }
0xd1: {  	[sflag:s28] =	ssyncadd.s32 $0xFFFFF800  }
0xd2: {  	[hbm:s17], [sflag:s4] =	dma.local [spmem:s23], $0x800  }
0xd3: {  	_ =	swait.ge [sflag:s28], $0x800  }
0xd4: {  	[sflag:s28] =	ssyncset.done $0x0  }
0xd5: {  	[sflag:s28] =	ssyncadd.s32 $0xFFFFF800  }
0xd6: {  	[hbm:s18], [sflag:s4] =	dma.local [spmem:s24], $0x800  }
0xd7: {  	_ =	swait.ge [sflag:s28], $0x800  }
0xd8: {  	s7 =	sadd.s32 $0x1, s7;
	[sflag:s28] =	ssyncset.done $0x0  }
0xd9: {  	p1 =	sne.s32 s7, s13;
	[sflag:s28] =	ssyncadd.s32 $0xFFFFF800  }
0xda: {  	[hbm:s19], [sflag:s4] =	dma.local [spmem:s25], $0x800  }
.Ltmp1:
0xdb: {  	_ = 	snop;
	(pc) =	sbr.rel @!p1 .LBB2_12-.Ltmp1, $4  }
0xdc: {  	_ =	swait.ge [sflag:s28], $0x800  }
0xdd: {  	[sflag:s28] =	ssyncset.done $0x0  }
0xde: {  	[sflag:s28] =	ssyncadd.s32 $0xFFFFF800  }
0xdf: {  	_ =	strace $0x90000050  }
.LBB2_1:
0xe0: {  	_ =	strace $0x8000004E;
	s8 =	simm.s32 $0x0;
	s9 =	simm.s32 $0x200  }
.LBB2_2:
0xe1: {  	p1 =	seq.s32 s9, $0xFE00;
	[tilespmem:s8+$0x2870] =	vst v0  }
0xe2: {  	[tilespmem:s8+$0x2800] =	vst v0  }
0xe3: {  	[tilespmem:s8+$0x2810] =	vst v0  }
.Ltmp2:
0xe4: {  	[tilespmem:s8+$0x2820] =	vst v0;
	(pc) =	sbr.rel @!p1 .LBB2_2-.Ltmp2, $4  }
0xe5: {  	[tilespmem:s8+$0x2830] =	vst v0  }
0xe6: {  	[tilespmem:s8+$0x2840] =	vst v0  }
0xe7: {  	[tilespmem:s8+$0x2850] =	vst v0  }
0xe8: {  	[tilespmem:s8+$0x2860] =	vst v0;
	s8 =	sshra.s32 s9, $0x2;
	s9 =	sadd.s32 $0x200, s9  }
0xe9: {  	[tilespmem:s8+$0x2870] =	vst v0  }
0xea: {  	[tilespmem:s8+$0x2800] =	vst v0  }
0xeb: {  	[tilespmem:s8+$0x2810] =	vst v0  }
0xec: {  	[tilespmem:s8+$0x2820] =	vst v0  }
0xed: {  	[tilespmem:s8+$0x2830] =	vst v0  }
0xee: {  	[tilespmem:s8+$0x2840] =	vst v0  }
0xef: {  	[tilespmem:s8+$0x2850] =	vst v0  }
0xf0: {  	[tilespmem:s8+$0x2860] =	vst v0  }
0xf1: {  	[spmem:s5] =	stream.linear.scatter [tilespmem:s26], [sflag:$0x3], $0x4000, $0x200038;
	[tilespmem:$0x1E800] =	vst v63  }
0xf2: {  	_ =	swait.ge [sflag:s28], $0x4000  }
0xf3: {  	[sflag:s28] =	ssyncset.done $0x0  }
0xf4: {  	[sflag:s28] =	ssyncadd.s32 $0xFFFFC000  }
0xf5: {  	[spmem:s14] =	stream.linear.scatter [tilespmem:s26], [sflag:$0x3], $0x4000, $0x200038;
	[tilespmem:$0x1E800] =	vst v63  }
0xf6: {  	_ =	swait.ge [sflag:s28], $0x4000  }
0xf7: {  	[sflag:s28] =	ssyncset.done $0x0  }
0xf8: {  	[sflag:s28] =	ssyncadd.s32 $0xFFFFC000  }
0xf9: {  	[spmem:s15] =	stream.linear.scatter [tilespmem:s26], [sflag:$0x3], $0x4000, $0x200038;
	[tilespmem:$0x1E800] =	vst v63  }
0xfa: {  	_ =	swait.ge [sflag:s28], $0x4000  }
0xfb: {  	[sflag:s28] =	ssyncset.done $0x0  }
0xfc: {  	[sflag:s28] =	ssyncadd.s32 $0xFFFFC000  }
0xfd: {  	[spmem:s20] =	stream.linear.scatter [tilespmem:s26], [sflag:$0x3], $0x4000, $0x200038;
	[tilespmem:$0x1E800] =	vst v63  }
0xfe: {  	_ =	swait.ge [sflag:s28], $0x4000  }
0xff: {  	[sflag:s28] =	ssyncset.done $0x0  }
0x100: {  	[sflag:s28] =	ssyncadd.s32 $0xFFFFC000  }
0x101: {  	[spmem:s21] =	stream.linear.scatter [tilespmem:s26], [sflag:$0x3], $0x4000, $0x200038;
	[tilespmem:$0x1E800] =	vst v63  }
0x102: {  	_ =	swait.ge [sflag:s28], $0x4000  }
.Ltmp3:
0x103: {  	[sflag:s28] =	ssyncset.done $0x0;
	(pc) =	sbr.rel @p0 .LBB2_10-.Ltmp3, $4  }
0x104: {  	[sflag:s28] =	ssyncadd.s32 $0xFFFFC000  }
0x105: {  	[bflag:$0x0] =	sbarrier.arrive $0xFFFF  }
0x106: {  	_ =	strace $0x9000004E  }
0x107: {  	_ =	strace $0x8000004F  }
0x108: {  	s8 =	simm.s32 $0x0;
	s4 =	rddreg [dreg:$0x4]  }
0x109: {  	[tilespmem:s8], [sflag:$0x3] =	stream.linear.gather [hbm4b:s4+s8], $0x1400, $0x200038;
	[tilespmem:$0x1E800] =	vst v63  }
0x10a: {  	_ =	swait.ge [sflag:s28], $0x1400  }
0x10b: {  	[sflag:s28] =	ssyncset.done $0x0  }
0x10c: {  	s11 =	rddreg [dreg:$0x5];
	[sflag:s28] =	ssyncadd.s32 $0xFFFFEC00  }
0x10d: {  	[tilespmem:s29], [sflag:$0x3] =	stream.linear.gather [hbm4b:s11+s8], $0x1400, $0x200038;
	[tilespmem:$0x1E800] =	vst v63  }
0x10e: {  	_ =	swait.ge [sflag:s28], $0x1400  }
0x10f: {  	[sflag:s28] =	ssyncset.done $0x0  }
0x110: {  	[sflag:s28] =	ssyncadd.s32 $0xFFFFEC00  }
0x111: {  	[tilespmem:s26], [sflag:$0x1] =	stream.indirect.gather [hbm4b:s1+s30], $0x80, s8, s30, $0x2000b8;
	[tilespmem:$0x1E800] =	vst v63  }
0x112: {  	s4 =	simm.s32 $0x80  }
0x113: {  	[tilespmem:s31], [sflag:$0x2] =	stream.indirect.gather [hbm4b:s1+s30], $0x80, s4, s30, $0x2000b8;
	[tilespmem:$0x1E800] =	vst v63  }
0x114: {  	_ =	swait.ge [sflag:s0], $0x4000  }
0x115: {  	[sflag:s0] =	ssyncset.done $0x0  }
0x116: {  	s9 =	simm.s32 $0x1400;
	[sflag:s0] =	ssyncadd.s32 $0xFFFFC000  }
0x117: {  	[spmem:s2] =	stream.indirect.scatter.add.f32 [tilespmem:s26], [sflag:$0x3], $0x80, s9, s30, $0x2000b8;
	[tilespmem:$0x1E800] =	vst v63  }
0x118: {  	_ =	swait.ge [sflag:s28], $0x4000  }
0x119: {  	[sflag:s28] =	ssyncset.done $0x0  }
0x11a: {  	s10 =	simm.s32 $0x100;
	[sflag:s28] =	ssyncadd.s32 $0xFFFFC000  }
0x11b: {  	[tilespmem:s26], [sflag:$0x1] =	stream.indirect.gather [hbm4b:s1+s30], $0x80, s10, s30, $0x2000b8;
	[tilespmem:$0x1E800] =	vst v63  }
0x11c: {  	_ =	swait.ge [sflag:s6], $0x4000  }
0x11d: {  	[sflag:s6] =	ssyncset.done $0x0  }
0x11e: {  	s11 =	simm.s32 $0x1480;
	[sflag:s6] =	ssyncadd.s32 $0xFFFFC000  }
0x11f: {  	[spmem:s2] =	stream.indirect.scatter.add.f32 [tilespmem:s31], [sflag:$0x3], $0x80, s11, s30, $0x2000b8;
	[tilespmem:$0x1E800] =	vst v63  }
0x120: {  	_ =	swait.ge [sflag:s28], $0x4000  }
0x121: {  	s8 =	simm.s32 $0x100;
	s9 =	simm.s32 $0x800;
	[sflag:s28] =	ssyncset.done $0x0  }
.LBB2_5:
0x122: {  	s10 =	sadd.s32 $0x80, s8  }
0x123: {  	[sflag:s28] =	ssyncadd.s32 $0xFFFFC000;
	s11 =	smov.u32 s9;
	s4 =	sadd.s32 $0x400, s9  }
0x124: {  	[tilespmem:s31], [sflag:$0x2] =	stream.indirect.gather [hbm4b:s1+s30], $0x80, s10, s30, $0x2000b8;
	[tilespmem:$0x1E800] =	vst v63  }
0x125: {  	p1 =	sne.s32 s9, $0x4800;
	_ =	swait.ge [sflag:s0], $0x4000  }
0x126: {  	[sflag:s0] =	ssyncset.done $0x0  }
0x127: {  	s9 =	sadd.s32 $0x1400, s8;
	[sflag:s0] =	ssyncadd.s32 $0xFFFFC000  }
0x128: {  	[spmem:s2] =	stream.indirect.scatter.add.f32 [tilespmem:s26], [sflag:$0x3], $0x80, s9, s30, $0x2000b8;
	[tilespmem:$0x1E800] =	vst v63  }
0x129: {  	_ =	swait.ge [sflag:s28], $0x4000  }
0x12a: {  	[sflag:s28] =	ssyncset.done $0x0  }
0x12b: {  	s9 =	sadd.s32 $0x100, s8;
	[sflag:s28] =	ssyncadd.s32 $0xFFFFC000  }
0x12c: {  	[tilespmem:s26], [sflag:$0x1] =	stream.indirect.gather [hbm4b:s1+s30], $0x80, s9, s30, $0x2000b8;
	[tilespmem:$0x1E800] =	vst v63  }
0x12d: {  	_ =	swait.ge [sflag:s6], $0x4000  }
.Ltmp4:
0x12e: {  	[sflag:s6] =	ssyncset.done $0x0;
	(pc) =	sbr.rel @p1 .LBB2_5-.Ltmp4, $4  }
0x12f: {  	s8 =	sadd.s32 $0x1480, s8;
	[sflag:s6] =	ssyncadd.s32 $0xFFFFC000  }
0x130: {  	[spmem:s2] =	stream.indirect.scatter.add.f32 [tilespmem:s31], [sflag:$0x3], $0x80, s8, s30, $0x2000b8;
	[tilespmem:$0x1E800] =	vst v63  }
0x131: {  	_ =	swait.ge [sflag:s28], $0x4000  }
0x132: {  	s9 =	smov.u32 s4;
	s8 =	sshra.s32 s11, $0x2;
	[sflag:s28] =	ssyncset.done $0x0  }
0x133: {  	s4 =	sadd.s32 $0x80, s8;
	[sflag:s28] =	ssyncadd.s32 $0xFFFFC000  }
0x134: {  	[tilespmem:s31], [sflag:$0x2] =	stream.indirect.gather [hbm4b:s1+s30], $0x80, s4, s30, $0x2000b8;
	[tilespmem:$0x1E800] =	vst v63  }
0x135: {  	_ =	swait.ge [sflag:s0], $0x4000  }
0x136: {  	[sflag:s0] =	ssyncset.done $0x0  }
0x137: {  	s10 =	sadd.s32 $0x1400, s8;
	[sflag:s0] =	ssyncadd.s32 $0xFFFFC000  }
0x138: {  	[spmem:s2] =	stream.indirect.scatter.add.f32 [tilespmem:s26], [sflag:$0x3], $0x80, s10, s30, $0x2000b8;
	[tilespmem:$0x1E800] =	vst v63  }
0x139: {  	_ =	swait.ge [sflag:s28], $0x4000  }
0x13a: {  	[sflag:s28] =	ssyncset.done $0x0  }
0x13b: {  	s11 =	sadd.s32 $0x100, s8;
	[sflag:s28] =	ssyncadd.s32 $0xFFFFC000  }
0x13c: {  	[tilespmem:s26], [sflag:$0x1] =	stream.indirect.gather [hbm4b:s1+s30], $0x80, s11, s30, $0x2000b8;
	[tilespmem:$0x1E800] =	vst v63  }
0x13d: {  	_ =	swait.ge [sflag:s6], $0x4000  }
0x13e: {  	[sflag:s6] =	ssyncset.done $0x0  }
0x13f: {  	s9 =	sadd.s32 $0x1480, s8;
	[sflag:s6] =	ssyncadd.s32 $0xFFFFC000  }
0x140: {  	[spmem:s2] =	stream.indirect.scatter.add.f32 [tilespmem:s31], [sflag:$0x3], $0x80, s9, s30, $0x2000b8;
	[tilespmem:$0x1E800] =	vst v63  }
0x141: {  	_ =	swait.ge [sflag:s28], $0x4000  }
0x142: {  	[sflag:s28] =	ssyncset.done $0x0  }
0x143: {  	s10 =	simm.s32 $0x1380;
	[sflag:s28] =	ssyncadd.s32 $0xFFFFC000  }
0x144: {  	[tilespmem:s31], [sflag:$0x2] =	stream.indirect.gather [hbm4b:s1+s30], $0x80, s10, s30, $0x2000b8;
	[tilespmem:$0x1E800] =	vst v63  }
0x145: {  	_ =	swait.ge [sflag:s0], $0x4000  }
0x146: {  	[sflag:s0] =	ssyncset.done $0x0  }
0x147: {  	s11 =	simm.s32 $0x2700;
	[sflag:s0] =	ssyncadd.s32 $0xFFFFC000  }
0x148: {  	[spmem:s2] =	stream.indirect.scatter.add.f32 [tilespmem:s26], [sflag:$0x3], $0x80, s11, s30, $0x2000b8;
	[tilespmem:$0x1E800] =	vst v63  }
0x149: {  	_ =	swait.ge [sflag:s28], $0x4000  }
0x14a: {  	[sflag:s28] =	ssyncset.done $0x0  }
0x14b: {  	[sflag:s28] =	ssyncadd.s32 $0xFFFFC000  }
0x14c: {  	_ =	swait.ge [sflag:s6], $0x4000  }
0x14d: {  	[sflag:s6] =	ssyncset.done $0x0  }
0x14e: {  	s8 =	simm.s32 $0x2780;
	[sflag:s6] =	ssyncadd.s32 $0xFFFFC000  }
0x14f: {  	[spmem:s2] =	stream.indirect.scatter.add.f32 [tilespmem:s31], [sflag:$0x3], $0x80, s8, s30, $0x2000b8;
	[tilespmem:$0x1E800] =	vst v63  }
0x150: {  	_ =	swait.ge [sflag:s28], $0x4000  }
0x151: {  	[sflag:s28] =	ssyncset.done $0x0  }
0x152: {  	s9 =	simm.s32 $0x0;
	s10 =	rddreg [dreg:$0x6];
	[sflag:s28] =	ssyncadd.s32 $0xFFFFC000  }
0x153: {  	[tilespmem:s9], [sflag:$0x3] =	stream.linear.gather [hbm4b:s10+s9], $0x1400, $0x200038;
	[tilespmem:$0x1E800] =	vst v63  }
0x154: {  	_ =	swait.ge [sflag:s28], $0x1400  }
0x155: {  	[sflag:s28] =	ssyncset.done $0x0  }
0x156: {  	p2 =	por $0x0, $0x0;
	s11 =	rddreg [dreg:$0x7];
	[sflag:s28] =	ssyncadd.s32 $0xFFFFEC00  }
0x157: {  	[tilespmem:s29], [sflag:$0x3] =	stream.linear.gather [hbm4b:s11+s9], $0x1400, $0x200038;
	[tilespmem:$0x1E800] =	vst v63  }
.Ltmp5:
0x158: {  	_ = 	snop;
	(pc) =	sbr.rel @p2 .LBB2_9-.Ltmp5, $4  }
0x159: {  	_ =	swait.ge [sflag:s28], $0x1400  }
0x15a: {  	[sflag:s28] =	ssyncset.done $0x0  }
0x15b: {  	p1 =	por $0x0, $0x0;
	s8 =	simm.s32 $0x0;
	[sflag:s28] =	ssyncadd.s32 $0xFFFFEC00  }
0x15c: {  	[tilespmem:s26], [sflag:$0x1] =	stream.indirect.gather [hbm4b:s1+s30], $0x80, s9, s30, $0x2000b8;
	[tilespmem:$0x1E800] =	vst v63  }
0x15d: {  	s4 =	simm.s32 $0x80  }
0x15e: {  	[tilespmem:s31], [sflag:$0x2] =	stream.indirect.gather [hbm4b:s1+s30], $0x80, s4, s30, $0x2000b8;
	[tilespmem:$0x1E800] =	vst v63  }
0x15f: {  	_ =	swait.ge [sflag:s0], $0x4000  }
0x160: {  	[sflag:s0] =	ssyncset.done $0x0  }
0x161: {  	s9 =	simm.s32 $0x1400;
	[sflag:s0] =	ssyncadd.s32 $0xFFFFC000  }
0x162: {  	[spmem:s2] =	stream.indirect.scatter.add.f32 [tilespmem:s26], [sflag:$0x3], $0x80, s9, s30, $0x2000b8;
	[tilespmem:$0x1E800] =	vst v63  }
0x163: {  	_ =	swait.ge [sflag:s28], $0x4000  }
0x164: {  	[sflag:s28] =	ssyncset.done $0x0  }
0x165: {  	s10 =	simm.s32 $0x100;
	[sflag:s28] =	ssyncadd.s32 $0xFFFFC000  }
0x166: {  	[tilespmem:s26], [sflag:$0x1] =	stream.indirect.gather [hbm4b:s1+s30], $0x80, s10, s30, $0x2000b8;
	[tilespmem:$0x1E800] =	vst v63  }
0x167: {  	p2 =	por $0x0, $0x0;
	_ =	swait.ge [sflag:s6], $0x4000  }
.Ltmp6:
0x168: {  	[sflag:s6] =	ssyncset.done $0x0;
	(pc) =	sbr.rel @p2 .LBB2_9-.Ltmp6, $4  }
0x169: {  	s11 =	simm.s32 $0x1480;
	[sflag:s6] =	ssyncadd.s32 $0xFFFFC000  }
0x16a: {  	[spmem:s2] =	stream.indirect.scatter.add.f32 [tilespmem:s31], [sflag:$0x3], $0x80, s11, s30, $0x2000b8;
	[tilespmem:$0x1E800] =	vst v63  }
0x16b: {  	s8 =	simm.s32 $0x100;
	_ =	swait.ge [sflag:s28], $0x4000  }
0x16c: {  	p1 =	por $0x1, $0x1;
	s9 =	simm.s32 $0x800;
	[sflag:s28] =	ssyncset.done $0x0  }
.LBB2_8:
0x16d: {  	s4 =	sadd.s32 $0x80, s8  }
0x16e: {  	[sflag:s28] =	ssyncadd.s32 $0xFFFFC000;
	s10 =	smov.u32 s9;
	s11 =	sadd.s32 $0x400, s9  }
0x16f: {  	[tilespmem:s31], [sflag:$0x2] =	stream.indirect.gather [hbm4b:s1+s30], $0x80, s4, s30, $0x2000b8;
	[tilespmem:$0x1E800] =	vst v63  }
0x170: {  	p2 =	seq.s32 s9, $0x4800;
	_ =	swait.ge [sflag:s0], $0x4000  }
0x171: {  	[sflag:s0] =	ssyncset.done $0x0  }
0x172: {  	s4 =	sadd.s32 $0x1400, s8;
	[sflag:s0] =	ssyncadd.s32 $0xFFFFC000  }
0x173: {  	[spmem:s2] =	stream.indirect.scatter.add.f32 [tilespmem:s26], [sflag:$0x3], $0x80, s4, s30, $0x2000b8;
	[tilespmem:$0x1E800] =	vst v63  }
0x174: {  	_ =	swait.ge [sflag:s28], $0x4000  }
0x175: {  	[sflag:s28] =	ssyncset.done $0x0  }
0x176: {  	s4 =	sadd.s32 $0x100, s8;
	[sflag:s28] =	ssyncadd.s32 $0xFFFFC000  }
0x177: {  	[tilespmem:s26], [sflag:$0x1] =	stream.indirect.gather [hbm4b:s1+s30], $0x80, s4, s30, $0x2000b8;
	[tilespmem:$0x1E800] =	vst v63  }
0x178: {  	_ =	swait.ge [sflag:s6], $0x4000  }
.Ltmp7:
0x179: {  	[sflag:s6] =	ssyncset.done $0x0;
	(pc) =	sbr.rel @!p2 .LBB2_8-.Ltmp7, $4  }
0x17a: {  	s4 =	sadd.s32 $0x1480, s8;
	[sflag:s6] =	ssyncadd.s32 $0xFFFFC000  }
0x17b: {  	[spmem:s2] =	stream.indirect.scatter.add.f32 [tilespmem:s31], [sflag:$0x3], $0x80, s4, s30, $0x2000b8;
	[tilespmem:$0x1E800] =	vst v63  }
0x17c: {  	_ =	swait.ge [sflag:s28], $0x4000  }
0x17d: {  	s9 =	smov.u32 s11;
	s8 =	sshra.s32 s10, $0x2;
	[sflag:s28] =	ssyncset.done $0x0  }
.LBB2_9:
0x17e: {  	s4 =	sadd.s32 $0x80, s8;
	[sflag:s28] =	ssyncadd.s32 @p1 $0xFFFFC000  }
0x17f: {  	[tilespmem:s31], [sflag:$0x2] =	stream.indirect.gather [hbm4b:s1+s30], $0x80, s4, s30, $0x2000b8;
	[tilespmem:$0x1E800] =	vst v63  }
0x180: {  	_ =	swait.ge [sflag:s0], $0x4000  }
0x181: {  	[sflag:s0] =	ssyncset.done $0x0  }
0x182: {  	s9 =	sadd.s32 $0x1400, s8;
	[sflag:s0] =	ssyncadd.s32 $0xFFFFC000  }
0x183: {  	[spmem:s2] =	stream.indirect.scatter.add.f32 [tilespmem:s26], [sflag:$0x3], $0x80, s9, s30, $0x2000b8;
	[tilespmem:$0x1E800] =	vst v63  }
0x184: {  	_ =	swait.ge [sflag:s28], $0x4000  }
0x185: {  	[sflag:s28] =	ssyncset.done $0x0  }
0x186: {  	s10 =	sadd.s32 $0x100, s8;
	[sflag:s28] =	ssyncadd.s32 $0xFFFFC000  }
0x187: {  	[tilespmem:s26], [sflag:$0x1] =	stream.indirect.gather [hbm4b:s1+s30], $0x80, s10, s30, $0x2000b8;
	[tilespmem:$0x1E800] =	vst v63  }
0x188: {  	_ =	swait.ge [sflag:s6], $0x4000  }
0x189: {  	[sflag:s6] =	ssyncset.done $0x0  }
.Ltmp8:
0x18a: {  	s11 =	sadd.s32 $0x1480, s8;
	[sflag:s6] =	ssyncadd.s32 $0xFFFFC000;
	(pc) =	sbr.rel .LBB2_11-.Ltmp8, $4  }
0x18b: {  	[spmem:s2] =	stream.indirect.scatter.add.f32 [tilespmem:s31], [sflag:$0x3], $0x80, s11, s30, $0x2000b8;
	[tilespmem:$0x1E800] =	vst v63  }
0x18c: {  	_ =	swait.ge [sflag:s28], $0x4000  }
0x18d: {  	s8 =	simm.s32 $0x2780;
	[sflag:s28] =	ssyncset.done $0x0  }
0x18e: {  	s9 =	simm.s32 $0x2700;
	s10 =	simm.s32 $0x1380;
	[sflag:s28] =	ssyncadd.s32 $0xFFFFC000  }
.LBB2_12:
0x18f: {  	_ =	sfence.sel $0x180000  }
0x190: {  	[bflag:$0x0] =	sbarrier.arrive $0xFFFF  }
0x191: {  	_ =	strace $0x9000004D  }
0x192: {  	s0 =	stileid.u32;
	[bflag:$0x2] =	sbarrier.arrive $0xFFFF  }
0x193: {  	p0 =	sne.s32 s0, $0x0;
	s0 =	rddreg [dreg:$0x3]  }
0x194: {  	s0 =	sadd.s32 @!p0 $0x100000, s0  }
0x195: {  	[sflag:s0] =	ssyncadd.tile.s32 @!p0 $0x1;
	_ =	shalt  }
.Lfunc_end2:
_tile_overlayer_lowered:
.L_overlay_start_2:
0x196: {  	(tag) =	ssettag $0x2  }
0x197: {  	s0 =	rddreg [dreg:$0x0];
	s2 =	stileid.u32  }
0x198: {  	s1 =	rddreg [dreg:$0x1];
	p0 =	sne.s32 s2, $0x0  }
0x199: {  	s3 =	rddreg [dreg:$0x2];
	[bflag:$0x3] =	sbarrier.arrive $0xFFFF;
	s2 =	simm.s32 @!p0 $0x1C03  }
0x19a: {  	[timem:s3], [sflag:s2] =	dma.local @!p0 [hbm:s0], s1  }
0x19b: {  	s0 =	simm.s32 @!p0 $0x3  }
0x19c: {  	_ =	swait.ge @!p0 [sflag:s0], s1  }
0x19d: {  	s1 =	ssub.s32 @!p0 $0x0, s1;
	[sflag:s0] =	ssyncset.done @!p0 $0x0  }
0x19e: {  	[sflag:s0] =	ssyncadd.s32 @!p0 s1  }
0x19f: {  	[bflag:$0x3] =	sbarrier.arrive $0xFFFF  }
0x1a0: {  	_ =	shalt  }

// kernel: kernel.14.cloned.1.call-start
scs
__scs_entry_jumppad:
0x0: {  	(pc) =	sbr.rel $0x88, $3  }
0x1: {  	(tag) =	ssettag $0x0;
	lr =	simm.s32 $0x1  }
0x2: {  	[smem:$0x3F7F] =	sst lr;
	_ =	strace $0xD0000000  }
0x3: {  	_ = 	snop  }
0x4: {  	_ = 	snop  }
0x5: {  	_ = 	snop  }
0x6: {  	_ = 	snop  }
0x7: {  	_ = 	snop  }
__scs_overlays_trampoline_lowered:
0x8: {  	[smem:$0x3F8E] =	sst s0  }
0x9: {  	[smem:$0x3F8F] =	sst s1  }
0xa: {  	[smem:$0x3F90] =	sst s2  }
0xb: {  	[smem:$0x3F91] =	sst s3  }
0xc: {  	[smem:$0x3F92] =	sst s4  }
0xd: {  	[smem:$0x3F93] =	sst s5  }
0xe: {  	[smem:$0x3F94] =	sst s6  }
0xf: {  	[smem:$0x3F95] =	sst s7  }
0x10: {  	[smem:$0x3F96] =	sst s8  }
0x11: {  	[smem:$0x3F97] =	sst s9;
	s0 =	simm.s32 @!p0 $0x0  }
0x12: {  	s1 =	sld [smem:$0x3F7D];
	s0 =	simm.s32 @p0 $0x1  }
0x13: {  	[smem:$0x3F98] =	sst s0;
	s0 =	simm.s32 @!p1 $0x0  }
0x14: {  	s2 =	sld [smem:$0x3F7C];
	s0 =	simm.s32 @p1 $0x1  }
0x15: {  	[smem:$0x3F99] =	sst s0;
	s0 =	simm.s32 @!p2 $0x0  }
0x16: {  	s3 =	sld [smem:$0x3FDB];
	s0 =	simm.s32 @p2 $0x1  }
0x17: {  	s4 =	simm.s32 $0x1BF5;
	[smem:$0x3F9B] =	sst s0  }
0x18: {  	s0 =	sld [smem:$0x3F7E];
	_ =	swait.ge [sflag:s4], $0x0  }
0x19: {  	s7 =	sld [smem:$0x3F7F]  }
0x1a: {  	s8 =	sadd.s32 $0xFFFFE003, lr  }
0x1b: {  	s9 =	sadd.s32 $0xFFFFFEF7, lr;
	s5 =	simm.s32 $0xFFFFFFFF;
	p2 =	slt.u32 s8, $0xFFFFF086  }
0x1c: {  	p1 =	slt.u32 s9, $0xF7A;
	s5 =	simm.s32 @!p2 $0x0  }
0x1d: {  	s5 =	simm.s32 @p1 $0x1;
	p0 =	seq.s32 s7, s2  }
0x1e: {  	s7 =	smul.u32 @!p0 $0xF7A, s2;
	p2 =	seq.s32 @!p0 s5, $0x0  }
0x1f: {  	s9 =	smul.u32 $0xF7A, s1;
	s8 =	simm.s32 @!p0 $0x1BF5;
	p2 =	por !p2, p0  }
0x20: {  	[sflag:s8] =	ssyncset.s32 @!p0 $0xFFFFF086;
	s6 =	sadd.s32 @!p0 s3, s7;
	s7 =	simm.s32 @!p0 $0x108  }
0x21: {  	s3 =	sadd.s32 s3, s9;
	s6 =	sadd.s32 @!p0 $0x88, s6;
	s7 =	simm.s32 @p2 $0x1082  }
0x22: {  	[simem:s7], [sflag:s8] =	dma.local @!p0 [hbm:s6], $0xF7A  }
0x23: {  	s9 =	sor.u32 $0xD0000000, s2;
	s6 =	simm.s32 $0x108;
	_ =	swait.ge @!p0 [sflag:s8], $0x0  }
0x24: {  	s3 =	sadd.s32 $0x88, s3;
	s6 =	simm.s32 @!p1 $0x1082;
	[sflag:s4] =	ssyncset.s32 $0xFFFFF086  }
0x25: {  	[simem:s6], [sflag:s4] =	dma.local [hbm:s3], $0xF7A  }
0x26: {  	[smem:$0x3F7F] =	sst s1;
	(tag) =	ssettag s2;
	_ =	strace s9  }
0x27: {  	s1 =	sld [smem:$0x3F8F]  }
0x28: {  	s2 =	sld [smem:$0x3F90]  }
0x29: {  	s4 =	sld [smem:$0x3F92]  }
0x2a: {  	p0 =	seq.s32 s5, $0x0;
	s5 =	sld [smem:$0x3F93]  }
0x2b: {  	s6 =	sld [smem:$0x3F94]  }
0x2c: {  	s7 =	sld [smem:$0x3F95]  }
0x2d: {  	s3 =	simm.s32 $0x108;
	s8 =	sld [smem:$0x3F96]  }
0x2e: {  	s3 =	simm.s32 @!p0 $0x1082;
	s9 =	sld [smem:$0x3F97]  }
0x2f: {  	lr =	sadd.s32 s0, s3;
	s0 =	sld [smem:$0x3F8E]  }
0x30: {  	s3 =	sld [smem:$0x3F91]  }
0x31: {  	[smem:$0x3F9A] =	sst s10  }
0x32: {  	s10 =	sld [smem:$0x3F98];
	_ =	sdelay $0x3  }
0x33: {  	p0 =	seq.s32 s10, $0x1;
	s10 =	sld [smem:$0x3F9A];
	_ =	sdelay $0x3  }
0x34: {  	[smem:$0x3F9A] =	sst s10  }
0x35: {  	s10 =	sld [smem:$0x3F99];
	_ =	sdelay $0x3  }
0x36: {  	p1 =	seq.s32 s10, $0x1;
	s10 =	sld [smem:$0x3F9A];
	_ =	sdelay $0x3  }
0x37: {  	[smem:$0x3F9A] =	sst s10  }
0x38: {  	s10 =	sld [smem:$0x3F9B]  }
0x39: {  	_ = 	snop;
	(pc) =	sbr.ind lr, $3  }
0x3a: {  	_ = 	snop  }
0x3b: {  	_ = 	snop  }
0x3c: {  	p2 =	seq.s32 s10, $0x1;
	s10 =	sld [smem:$0x3F9A]  }
0x3d: {  	_ =	shalt  }
0x3e: {  	_ =	shalt  }
0x3f: {  	_ =	shalt  }
0x40: {  	_ =	shalt  }
0x41: {  	_ =	shalt  }
0x42: {  	_ =	shalt  }
0x43: {  	_ =	shalt  }
0x44: {  	_ =	shalt  }
0x45: {  	_ =	shalt  }
0x46: {  	_ =	shalt  }
0x47: {  	_ =	shalt  }
0x48: {  	_ =	shalt  }
0x49: {  	_ =	shalt  }
0x4a: {  	_ =	shalt  }
0x4b: {  	_ =	shalt  }
0x4c: {  	_ =	shalt  }
0x4d: {  	_ =	shalt  }
0x4e: {  	_ =	shalt  }
0x4f: {  	_ =	shalt  }
0x50: {  	_ =	shalt  }
0x51: {  	_ =	shalt  }
0x52: {  	_ =	shalt  }
0x53: {  	_ =	shalt  }
0x54: {  	_ =	shalt  }
0x55: {  	_ =	shalt  }
0x56: {  	_ =	shalt  }
0x57: {  	_ =	shalt  }
0x58: {  	_ =	shalt  }
0x59: {  	_ =	shalt  }
0x5a: {  	_ =	shalt  }
0x5b: {  	_ =	shalt  }
0x5c: {  	_ =	shalt  }
0x5d: {  	_ =	shalt  }
0x5e: {  	_ =	shalt  }
0x5f: {  	_ =	shalt  }
0x60: {  	_ =	shalt  }
0x61: {  	_ =	shalt  }
0x62: {  	_ =	shalt  }
0x63: {  	_ =	shalt  }
0x64: {  	_ =	shalt  }
0x65: {  	_ =	shalt  }
0x66: {  	_ =	shalt  }
0x67: {  	_ =	shalt  }
0x68: {  	_ =	shalt  }
0x69: {  	_ =	shalt  }
0x6a: {  	_ =	shalt  }
0x6b: {  	_ =	shalt  }
0x6c: {  	_ =	shalt  }
0x6d: {  	_ =	shalt  }
0x6e: {  	_ =	shalt  }
0x6f: {  	_ =	shalt  }
0x70: {  	_ =	shalt  }
0x71: {  	_ =	shalt  }
0x72: {  	_ =	shalt  }
0x73: {  	_ =	shalt  }
0x74: {  	_ =	shalt  }
0x75: {  	_ =	shalt  }
0x76: {  	_ =	shalt  }
0x77: {  	_ =	shalt  }
0x78: {  	_ =	shalt  }
0x79: {  	_ =	shalt  }
0x7a: {  	_ =	shalt  }
0x7b: {  	_ =	shalt  }
0x7c: {  	_ =	shalt  }
0x7d: {  	_ =	shalt  }
0x7e: {  	_ =	shalt  }
0x7f: {  	_ =	shalt  }
0x80: {  	_ =	shalt  }
0x81: {  	_ =	shalt  }
0x82: {  	_ =	shalt  }
0x83: {  	_ =	shalt  }
0x84: {  	_ =	shalt  }
0x85: {  	_ =	shalt  }
0x86: {  	_ =	shalt  }
0x87: {  	_ =	shalt  }
.Lfunc_end0:
.L_simem_size_0:
called_computation.2_lowered:
.L_overlay_start_0:
0x88: {  	s2 =	sld [smem:$0x3FD9]  }
0x89: {  	s3 =	sld [smem:$0x3FFE];
	_ =	sdelay $0x1  }
0x8a: {  	s1 =	srdreg.scid  }
0x8b: {  	s0 =	sand.u32 $0x1, s1  }
0x8c: {  	s14 =	sshll.u32 s0, $0xA;
	s2 =	sadd.s32 s3, s2  }
0x8d: {  	s2 =	sadd.s32 s2, s14  }
0x8e: {  	[smem:$0x3FA6] =	sst s2  }
0x8f: {  	_ = 	snop  }
0x90: {  	s2 =	sld [smem:$0x3FD0];
	_ =	sdelay $0x2  }
0x91: {  	s15 =	simm.s32 $0xA;
	s4 =	simm.s32 $0x10  }
0x92: {  	[smem:s4], [sflag:s15] =	dma.local [hbm:s2], $0x1  }
0x93: {  	_ =	swait.eq [sflag:s15], $0x1  }
0x94: {  	[sflag:s15] =	ssyncset.done $0x0  }
0x95: {  	[sflag:s15] =	ssyncadd.s32 $0xFFFFFFFF  }
0x96: {  	s16 =	sld [smem:$0x11];
	(tm) =	ssettm $0x1  }
0x97: {  	s17 =	sld [smem:$0x3FFB];
	_ =	sdelay $0x3  }
0x98: {  	_ =	strace s17  }
0x99: {  	s3 =	sld [smem:$0x3FFC];
	_ =	sdelay $0x3  }
0x9a: {  	_ =	strace s3  }
0x9b: {  	s3 =	sld [smem:$0x3FFD];
	_ =	sdelay $0x3  }
0x9c: {  	_ =	strace s3  }
0x9d: {  	_ =	strace $0x8FFFFFFF  }
0x9e: {  	s18 =	sld [smem:$0x3FDB];
	_ =	sdelay $0x1  }
0x9f: {  	s19 =	simm.s32 $_scs_section_size  }
0xa0: {  	s5 =	simm.s32 $_size__tile_overlayer_lowered;
	s6 =	simm.s32 $_tile_overlayer_lowered  }
0xa1: {  	s22 =	simm.s32 $0x1BFF;
	s21 =	sshll.u32 s6, $0x1;
	s3 =	sadd.s32 s19, s18  }
0xa2: {  	s7 =	simm.s32 $0x0;
	s20 =	sshll.u32 s5, $0x1;
	s5 =	sadd.s32 s21, s3  }
0xa3: {  	[timem:s7], [sflag:s22] =	dma.local [hbm:s5], s20  }
0xa4: {  	_ =	swait.ge [sflag:s22], s20  }
0xa5: {  	s4 =	ssub.s32 $0x0, s20;
	[sflag:s22] =	ssyncset.done $0x0  }
0xa6: {  	[sflag:s22] =	ssyncadd.s32 s4;
	_ =	sdelay $0x1  }
0xa7: {  	s23 =	simm.s32 $0x1B8B  }
0xa8: {  	_ =	swait.ge [sflag:s23], $0x1  }
0xa9: {  	[sflag:s23] =	ssyncset.done $0x0  }
0xaa: {  	s25 =	simm.s32 $0x1B8E;
	s24 =	sld [smem:$0x3FFE];
	[sflag:s23] =	ssyncadd.s32 $0xFFFFFFFF  }
0xab: {  	s26 =	simm.s32 $execute0_lowered;
	[smem:$0x3FD2] =	sst s25  }
0xac: {  	s5 =	sshll.u32 s26, $0x1;
	_ =	strace $0x80000052;
	[dreg:$0x1] =	wrdreg $0xFFFFFFFF  }
0xad: {  	s28 =	simm.s32 $_size_execute0_lowered;
	s3 =	sadd.s32 s3, s5;
	[dreg:$0x0] =	wrdreg $0x0  }
0xae: {  	s5 =	sshll.u32 s28, $0x1;
	[dreg:$0x2] =	wrdreg s3  }
0xaf: {  	[dreg:$0x3] =	wrdreg s5  }
0xb0: {  	[dreg:$0x4] =	wrdreg $0xC0  }
0xb1: {  	_ =	task [dreg:s7], $0x5FFFF  }
0xb2: {  	[dreg:$0x1] =	wrdreg $0xFFFFFFFF  }
0xb3: {  	[dreg:$0x0] =	wrdreg $0x60  }
0xb4: {  	[dreg:$0x2] =	wrdreg s16  }
0xb5: {  	[dreg:$0x3] =	wrdreg s24  }
0xb6: {  	[dreg:$0x4] =	wrdreg $0xA8000  }
0xb7: {  	[dreg:$0x5] =	wrdreg $0x9  }
0xb8: {  	_ =	task.clear_ibuf [dreg:s7], $0x6FFFF;
	_ =	strace $0x90000052  }
0xb9: {  	s29 =	simm.s32 $0x9;
	_ =	strace $0x80000057  }
0xba: {  	_ =	swait.ge [sflag:s29], $0x1  }
0xbb: {  	[sflag:s29] =	ssyncadd.s32 $0xFFFFFFFF  }
0xbc: {  	_ =	strace $0x90000057  }
0xbd: {  	_ =	sfence  }
0xbe: {  	s30 =	sld [smem:$0x0];
	_ =	sdelay $0x2  }
0xbf: {  	s31 =	sshll.u32 s1, $0xD;
	s1 =	sshrl.u32 s1, $0x2  }
0xc0: {  	s3 =	sand.u32 $0x4000, s31;
	s1 =	sadd.s32 s1, s30  }
0xc1: {  	s0 =	sor.u32 s3, s0;
	s1 =	sshll.u32 s1, $0x11  }
0xc2: {  	s0 =	sor.u32 s1, s0  }
0xc3: {  	s0 =	sadd.s32 $0x8F2B, s0  }
0xc4: {  	[sflag:s0] =	ssyncadd.remote.s32 $0x1  }
0xc5: {  	_ =	sfence.sel $0xFFFF  }
0xc6: {  	[dreg:$0x0] =	wrdreg $0xFFFFFFFF;
	(pc) =	sbr.abs _section_cstart, $3  }
0xc7: {  	[dreg:$0x1] =	wrdreg $0xFFFFFFFF  }
0xc8: {  	_ =	task.clear_ibuf [dreg:s7], $0x2FFFF;
	_ =	strace $0x9FFFFFFF  }
0xc9: {  	(tm) =	ssettm $0x7FFFFFFF  }
tec
execute0_lowered:
.L_overlay_start_1:
0x0: {  	(tag) =	ssettag $0x1  }
0x1: {  	s1 =	rddreg [dreg:$0x0]  }
0x2: {  	s0 =	rddreg [dreg:$0x1]  }
0x3: {  	s2 =	rddreg [dreg:$0x2];
	s3 =	simm.s32 $0x0;
	s4 =	srdreg.scid  }
0x4: {  	s13 =	stileid.u32;
	s28 =	simm.s32 $0x3;
	s29 =	simm.s32 $0x1400  }
0x5: {  	s30 =	simm.s32 $0x80;
	s31 =	simm.s32 $0x6800;
	[smem:$0x7FF] =	sst s3  }
0x6: {  	s5 =	sand.u32 $0x1, s4;
	s6 =	sadd.s32 $0xFA00, s0;
	s9 =	smul.u32 $0x50000, s13  }
0x7: {  	s10 =	sadd.s32 $0x5C00, s0;
	s19 =	sadd.s32 $0x19800, s0;
	s18 =	smul.u32 $0x14000, s13  }
0x8: {  	s23 =	sadd.s32 $0x19500, s0;
	s0 =	sadd.s32 $0xF700, s0;
	_ =	strace $0x80000053  }
0x9: {  	s7 =	sshll.u32 s5, $0x4;
	s8 =	ssub.s32 $0x2, s5;
	[dreg:$0x8] =	wrdreg s23  }
0xa: {  	s17 =	smul.u32 $0x140000, s5;
	[dreg:$0x9] =	wrdreg s0;
	s7 =	sor.u32 s13, s7  }
0xb: {  	s11 =	sshrl.u32 s8, $0x1;
	s9 =	sshrl.u32 s9, $0x2;
	s12 =	smul.u32 $0x2800, s7  }
0xc: {  	s26 =	sadd.s32 $0x4000, s18;
	s8 =	ssub.s32 s8, s11;
	s14 =	smul.u32 $0x500, s7  }
0xd: {  	s5 =	sadd.s32 s9, s2;
	s24 =	sadd.s32 s17, s18;
	s4 =	sadd.s32 s17, s26  }
0xe: {  	s11 =	sadd.s32 $0xC000, s18;
	p0 =	seq.s32 s7, $0x1F;
	s7 =	simm.s32 $0x0  }
0xf: {  	s25 =	sshrl.u32 s24, $0x3;
	s13 =	smax.u32 s8, $0x1;
	s0 =	sshrl.u32 s4, $0x3  }
0x10: {  	s8 =	sadd.s32 $0x8000, s18;
	s23 =	sadd.s32 s17, s11;
	s16 =	sadd.s32 s6, s14  }
0x11: {  	s12 =	sshrl.u32 s12, $0x3;
	s20 =	sadd.s32 s10, s14;
	[dreg:$0x4] =	wrdreg s16  }
0x12: {  	s14 =	sadd.s32 $0x4000, s5;
	s15 =	sadd.s32 $0x280, s12;
	[dreg:$0x5] =	wrdreg s20  }
0x13: {  	s12 =	sadd.s32 s19, s25;
	s16 =	sadd.s32 s19, s0;
	s0 =	sadd.s32 s8, s2  }
0x14: {  	s25 =	sadd.s32 s11, s2;
	s21 =	sadd.s32 s6, s15;
	s22 =	sadd.s32 s10, s15  }
0x15: {  	s15 =	sadd.s32 $0x8000, s5;
	s10 =	sshrl.u32 s23, $0x3;
	s6 =	sadd.s32 s26, s2  }
0x16: {  	s23 =	sshrl.u32 s0, $0x3;
	s0 =	simm.s32 $0x1;
	[dreg:$0x6] =	wrdreg s21  }
0x17: {  	[dreg:$0x7] =	wrdreg s22;
	s21 =	sadd.s32 s17, s8;
	s22 =	sadd.s32 $0x10000, s18  }
.Ltmp0:
0x18: {  	s18 =	sadd.s32 s19, s10;
	s9 =	sshrl.u32 s21, $0x3;
	(pc) =	sbr.rel .LBB2_1-.Ltmp0, $4  }
0x19: {  	s20 =	sadd.s32 s17, s22;
	s21 =	sadd.s32 $0x10000, s5;
	s26 =	sadd.s32 s22, s2  }
0x1a: {  	s22 =	sshrl.u32 s6, $0x3;
	s6 =	simm.s32 $0x2;
	s24 =	sshrl.u32 s20, $0x3  }
0x1b: {  	s17 =	sadd.s32 s19, s9;
	s20 =	sadd.s32 $0xC000, s5;
	s19 =	sadd.s32 s19, s24  }
0x1c: {  	v0 =	vimm.f32 $0.0e+00;
	s24 =	sshrl.u32 s25, $0x3;
	s25 =	sshrl.u32 s26, $0x3;
	s26 =	simm.s32 $0x2800  }
.LBB2_10:
0x1d: {  	s4 =	rddreg [dreg:$0x8]  }
0x1e: {  	[tilespmem:s3], [sflag:$0x3] =	stream.linear.gather [hbm4b:s4+s3], $0xA00, $0x200038;
	[tilespmem:$0x1E800] =	vst v63  }
0x1f: {  	_ =	swait.ge [sflag:s28], $0xA00  }
0x20: {  	[sflag:s28] =	ssyncset.done $0x0  }
0x21: {  	s9 =	rddreg [dreg:$0x9];
	[sflag:s28] =	ssyncadd.s32 $0xFFFFF600  }
0x22: {  	[tilespmem:s29], [sflag:$0x3] =	stream.linear.gather [hbm4b:s9+s3], $0xA00, $0x200038;
	[tilespmem:$0x1E800] =	vst v63  }
0x23: {  	_ =	swait.ge [sflag:s28], $0xA00  }
0x24: {  	[sflag:s28] =	ssyncset.done $0x0  }
0x25: {  	[sflag:s28] =	ssyncadd.s32 $0xFFFFF600  }
0x26: {  	[tilespmem:s26], [sflag:$0x1] =	stream.indirect.gather [hbm4b:s1+s30], $0x80, s3, s30, $0x2000b8;
	[tilespmem:$0x1E800] =	vst v63  }
0x27: {  	_ = 	snop  }
0x28: {  	[tilespmem:s31], [sflag:$0x2] =	stream.indirect.gather [hbm4b:s1+s30], $0x80, s30, s30, $0x2000b8;
	[tilespmem:$0x1E800] =	vst v63  }
0x29: {  	_ =	swait.ge [sflag:s0], $0x4000  }
0x2a: {  	[sflag:s0] =	ssyncset.done $0x0  }
0x2b: {  	[sflag:s0] =	ssyncadd.s32 $0xFFFFC000  }
0x2c: {  	[spmem:s2] =	stream.indirect.scatter.add.f32 [tilespmem:s26], [sflag:$0x3], $0x80, s29, s30, $0x2000b8;
	[tilespmem:$0x1E800] =	vst v63  }
0x2d: {  	_ =	swait.ge [sflag:s28], $0x4000  }
0x2e: {  	[sflag:s28] =	ssyncset.done $0x0  }
0x2f: {  	s10 =	simm.s32 $0x100;
	[sflag:s28] =	ssyncadd.s32 $0xFFFFC000  }
0x30: {  	[tilespmem:s26], [sflag:$0x1] =	stream.indirect.gather [hbm4b:s1+s30], $0x80, s10, s30, $0x2000b8;
	[tilespmem:$0x1E800] =	vst v63  }
0x31: {  	_ =	swait.ge [sflag:s6], $0x4000  }
0x32: {  	[sflag:s6] =	ssyncset.done $0x0  }
0x33: {  	s11 =	simm.s32 $0x1480;
	[sflag:s6] =	ssyncadd.s32 $0xFFFFC000  }
0x34: {  	[spmem:s2] =	stream.indirect.scatter.add.f32 [tilespmem:s31], [sflag:$0x3], $0x80, s11, s30, $0x2000b8;
	[tilespmem:$0x1E800] =	vst v63  }
0x35: {  	_ =	swait.ge [sflag:s28], $0x4000  }
0x36: {  	[sflag:s28] =	ssyncset.done $0x0  }
0x37: {  	s8 =	simm.s32 $0x180;
	[sflag:s28] =	ssyncadd.s32 $0xFFFFC000  }
0x38: {  	[tilespmem:s31], [sflag:$0x2] =	stream.indirect.gather [hbm4b:s1+s30], $0x80, s8, s30, $0x2000b8;
	[tilespmem:$0x1E800] =	vst v63  }
0x39: {  	_ =	swait.ge [sflag:s0], $0x4000  }
0x3a: {  	[sflag:s0] =	ssyncset.done $0x0  }
0x3b: {  	s9 =	simm.s32 $0x1500;
	[sflag:s0] =	ssyncadd.s32 $0xFFFFC000  }
0x3c: {  	[spmem:s2] =	stream.indirect.scatter.add.f32 [tilespmem:s26], [sflag:$0x3], $0x80, s9, s30, $0x2000b8;
	[tilespmem:$0x1E800] =	vst v63  }
0x3d: {  	_ =	swait.ge [sflag:s28], $0x4000  }
0x3e: {  	[sflag:s28] =	ssyncset.done $0x0  }
0x3f: {  	s10 =	simm.s32 $0x200;
	[sflag:s28] =	ssyncadd.s32 $0xFFFFC000  }
0x40: {  	[tilespmem:s26], [sflag:$0x1] =	stream.indirect.gather [hbm4b:s1+s30], $0x80, s10, s30, $0x2000b8;
	[tilespmem:$0x1E800] =	vst v63  }
0x41: {  	_ =	swait.ge [sflag:s6], $0x4000  }
0x42: {  	[sflag:s6] =	ssyncset.done $0x0  }
0x43: {  	s11 =	simm.s32 $0x1580;
	[sflag:s6] =	ssyncadd.s32 $0xFFFFC000  }
0x44: {  	[spmem:s2] =	stream.indirect.scatter.add.f32 [tilespmem:s31], [sflag:$0x3], $0x80, s11, s30, $0x2000b8;
	[tilespmem:$0x1E800] =	vst v63  }
0x45: {  	_ =	swait.ge [sflag:s28], $0x4000  }
0x46: {  	[sflag:s28] =	ssyncset.done $0x0  }
0x47: {  	s8 =	simm.s32 $0x280;
	[sflag:s28] =	ssyncadd.s32 $0xFFFFC000  }
0x48: {  	[tilespmem:s31], [sflag:$0x2] =	stream.indirect.gather [hbm4b:s1+s30], $0x80, s8, s30, $0x2000b8;
	[tilespmem:$0x1E800] =	vst v63  }
0x49: {  	_ =	swait.ge [sflag:s0], $0x4000  }
0x4a: {  	[sflag:s0] =	ssyncset.done $0x0  }
0x4b: {  	s9 =	simm.s32 $0x1600;
	[sflag:s0] =	ssyncadd.s32 $0xFFFFC000  }
0x4c: {  	[spmem:s2] =	stream.indirect.scatter.add.f32 [tilespmem:s26], [sflag:$0x3], $0x80, s9, s30, $0x2000b8;
	[tilespmem:$0x1E800] =	vst v63  }
0x4d: {  	_ =	swait.ge [sflag:s28], $0x4000  }
0x4e: {  	[sflag:s28] =	ssyncset.done $0x0  }
0x4f: {  	s10 =	simm.s32 $0x300;
	[sflag:s28] =	ssyncadd.s32 $0xFFFFC000  }
0x50: {  	[tilespmem:s26], [sflag:$0x1] =	stream.indirect.gather [hbm4b:s1+s30], $0x80, s10, s30, $0x2000b8;
	[tilespmem:$0x1E800] =	vst v63  }
0x51: {  	_ =	swait.ge [sflag:s6], $0x4000  }
0x52: {  	[sflag:s6] =	ssyncset.done $0x0  }
0x53: {  	s11 =	simm.s32 $0x1680;
	[sflag:s6] =	ssyncadd.s32 $0xFFFFC000  }
0x54: {  	[spmem:s2] =	stream.indirect.scatter.add.f32 [tilespmem:s31], [sflag:$0x3], $0x80, s11, s30, $0x2000b8;
	[tilespmem:$0x1E800] =	vst v63  }
0x55: {  	_ =	swait.ge [sflag:s28], $0x4000  }
0x56: {  	[sflag:s28] =	ssyncset.done $0x0  }
0x57: {  	s8 =	simm.s32 $0x380;
	[sflag:s28] =	ssyncadd.s32 $0xFFFFC000  }
0x58: {  	[tilespmem:s31], [sflag:$0x2] =	stream.indirect.gather [hbm4b:s1+s30], $0x80, s8, s30, $0x2000b8;
	[tilespmem:$0x1E800] =	vst v63  }
0x59: {  	_ =	swait.ge [sflag:s0], $0x4000  }
0x5a: {  	[sflag:s0] =	ssyncset.done $0x0  }
0x5b: {  	s9 =	simm.s32 $0x1700;
	[sflag:s0] =	ssyncadd.s32 $0xFFFFC000  }
0x5c: {  	[spmem:s2] =	stream.indirect.scatter.add.f32 [tilespmem:s26], [sflag:$0x3], $0x80, s9, s30, $0x2000b8;
	[tilespmem:$0x1E800] =	vst v63  }
0x5d: {  	_ =	swait.ge [sflag:s28], $0x4000  }
0x5e: {  	[sflag:s28] =	ssyncset.done $0x0  }
0x5f: {  	s10 =	simm.s32 $0x400;
	[sflag:s28] =	ssyncadd.s32 $0xFFFFC000  }
0x60: {  	[tilespmem:s26], [sflag:$0x1] =	stream.indirect.gather [hbm4b:s1+s30], $0x80, s10, s30, $0x2000b8;
	[tilespmem:$0x1E800] =	vst v63  }
0x61: {  	_ =	swait.ge [sflag:s6], $0x4000  }
0x62: {  	[sflag:s6] =	ssyncset.done $0x0  }
0x63: {  	s11 =	simm.s32 $0x1780;
	[sflag:s6] =	ssyncadd.s32 $0xFFFFC000  }
0x64: {  	[spmem:s2] =	stream.indirect.scatter.add.f32 [tilespmem:s31], [sflag:$0x3], $0x80, s11, s30, $0x2000b8;
	[tilespmem:$0x1E800] =	vst v63  }
0x65: {  	_ =	swait.ge [sflag:s28], $0x4000  }
0x66: {  	[sflag:s28] =	ssyncset.done $0x0  }
0x67: {  	s8 =	simm.s32 $0x480;
	[sflag:s28] =	ssyncadd.s32 $0xFFFFC000  }
0x68: {  	[tilespmem:s31], [sflag:$0x2] =	stream.indirect.gather [hbm4b:s1+s30], $0x80, s8, s30, $0x2000b8;
	[tilespmem:$0x1E800] =	vst v63  }
0x69: {  	_ =	swait.ge [sflag:s0], $0x4000  }
0x6a: {  	[sflag:s0] =	ssyncset.done $0x0  }
0x6b: {  	s9 =	simm.s32 $0x1800;
	[sflag:s0] =	ssyncadd.s32 $0xFFFFC000  }
0x6c: {  	[spmem:s2] =	stream.indirect.scatter.add.f32 [tilespmem:s26], [sflag:$0x3], $0x80, s9, s30, $0x2000b8;
	[tilespmem:$0x1E800] =	vst v63  }
0x6d: {  	_ =	swait.ge [sflag:s28], $0x4000  }
0x6e: {  	[sflag:s28] =	ssyncset.done $0x0  }
0x6f: {  	s10 =	simm.s32 $0x500;
	[sflag:s28] =	ssyncadd.s32 $0xFFFFC000  }
0x70: {  	[tilespmem:s26], [sflag:$0x1] =	stream.indirect.gather [hbm4b:s1+s30], $0x80, s10, s30, $0x2000b8;
	[tilespmem:$0x1E800] =	vst v63  }
0x71: {  	_ =	swait.ge [sflag:s6], $0x4000  }
0x72: {  	[sflag:s6] =	ssyncset.done $0x0  }
0x73: {  	s11 =	simm.s32 $0x1880;
	[sflag:s6] =	ssyncadd.s32 $0xFFFFC000  }
0x74: {  	[spmem:s2] =	stream.indirect.scatter.add.f32 [tilespmem:s31], [sflag:$0x3], $0x80, s11, s30, $0x2000b8;
	[tilespmem:$0x1E800] =	vst v63  }
0x75: {  	_ =	swait.ge [sflag:s28], $0x4000  }
0x76: {  	[sflag:s28] =	ssyncset.done $0x0  }
0x77: {  	s8 =	simm.s32 $0x580;
	[sflag:s28] =	ssyncadd.s32 $0xFFFFC000  }
0x78: {  	[tilespmem:s31], [sflag:$0x2] =	stream.indirect.gather [hbm4b:s1+s30], $0x80, s8, s30, $0x2000b8;
	[tilespmem:$0x1E800] =	vst v63  }
0x79: {  	_ =	swait.ge [sflag:s0], $0x4000  }
0x7a: {  	[sflag:s0] =	ssyncset.done $0x0  }
0x7b: {  	s9 =	simm.s32 $0x1900;
	[sflag:s0] =	ssyncadd.s32 $0xFFFFC000  }
0x7c: {  	[spmem:s2] =	stream.indirect.scatter.add.f32 [tilespmem:s26], [sflag:$0x3], $0x80, s9, s30, $0x2000b8;
	[tilespmem:$0x1E800] =	vst v63  }
0x7d: {  	_ =	swait.ge [sflag:s28], $0x4000  }
0x7e: {  	[sflag:s28] =	ssyncset.done $0x0  }
0x7f: {  	s10 =	simm.s32 $0x600;
	[sflag:s28] =	ssyncadd.s32 $0xFFFFC000  }
0x80: {  	[tilespmem:s26], [sflag:$0x1] =	stream.indirect.gather [hbm4b:s1+s30], $0x80, s10, s30, $0x2000b8;
	[tilespmem:$0x1E800] =	vst v63  }
0x81: {  	_ =	swait.ge [sflag:s6], $0x4000  }
0x82: {  	[sflag:s6] =	ssyncset.done $0x0  }
0x83: {  	s11 =	simm.s32 $0x1980;
	[sflag:s6] =	ssyncadd.s32 $0xFFFFC000  }
0x84: {  	[spmem:s2] =	stream.indirect.scatter.add.f32 [tilespmem:s31], [sflag:$0x3], $0x80, s11, s30, $0x2000b8;
	[tilespmem:$0x1E800] =	vst v63  }
0x85: {  	_ =	swait.ge [sflag:s28], $0x4000  }
0x86: {  	[sflag:s28] =	ssyncset.done $0x0  }
0x87: {  	s8 =	simm.s32 $0x680;
	[sflag:s28] =	ssyncadd.s32 $0xFFFFC000  }
0x88: {  	[tilespmem:s31], [sflag:$0x2] =	stream.indirect.gather [hbm4b:s1+s30], $0x80, s8, s30, $0x2000b8;
	[tilespmem:$0x1E800] =	vst v63  }
0x89: {  	_ =	swait.ge [sflag:s0], $0x4000  }
0x8a: {  	[sflag:s0] =	ssyncset.done $0x0  }
0x8b: {  	s9 =	simm.s32 $0x1A00;
	[sflag:s0] =	ssyncadd.s32 $0xFFFFC000  }
0x8c: {  	[spmem:s2] =	stream.indirect.scatter.add.f32 [tilespmem:s26], [sflag:$0x3], $0x80, s9, s30, $0x2000b8;
	[tilespmem:$0x1E800] =	vst v63  }
0x8d: {  	_ =	swait.ge [sflag:s28], $0x4000  }
0x8e: {  	[sflag:s28] =	ssyncset.done $0x0  }
0x8f: {  	s10 =	simm.s32 $0x700;
	[sflag:s28] =	ssyncadd.s32 $0xFFFFC000  }
0x90: {  	[tilespmem:s26], [sflag:$0x1] =	stream.indirect.gather [hbm4b:s1+s30], $0x80, s10, s30, $0x2000b8;
	[tilespmem:$0x1E800] =	vst v63  }
0x91: {  	_ =	swait.ge [sflag:s6], $0x4000  }
0x92: {  	[sflag:s6] =	ssyncset.done $0x0  }
0x93: {  	s11 =	simm.s32 $0x1A80;
	[sflag:s6] =	ssyncadd.s32 $0xFFFFC000  }
0x94: {  	[spmem:s2] =	stream.indirect.scatter.add.f32 [tilespmem:s31], [sflag:$0x3], $0x80, s11, s30, $0x2000b8;
	[tilespmem:$0x1E800] =	vst v63  }
0x95: {  	_ =	swait.ge [sflag:s28], $0x4000  }
0x96: {  	[sflag:s28] =	ssyncset.done $0x0  }
0x97: {  	s8 =	simm.s32 $0x780;
	[sflag:s28] =	ssyncadd.s32 $0xFFFFC000  }
0x98: {  	[tilespmem:s31], [sflag:$0x2] =	stream.indirect.gather [hbm4b:s1+s30], $0x80, s8, s30, $0x2000b8;
	[tilespmem:$0x1E800] =	vst v63  }
0x99: {  	_ =	swait.ge [sflag:s0], $0x4000  }
0x9a: {  	[sflag:s0] =	ssyncset.done $0x0  }
0x9b: {  	s9 =	simm.s32 $0x1B00;
	[sflag:s0] =	ssyncadd.s32 $0xFFFFC000  }
0x9c: {  	[spmem:s2] =	stream.indirect.scatter.add.f32 [tilespmem:s26], [sflag:$0x3], $0x80, s9, s30, $0x2000b8;
	[tilespmem:$0x1E800] =	vst v63  }
0x9d: {  	_ =	swait.ge [sflag:s28], $0x4000  }
0x9e: {  	[sflag:s28] =	ssyncset.done $0x0  }
0x9f: {  	s10 =	simm.s32 $0x800;
	[sflag:s28] =	ssyncadd.s32 $0xFFFFC000  }
0xa0: {  	[tilespmem:s26], [sflag:$0x1] =	stream.indirect.gather [hbm4b:s1+s30], $0x80, s10, s30, $0x2000b8;
	[tilespmem:$0x1E800] =	vst v63  }
0xa1: {  	_ =	swait.ge [sflag:s6], $0x4000  }
0xa2: {  	[sflag:s6] =	ssyncset.done $0x0  }
0xa3: {  	s11 =	simm.s32 $0x1B80;
	[sflag:s6] =	ssyncadd.s32 $0xFFFFC000  }
0xa4: {  	[spmem:s2] =	stream.indirect.scatter.add.f32 [tilespmem:s31], [sflag:$0x3], $0x80, s11, s30, $0x2000b8;
	[tilespmem:$0x1E800] =	vst v63  }
0xa5: {  	_ =	swait.ge [sflag:s28], $0x4000  }
0xa6: {  	[sflag:s28] =	ssyncset.done $0x0  }
0xa7: {  	s8 =	simm.s32 $0x880;
	[sflag:s28] =	ssyncadd.s32 $0xFFFFC000  }
0xa8: {  	[tilespmem:s31], [sflag:$0x2] =	stream.indirect.gather [hbm4b:s1+s30], $0x80, s8, s30, $0x2000b8;
	[tilespmem:$0x1E800] =	vst v63  }
0xa9: {  	_ =	swait.ge [sflag:s0], $0x4000  }
0xaa: {  	[sflag:s0] =	ssyncset.done $0x0  }
0xab: {  	s9 =	simm.s32 $0x1C00;
	[sflag:s0] =	ssyncadd.s32 $0xFFFFC000  }
0xac: {  	[spmem:s2] =	stream.indirect.scatter.add.f32 [tilespmem:s26], [sflag:$0x3], $0x80, s9, s30, $0x2000b8;
	[tilespmem:$0x1E800] =	vst v63  }
0xad: {  	_ =	swait.ge [sflag:s28], $0x4000  }
0xae: {  	[sflag:s28] =	ssyncset.done $0x0  }
0xaf: {  	s10 =	simm.s32 $0x900;
	[sflag:s28] =	ssyncadd.s32 $0xFFFFC000  }
0xb0: {  	[tilespmem:s26], [sflag:$0x1] =	stream.indirect.gather [hbm4b:s1+s30], $0x80, s10, s30, $0x2000b8;
	[tilespmem:$0x1E800] =	vst v63  }
0xb1: {  	_ =	swait.ge [sflag:s6], $0x4000  }
0xb2: {  	[sflag:s6] =	ssyncset.done $0x0  }
0xb3: {  	s11 =	simm.s32 $0x1C80;
	[sflag:s6] =	ssyncadd.s32 $0xFFFFC000  }
0xb4: {  	[spmem:s2] =	stream.indirect.scatter.add.f32 [tilespmem:s31], [sflag:$0x3], $0x80, s11, s30, $0x2000b8;
	[tilespmem:$0x1E800] =	vst v63  }
0xb5: {  	_ =	swait.ge [sflag:s28], $0x4000  }
0xb6: {  	s8 =	simm.s32 $0x1D80;
	[sflag:s28] =	ssyncset.done $0x0  }
0xb7: {  	s9 =	simm.s32 $0x1D00;
	s10 =	simm.s32 $0x980;
	[sflag:s28] =	ssyncadd.s32 $0xFFFFC000  }
.LBB2_11:
0xb8: {  	[tilespmem:s31], [sflag:$0x2] =	stream.indirect.gather [hbm4b:s1+s30], $0x80, s10, s30, $0x2000b8;
	[tilespmem:$0x1E800] =	vst v63  }
0xb9: {  	_ =	swait.ge [sflag:s0], $0x4000  }
0xba: {  	[sflag:s0] =	ssyncset.done $0x0  }
0xbb: {  	[sflag:s0] =	ssyncadd.s32 $0xFFFFC000  }
0xbc: {  	[spmem:s2] =	stream.indirect.scatter.add.f32 [tilespmem:s26], [sflag:$0x3], $0x80, s9, s30, $0x2000b8;
	[tilespmem:$0x1E800] =	vst v63  }
0xbd: {  	_ =	swait.ge [sflag:s28], $0x4000  }
0xbe: {  	[sflag:s28] =	ssyncset.done $0x0  }
0xbf: {  	[sflag:s28] =	ssyncadd.s32 $0xFFFFC000  }
0xc0: {  	_ =	swait.ge [sflag:s6], $0x4000  }
0xc1: {  	[sflag:s6] =	ssyncset.done $0x0  }
0xc2: {  	[sflag:s6] =	ssyncadd.s32 $0xFFFFC000  }
0xc3: {  	[spmem:s2] =	stream.indirect.scatter.add.f32 [tilespmem:s31], [sflag:$0x3], $0x80, s8, s30, $0x2000b8;
	[tilespmem:$0x1E800] =	vst v63  }
0xc4: {  	_ =	swait.ge [sflag:s28], $0x4000  }
0xc5: {  	[sflag:s28] =	ssyncset.done $0x0  }
0xc6: {  	[sflag:s28] =	ssyncadd.s32 $0xFFFFC000  }
0xc7: {  	s4 =	stileid.u32;
	[bflag:$0x0] =	sbarrier.arrive $0xFFFF  }
0xc8: {  	s4 =	sshll.u32 s4, $0x6;
	_ =	strace $0x90000055  }
0xc9: {  	s11 =	sshrl.u32 s5, $0x3;
	s4 =	sor.u32 $0x1C03, s4;
	_ =	strace $0x80000056  }
0xca: {  	[hbm:s12], [sflag:s4] =	dma.local [spmem:s11], $0x800  }
0xcb: {  	_ =	swait.ge [sflag:s28], $0x800  }
0xcc: {  	[sflag:s28] =	ssyncset.done $0x0  }
0xcd: {  	[sflag:s28] =	ssyncadd.s32 $0xFFFFF800  }
0xce: {  	[hbm:s16], [sflag:s4] =	dma.local [spmem:s22], $0x800  }
0xcf: {  	_ =	swait.ge [sflag:s28], $0x800  }
0xd0: {  	[sflag:s28] =	ssyncset.done $0x0  }
0xd1: {  	[sflag:s28] =	ssyncadd.s32 $0xFFFFF800  }
0xd2: {  	[hbm:s17], [sflag:s4] =	dma.local [spmem:s23], $0x800  }
0xd3: {  	_ =	swait.ge [sflag:s28], $0x800  }
0xd4: {  	[sflag:s28] =	ssyncset.done $0x0  }
0xd5: {  	[sflag:s28] =	ssyncadd.s32 $0xFFFFF800  }
0xd6: {  	[hbm:s18], [sflag:s4] =	dma.local [spmem:s24], $0x800  }
0xd7: {  	_ =	swait.ge [sflag:s28], $0x800  }
0xd8: {  	s7 =	sadd.s32 $0x1, s7;
	[sflag:s28] =	ssyncset.done $0x0  }
0xd9: {  	p1 =	sne.s32 s7, s13;
	[sflag:s28] =	ssyncadd.s32 $0xFFFFF800  }
0xda: {  	[hbm:s19], [sflag:s4] =	dma.local [spmem:s25], $0x800  }
.Ltmp1:
0xdb: {  	_ = 	snop;
	(pc) =	sbr.rel @!p1 .LBB2_12-.Ltmp1, $4  }
0xdc: {  	_ =	swait.ge [sflag:s28], $0x800  }
0xdd: {  	[sflag:s28] =	ssyncset.done $0x0  }
0xde: {  	[sflag:s28] =	ssyncadd.s32 $0xFFFFF800  }
0xdf: {  	_ =	strace $0x90000056  }
.LBB2_1:
0xe0: {  	_ =	strace $0x80000054;
	s8 =	simm.s32 $0x0;
	s9 =	simm.s32 $0x200  }
.LBB2_2:
0xe1: {  	p1 =	seq.s32 s9, $0xFE00;
	[tilespmem:s8+$0x2870] =	vst v0  }
0xe2: {  	[tilespmem:s8+$0x2800] =	vst v0  }
0xe3: {  	[tilespmem:s8+$0x2810] =	vst v0  }
.Ltmp2:
0xe4: {  	[tilespmem:s8+$0x2820] =	vst v0;
	(pc) =	sbr.rel @!p1 .LBB2_2-.Ltmp2, $4  }
0xe5: {  	[tilespmem:s8+$0x2830] =	vst v0  }
0xe6: {  	[tilespmem:s8+$0x2840] =	vst v0  }
0xe7: {  	[tilespmem:s8+$0x2850] =	vst v0  }
0xe8: {  	[tilespmem:s8+$0x2860] =	vst v0;
	s8 =	sshra.s32 s9, $0x2;
	s9 =	sadd.s32 $0x200, s9  }
0xe9: {  	[tilespmem:s8+$0x2870] =	vst v0  }
0xea: {  	[tilespmem:s8+$0x2800] =	vst v0  }
0xeb: {  	[tilespmem:s8+$0x2810] =	vst v0  }
0xec: {  	[tilespmem:s8+$0x2820] =	vst v0  }
0xed: {  	[tilespmem:s8+$0x2830] =	vst v0  }
0xee: {  	[tilespmem:s8+$0x2840] =	vst v0  }
0xef: {  	[tilespmem:s8+$0x2850] =	vst v0  }
0xf0: {  	[tilespmem:s8+$0x2860] =	vst v0  }
0xf1: {  	[spmem:s5] =	stream.linear.scatter [tilespmem:s26], [sflag:$0x3], $0x4000, $0x200038;
	[tilespmem:$0x1E800] =	vst v63  }
0xf2: {  	_ =	swait.ge [sflag:s28], $0x4000  }
0xf3: {  	[sflag:s28] =	ssyncset.done $0x0  }
0xf4: {  	[sflag:s28] =	ssyncadd.s32 $0xFFFFC000  }
0xf5: {  	[spmem:s14] =	stream.linear.scatter [tilespmem:s26], [sflag:$0x3], $0x4000, $0x200038;
	[tilespmem:$0x1E800] =	vst v63  }
0xf6: {  	_ =	swait.ge [sflag:s28], $0x4000  }
0xf7: {  	[sflag:s28] =	ssyncset.done $0x0  }
0xf8: {  	[sflag:s28] =	ssyncadd.s32 $0xFFFFC000  }
0xf9: {  	[spmem:s15] =	stream.linear.scatter [tilespmem:s26], [sflag:$0x3], $0x4000, $0x200038;
	[tilespmem:$0x1E800] =	vst v63  }
0xfa: {  	_ =	swait.ge [sflag:s28], $0x4000  }
0xfb: {  	[sflag:s28] =	ssyncset.done $0x0  }
0xfc: {  	[sflag:s28] =	ssyncadd.s32 $0xFFFFC000  }
0xfd: {  	[spmem:s20] =	stream.linear.scatter [tilespmem:s26], [sflag:$0x3], $0x4000, $0x200038;
	[tilespmem:$0x1E800] =	vst v63  }
0xfe: {  	_ =	swait.ge [sflag:s28], $0x4000  }
0xff: {  	[sflag:s28] =	ssyncset.done $0x0  }
0x100: {  	[sflag:s28] =	ssyncadd.s32 $0xFFFFC000  }
0x101: {  	[spmem:s21] =	stream.linear.scatter [tilespmem:s26], [sflag:$0x3], $0x4000, $0x200038;
	[tilespmem:$0x1E800] =	vst v63  }
0x102: {  	_ =	swait.ge [sflag:s28], $0x4000  }
.Ltmp3:
0x103: {  	[sflag:s28] =	ssyncset.done $0x0;
	(pc) =	sbr.rel @p0 .LBB2_10-.Ltmp3, $4  }
0x104: {  	[sflag:s28] =	ssyncadd.s32 $0xFFFFC000  }
0x105: {  	[bflag:$0x0] =	sbarrier.arrive $0xFFFF  }
0x106: {  	_ =	strace $0x90000054  }
0x107: {  	_ =	strace $0x80000055  }
0x108: {  	s8 =	simm.s32 $0x0;
	s4 =	rddreg [dreg:$0x4]  }
0x109: {  	[tilespmem:s8], [sflag:$0x3] =	stream.linear.gather [hbm4b:s4+s8], $0x1400, $0x200038;
	[tilespmem:$0x1E800] =	vst v63  }
0x10a: {  	_ =	swait.ge [sflag:s28], $0x1400  }
0x10b: {  	[sflag:s28] =	ssyncset.done $0x0  }
0x10c: {  	s11 =	rddreg [dreg:$0x5];
	[sflag:s28] =	ssyncadd.s32 $0xFFFFEC00  }
0x10d: {  	[tilespmem:s29], [sflag:$0x3] =	stream.linear.gather [hbm4b:s11+s8], $0x1400, $0x200038;
	[tilespmem:$0x1E800] =	vst v63  }
0x10e: {  	_ =	swait.ge [sflag:s28], $0x1400  }
0x10f: {  	[sflag:s28] =	ssyncset.done $0x0  }
0x110: {  	[sflag:s28] =	ssyncadd.s32 $0xFFFFEC00  }
0x111: {  	[tilespmem:s26], [sflag:$0x1] =	stream.indirect.gather [hbm4b:s1+s30], $0x80, s8, s30, $0x2000b8;
	[tilespmem:$0x1E800] =	vst v63  }
0x112: {  	s4 =	simm.s32 $0x80  }
0x113: {  	[tilespmem:s31], [sflag:$0x2] =	stream.indirect.gather [hbm4b:s1+s30], $0x80, s4, s30, $0x2000b8;
	[tilespmem:$0x1E800] =	vst v63  }
0x114: {  	_ =	swait.ge [sflag:s0], $0x4000  }
0x115: {  	[sflag:s0] =	ssyncset.done $0x0  }
0x116: {  	s9 =	simm.s32 $0x1400;
	[sflag:s0] =	ssyncadd.s32 $0xFFFFC000  }
0x117: {  	[spmem:s2] =	stream.indirect.scatter.add.f32 [tilespmem:s26], [sflag:$0x3], $0x80, s9, s30, $0x2000b8;
	[tilespmem:$0x1E800] =	vst v63  }
0x118: {  	_ =	swait.ge [sflag:s28], $0x4000  }
0x119: {  	[sflag:s28] =	ssyncset.done $0x0  }
0x11a: {  	s10 =	simm.s32 $0x100;
	[sflag:s28] =	ssyncadd.s32 $0xFFFFC000  }
0x11b: {  	[tilespmem:s26], [sflag:$0x1] =	stream.indirect.gather [hbm4b:s1+s30], $0x80, s10, s30, $0x2000b8;
	[tilespmem:$0x1E800] =	vst v63  }
0x11c: {  	_ =	swait.ge [sflag:s6], $0x4000  }
0x11d: {  	[sflag:s6] =	ssyncset.done $0x0  }
0x11e: {  	s11 =	simm.s32 $0x1480;
	[sflag:s6] =	ssyncadd.s32 $0xFFFFC000  }
0x11f: {  	[spmem:s2] =	stream.indirect.scatter.add.f32 [tilespmem:s31], [sflag:$0x3], $0x80, s11, s30, $0x2000b8;
	[tilespmem:$0x1E800] =	vst v63  }
0x120: {  	_ =	swait.ge [sflag:s28], $0x4000  }
0x121: {  	s8 =	simm.s32 $0x100;
	s9 =	simm.s32 $0x800;
	[sflag:s28] =	ssyncset.done $0x0  }
.LBB2_5:
0x122: {  	s10 =	sadd.s32 $0x80, s8  }
0x123: {  	[sflag:s28] =	ssyncadd.s32 $0xFFFFC000;
	s11 =	smov.u32 s9;
	s4 =	sadd.s32 $0x400, s9  }
0x124: {  	[tilespmem:s31], [sflag:$0x2] =	stream.indirect.gather [hbm4b:s1+s30], $0x80, s10, s30, $0x2000b8;
	[tilespmem:$0x1E800] =	vst v63  }
0x125: {  	p1 =	sne.s32 s9, $0x4800;
	_ =	swait.ge [sflag:s0], $0x4000  }
0x126: {  	[sflag:s0] =	ssyncset.done $0x0  }
0x127: {  	s9 =	sadd.s32 $0x1400, s8;
	[sflag:s0] =	ssyncadd.s32 $0xFFFFC000  }
0x128: {  	[spmem:s2] =	stream.indirect.scatter.add.f32 [tilespmem:s26], [sflag:$0x3], $0x80, s9, s30, $0x2000b8;
	[tilespmem:$0x1E800] =	vst v63  }
0x129: {  	_ =	swait.ge [sflag:s28], $0x4000  }
0x12a: {  	[sflag:s28] =	ssyncset.done $0x0  }
0x12b: {  	s9 =	sadd.s32 $0x100, s8;
	[sflag:s28] =	ssyncadd.s32 $0xFFFFC000  }
0x12c: {  	[tilespmem:s26], [sflag:$0x1] =	stream.indirect.gather [hbm4b:s1+s30], $0x80, s9, s30, $0x2000b8;
	[tilespmem:$0x1E800] =	vst v63  }
0x12d: {  	_ =	swait.ge [sflag:s6], $0x4000  }
.Ltmp4:
0x12e: {  	[sflag:s6] =	ssyncset.done $0x0;
	(pc) =	sbr.rel @p1 .LBB2_5-.Ltmp4, $4  }
0x12f: {  	s8 =	sadd.s32 $0x1480, s8;
	[sflag:s6] =	ssyncadd.s32 $0xFFFFC000  }
0x130: {  	[spmem:s2] =	stream.indirect.scatter.add.f32 [tilespmem:s31], [sflag:$0x3], $0x80, s8, s30, $0x2000b8;
	[tilespmem:$0x1E800] =	vst v63  }
0x131: {  	_ =	swait.ge [sflag:s28], $0x4000  }
0x132: {  	s9 =	smov.u32 s4;
	s8 =	sshra.s32 s11, $0x2;
	[sflag:s28] =	ssyncset.done $0x0  }
0x133: {  	s4 =	sadd.s32 $0x80, s8;
	[sflag:s28] =	ssyncadd.s32 $0xFFFFC000  }
0x134: {  	[tilespmem:s31], [sflag:$0x2] =	stream.indirect.gather [hbm4b:s1+s30], $0x80, s4, s30, $0x2000b8;
	[tilespmem:$0x1E800] =	vst v63  }
0x135: {  	_ =	swait.ge [sflag:s0], $0x4000  }
0x136: {  	[sflag:s0] =	ssyncset.done $0x0  }
0x137: {  	s10 =	sadd.s32 $0x1400, s8;
	[sflag:s0] =	ssyncadd.s32 $0xFFFFC000  }
0x138: {  	[spmem:s2] =	stream.indirect.scatter.add.f32 [tilespmem:s26], [sflag:$0x3], $0x80, s10, s30, $0x2000b8;
	[tilespmem:$0x1E800] =	vst v63  }
0x139: {  	_ =	swait.ge [sflag:s28], $0x4000  }
0x13a: {  	[sflag:s28] =	ssyncset.done $0x0  }
0x13b: {  	s11 =	sadd.s32 $0x100, s8;
	[sflag:s28] =	ssyncadd.s32 $0xFFFFC000  }
0x13c: {  	[tilespmem:s26], [sflag:$0x1] =	stream.indirect.gather [hbm4b:s1+s30], $0x80, s11, s30, $0x2000b8;
	[tilespmem:$0x1E800] =	vst v63  }
0x13d: {  	_ =	swait.ge [sflag:s6], $0x4000  }
0x13e: {  	[sflag:s6] =	ssyncset.done $0x0  }
0x13f: {  	s9 =	sadd.s32 $0x1480, s8;
	[sflag:s6] =	ssyncadd.s32 $0xFFFFC000  }
0x140: {  	[spmem:s2] =	stream.indirect.scatter.add.f32 [tilespmem:s31], [sflag:$0x3], $0x80, s9, s30, $0x2000b8;
	[tilespmem:$0x1E800] =	vst v63  }
0x141: {  	_ =	swait.ge [sflag:s28], $0x4000  }
0x142: {  	[sflag:s28] =	ssyncset.done $0x0  }
0x143: {  	s10 =	simm.s32 $0x1380;
	[sflag:s28] =	ssyncadd.s32 $0xFFFFC000  }
0x144: {  	[tilespmem:s31], [sflag:$0x2] =	stream.indirect.gather [hbm4b:s1+s30], $0x80, s10, s30, $0x2000b8;
	[tilespmem:$0x1E800] =	vst v63  }
0x145: {  	_ =	swait.ge [sflag:s0], $0x4000  }
0x146: {  	[sflag:s0] =	ssyncset.done $0x0  }
0x147: {  	s11 =	simm.s32 $0x2700;
	[sflag:s0] =	ssyncadd.s32 $0xFFFFC000  }
0x148: {  	[spmem:s2] =	stream.indirect.scatter.add.f32 [tilespmem:s26], [sflag:$0x3], $0x80, s11, s30, $0x2000b8;
	[tilespmem:$0x1E800] =	vst v63  }
0x149: {  	_ =	swait.ge [sflag:s28], $0x4000  }
0x14a: {  	[sflag:s28] =	ssyncset.done $0x0  }
0x14b: {  	[sflag:s28] =	ssyncadd.s32 $0xFFFFC000  }
0x14c: {  	_ =	swait.ge [sflag:s6], $0x4000  }
0x14d: {  	[sflag:s6] =	ssyncset.done $0x0  }
0x14e: {  	s8 =	simm.s32 $0x2780;
	[sflag:s6] =	ssyncadd.s32 $0xFFFFC000  }
0x14f: {  	[spmem:s2] =	stream.indirect.scatter.add.f32 [tilespmem:s31], [sflag:$0x3], $0x80, s8, s30, $0x2000b8;
	[tilespmem:$0x1E800] =	vst v63  }
0x150: {  	_ =	swait.ge [sflag:s28], $0x4000  }
0x151: {  	[sflag:s28] =	ssyncset.done $0x0  }
0x152: {  	s9 =	simm.s32 $0x0;
	s10 =	rddreg [dreg:$0x6];
	[sflag:s28] =	ssyncadd.s32 $0xFFFFC000  }
0x153: {  	[tilespmem:s9], [sflag:$0x3] =	stream.linear.gather [hbm4b:s10+s9], $0x1400, $0x200038;
	[tilespmem:$0x1E800] =	vst v63  }
0x154: {  	_ =	swait.ge [sflag:s28], $0x1400  }
0x155: {  	[sflag:s28] =	ssyncset.done $0x0  }
0x156: {  	p2 =	por $0x0, $0x0;
	s11 =	rddreg [dreg:$0x7];
	[sflag:s28] =	ssyncadd.s32 $0xFFFFEC00  }
0x157: {  	[tilespmem:s29], [sflag:$0x3] =	stream.linear.gather [hbm4b:s11+s9], $0x1400, $0x200038;
	[tilespmem:$0x1E800] =	vst v63  }
.Ltmp5:
0x158: {  	_ = 	snop;
	(pc) =	sbr.rel @p2 .LBB2_9-.Ltmp5, $4  }
0x159: {  	_ =	swait.ge [sflag:s28], $0x1400  }
0x15a: {  	[sflag:s28] =	ssyncset.done $0x0  }
0x15b: {  	p1 =	por $0x0, $0x0;
	s8 =	simm.s32 $0x0;
	[sflag:s28] =	ssyncadd.s32 $0xFFFFEC00  }
0x15c: {  	[tilespmem:s26], [sflag:$0x1] =	stream.indirect.gather [hbm4b:s1+s30], $0x80, s9, s30, $0x2000b8;
	[tilespmem:$0x1E800] =	vst v63  }
0x15d: {  	s4 =	simm.s32 $0x80  }
0x15e: {  	[tilespmem:s31], [sflag:$0x2] =	stream.indirect.gather [hbm4b:s1+s30], $0x80, s4, s30, $0x2000b8;
	[tilespmem:$0x1E800] =	vst v63  }
0x15f: {  	_ =	swait.ge [sflag:s0], $0x4000  }
0x160: {  	[sflag:s0] =	ssyncset.done $0x0  }
0x161: {  	s9 =	simm.s32 $0x1400;
	[sflag:s0] =	ssyncadd.s32 $0xFFFFC000  }
0x162: {  	[spmem:s2] =	stream.indirect.scatter.add.f32 [tilespmem:s26], [sflag:$0x3], $0x80, s9, s30, $0x2000b8;
	[tilespmem:$0x1E800] =	vst v63  }
0x163: {  	_ =	swait.ge [sflag:s28], $0x4000  }
0x164: {  	[sflag:s28] =	ssyncset.done $0x0  }
0x165: {  	s10 =	simm.s32 $0x100;
	[sflag:s28] =	ssyncadd.s32 $0xFFFFC000  }
0x166: {  	[tilespmem:s26], [sflag:$0x1] =	stream.indirect.gather [hbm4b:s1+s30], $0x80, s10, s30, $0x2000b8;
	[tilespmem:$0x1E800] =	vst v63  }
0x167: {  	p2 =	por $0x0, $0x0;
	_ =	swait.ge [sflag:s6], $0x4000  }
.Ltmp6:
0x168: {  	[sflag:s6] =	ssyncset.done $0x0;
	(pc) =	sbr.rel @p2 .LBB2_9-.Ltmp6, $4  }
0x169: {  	s11 =	simm.s32 $0x1480;
	[sflag:s6] =	ssyncadd.s32 $0xFFFFC000  }
0x16a: {  	[spmem:s2] =	stream.indirect.scatter.add.f32 [tilespmem:s31], [sflag:$0x3], $0x80, s11, s30, $0x2000b8;
	[tilespmem:$0x1E800] =	vst v63  }
0x16b: {  	s8 =	simm.s32 $0x100;
	_ =	swait.ge [sflag:s28], $0x4000  }
0x16c: {  	p1 =	por $0x1, $0x1;
	s9 =	simm.s32 $0x800;
	[sflag:s28] =	ssyncset.done $0x0  }
.LBB2_8:
0x16d: {  	s4 =	sadd.s32 $0x80, s8  }
0x16e: {  	[sflag:s28] =	ssyncadd.s32 $0xFFFFC000;
	s10 =	smov.u32 s9;
	s11 =	sadd.s32 $0x400, s9  }
0x16f: {  	[tilespmem:s31], [sflag:$0x2] =	stream.indirect.gather [hbm4b:s1+s30], $0x80, s4, s30, $0x2000b8;
	[tilespmem:$0x1E800] =	vst v63  }
0x170: {  	p2 =	seq.s32 s9, $0x4800;
	_ =	swait.ge [sflag:s0], $0x4000  }
0x171: {  	[sflag:s0] =	ssyncset.done $0x0  }
0x172: {  	s4 =	sadd.s32 $0x1400, s8;
	[sflag:s0] =	ssyncadd.s32 $0xFFFFC000  }
0x173: {  	[spmem:s2] =	stream.indirect.scatter.add.f32 [tilespmem:s26], [sflag:$0x3], $0x80, s4, s30, $0x2000b8;
	[tilespmem:$0x1E800] =	vst v63  }
0x174: {  	_ =	swait.ge [sflag:s28], $0x4000  }
0x175: {  	[sflag:s28] =	ssyncset.done $0x0  }
0x176: {  	s4 =	sadd.s32 $0x100, s8;
	[sflag:s28] =	ssyncadd.s32 $0xFFFFC000  }
0x177: {  	[tilespmem:s26], [sflag:$0x1] =	stream.indirect.gather [hbm4b:s1+s30], $0x80, s4, s30, $0x2000b8;
	[tilespmem:$0x1E800] =	vst v63  }
0x178: {  	_ =	swait.ge [sflag:s6], $0x4000  }
.Ltmp7:
0x179: {  	[sflag:s6] =	ssyncset.done $0x0;
	(pc) =	sbr.rel @!p2 .LBB2_8-.Ltmp7, $4  }
0x17a: {  	s4 =	sadd.s32 $0x1480, s8;
	[sflag:s6] =	ssyncadd.s32 $0xFFFFC000  }
0x17b: {  	[spmem:s2] =	stream.indirect.scatter.add.f32 [tilespmem:s31], [sflag:$0x3], $0x80, s4, s30, $0x2000b8;
	[tilespmem:$0x1E800] =	vst v63  }
0x17c: {  	_ =	swait.ge [sflag:s28], $0x4000  }
0x17d: {  	s9 =	smov.u32 s11;
	s8 =	sshra.s32 s10, $0x2;
	[sflag:s28] =	ssyncset.done $0x0  }
.LBB2_9:
0x17e: {  	s4 =	sadd.s32 $0x80, s8;
	[sflag:s28] =	ssyncadd.s32 @p1 $0xFFFFC000  }
0x17f: {  	[tilespmem:s31], [sflag:$0x2] =	stream.indirect.gather [hbm4b:s1+s30], $0x80, s4, s30, $0x2000b8;
	[tilespmem:$0x1E800] =	vst v63  }
0x180: {  	_ =	swait.ge [sflag:s0], $0x4000  }
0x181: {  	[sflag:s0] =	ssyncset.done $0x0  }
0x182: {  	s9 =	sadd.s32 $0x1400, s8;
	[sflag:s0] =	ssyncadd.s32 $0xFFFFC000  }
0x183: {  	[spmem:s2] =	stream.indirect.scatter.add.f32 [tilespmem:s26], [sflag:$0x3], $0x80, s9, s30, $0x2000b8;
	[tilespmem:$0x1E800] =	vst v63  }
0x184: {  	_ =	swait.ge [sflag:s28], $0x4000  }
0x185: {  	[sflag:s28] =	ssyncset.done $0x0  }
0x186: {  	s10 =	sadd.s32 $0x100, s8;
	[sflag:s28] =	ssyncadd.s32 $0xFFFFC000  }
0x187: {  	[tilespmem:s26], [sflag:$0x1] =	stream.indirect.gather [hbm4b:s1+s30], $0x80, s10, s30, $0x2000b8;
	[tilespmem:$0x1E800] =	vst v63  }
0x188: {  	_ =	swait.ge [sflag:s6], $0x4000  }
0x189: {  	[sflag:s6] =	ssyncset.done $0x0  }
.Ltmp8:
0x18a: {  	s11 =	sadd.s32 $0x1480, s8;
	[sflag:s6] =	ssyncadd.s32 $0xFFFFC000;
	(pc) =	sbr.rel .LBB2_11-.Ltmp8, $4  }
0x18b: {  	[spmem:s2] =	stream.indirect.scatter.add.f32 [tilespmem:s31], [sflag:$0x3], $0x80, s11, s30, $0x2000b8;
	[tilespmem:$0x1E800] =	vst v63  }
0x18c: {  	_ =	swait.ge [sflag:s28], $0x4000  }
0x18d: {  	s8 =	simm.s32 $0x2780;
	[sflag:s28] =	ssyncset.done $0x0  }
0x18e: {  	s9 =	simm.s32 $0x2700;
	s10 =	simm.s32 $0x1380;
	[sflag:s28] =	ssyncadd.s32 $0xFFFFC000  }
.LBB2_12:
0x18f: {  	_ =	sfence.sel $0x180000  }
0x190: {  	[bflag:$0x0] =	sbarrier.arrive $0xFFFF  }
0x191: {  	_ =	strace $0x90000053  }
0x192: {  	s0 =	stileid.u32;
	[bflag:$0x2] =	sbarrier.arrive $0xFFFF  }
0x193: {  	p0 =	sne.s32 s0, $0x0;
	s0 =	rddreg [dreg:$0x3]  }
0x194: {  	s0 =	sadd.s32 @!p0 $0x100000, s0  }
0x195: {  	[sflag:s0] =	ssyncadd.tile.s32 @!p0 $0x1;
	_ =	shalt  }
.Lfunc_end2:
_tile_overlayer_lowered:
.L_overlay_start_2:
0x196: {  	(tag) =	ssettag $0x2  }
0x197: {  	s0 =	rddreg [dreg:$0x0];
	s2 =	stileid.u32  }
0x198: {  	s1 =	rddreg [dreg:$0x1];
	p0 =	sne.s32 s2, $0x0  }
0x199: {  	s3 =	rddreg [dreg:$0x2];
	[bflag:$0x3] =	sbarrier.arrive $0xFFFF;
	s2 =	simm.s32 @!p0 $0x1C03  }
0x19a: {  	[timem:s3], [sflag:s2] =	dma.local @!p0 [hbm:s0], s1  }
0x19b: {  	s0 =	simm.s32 @!p0 $0x3  }
0x19c: {  	_ =	swait.ge @!p0 [sflag:s0], s1  }
0x19d: {  	s1 =	ssub.s32 @!p0 $0x0, s1;
	[sflag:s0] =	ssyncset.done @!p0 $0x0  }
0x19e: {  	[sflag:s0] =	ssyncadd.s32 @!p0 s1  }
0x19f: {  	[bflag:$0x3] =	sbarrier.arrive $0xFFFF  }
0x1a0: {  	_ =	shalt  }

// kernel: kernel.8.cloned.1.call-start
scs
__scs_entry_jumppad:
0x0: {  	(pc) =	sbr.rel $0x88, $3  }
0x1: {  	(tag) =	ssettag $0x0;
	lr =	simm.s32 $0x1  }
0x2: {  	[smem:$0x3F7F] =	sst lr;
	_ =	strace $0xD0000000  }
0x3: {  	_ = 	snop  }
0x4: {  	_ = 	snop  }
0x5: {  	_ = 	snop  }
0x6: {  	_ = 	snop  }
0x7: {  	_ = 	snop  }
__scs_overlays_trampoline_lowered:
0x8: {  	[smem:$0x3F8E] =	sst s0  }
0x9: {  	[smem:$0x3F8F] =	sst s1  }
0xa: {  	[smem:$0x3F90] =	sst s2  }
0xb: {  	[smem:$0x3F91] =	sst s3  }
0xc: {  	[smem:$0x3F92] =	sst s4  }
0xd: {  	[smem:$0x3F93] =	sst s5  }
0xe: {  	[smem:$0x3F94] =	sst s6  }
0xf: {  	[smem:$0x3F95] =	sst s7  }
0x10: {  	[smem:$0x3F96] =	sst s8  }
0x11: {  	[smem:$0x3F97] =	sst s9;
	s0 =	simm.s32 @!p0 $0x0  }
0x12: {  	s1 =	sld [smem:$0x3F7D];
	s0 =	simm.s32 @p0 $0x1  }
0x13: {  	[smem:$0x3F98] =	sst s0;
	s0 =	simm.s32 @!p1 $0x0  }
0x14: {  	s2 =	sld [smem:$0x3F7C];
	s0 =	simm.s32 @p1 $0x1  }
0x15: {  	[smem:$0x3F99] =	sst s0;
	s0 =	simm.s32 @!p2 $0x0  }
0x16: {  	s3 =	sld [smem:$0x3FDB];
	s0 =	simm.s32 @p2 $0x1  }
0x17: {  	s4 =	simm.s32 $0x1BF5;
	[smem:$0x3F9B] =	sst s0  }
0x18: {  	s0 =	sld [smem:$0x3F7E];
	_ =	swait.ge [sflag:s4], $0x0  }
0x19: {  	s7 =	sld [smem:$0x3F7F]  }
0x1a: {  	s8 =	sadd.s32 $0xFFFFE003, lr  }
0x1b: {  	s9 =	sadd.s32 $0xFFFFFEF7, lr;
	s5 =	simm.s32 $0xFFFFFFFF;
	p2 =	slt.u32 s8, $0xFFFFF086  }
0x1c: {  	p1 =	slt.u32 s9, $0xF7A;
	s5 =	simm.s32 @!p2 $0x0  }
0x1d: {  	s5 =	simm.s32 @p1 $0x1;
	p0 =	seq.s32 s7, s2  }
0x1e: {  	s7 =	smul.u32 @!p0 $0xF7A, s2;
	p2 =	seq.s32 @!p0 s5, $0x0  }
0x1f: {  	s9 =	smul.u32 $0xF7A, s1;
	s8 =	simm.s32 @!p0 $0x1BF5;
	p2 =	por !p2, p0  }
0x20: {  	[sflag:s8] =	ssyncset.s32 @!p0 $0xFFFFF086;
	s6 =	sadd.s32 @!p0 s3, s7;
	s7 =	simm.s32 @!p0 $0x108  }
0x21: {  	s3 =	sadd.s32 s3, s9;
	s6 =	sadd.s32 @!p0 $0x88, s6;
	s7 =	simm.s32 @p2 $0x1082  }
0x22: {  	[simem:s7], [sflag:s8] =	dma.local @!p0 [hbm:s6], $0xF7A  }
0x23: {  	s9 =	sor.u32 $0xD0000000, s2;
	s6 =	simm.s32 $0x108;
	_ =	swait.ge @!p0 [sflag:s8], $0x0  }
0x24: {  	s3 =	sadd.s32 $0x88, s3;
	s6 =	simm.s32 @!p1 $0x1082;
	[sflag:s4] =	ssyncset.s32 $0xFFFFF086  }
0x25: {  	[simem:s6], [sflag:s4] =	dma.local [hbm:s3], $0xF7A  }
0x26: {  	[smem:$0x3F7F] =	sst s1;
	(tag) =	ssettag s2;
	_ =	strace s9  }
0x27: {  	s1 =	sld [smem:$0x3F8F]  }
0x28: {  	s2 =	sld [smem:$0x3F90]  }
0x29: {  	s4 =	sld [smem:$0x3F92]  }
0x2a: {  	p0 =	seq.s32 s5, $0x0;
	s5 =	sld [smem:$0x3F93]  }
0x2b: {  	s6 =	sld [smem:$0x3F94]  }
0x2c: {  	s7 =	sld [smem:$0x3F95]  }
0x2d: {  	s3 =	simm.s32 $0x108;
	s8 =	sld [smem:$0x3F96]  }
0x2e: {  	s3 =	simm.s32 @!p0 $0x1082;
	s9 =	sld [smem:$0x3F97]  }
0x2f: {  	lr =	sadd.s32 s0, s3;
	s0 =	sld [smem:$0x3F8E]  }
0x30: {  	s3 =	sld [smem:$0x3F91]  }
0x31: {  	[smem:$0x3F9A] =	sst s10  }
0x32: {  	s10 =	sld [smem:$0x3F98];
	_ =	sdelay $0x3  }
0x33: {  	p0 =	seq.s32 s10, $0x1;
	s10 =	sld [smem:$0x3F9A];
	_ =	sdelay $0x3  }
0x34: {  	[smem:$0x3F9A] =	sst s10  }
0x35: {  	s10 =	sld [smem:$0x3F99];
	_ =	sdelay $0x3  }
0x36: {  	p1 =	seq.s32 s10, $0x1;
	s10 =	sld [smem:$0x3F9A];
	_ =	sdelay $0x3  }
0x37: {  	[smem:$0x3F9A] =	sst s10  }
0x38: {  	s10 =	sld [smem:$0x3F9B]  }
0x39: {  	_ = 	snop;
	(pc) =	sbr.ind lr, $3  }
0x3a: {  	_ = 	snop  }
0x3b: {  	_ = 	snop  }
0x3c: {  	p2 =	seq.s32 s10, $0x1;
	s10 =	sld [smem:$0x3F9A]  }
0x3d: {  	_ =	shalt  }
0x3e: {  	_ =	shalt  }
0x3f: {  	_ =	shalt  }
0x40: {  	_ =	shalt  }
0x41: {  	_ =	shalt  }
0x42: {  	_ =	shalt  }
0x43: {  	_ =	shalt  }
0x44: {  	_ =	shalt  }
0x45: {  	_ =	shalt  }
0x46: {  	_ =	shalt  }
0x47: {  	_ =	shalt  }
0x48: {  	_ =	shalt  }
0x49: {  	_ =	shalt  }
0x4a: {  	_ =	shalt  }
0x4b: {  	_ =	shalt  }
0x4c: {  	_ =	shalt  }
0x4d: {  	_ =	shalt  }
0x4e: {  	_ =	shalt  }
0x4f: {  	_ =	shalt  }
0x50: {  	_ =	shalt  }
0x51: {  	_ =	shalt  }
0x52: {  	_ =	shalt  }
0x53: {  	_ =	shalt  }
0x54: {  	_ =	shalt  }
0x55: {  	_ =	shalt  }
0x56: {  	_ =	shalt  }
0x57: {  	_ =	shalt  }
0x58: {  	_ =	shalt  }
0x59: {  	_ =	shalt  }
0x5a: {  	_ =	shalt  }
0x5b: {  	_ =	shalt  }
0x5c: {  	_ =	shalt  }
0x5d: {  	_ =	shalt  }
0x5e: {  	_ =	shalt  }
0x5f: {  	_ =	shalt  }
0x60: {  	_ =	shalt  }
0x61: {  	_ =	shalt  }
0x62: {  	_ =	shalt  }
0x63: {  	_ =	shalt  }
0x64: {  	_ =	shalt  }
0x65: {  	_ =	shalt  }
0x66: {  	_ =	shalt  }
0x67: {  	_ =	shalt  }
0x68: {  	_ =	shalt  }
0x69: {  	_ =	shalt  }
0x6a: {  	_ =	shalt  }
0x6b: {  	_ =	shalt  }
0x6c: {  	_ =	shalt  }
0x6d: {  	_ =	shalt  }
0x6e: {  	_ =	shalt  }
0x6f: {  	_ =	shalt  }
0x70: {  	_ =	shalt  }
0x71: {  	_ =	shalt  }
0x72: {  	_ =	shalt  }
0x73: {  	_ =	shalt  }
0x74: {  	_ =	shalt  }
0x75: {  	_ =	shalt  }
0x76: {  	_ =	shalt  }
0x77: {  	_ =	shalt  }
0x78: {  	_ =	shalt  }
0x79: {  	_ =	shalt  }
0x7a: {  	_ =	shalt  }
0x7b: {  	_ =	shalt  }
0x7c: {  	_ =	shalt  }
0x7d: {  	_ =	shalt  }
0x7e: {  	_ =	shalt  }
0x7f: {  	_ =	shalt  }
0x80: {  	_ =	shalt  }
0x81: {  	_ =	shalt  }
0x82: {  	_ =	shalt  }
0x83: {  	_ =	shalt  }
0x84: {  	_ =	shalt  }
0x85: {  	_ =	shalt  }
0x86: {  	_ =	shalt  }
0x87: {  	_ =	shalt  }
.Lfunc_end0:
.L_simem_size_0:
called_computation_lowered:
.L_overlay_start_0:
0x88: {  	s2 =	sld [smem:$0x3FD9]  }
0x89: {  	s3 =	sld [smem:$0x3FFE];
	_ =	sdelay $0x1  }
0x8a: {  	s1 =	srdreg.scid  }
0x8b: {  	s0 =	sand.u32 $0x1, s1  }
0x8c: {  	s17 =	sshll.u32 s0, $0xA;
	s2 =	sadd.s32 s3, s2  }
0x8d: {  	s2 =	sadd.s32 s2, s17  }
0x8e: {  	[smem:$0x3FA6] =	sst s2  }
0x8f: {  	_ = 	snop  }
0x90: {  	s2 =	sld [smem:$0x3FC9];
	(tm) =	ssettm $0x1  }
0x91: {  	s18 =	sld [smem:$0x3FFB];
	_ =	sdelay $0x3  }
0x92: {  	_ =	strace s18  }
0x93: {  	s3 =	sld [smem:$0x3FFC];
	_ =	sdelay $0x3  }
0x94: {  	_ =	strace s3  }
0x95: {  	s3 =	sld [smem:$0x3FFD];
	_ =	sdelay $0x3  }
0x96: {  	_ =	strace s3  }
0x97: {  	_ =	strace $0x8FFFFFFF  }
0x98: {  	s19 =	sld [smem:$0x3FDB];
	_ =	sdelay $0x1  }
0x99: {  	s4 =	simm.s32 $_scs_section_size  }
0x9a: {  	s5 =	simm.s32 $_size__tile_overlayer_lowered;
	s6 =	simm.s32 $_tile_overlayer_lowered  }
0x9b: {  	s22 =	simm.s32 $0x1BFF;
	s21 =	sshll.u32 s6, $0x1;
	s3 =	sadd.s32 s4, s19  }
0x9c: {  	s7 =	simm.s32 $0x0;
	s20 =	sshll.u32 s5, $0x1;
	s5 =	sadd.s32 s21, s3  }
0x9d: {  	[timem:s7], [sflag:s22] =	dma.local [hbm:s5], s20  }
0x9e: {  	_ =	swait.ge [sflag:s22], s20  }
0x9f: {  	s4 =	ssub.s32 $0x0, s20;
	[sflag:s22] =	ssyncset.done $0x0  }
0xa0: {  	[sflag:s22] =	ssyncadd.s32 s4;
	_ =	sdelay $0x1  }
0xa1: {  	s23 =	simm.s32 $0x1B8B  }
0xa2: {  	_ =	swait.ge [sflag:s23], $0x1  }
0xa3: {  	[sflag:s23] =	ssyncset.done $0x0  }
0xa4: {  	s25 =	simm.s32 $0x1B8E;
	s24 =	sld [smem:$0x3FFE];
	[sflag:s23] =	ssyncadd.s32 $0xFFFFFFFF  }
0xa5: {  	s26 =	simm.s32 $execute0_lowered;
	[smem:$0x3FD2] =	sst s25  }
0xa6: {  	s5 =	sshll.u32 s26, $0x1;
	_ =	strace $0x80000046;
	[dreg:$0x1] =	wrdreg $0xFFFFFFFF  }
0xa7: {  	s28 =	simm.s32 $_size_execute0_lowered;
	s3 =	sadd.s32 s3, s5;
	[dreg:$0x0] =	wrdreg $0x0  }
0xa8: {  	s5 =	sshll.u32 s28, $0x1;
	[dreg:$0x2] =	wrdreg s3  }
0xa9: {  	[dreg:$0x3] =	wrdreg s5  }
0xaa: {  	[dreg:$0x4] =	wrdreg $0xC0  }
0xab: {  	_ =	task [dreg:s7], $0x5FFFF  }
0xac: {  	[dreg:$0x1] =	wrdreg $0xFFFFFFFF  }
0xad: {  	[dreg:$0x0] =	wrdreg $0x60  }
0xae: {  	[dreg:$0x2] =	wrdreg s2  }
0xaf: {  	[dreg:$0x3] =	wrdreg s24  }
0xb0: {  	[dreg:$0x4] =	wrdreg $0xA8000  }
0xb1: {  	[dreg:$0x5] =	wrdreg $0x9  }
0xb2: {  	_ =	task.clear_ibuf [dreg:s7], $0x6FFFF;
	_ =	strace $0x90000046  }
0xb3: {  	s29 =	simm.s32 $0x9;
	_ =	strace $0x8000004B  }
0xb4: {  	_ =	swait.ge [sflag:s29], $0x1  }
0xb5: {  	[sflag:s29] =	ssyncadd.s32 $0xFFFFFFFF  }
0xb6: {  	_ =	strace $0x9000004B  }
0xb7: {  	_ =	sfence  }
0xb8: {  	s30 =	sld [smem:$0x0];
	_ =	sdelay $0x2  }
0xb9: {  	s31 =	sshll.u32 s1, $0xD;
	s1 =	sshrl.u32 s1, $0x2  }
0xba: {  	s3 =	sand.u32 $0x4000, s31;
	s1 =	sadd.s32 s1, s30  }
0xbb: {  	s0 =	sor.u32 s3, s0;
	s1 =	sshll.u32 s1, $0x11  }
0xbc: {  	s0 =	sor.u32 s1, s0  }
0xbd: {  	s0 =	sadd.s32 $0x8F2B, s0  }
0xbe: {  	[sflag:s0] =	ssyncadd.remote.s32 $0x1  }
0xbf: {  	_ =	sfence.sel $0xFFFF  }
0xc0: {  	[dreg:$0x0] =	wrdreg $0xFFFFFFFF;
	(pc) =	sbr.abs _section_cstart, $3  }
0xc1: {  	[dreg:$0x1] =	wrdreg $0xFFFFFFFF  }
0xc2: {  	_ =	task.clear_ibuf [dreg:s7], $0x2FFFF;
	_ =	strace $0x9FFFFFFF  }
0xc3: {  	(tm) =	ssettm $0x7FFFFFFF  }
tec
execute0_lowered:
.L_overlay_start_1:
0x0: {  	(tag) =	ssettag $0x1  }
0x1: {  	s1 =	rddreg [dreg:$0x0]  }
0x2: {  	s0 =	rddreg [dreg:$0x1]  }
0x3: {  	s2 =	rddreg [dreg:$0x2];
	s3 =	simm.s32 $0x0;
	s4 =	srdreg.scid  }
0x4: {  	s13 =	stileid.u32;
	s28 =	simm.s32 $0x3;
	s29 =	simm.s32 $0x1400  }
0x5: {  	s30 =	simm.s32 $0x80;
	s31 =	simm.s32 $0x6800;
	[smem:$0x7FF] =	sst s3  }
0x6: {  	s5 =	sand.u32 $0x1, s4;
	s6 =	sadd.s32 $0xFA00, s0;
	s9 =	smul.u32 $0x50000, s13  }
0x7: {  	s10 =	sadd.s32 $0x5C00, s0;
	s19 =	sadd.s32 $0x19800, s0;
	s18 =	smul.u32 $0x14000, s13  }
0x8: {  	s23 =	sadd.s32 $0x19500, s0;
	s0 =	sadd.s32 $0xF700, s0;
	_ =	strace $0x80000047  }
0x9: {  	s7 =	sshll.u32 s5, $0x4;
	s8 =	ssub.s32 $0x2, s5;
	[dreg:$0x8] =	wrdreg s23  }
0xa: {  	s17 =	smul.u32 $0x140000, s5;
	[dreg:$0x9] =	wrdreg s0;
	s7 =	sor.u32 s13, s7  }
0xb: {  	s11 =	sshrl.u32 s8, $0x1;
	s9 =	sshrl.u32 s9, $0x2;
	s12 =	smul.u32 $0x2800, s7  }
0xc: {  	s26 =	sadd.s32 $0x4000, s18;
	s8 =	ssub.s32 s8, s11;
	s14 =	smul.u32 $0x500, s7  }
0xd: {  	s5 =	sadd.s32 s9, s2;
	s24 =	sadd.s32 s17, s18;
	s4 =	sadd.s32 s17, s26  }
0xe: {  	s11 =	sadd.s32 $0xC000, s18;
	p0 =	seq.s32 s7, $0x1F;
	s7 =	simm.s32 $0x0  }
0xf: {  	s25 =	sshrl.u32 s24, $0x3;
	s13 =	smax.u32 s8, $0x1;
	s0 =	sshrl.u32 s4, $0x3  }
0x10: {  	s8 =	sadd.s32 $0x8000, s18;
	s23 =	sadd.s32 s17, s11;
	s16 =	sadd.s32 s6, s14  }
0x11: {  	s12 =	sshrl.u32 s12, $0x3;
	s20 =	sadd.s32 s10, s14;
	[dreg:$0x4] =	wrdreg s16  }
0x12: {  	s14 =	sadd.s32 $0x4000, s5;
	s15 =	sadd.s32 $0x280, s12;
	[dreg:$0x5] =	wrdreg s20  }
0x13: {  	s12 =	sadd.s32 s19, s25;
	s16 =	sadd.s32 s19, s0;
	s0 =	sadd.s32 s8, s2  }
0x14: {  	s25 =	sadd.s32 s11, s2;
	s21 =	sadd.s32 s6, s15;
	s22 =	sadd.s32 s10, s15  }
0x15: {  	s15 =	sadd.s32 $0x8000, s5;
	s10 =	sshrl.u32 s23, $0x3;
	s6 =	sadd.s32 s26, s2  }
0x16: {  	s23 =	sshrl.u32 s0, $0x3;
	s0 =	simm.s32 $0x1;
	[dreg:$0x6] =	wrdreg s21  }
0x17: {  	[dreg:$0x7] =	wrdreg s22;
	s21 =	sadd.s32 s17, s8;
	s22 =	sadd.s32 $0x10000, s18  }
.Ltmp0:
0x18: {  	s18 =	sadd.s32 s19, s10;
	s9 =	sshrl.u32 s21, $0x3;
	(pc) =	sbr.rel .LBB2_1-.Ltmp0, $4  }
0x19: {  	s20 =	sadd.s32 s17, s22;
	s21 =	sadd.s32 $0x10000, s5;
	s26 =	sadd.s32 s22, s2  }
0x1a: {  	s22 =	sshrl.u32 s6, $0x3;
	s6 =	simm.s32 $0x2;
	s24 =	sshrl.u32 s20, $0x3  }
0x1b: {  	s17 =	sadd.s32 s19, s9;
	s20 =	sadd.s32 $0xC000, s5;
	s19 =	sadd.s32 s19, s24  }
0x1c: {  	v0 =	vimm.f32 $0.0e+00;
	s24 =	sshrl.u32 s25, $0x3;
	s25 =	sshrl.u32 s26, $0x3;
	s26 =	simm.s32 $0x2800  }
.LBB2_10:
0x1d: {  	s4 =	rddreg [dreg:$0x8]  }
0x1e: {  	[tilespmem:s3], [sflag:$0x3] =	stream.linear.gather [hbm4b:s4+s3], $0xA00, $0x200038;
	[tilespmem:$0x1E800] =	vst v63  }
0x1f: {  	_ =	swait.ge [sflag:s28], $0xA00  }
0x20: {  	[sflag:s28] =	ssyncset.done $0x0  }
0x21: {  	s9 =	rddreg [dreg:$0x9];
	[sflag:s28] =	ssyncadd.s32 $0xFFFFF600  }
0x22: {  	[tilespmem:s29], [sflag:$0x3] =	stream.linear.gather [hbm4b:s9+s3], $0xA00, $0x200038;
	[tilespmem:$0x1E800] =	vst v63  }
0x23: {  	_ =	swait.ge [sflag:s28], $0xA00  }
0x24: {  	[sflag:s28] =	ssyncset.done $0x0  }
0x25: {  	[sflag:s28] =	ssyncadd.s32 $0xFFFFF600  }
0x26: {  	[tilespmem:s26], [sflag:$0x1] =	stream.indirect.gather [hbm4b:s1+s30], $0x80, s3, s30, $0x2000b8;
	[tilespmem:$0x1E800] =	vst v63  }
0x27: {  	_ = 	snop  }
0x28: {  	[tilespmem:s31], [sflag:$0x2] =	stream.indirect.gather [hbm4b:s1+s30], $0x80, s30, s30, $0x2000b8;
	[tilespmem:$0x1E800] =	vst v63  }
0x29: {  	_ =	swait.ge [sflag:s0], $0x4000  }
0x2a: {  	[sflag:s0] =	ssyncset.done $0x0  }
0x2b: {  	[sflag:s0] =	ssyncadd.s32 $0xFFFFC000  }
0x2c: {  	[spmem:s2] =	stream.indirect.scatter.add.f32 [tilespmem:s26], [sflag:$0x3], $0x80, s29, s30, $0x2000b8;
	[tilespmem:$0x1E800] =	vst v63  }
0x2d: {  	_ =	swait.ge [sflag:s28], $0x4000  }
0x2e: {  	[sflag:s28] =	ssyncset.done $0x0  }
0x2f: {  	s10 =	simm.s32 $0x100;
	[sflag:s28] =	ssyncadd.s32 $0xFFFFC000  }
0x30: {  	[tilespmem:s26], [sflag:$0x1] =	stream.indirect.gather [hbm4b:s1+s30], $0x80, s10, s30, $0x2000b8;
	[tilespmem:$0x1E800] =	vst v63  }
0x31: {  	_ =	swait.ge [sflag:s6], $0x4000  }
0x32: {  	[sflag:s6] =	ssyncset.done $0x0  }
0x33: {  	s11 =	simm.s32 $0x1480;
	[sflag:s6] =	ssyncadd.s32 $0xFFFFC000  }
0x34: {  	[spmem:s2] =	stream.indirect.scatter.add.f32 [tilespmem:s31], [sflag:$0x3], $0x80, s11, s30, $0x2000b8;
	[tilespmem:$0x1E800] =	vst v63  }
0x35: {  	_ =	swait.ge [sflag:s28], $0x4000  }
0x36: {  	[sflag:s28] =	ssyncset.done $0x0  }
0x37: {  	s8 =	simm.s32 $0x180;
	[sflag:s28] =	ssyncadd.s32 $0xFFFFC000  }
0x38: {  	[tilespmem:s31], [sflag:$0x2] =	stream.indirect.gather [hbm4b:s1+s30], $0x80, s8, s30, $0x2000b8;
	[tilespmem:$0x1E800] =	vst v63  }
0x39: {  	_ =	swait.ge [sflag:s0], $0x4000  }
0x3a: {  	[sflag:s0] =	ssyncset.done $0x0  }
0x3b: {  	s9 =	simm.s32 $0x1500;
	[sflag:s0] =	ssyncadd.s32 $0xFFFFC000  }
0x3c: {  	[spmem:s2] =	stream.indirect.scatter.add.f32 [tilespmem:s26], [sflag:$0x3], $0x80, s9, s30, $0x2000b8;
	[tilespmem:$0x1E800] =	vst v63  }
0x3d: {  	_ =	swait.ge [sflag:s28], $0x4000  }
0x3e: {  	[sflag:s28] =	ssyncset.done $0x0  }
0x3f: {  	s10 =	simm.s32 $0x200;
	[sflag:s28] =	ssyncadd.s32 $0xFFFFC000  }
0x40: {  	[tilespmem:s26], [sflag:$0x1] =	stream.indirect.gather [hbm4b:s1+s30], $0x80, s10, s30, $0x2000b8;
	[tilespmem:$0x1E800] =	vst v63  }
0x41: {  	_ =	swait.ge [sflag:s6], $0x4000  }
0x42: {  	[sflag:s6] =	ssyncset.done $0x0  }
0x43: {  	s11 =	simm.s32 $0x1580;
	[sflag:s6] =	ssyncadd.s32 $0xFFFFC000  }
0x44: {  	[spmem:s2] =	stream.indirect.scatter.add.f32 [tilespmem:s31], [sflag:$0x3], $0x80, s11, s30, $0x2000b8;
	[tilespmem:$0x1E800] =	vst v63  }
0x45: {  	_ =	swait.ge [sflag:s28], $0x4000  }
0x46: {  	[sflag:s28] =	ssyncset.done $0x0  }
0x47: {  	s8 =	simm.s32 $0x280;
	[sflag:s28] =	ssyncadd.s32 $0xFFFFC000  }
0x48: {  	[tilespmem:s31], [sflag:$0x2] =	stream.indirect.gather [hbm4b:s1+s30], $0x80, s8, s30, $0x2000b8;
	[tilespmem:$0x1E800] =	vst v63  }
0x49: {  	_ =	swait.ge [sflag:s0], $0x4000  }
0x4a: {  	[sflag:s0] =	ssyncset.done $0x0  }
0x4b: {  	s9 =	simm.s32 $0x1600;
	[sflag:s0] =	ssyncadd.s32 $0xFFFFC000  }
0x4c: {  	[spmem:s2] =	stream.indirect.scatter.add.f32 [tilespmem:s26], [sflag:$0x3], $0x80, s9, s30, $0x2000b8;
	[tilespmem:$0x1E800] =	vst v63  }
0x4d: {  	_ =	swait.ge [sflag:s28], $0x4000  }
0x4e: {  	[sflag:s28] =	ssyncset.done $0x0  }
0x4f: {  	s10 =	simm.s32 $0x300;
	[sflag:s28] =	ssyncadd.s32 $0xFFFFC000  }
0x50: {  	[tilespmem:s26], [sflag:$0x1] =	stream.indirect.gather [hbm4b:s1+s30], $0x80, s10, s30, $0x2000b8;
	[tilespmem:$0x1E800] =	vst v63  }
0x51: {  	_ =	swait.ge [sflag:s6], $0x4000  }
0x52: {  	[sflag:s6] =	ssyncset.done $0x0  }
0x53: {  	s11 =	simm.s32 $0x1680;
	[sflag:s6] =	ssyncadd.s32 $0xFFFFC000  }
0x54: {  	[spmem:s2] =	stream.indirect.scatter.add.f32 [tilespmem:s31], [sflag:$0x3], $0x80, s11, s30, $0x2000b8;
	[tilespmem:$0x1E800] =	vst v63  }
0x55: {  	_ =	swait.ge [sflag:s28], $0x4000  }
0x56: {  	[sflag:s28] =	ssyncset.done $0x0  }
0x57: {  	s8 =	simm.s32 $0x380;
	[sflag:s28] =	ssyncadd.s32 $0xFFFFC000  }
0x58: {  	[tilespmem:s31], [sflag:$0x2] =	stream.indirect.gather [hbm4b:s1+s30], $0x80, s8, s30, $0x2000b8;
	[tilespmem:$0x1E800] =	vst v63  }
0x59: {  	_ =	swait.ge [sflag:s0], $0x4000  }
0x5a: {  	[sflag:s0] =	ssyncset.done $0x0  }
0x5b: {  	s9 =	simm.s32 $0x1700;
	[sflag:s0] =	ssyncadd.s32 $0xFFFFC000  }
0x5c: {  	[spmem:s2] =	stream.indirect.scatter.add.f32 [tilespmem:s26], [sflag:$0x3], $0x80, s9, s30, $0x2000b8;
	[tilespmem:$0x1E800] =	vst v63  }
0x5d: {  	_ =	swait.ge [sflag:s28], $0x4000  }
0x5e: {  	[sflag:s28] =	ssyncset.done $0x0  }
0x5f: {  	s10 =	simm.s32 $0x400;
	[sflag:s28] =	ssyncadd.s32 $0xFFFFC000  }
0x60: {  	[tilespmem:s26], [sflag:$0x1] =	stream.indirect.gather [hbm4b:s1+s30], $0x80, s10, s30, $0x2000b8;
	[tilespmem:$0x1E800] =	vst v63  }
0x61: {  	_ =	swait.ge [sflag:s6], $0x4000  }
0x62: {  	[sflag:s6] =	ssyncset.done $0x0  }
0x63: {  	s11 =	simm.s32 $0x1780;
	[sflag:s6] =	ssyncadd.s32 $0xFFFFC000  }
0x64: {  	[spmem:s2] =	stream.indirect.scatter.add.f32 [tilespmem:s31], [sflag:$0x3], $0x80, s11, s30, $0x2000b8;
	[tilespmem:$0x1E800] =	vst v63  }
0x65: {  	_ =	swait.ge [sflag:s28], $0x4000  }
0x66: {  	[sflag:s28] =	ssyncset.done $0x0  }
0x67: {  	s8 =	simm.s32 $0x480;
	[sflag:s28] =	ssyncadd.s32 $0xFFFFC000  }
0x68: {  	[tilespmem:s31], [sflag:$0x2] =	stream.indirect.gather [hbm4b:s1+s30], $0x80, s8, s30, $0x2000b8;
	[tilespmem:$0x1E800] =	vst v63  }
0x69: {  	_ =	swait.ge [sflag:s0], $0x4000  }
0x6a: {  	[sflag:s0] =	ssyncset.done $0x0  }
0x6b: {  	s9 =	simm.s32 $0x1800;
	[sflag:s0] =	ssyncadd.s32 $0xFFFFC000  }
0x6c: {  	[spmem:s2] =	stream.indirect.scatter.add.f32 [tilespmem:s26], [sflag:$0x3], $0x80, s9, s30, $0x2000b8;
	[tilespmem:$0x1E800] =	vst v63  }
0x6d: {  	_ =	swait.ge [sflag:s28], $0x4000  }
0x6e: {  	[sflag:s28] =	ssyncset.done $0x0  }
0x6f: {  	s10 =	simm.s32 $0x500;
	[sflag:s28] =	ssyncadd.s32 $0xFFFFC000  }
0x70: {  	[tilespmem:s26], [sflag:$0x1] =	stream.indirect.gather [hbm4b:s1+s30], $0x80, s10, s30, $0x2000b8;
	[tilespmem:$0x1E800] =	vst v63  }
0x71: {  	_ =	swait.ge [sflag:s6], $0x4000  }
0x72: {  	[sflag:s6] =	ssyncset.done $0x0  }
0x73: {  	s11 =	simm.s32 $0x1880;
	[sflag:s6] =	ssyncadd.s32 $0xFFFFC000  }
0x74: {  	[spmem:s2] =	stream.indirect.scatter.add.f32 [tilespmem:s31], [sflag:$0x3], $0x80, s11, s30, $0x2000b8;
	[tilespmem:$0x1E800] =	vst v63  }
0x75: {  	_ =	swait.ge [sflag:s28], $0x4000  }
0x76: {  	[sflag:s28] =	ssyncset.done $0x0  }
0x77: {  	s8 =	simm.s32 $0x580;
	[sflag:s28] =	ssyncadd.s32 $0xFFFFC000  }
0x78: {  	[tilespmem:s31], [sflag:$0x2] =	stream.indirect.gather [hbm4b:s1+s30], $0x80, s8, s30, $0x2000b8;
	[tilespmem:$0x1E800] =	vst v63  }
0x79: {  	_ =	swait.ge [sflag:s0], $0x4000  }
0x7a: {  	[sflag:s0] =	ssyncset.done $0x0  }
0x7b: {  	s9 =	simm.s32 $0x1900;
	[sflag:s0] =	ssyncadd.s32 $0xFFFFC000  }
0x7c: {  	[spmem:s2] =	stream.indirect.scatter.add.f32 [tilespmem:s26], [sflag:$0x3], $0x80, s9, s30, $0x2000b8;
	[tilespmem:$0x1E800] =	vst v63  }
0x7d: {  	_ =	swait.ge [sflag:s28], $0x4000  }
0x7e: {  	[sflag:s28] =	ssyncset.done $0x0  }
0x7f: {  	s10 =	simm.s32 $0x600;
	[sflag:s28] =	ssyncadd.s32 $0xFFFFC000  }
0x80: {  	[tilespmem:s26], [sflag:$0x1] =	stream.indirect.gather [hbm4b:s1+s30], $0x80, s10, s30, $0x2000b8;
	[tilespmem:$0x1E800] =	vst v63  }
0x81: {  	_ =	swait.ge [sflag:s6], $0x4000  }
0x82: {  	[sflag:s6] =	ssyncset.done $0x0  }
0x83: {  	s11 =	simm.s32 $0x1980;
	[sflag:s6] =	ssyncadd.s32 $0xFFFFC000  }
0x84: {  	[spmem:s2] =	stream.indirect.scatter.add.f32 [tilespmem:s31], [sflag:$0x3], $0x80, s11, s30, $0x2000b8;
	[tilespmem:$0x1E800] =	vst v63  }
0x85: {  	_ =	swait.ge [sflag:s28], $0x4000  }
0x86: {  	[sflag:s28] =	ssyncset.done $0x0  }
0x87: {  	s8 =	simm.s32 $0x680;
	[sflag:s28] =	ssyncadd.s32 $0xFFFFC000  }
0x88: {  	[tilespmem:s31], [sflag:$0x2] =	stream.indirect.gather [hbm4b:s1+s30], $0x80, s8, s30, $0x2000b8;
	[tilespmem:$0x1E800] =	vst v63  }
0x89: {  	_ =	swait.ge [sflag:s0], $0x4000  }
0x8a: {  	[sflag:s0] =	ssyncset.done $0x0  }
0x8b: {  	s9 =	simm.s32 $0x1A00;
	[sflag:s0] =	ssyncadd.s32 $0xFFFFC000  }
0x8c: {  	[spmem:s2] =	stream.indirect.scatter.add.f32 [tilespmem:s26], [sflag:$0x3], $0x80, s9, s30, $0x2000b8;
	[tilespmem:$0x1E800] =	vst v63  }
0x8d: {  	_ =	swait.ge [sflag:s28], $0x4000  }
0x8e: {  	[sflag:s28] =	ssyncset.done $0x0  }
0x8f: {  	s10 =	simm.s32 $0x700;
	[sflag:s28] =	ssyncadd.s32 $0xFFFFC000  }
0x90: {  	[tilespmem:s26], [sflag:$0x1] =	stream.indirect.gather [hbm4b:s1+s30], $0x80, s10, s30, $0x2000b8;
	[tilespmem:$0x1E800] =	vst v63  }
0x91: {  	_ =	swait.ge [sflag:s6], $0x4000  }
0x92: {  	[sflag:s6] =	ssyncset.done $0x0  }
0x93: {  	s11 =	simm.s32 $0x1A80;
	[sflag:s6] =	ssyncadd.s32 $0xFFFFC000  }
0x94: {  	[spmem:s2] =	stream.indirect.scatter.add.f32 [tilespmem:s31], [sflag:$0x3], $0x80, s11, s30, $0x2000b8;
	[tilespmem:$0x1E800] =	vst v63  }
0x95: {  	_ =	swait.ge [sflag:s28], $0x4000  }
0x96: {  	[sflag:s28] =	ssyncset.done $0x0  }
0x97: {  	s8 =	simm.s32 $0x780;
	[sflag:s28] =	ssyncadd.s32 $0xFFFFC000  }
0x98: {  	[tilespmem:s31], [sflag:$0x2] =	stream.indirect.gather [hbm4b:s1+s30], $0x80, s8, s30, $0x2000b8;
	[tilespmem:$0x1E800] =	vst v63  }
0x99: {  	_ =	swait.ge [sflag:s0], $0x4000  }
0x9a: {  	[sflag:s0] =	ssyncset.done $0x0  }
0x9b: {  	s9 =	simm.s32 $0x1B00;
	[sflag:s0] =	ssyncadd.s32 $0xFFFFC000  }
0x9c: {  	[spmem:s2] =	stream.indirect.scatter.add.f32 [tilespmem:s26], [sflag:$0x3], $0x80, s9, s30, $0x2000b8;
	[tilespmem:$0x1E800] =	vst v63  }
0x9d: {  	_ =	swait.ge [sflag:s28], $0x4000  }
0x9e: {  	[sflag:s28] =	ssyncset.done $0x0  }
0x9f: {  	s10 =	simm.s32 $0x800;
	[sflag:s28] =	ssyncadd.s32 $0xFFFFC000  }
0xa0: {  	[tilespmem:s26], [sflag:$0x1] =	stream.indirect.gather [hbm4b:s1+s30], $0x80, s10, s30, $0x2000b8;
	[tilespmem:$0x1E800] =	vst v63  }
0xa1: {  	_ =	swait.ge [sflag:s6], $0x4000  }
0xa2: {  	[sflag:s6] =	ssyncset.done $0x0  }
0xa3: {  	s11 =	simm.s32 $0x1B80;
	[sflag:s6] =	ssyncadd.s32 $0xFFFFC000  }
0xa4: {  	[spmem:s2] =	stream.indirect.scatter.add.f32 [tilespmem:s31], [sflag:$0x3], $0x80, s11, s30, $0x2000b8;
	[tilespmem:$0x1E800] =	vst v63  }
0xa5: {  	_ =	swait.ge [sflag:s28], $0x4000  }
0xa6: {  	[sflag:s28] =	ssyncset.done $0x0  }
0xa7: {  	s8 =	simm.s32 $0x880;
	[sflag:s28] =	ssyncadd.s32 $0xFFFFC000  }
0xa8: {  	[tilespmem:s31], [sflag:$0x2] =	stream.indirect.gather [hbm4b:s1+s30], $0x80, s8, s30, $0x2000b8;
	[tilespmem:$0x1E800] =	vst v63  }
0xa9: {  	_ =	swait.ge [sflag:s0], $0x4000  }
0xaa: {  	[sflag:s0] =	ssyncset.done $0x0  }
0xab: {  	s9 =	simm.s32 $0x1C00;
	[sflag:s0] =	ssyncadd.s32 $0xFFFFC000  }
0xac: {  	[spmem:s2] =	stream.indirect.scatter.add.f32 [tilespmem:s26], [sflag:$0x3], $0x80, s9, s30, $0x2000b8;
	[tilespmem:$0x1E800] =	vst v63  }
0xad: {  	_ =	swait.ge [sflag:s28], $0x4000  }
0xae: {  	[sflag:s28] =	ssyncset.done $0x0  }
0xaf: {  	s10 =	simm.s32 $0x900;
	[sflag:s28] =	ssyncadd.s32 $0xFFFFC000  }
0xb0: {  	[tilespmem:s26], [sflag:$0x1] =	stream.indirect.gather [hbm4b:s1+s30], $0x80, s10, s30, $0x2000b8;
	[tilespmem:$0x1E800] =	vst v63  }
0xb1: {  	_ =	swait.ge [sflag:s6], $0x4000  }
0xb2: {  	[sflag:s6] =	ssyncset.done $0x0  }
0xb3: {  	s11 =	simm.s32 $0x1C80;
	[sflag:s6] =	ssyncadd.s32 $0xFFFFC000  }
0xb4: {  	[spmem:s2] =	stream.indirect.scatter.add.f32 [tilespmem:s31], [sflag:$0x3], $0x80, s11, s30, $0x2000b8;
	[tilespmem:$0x1E800] =	vst v63  }
0xb5: {  	_ =	swait.ge [sflag:s28], $0x4000  }
0xb6: {  	s8 =	simm.s32 $0x1D80;
	[sflag:s28] =	ssyncset.done $0x0  }
0xb7: {  	s9 =	simm.s32 $0x1D00;
	s10 =	simm.s32 $0x980;
	[sflag:s28] =	ssyncadd.s32 $0xFFFFC000  }
.LBB2_11:
0xb8: {  	[tilespmem:s31], [sflag:$0x2] =	stream.indirect.gather [hbm4b:s1+s30], $0x80, s10, s30, $0x2000b8;
	[tilespmem:$0x1E800] =	vst v63  }
0xb9: {  	_ =	swait.ge [sflag:s0], $0x4000  }
0xba: {  	[sflag:s0] =	ssyncset.done $0x0  }
0xbb: {  	[sflag:s0] =	ssyncadd.s32 $0xFFFFC000  }
0xbc: {  	[spmem:s2] =	stream.indirect.scatter.add.f32 [tilespmem:s26], [sflag:$0x3], $0x80, s9, s30, $0x2000b8;
	[tilespmem:$0x1E800] =	vst v63  }
0xbd: {  	_ =	swait.ge [sflag:s28], $0x4000  }
0xbe: {  	[sflag:s28] =	ssyncset.done $0x0  }
0xbf: {  	[sflag:s28] =	ssyncadd.s32 $0xFFFFC000  }
0xc0: {  	_ =	swait.ge [sflag:s6], $0x4000  }
0xc1: {  	[sflag:s6] =	ssyncset.done $0x0  }
0xc2: {  	[sflag:s6] =	ssyncadd.s32 $0xFFFFC000  }
0xc3: {  	[spmem:s2] =	stream.indirect.scatter.add.f32 [tilespmem:s31], [sflag:$0x3], $0x80, s8, s30, $0x2000b8;
	[tilespmem:$0x1E800] =	vst v63  }
0xc4: {  	_ =	swait.ge [sflag:s28], $0x4000  }
0xc5: {  	[sflag:s28] =	ssyncset.done $0x0  }
0xc6: {  	[sflag:s28] =	ssyncadd.s32 $0xFFFFC000  }
0xc7: {  	s4 =	stileid.u32;
	[bflag:$0x0] =	sbarrier.arrive $0xFFFF  }
0xc8: {  	s4 =	sshll.u32 s4, $0x6;
	_ =	strace $0x90000049  }
0xc9: {  	s11 =	sshrl.u32 s5, $0x3;
	s4 =	sor.u32 $0x1C03, s4;
	_ =	strace $0x8000004A  }
0xca: {  	[hbm:s12], [sflag:s4] =	dma.local [spmem:s11], $0x800  }
0xcb: {  	_ =	swait.ge [sflag:s28], $0x800  }
0xcc: {  	[sflag:s28] =	ssyncset.done $0x0  }
0xcd: {  	[sflag:s28] =	ssyncadd.s32 $0xFFFFF800  }
0xce: {  	[hbm:s16], [sflag:s4] =	dma.local [spmem:s22], $0x800  }
0xcf: {  	_ =	swait.ge [sflag:s28], $0x800  }
0xd0: {  	[sflag:s28] =	ssyncset.done $0x0  }
0xd1: {  	[sflag:s28] =	ssyncadd.s32 $0xFFFFF800  }
0xd2: {  	[hbm:s17], [sflag:s4] =	dma.local [spmem:s23], $0x800  }
0xd3: {  	_ =	swait.ge [sflag:s28], $0x800  }
0xd4: {  	[sflag:s28] =	ssyncset.done $0x0  }
0xd5: {  	[sflag:s28] =	ssyncadd.s32 $0xFFFFF800  }
0xd6: {  	[hbm:s18], [sflag:s4] =	dma.local [spmem:s24], $0x800  }
0xd7: {  	_ =	swait.ge [sflag:s28], $0x800  }
0xd8: {  	s7 =	sadd.s32 $0x1, s7;
	[sflag:s28] =	ssyncset.done $0x0  }
0xd9: {  	p1 =	sne.s32 s7, s13;
	[sflag:s28] =	ssyncadd.s32 $0xFFFFF800  }
0xda: {  	[hbm:s19], [sflag:s4] =	dma.local [spmem:s25], $0x800  }
.Ltmp1:
0xdb: {  	_ = 	snop;
	(pc) =	sbr.rel @!p1 .LBB2_12-.Ltmp1, $4  }
0xdc: {  	_ =	swait.ge [sflag:s28], $0x800  }
0xdd: {  	[sflag:s28] =	ssyncset.done $0x0  }
0xde: {  	[sflag:s28] =	ssyncadd.s32 $0xFFFFF800  }
0xdf: {  	_ =	strace $0x9000004A  }
.LBB2_1:
0xe0: {  	_ =	strace $0x80000048;
	s8 =	simm.s32 $0x0;
	s9 =	simm.s32 $0x200  }
.LBB2_2:
0xe1: {  	p1 =	seq.s32 s9, $0xFE00;
	[tilespmem:s8+$0x2870] =	vst v0  }
0xe2: {  	[tilespmem:s8+$0x2800] =	vst v0  }
0xe3: {  	[tilespmem:s8+$0x2810] =	vst v0  }
.Ltmp2:
0xe4: {  	[tilespmem:s8+$0x2820] =	vst v0;
	(pc) =	sbr.rel @!p1 .LBB2_2-.Ltmp2, $4  }
0xe5: {  	[tilespmem:s8+$0x2830] =	vst v0  }
0xe6: {  	[tilespmem:s8+$0x2840] =	vst v0  }
0xe7: {  	[tilespmem:s8+$0x2850] =	vst v0  }
0xe8: {  	[tilespmem:s8+$0x2860] =	vst v0;
	s8 =	sshra.s32 s9, $0x2;
	s9 =	sadd.s32 $0x200, s9  }
0xe9: {  	[tilespmem:s8+$0x2870] =	vst v0  }
0xea: {  	[tilespmem:s8+$0x2800] =	vst v0  }
0xeb: {  	[tilespmem:s8+$0x2810] =	vst v0  }
0xec: {  	[tilespmem:s8+$0x2820] =	vst v0  }
0xed: {  	[tilespmem:s8+$0x2830] =	vst v0  }
0xee: {  	[tilespmem:s8+$0x2840] =	vst v0  }
0xef: {  	[tilespmem:s8+$0x2850] =	vst v0  }
0xf0: {  	[tilespmem:s8+$0x2860] =	vst v0  }
0xf1: {  	[spmem:s5] =	stream.linear.scatter [tilespmem:s26], [sflag:$0x3], $0x4000, $0x200038;
	[tilespmem:$0x1E800] =	vst v63  }
0xf2: {  	_ =	swait.ge [sflag:s28], $0x4000  }
0xf3: {  	[sflag:s28] =	ssyncset.done $0x0  }
0xf4: {  	[sflag:s28] =	ssyncadd.s32 $0xFFFFC000  }
0xf5: {  	[spmem:s14] =	stream.linear.scatter [tilespmem:s26], [sflag:$0x3], $0x4000, $0x200038;
	[tilespmem:$0x1E800] =	vst v63  }
0xf6: {  	_ =	swait.ge [sflag:s28], $0x4000  }
0xf7: {  	[sflag:s28] =	ssyncset.done $0x0  }
0xf8: {  	[sflag:s28] =	ssyncadd.s32 $0xFFFFC000  }
0xf9: {  	[spmem:s15] =	stream.linear.scatter [tilespmem:s26], [sflag:$0x3], $0x4000, $0x200038;
	[tilespmem:$0x1E800] =	vst v63  }
0xfa: {  	_ =	swait.ge [sflag:s28], $0x4000  }
0xfb: {  	[sflag:s28] =	ssyncset.done $0x0  }
0xfc: {  	[sflag:s28] =	ssyncadd.s32 $0xFFFFC000  }
0xfd: {  	[spmem:s20] =	stream.linear.scatter [tilespmem:s26], [sflag:$0x3], $0x4000, $0x200038;
	[tilespmem:$0x1E800] =	vst v63  }
0xfe: {  	_ =	swait.ge [sflag:s28], $0x4000  }
0xff: {  	[sflag:s28] =	ssyncset.done $0x0  }
0x100: {  	[sflag:s28] =	ssyncadd.s32 $0xFFFFC000  }
0x101: {  	[spmem:s21] =	stream.linear.scatter [tilespmem:s26], [sflag:$0x3], $0x4000, $0x200038;
	[tilespmem:$0x1E800] =	vst v63  }
0x102: {  	_ =	swait.ge [sflag:s28], $0x4000  }
.Ltmp3:
0x103: {  	[sflag:s28] =	ssyncset.done $0x0;
	(pc) =	sbr.rel @p0 .LBB2_10-.Ltmp3, $4  }
0x104: {  	[sflag:s28] =	ssyncadd.s32 $0xFFFFC000  }
0x105: {  	[bflag:$0x0] =	sbarrier.arrive $0xFFFF  }
0x106: {  	_ =	strace $0x90000048  }
0x107: {  	_ =	strace $0x80000049  }
0x108: {  	s8 =	simm.s32 $0x0;
	s4 =	rddreg [dreg:$0x4]  }
0x109: {  	[tilespmem:s8], [sflag:$0x3] =	stream.linear.gather [hbm4b:s4+s8], $0x1400, $0x200038;
	[tilespmem:$0x1E800] =	vst v63  }
0x10a: {  	_ =	swait.ge [sflag:s28], $0x1400  }
0x10b: {  	[sflag:s28] =	ssyncset.done $0x0  }
0x10c: {  	s11 =	rddreg [dreg:$0x5];
	[sflag:s28] =	ssyncadd.s32 $0xFFFFEC00  }
0x10d: {  	[tilespmem:s29], [sflag:$0x3] =	stream.linear.gather [hbm4b:s11+s8], $0x1400, $0x200038;
	[tilespmem:$0x1E800] =	vst v63  }
0x10e: {  	_ =	swait.ge [sflag:s28], $0x1400  }
0x10f: {  	[sflag:s28] =	ssyncset.done $0x0  }
0x110: {  	[sflag:s28] =	ssyncadd.s32 $0xFFFFEC00  }
0x111: {  	[tilespmem:s26], [sflag:$0x1] =	stream.indirect.gather [hbm4b:s1+s30], $0x80, s8, s30, $0x2000b8;
	[tilespmem:$0x1E800] =	vst v63  }
0x112: {  	s4 =	simm.s32 $0x80  }
0x113: {  	[tilespmem:s31], [sflag:$0x2] =	stream.indirect.gather [hbm4b:s1+s30], $0x80, s4, s30, $0x2000b8;
	[tilespmem:$0x1E800] =	vst v63  }
0x114: {  	_ =	swait.ge [sflag:s0], $0x4000  }
0x115: {  	[sflag:s0] =	ssyncset.done $0x0  }
0x116: {  	s9 =	simm.s32 $0x1400;
	[sflag:s0] =	ssyncadd.s32 $0xFFFFC000  }
0x117: {  	[spmem:s2] =	stream.indirect.scatter.add.f32 [tilespmem:s26], [sflag:$0x3], $0x80, s9, s30, $0x2000b8;
	[tilespmem:$0x1E800] =	vst v63  }
0x118: {  	_ =	swait.ge [sflag:s28], $0x4000  }
0x119: {  	[sflag:s28] =	ssyncset.done $0x0  }
0x11a: {  	s10 =	simm.s32 $0x100;
	[sflag:s28] =	ssyncadd.s32 $0xFFFFC000  }
0x11b: {  	[tilespmem:s26], [sflag:$0x1] =	stream.indirect.gather [hbm4b:s1+s30], $0x80, s10, s30, $0x2000b8;
	[tilespmem:$0x1E800] =	vst v63  }
0x11c: {  	_ =	swait.ge [sflag:s6], $0x4000  }
0x11d: {  	[sflag:s6] =	ssyncset.done $0x0  }
0x11e: {  	s11 =	simm.s32 $0x1480;
	[sflag:s6] =	ssyncadd.s32 $0xFFFFC000  }
0x11f: {  	[spmem:s2] =	stream.indirect.scatter.add.f32 [tilespmem:s31], [sflag:$0x3], $0x80, s11, s30, $0x2000b8;
	[tilespmem:$0x1E800] =	vst v63  }
0x120: {  	_ =	swait.ge [sflag:s28], $0x4000  }
0x121: {  	s8 =	simm.s32 $0x100;
	s9 =	simm.s32 $0x800;
	[sflag:s28] =	ssyncset.done $0x0  }
.LBB2_5:
0x122: {  	s10 =	sadd.s32 $0x80, s8  }
0x123: {  	[sflag:s28] =	ssyncadd.s32 $0xFFFFC000;
	s11 =	smov.u32 s9;
	s4 =	sadd.s32 $0x400, s9  }
0x124: {  	[tilespmem:s31], [sflag:$0x2] =	stream.indirect.gather [hbm4b:s1+s30], $0x80, s10, s30, $0x2000b8;
	[tilespmem:$0x1E800] =	vst v63  }
0x125: {  	p1 =	sne.s32 s9, $0x4800;
	_ =	swait.ge [sflag:s0], $0x4000  }
0x126: {  	[sflag:s0] =	ssyncset.done $0x0  }
0x127: {  	s9 =	sadd.s32 $0x1400, s8;
	[sflag:s0] =	ssyncadd.s32 $0xFFFFC000  }
0x128: {  	[spmem:s2] =	stream.indirect.scatter.add.f32 [tilespmem:s26], [sflag:$0x3], $0x80, s9, s30, $0x2000b8;
	[tilespmem:$0x1E800] =	vst v63  }
0x129: {  	_ =	swait.ge [sflag:s28], $0x4000  }
0x12a: {  	[sflag:s28] =	ssyncset.done $0x0  }
0x12b: {  	s9 =	sadd.s32 $0x100, s8;
	[sflag:s28] =	ssyncadd.s32 $0xFFFFC000  }
0x12c: {  	[tilespmem:s26], [sflag:$0x1] =	stream.indirect.gather [hbm4b:s1+s30], $0x80, s9, s30, $0x2000b8;
	[tilespmem:$0x1E800] =	vst v63  }
0x12d: {  	_ =	swait.ge [sflag:s6], $0x4000  }
.Ltmp4:
0x12e: {  	[sflag:s6] =	ssyncset.done $0x0;
	(pc) =	sbr.rel @p1 .LBB2_5-.Ltmp4, $4  }
0x12f: {  	s8 =	sadd.s32 $0x1480, s8;
	[sflag:s6] =	ssyncadd.s32 $0xFFFFC000  }
0x130: {  	[spmem:s2] =	stream.indirect.scatter.add.f32 [tilespmem:s31], [sflag:$0x3], $0x80, s8, s30, $0x2000b8;
	[tilespmem:$0x1E800] =	vst v63  }
0x131: {  	_ =	swait.ge [sflag:s28], $0x4000  }
0x132: {  	s9 =	smov.u32 s4;
	s8 =	sshra.s32 s11, $0x2;
	[sflag:s28] =	ssyncset.done $0x0  }
0x133: {  	s4 =	sadd.s32 $0x80, s8;
	[sflag:s28] =	ssyncadd.s32 $0xFFFFC000  }
0x134: {  	[tilespmem:s31], [sflag:$0x2] =	stream.indirect.gather [hbm4b:s1+s30], $0x80, s4, s30, $0x2000b8;
	[tilespmem:$0x1E800] =	vst v63  }
0x135: {  	_ =	swait.ge [sflag:s0], $0x4000  }
0x136: {  	[sflag:s0] =	ssyncset.done $0x0  }
0x137: {  	s10 =	sadd.s32 $0x1400, s8;
	[sflag:s0] =	ssyncadd.s32 $0xFFFFC000  }
0x138: {  	[spmem:s2] =	stream.indirect.scatter.add.f32 [tilespmem:s26], [sflag:$0x3], $0x80, s10, s30, $0x2000b8;
	[tilespmem:$0x1E800] =	vst v63  }
0x139: {  	_ =	swait.ge [sflag:s28], $0x4000  }
0x13a: {  	[sflag:s28] =	ssyncset.done $0x0  }
0x13b: {  	s11 =	sadd.s32 $0x100, s8;
	[sflag:s28] =	ssyncadd.s32 $0xFFFFC000  }
0x13c: {  	[tilespmem:s26], [sflag:$0x1] =	stream.indirect.gather [hbm4b:s1+s30], $0x80, s11, s30, $0x2000b8;
	[tilespmem:$0x1E800] =	vst v63  }
0x13d: {  	_ =	swait.ge [sflag:s6], $0x4000  }
0x13e: {  	[sflag:s6] =	ssyncset.done $0x0  }
0x13f: {  	s9 =	sadd.s32 $0x1480, s8;
	[sflag:s6] =	ssyncadd.s32 $0xFFFFC000  }
0x140: {  	[spmem:s2] =	stream.indirect.scatter.add.f32 [tilespmem:s31], [sflag:$0x3], $0x80, s9, s30, $0x2000b8;
	[tilespmem:$0x1E800] =	vst v63  }
0x141: {  	_ =	swait.ge [sflag:s28], $0x4000  }
0x142: {  	[sflag:s28] =	ssyncset.done $0x0  }
0x143: {  	s10 =	simm.s32 $0x1380;
	[sflag:s28] =	ssyncadd.s32 $0xFFFFC000  }
0x144: {  	[tilespmem:s31], [sflag:$0x2] =	stream.indirect.gather [hbm4b:s1+s30], $0x80, s10, s30, $0x2000b8;
	[tilespmem:$0x1E800] =	vst v63  }
0x145: {  	_ =	swait.ge [sflag:s0], $0x4000  }
0x146: {  	[sflag:s0] =	ssyncset.done $0x0  }
0x147: {  	s11 =	simm.s32 $0x2700;
	[sflag:s0] =	ssyncadd.s32 $0xFFFFC000  }
0x148: {  	[spmem:s2] =	stream.indirect.scatter.add.f32 [tilespmem:s26], [sflag:$0x3], $0x80, s11, s30, $0x2000b8;
	[tilespmem:$0x1E800] =	vst v63  }
0x149: {  	_ =	swait.ge [sflag:s28], $0x4000  }
0x14a: {  	[sflag:s28] =	ssyncset.done $0x0  }
0x14b: {  	[sflag:s28] =	ssyncadd.s32 $0xFFFFC000  }
0x14c: {  	_ =	swait.ge [sflag:s6], $0x4000  }
0x14d: {  	[sflag:s6] =	ssyncset.done $0x0  }
0x14e: {  	s8 =	simm.s32 $0x2780;
	[sflag:s6] =	ssyncadd.s32 $0xFFFFC000  }
0x14f: {  	[spmem:s2] =	stream.indirect.scatter.add.f32 [tilespmem:s31], [sflag:$0x3], $0x80, s8, s30, $0x2000b8;
	[tilespmem:$0x1E800] =	vst v63  }
0x150: {  	_ =	swait.ge [sflag:s28], $0x4000  }
0x151: {  	[sflag:s28] =	ssyncset.done $0x0  }
0x152: {  	s9 =	simm.s32 $0x0;
	s10 =	rddreg [dreg:$0x6];
	[sflag:s28] =	ssyncadd.s32 $0xFFFFC000  }
0x153: {  	[tilespmem:s9], [sflag:$0x3] =	stream.linear.gather [hbm4b:s10+s9], $0x1400, $0x200038;
	[tilespmem:$0x1E800] =	vst v63  }
0x154: {  	_ =	swait.ge [sflag:s28], $0x1400  }
0x155: {  	[sflag:s28] =	ssyncset.done $0x0  }
0x156: {  	p2 =	por $0x0, $0x0;
	s11 =	rddreg [dreg:$0x7];
	[sflag:s28] =	ssyncadd.s32 $0xFFFFEC00  }
0x157: {  	[tilespmem:s29], [sflag:$0x3] =	stream.linear.gather [hbm4b:s11+s9], $0x1400, $0x200038;
	[tilespmem:$0x1E800] =	vst v63  }
.Ltmp5:
0x158: {  	_ = 	snop;
	(pc) =	sbr.rel @p2 .LBB2_9-.Ltmp5, $4  }
0x159: {  	_ =	swait.ge [sflag:s28], $0x1400  }
0x15a: {  	[sflag:s28] =	ssyncset.done $0x0  }
0x15b: {  	p1 =	por $0x0, $0x0;
	s8 =	simm.s32 $0x0;
	[sflag:s28] =	ssyncadd.s32 $0xFFFFEC00  }
0x15c: {  	[tilespmem:s26], [sflag:$0x1] =	stream.indirect.gather [hbm4b:s1+s30], $0x80, s9, s30, $0x2000b8;
	[tilespmem:$0x1E800] =	vst v63  }
0x15d: {  	s4 =	simm.s32 $0x80  }
0x15e: {  	[tilespmem:s31], [sflag:$0x2] =	stream.indirect.gather [hbm4b:s1+s30], $0x80, s4, s30, $0x2000b8;
	[tilespmem:$0x1E800] =	vst v63  }
0x15f: {  	_ =	swait.ge [sflag:s0], $0x4000  }
0x160: {  	[sflag:s0] =	ssyncset.done $0x0  }
0x161: {  	s9 =	simm.s32 $0x1400;
	[sflag:s0] =	ssyncadd.s32 $0xFFFFC000  }
0x162: {  	[spmem:s2] =	stream.indirect.scatter.add.f32 [tilespmem:s26], [sflag:$0x3], $0x80, s9, s30, $0x2000b8;
	[tilespmem:$0x1E800] =	vst v63  }
0x163: {  	_ =	swait.ge [sflag:s28], $0x4000  }
0x164: {  	[sflag:s28] =	ssyncset.done $0x0  }
0x165: {  	s10 =	simm.s32 $0x100;
	[sflag:s28] =	ssyncadd.s32 $0xFFFFC000  }
0x166: {  	[tilespmem:s26], [sflag:$0x1] =	stream.indirect.gather [hbm4b:s1+s30], $0x80, s10, s30, $0x2000b8;
	[tilespmem:$0x1E800] =	vst v63  }
0x167: {  	p2 =	por $0x0, $0x0;
	_ =	swait.ge [sflag:s6], $0x4000  }
.Ltmp6:
0x168: {  	[sflag:s6] =	ssyncset.done $0x0;
	(pc) =	sbr.rel @p2 .LBB2_9-.Ltmp6, $4  }
0x169: {  	s11 =	simm.s32 $0x1480;
	[sflag:s6] =	ssyncadd.s32 $0xFFFFC000  }
0x16a: {  	[spmem:s2] =	stream.indirect.scatter.add.f32 [tilespmem:s31], [sflag:$0x3], $0x80, s11, s30, $0x2000b8;
	[tilespmem:$0x1E800] =	vst v63  }
0x16b: {  	s8 =	simm.s32 $0x100;
	_ =	swait.ge [sflag:s28], $0x4000  }
0x16c: {  	p1 =	por $0x1, $0x1;
	s9 =	simm.s32 $0x800;
	[sflag:s28] =	ssyncset.done $0x0  }
.LBB2_8:
0x16d: {  	s4 =	sadd.s32 $0x80, s8  }
0x16e: {  	[sflag:s28] =	ssyncadd.s32 $0xFFFFC000;
	s10 =	smov.u32 s9;
	s11 =	sadd.s32 $0x400, s9  }
0x16f: {  	[tilespmem:s31], [sflag:$0x2] =	stream.indirect.gather [hbm4b:s1+s30], $0x80, s4, s30, $0x2000b8;
	[tilespmem:$0x1E800] =	vst v63  }
0x170: {  	p2 =	seq.s32 s9, $0x4800;
	_ =	swait.ge [sflag:s0], $0x4000  }
0x171: {  	[sflag:s0] =	ssyncset.done $0x0  }
0x172: {  	s4 =	sadd.s32 $0x1400, s8;
	[sflag:s0] =	ssyncadd.s32 $0xFFFFC000  }
0x173: {  	[spmem:s2] =	stream.indirect.scatter.add.f32 [tilespmem:s26], [sflag:$0x3], $0x80, s4, s30, $0x2000b8;
	[tilespmem:$0x1E800] =	vst v63  }
0x174: {  	_ =	swait.ge [sflag:s28], $0x4000  }
0x175: {  	[sflag:s28] =	ssyncset.done $0x0  }
0x176: {  	s4 =	sadd.s32 $0x100, s8;
	[sflag:s28] =	ssyncadd.s32 $0xFFFFC000  }
0x177: {  	[tilespmem:s26], [sflag:$0x1] =	stream.indirect.gather [hbm4b:s1+s30], $0x80, s4, s30, $0x2000b8;
	[tilespmem:$0x1E800] =	vst v63  }
0x178: {  	_ =	swait.ge [sflag:s6], $0x4000  }
.Ltmp7:
0x179: {  	[sflag:s6] =	ssyncset.done $0x0;
	(pc) =	sbr.rel @!p2 .LBB2_8-.Ltmp7, $4  }
0x17a: {  	s4 =	sadd.s32 $0x1480, s8;
	[sflag:s6] =	ssyncadd.s32 $0xFFFFC000  }
0x17b: {  	[spmem:s2] =	stream.indirect.scatter.add.f32 [tilespmem:s31], [sflag:$0x3], $0x80, s4, s30, $0x2000b8;
	[tilespmem:$0x1E800] =	vst v63  }
0x17c: {  	_ =	swait.ge [sflag:s28], $0x4000  }
0x17d: {  	s9 =	smov.u32 s11;
	s8 =	sshra.s32 s10, $0x2;
	[sflag:s28] =	ssyncset.done $0x0  }
.LBB2_9:
0x17e: {  	s4 =	sadd.s32 $0x80, s8;
	[sflag:s28] =	ssyncadd.s32 @p1 $0xFFFFC000  }
0x17f: {  	[tilespmem:s31], [sflag:$0x2] =	stream.indirect.gather [hbm4b:s1+s30], $0x80, s4, s30, $0x2000b8;
	[tilespmem:$0x1E800] =	vst v63  }
0x180: {  	_ =	swait.ge [sflag:s0], $0x4000  }
0x181: {  	[sflag:s0] =	ssyncset.done $0x0  }
0x182: {  	s9 =	sadd.s32 $0x1400, s8;
	[sflag:s0] =	ssyncadd.s32 $0xFFFFC000  }
0x183: {  	[spmem:s2] =	stream.indirect.scatter.add.f32 [tilespmem:s26], [sflag:$0x3], $0x80, s9, s30, $0x2000b8;
	[tilespmem:$0x1E800] =	vst v63  }
0x184: {  	_ =	swait.ge [sflag:s28], $0x4000  }
0x185: {  	[sflag:s28] =	ssyncset.done $0x0  }
0x186: {  	s10 =	sadd.s32 $0x100, s8;
	[sflag:s28] =	ssyncadd.s32 $0xFFFFC000  }
0x187: {  	[tilespmem:s26], [sflag:$0x1] =	stream.indirect.gather [hbm4b:s1+s30], $0x80, s10, s30, $0x2000b8;
	[tilespmem:$0x1E800] =	vst v63  }
0x188: {  	_ =	swait.ge [sflag:s6], $0x4000  }
0x189: {  	[sflag:s6] =	ssyncset.done $0x0  }
.Ltmp8:
0x18a: {  	s11 =	sadd.s32 $0x1480, s8;
	[sflag:s6] =	ssyncadd.s32 $0xFFFFC000;
	(pc) =	sbr.rel .LBB2_11-.Ltmp8, $4  }
0x18b: {  	[spmem:s2] =	stream.indirect.scatter.add.f32 [tilespmem:s31], [sflag:$0x3], $0x80, s11, s30, $0x2000b8;
	[tilespmem:$0x1E800] =	vst v63  }
0x18c: {  	_ =	swait.ge [sflag:s28], $0x4000  }
0x18d: {  	s8 =	simm.s32 $0x2780;
	[sflag:s28] =	ssyncset.done $0x0  }
0x18e: {  	s9 =	simm.s32 $0x2700;
	s10 =	simm.s32 $0x1380;
	[sflag:s28] =	ssyncadd.s32 $0xFFFFC000  }
.LBB2_12:
0x18f: {  	_ =	sfence.sel $0x180000  }
0x190: {  	[bflag:$0x0] =	sbarrier.arrive $0xFFFF  }
0x191: {  	_ =	strace $0x90000047  }
0x192: {  	s0 =	stileid.u32;
	[bflag:$0x2] =	sbarrier.arrive $0xFFFF  }
0x193: {  	p0 =	sne.s32 s0, $0x0;
	s0 =	rddreg [dreg:$0x3]  }
0x194: {  	s0 =	sadd.s32 @!p0 $0x100000, s0  }
0x195: {  	[sflag:s0] =	ssyncadd.tile.s32 @!p0 $0x1;
	_ =	shalt  }
.Lfunc_end2:
_tile_overlayer_lowered:
.L_overlay_start_2:
0x196: {  	(tag) =	ssettag $0x2  }
0x197: {  	s0 =	rddreg [dreg:$0x0];
	s2 =	stileid.u32  }
0x198: {  	s1 =	rddreg [dreg:$0x1];
	p0 =	sne.s32 s2, $0x0  }
0x199: {  	s3 =	rddreg [dreg:$0x2];
	[bflag:$0x3] =	sbarrier.arrive $0xFFFF;
	s2 =	simm.s32 @!p0 $0x1C03  }
0x19a: {  	[timem:s3], [sflag:s2] =	dma.local @!p0 [hbm:s0], s1  }
0x19b: {  	s0 =	simm.s32 @!p0 $0x3  }
0x19c: {  	_ =	swait.ge @!p0 [sflag:s0], s1  }
0x19d: {  	s1 =	ssub.s32 @!p0 $0x0, s1;
	[sflag:s0] =	ssyncset.done @!p0 $0x0  }
0x19e: {  	[sflag:s0] =	ssyncadd.s32 @!p0 s1  }
0x19f: {  	[bflag:$0x3] =	sbarrier.arrive $0xFFFF  }
0x1a0: {  	_ =	shalt  }

</sc_bundles>
